<compile_context>
chip_gen: v7x
topology: tpu7x:2x2x1
jax: 0.10.2.dev20260603
libtpu: 0.0.44.dev20260713+nightly
codegen_flags: <defaults>
</compile_context>

<pallas_src>
import functools

import jax
import jax.numpy as jnp
from jax import lax
from jax.experimental import pallas as pl
from jax.experimental.pallas import tpu as pltpu
from jax.experimental.pallas import tpu_sc as plsc

N = 10000
E = 320000
D_IN = 128
NC, NS = 2, 16
NW = NC * NS
CHUNK = 128
CPT = 80
E_PAD = NW * CPT * CHUNK
N_PAD = 10240
RPT = N_PAD // NS
DEGW = 128

NBUF = 5
PBUF = 2
IB = 16
N_IBLK = CPT // IB
P_INNER = IB // PBUF

ROW_BLK = 400
N_BLKS = N // ROW_BLK

@functools.cache
def _sc_mesh():
    return plsc.VectorSubcoreMesh(
        core_axis_name="c", subcore_axis_name="s", num_cores=NC, num_subcores=NS
    )



def _sc_degree(dst_rows, ones_col, zero_col):

    @functools.partial(
        pl.kernel,
        out_type=jax.ShapeDtypeStruct((NC, N_PAD, DEGW), jnp.float32),
        mesh=_sc_mesh(),
        scratch_types=[
            pltpu.VMEM((CPT, CHUNK), jnp.int32),
            pltpu.VMEM((CHUNK, DEGW), jnp.float32),
            pltpu.VMEM_SHARED((N_PAD, DEGW), jnp.float32),
        ] + [pltpu.SemaphoreType.DMA] * NBUF,
    )
    def deg_kernel(dst_hbm, ones_hbm, zcol_hbm, out_hbm, dst_v, ones_v, acc,
                   *sems):
        c = lax.axis_index("c")
        s = lax.axis_index("s")
        w = c * NS + s
        pltpu.sync_copy(zcol_hbm, acc.at[pl.ds(s * RPT, RPT)])
        pltpu.sync_copy(ones_hbm, ones_v)
        pltpu.sync_copy(dst_hbm.at[pl.ds(w * CPT, CPT)], dst_v)
        plsc.subcore_barrier()

        def body(t, carry):
            base = t * NBUF
            descs = [
                pltpu.async_copy(ones_v, acc.at[dst_v.at[base + b]],
                                 sems[b], add=True)
                for b in range(NBUF)
            ]
            for d in descs:
                d.wait()
            return carry

        lax.fori_loop(0, CPT // NBUF, body, 0)
        plsc.subcore_barrier()
        pltpu.sync_copy(acc.at[pl.ds(s * RPT, RPT)],
                        out_hbm.at[c, pl.ds(s * RPT, RPT)])

    return deg_kernel(dst_rows, ones_col, zero_col)


def _sc_propagate(hs, src_rows, dst_rows, zero_rows):

    @functools.partial(
        pl.kernel,
        out_type=jax.ShapeDtypeStruct((NC, N_PAD, D_IN), jnp.float32),
        mesh=_sc_mesh(),
        scratch_types=[
            pltpu.VMEM((IB, CHUNK), jnp.int32),
            pltpu.VMEM((IB, CHUNK), jnp.int32),
        ] + [pltpu.VMEM((CHUNK, D_IN), jnp.float32)] * PBUF + [
            pltpu.VMEM_SHARED((N_PAD, D_IN), jnp.float32),
        ] + [pltpu.SemaphoreType.DMA] * (2 * PBUF),
    )
    def prop_kernel(hs_hbm, src_hbm, dst_hbm, zr_hbm, out_hbm,
                    src_v, dst_v, *rest):
        bufs = rest[:PBUF]
        acc = rest[PBUF]
        gsems = rest[PBUF + 1:PBUF + 1 + PBUF]
        ssems = rest[PBUF + 1 + PBUF:]
        _propagate_body(hs_hbm, src_hbm, dst_hbm, zr_hbm, out_hbm,
                        src_v, dst_v, bufs, acc, gsems, ssems)

    return prop_kernel(hs, src_rows, dst_rows, zero_rows)


def _propagate_body(hs_hbm, src_hbm, dst_hbm, zr_hbm, out_hbm,
                    src_v, dst_v, bufs, acc, gsems, ssems):
        c = lax.axis_index("c")
        s = lax.axis_index("s")
        w = c * NS + s
        pltpu.sync_copy(zr_hbm, acc.at[pl.ds(s * RPT, RPT)])
        plsc.subcore_barrier()

        def _drain_scatter(b):
            pltpu.make_async_copy(bufs[b], acc.at[dst_v.at[0]],
                                  ssems[b]).wait()

        def block(ib, carry):
            @pl.when(ib > 0)
            def _():
                for b in range(PBUF):
                    _drain_scatter(b)

            boff = w * CPT + ib * IB
            pltpu.sync_copy(src_hbm.at[pl.ds(boff, IB)], src_v)
            pltpu.sync_copy(dst_hbm.at[pl.ds(boff, IB)], dst_v)

            def body(t, carry2):
                base = t * PBUF

                @pl.when(t > 0)
                def _():
                    for b in range(PBUF):
                        _drain_scatter(b)

                gds = [
                    pltpu.async_copy(hs_hbm.at[src_v.at[base + b]], bufs[b],
                                     gsems[b], priority=1)
                    for b in range(PBUF)
                ]
                for b in range(PBUF):
                    gds[b].wait()
                    pltpu.async_copy(bufs[b], acc.at[dst_v.at[base + b]],
                                     ssems[b], add=True)
                return carry2

            lax.fori_loop(0, P_INNER, body, 0)
            return carry

        lax.fori_loop(0, N_IBLK, block, 0)
        for b in range(PBUF):
            _drain_scatter(b)
        plsc.subcore_barrier()
        pltpu.sync_copy(acc.at[pl.ds(s * RPT, RPT)],
                        out_hbm.at[c, pl.ds(s * RPT, RPT)])


def _sc_propagate2(hsa, hsb, src_rows, dst_rows, zero_rows):

    @functools.partial(
        pl.kernel,
        out_type=jax.ShapeDtypeStruct((2, NC, N_PAD, D_IN), jnp.float32),
        mesh=_sc_mesh(),
        scratch_types=[
            pltpu.VMEM((IB, CHUNK), jnp.int32),
            pltpu.VMEM((IB, CHUNK), jnp.int32),
        ] + [pltpu.VMEM((CHUNK, D_IN), jnp.float32)] * PBUF + [
            pltpu.VMEM_SHARED((N_PAD, D_IN), jnp.float32),
        ] + [pltpu.SemaphoreType.DMA] * (2 * PBUF),
    )
    def prop2_kernel(hsa_hbm, hsb_hbm, src_hbm, dst_hbm, zr_hbm, out_hbm,
                     src_v, dst_v, *rest):
        bufs = rest[:PBUF]
        acc = rest[PBUF]
        gsems = rest[PBUF + 1:PBUF + 1 + PBUF]
        ssems = rest[PBUF + 1 + PBUF:]
        _propagate_body(hsa_hbm, src_hbm, dst_hbm, zr_hbm, out_hbm.at[0],
                        src_v, dst_v, bufs, acc, gsems, ssems)
        _propagate_body(hsb_hbm, src_hbm, dst_hbm, zr_hbm, out_hbm.at[1],
                        src_v, dst_v, bufs, acc, gsems, ssems)

    return prop2_kernel(hsa, hsb, src_rows, dst_rows, zero_rows)



def _tc_prescale(degp, x):

    def body(dp_ref, x_ref, dinv_ref, xs_ref):
        deg = dp_ref[0][:, :1] + dp_ref[1][:, :1] + 1.0
        dinv = lax.rsqrt(deg)
        dinv_ref[...] = dinv
        xs_ref[...] = x_ref[...] * dinv

    return pl.pallas_call(
        body,
        grid=(N_BLKS,),
        in_specs=[
            pl.BlockSpec((NC, ROW_BLK, DEGW), lambda i: (0, i, 0)),
            pl.BlockSpec((ROW_BLK, D_IN), lambda i: (i, 0)),
        ],
        out_specs=[
            pl.BlockSpec((ROW_BLK, 1), lambda i: (i, 0)),
            pl.BlockSpec((ROW_BLK, D_IN), lambda i: (i, 0)),
        ],
        out_shape=[
            jax.ShapeDtypeStruct((N, 1), jnp.float32),
            jax.ShapeDtypeStruct((N, D_IN), jnp.float32),
        ],
    )(degp, x)


def _tc_layer1(p0, xs, dinv, W1, b1, W2):

    def body(p_ref, xs_ref, dinv_ref, W1_ref, b1_ref, W2_ref, oa_ref, ob_ref):
        dinv = dinv_ref[...]
        p = (p_ref[0] + p_ref[1] + xs_ref[...]) * dinv
        z1 = jnp.maximum(
            jnp.dot(p, W1_ref[...], preferred_element_type=jnp.float32)
            + b1_ref[...], 0.0)
        h2 = jnp.dot(z1, W2_ref[...], preferred_element_type=jnp.float32)
        oa_ref[...] = h2[:, :128] * dinv
        ob_ref[...] = h2[:, 128:] * dinv

    return pl.pallas_call(
        body,
        grid=(N_BLKS,),
        in_specs=[
            pl.BlockSpec((NC, ROW_BLK, D_IN), lambda i: (0, i, 0)),
            pl.BlockSpec((ROW_BLK, D_IN), lambda i: (i, 0)),
            pl.BlockSpec((ROW_BLK, 1), lambda i: (i, 0)),
            pl.BlockSpec((D_IN, 512), lambda i: (0, 0)),
            pl.BlockSpec((1, 512), lambda i: (0, 0)),
            pl.BlockSpec((512, 256), lambda i: (0, 0)),
        ],
        out_specs=[
            pl.BlockSpec((ROW_BLK, 128), lambda i: (i, 0)),
            pl.BlockSpec((ROW_BLK, 128), lambda i: (i, 0)),
        ],
        out_shape=[
            jax.ShapeDtypeStruct((N, 128), jnp.float32),
            jax.ShapeDtypeStruct((N, 128), jnp.float32),
        ],
    )(p0, xs, dinv, W1, b1, W2)


def _tc_layer2(p2, hs2a, hs2b, dinv, b2, W3):

    def body(p_ref, ha_ref, hb_ref, dinv_ref, b2_ref, W3_ref, o_ref):
        dinv = dinv_ref[...]
        za = jnp.maximum(
            (p_ref[0, 0] + p_ref[0, 1] + ha_ref[...]) * dinv + b2_ref[:, :128],
            0.0)
        zb = jnp.maximum(
            (p_ref[1, 0] + p_ref[1, 1] + hb_ref[...]) * dinv + b2_ref[:, 128:],
            0.0)
        h3 = (jnp.dot(za, W3_ref[:128, :], preferred_element_type=jnp.float32)
              + jnp.dot(zb, W3_ref[128:, :], preferred_element_type=jnp.float32))
        o_ref[...] = h3 * dinv

    return pl.pallas_call(
        body,
        grid=(N_BLKS,),
        in_specs=[
            pl.BlockSpec((2, NC, ROW_BLK, 128), lambda i: (0, 0, i, 0)),
            pl.BlockSpec((ROW_BLK, 128), lambda i: (i, 0)),
            pl.BlockSpec((ROW_BLK, 128), lambda i: (i, 0)),
            pl.BlockSpec((ROW_BLK, 1), lambda i: (i, 0)),
            pl.BlockSpec((1, 256), lambda i: (0, 0)),
            pl.BlockSpec((256, 128), lambda i: (0, 0)),
        ],
        out_specs=pl.BlockSpec((ROW_BLK, 128), lambda i: (i, 0)),
        out_shape=jax.ShapeDtypeStruct((N, 128), jnp.float32),
    )(p2, hs2a, hs2b, dinv, b2, W3)


def _tc_layer3(p3, hs3, dinv, b3):

    def body(p_ref, h_ref, dinv_ref, b3_ref, z_ref, s_ref):
        z = jnp.maximum(
            (p_ref[0] + p_ref[1] + h_ref[...]) * dinv_ref[...] + b3_ref[...],
            0.0)
        z_ref[...] = z
        prev = jnp.where(pl.program_id(0) == 0, 0.0, s_ref[0, 0])
        s_ref[0, 0] = prev + jnp.sum(z)

    return pl.pallas_call(
        body,
        grid=(N_BLKS,),
        in_specs=[
            pl.BlockSpec((NC, ROW_BLK, 128), lambda i: (0, i, 0)),
            pl.BlockSpec((ROW_BLK, 128), lambda i: (i, 0)),
            pl.BlockSpec((ROW_BLK, 1), lambda i: (i, 0)),
            pl.BlockSpec((1, 128), lambda i: (0, 0)),
        ],
        out_specs=[
            pl.BlockSpec((ROW_BLK, 128), lambda i: (i, 0)),
            pl.BlockSpec(memory_space=pltpu.SMEM),
        ],
        out_shape=[
            jax.ShapeDtypeStruct((N, 128), jnp.float32),
            jax.ShapeDtypeStruct((1, 1), jnp.float32),
        ],
    )(p3, hs3, dinv, b3)


def _tc_tail(z3, S):

    def body(z_ref, s_ref, o_ref):
        z = z_ref[...] / s_ref[0, 0]
        t = jnp.tanh(z)
        t = t * t
        rn = jnp.sqrt(jnp.sum(t * t, axis=1, keepdims=True))
        o_ref[...] = t / jnp.maximum(rn, 1e-12)

    return pl.pallas_call(
        body,
        grid=(N_BLKS,),
        in_specs=[
            pl.BlockSpec((ROW_BLK, 128), lambda i: (i, 0)),
            pl.BlockSpec(memory_space=pltpu.SMEM),
        ],
        out_specs=pl.BlockSpec((ROW_BLK, 128), lambda i: (i, 0)),
        out_shape=jax.ShapeDtypeStruct((N, 128), jnp.float32),
    )(z3, S)



def kernel(x, edge_index, W1, b1, W2, b2, W3, b3):
    src = edge_index[0].astype(jnp.int32)
    dst = edge_index[1].astype(jnp.int32)
    padn = E_PAD - E
    ar = jnp.arange(padn, dtype=jnp.int32)
    src_rows = jnp.concatenate([src, ar % N]).reshape(E_PAD // CHUNK, CHUNK)
    dst_rows = jnp.concatenate([dst, N + ar % (N_PAD - N)]).reshape(
        E_PAD // CHUNK, CHUNK)
    ones_col = jnp.ones((CHUNK, DEGW), jnp.float32)
    zero_col = jnp.zeros((RPT, DEGW), jnp.float32)
    zero_rows = jnp.zeros((RPT, D_IN), jnp.float32)

    degp = _sc_degree(dst_rows, ones_col, zero_col)
    dinv, xs = _tc_prescale(degp, x)
    p0 = _sc_propagate(xs, src_rows, dst_rows, zero_rows)
    hs2a, hs2b = _tc_layer1(p0, xs, dinv, W1, jnp.reshape(b1, (1, 512)), W2)
    p2 = _sc_propagate2(hs2a, hs2b, src_rows, dst_rows, zero_rows)
    hs3 = _tc_layer2(p2, hs2a, hs2b, dinv, jnp.reshape(b2, (1, 256)), W3)
    p3 = _sc_propagate(hs3, src_rows, dst_rows, zero_rows)
    z3, S = _tc_layer3(p3, hs3, dinv, jnp.reshape(b3, (1, 128)))
    return _tc_tail(z3, S)

# --- scband reference (transcript-rebuilt; emitter-appended) ---
"""Pipeline reference for scband-dgc-33844342292506 (READ-ONLY COPY).

The authoritative reference and input builder live on the scoring server;
editing this copy changes nothing except your own understanding.
"""

import jax, jax.numpy as jnp
import numpy as np

N_NODES = 10000
N_EDGES = 320000
IN_DIM = 128
OUT_DIM = 128


def gcn_conv(x, src, dst, W, b, num_nodes):
    # PyG GCNConv with add_self_loops=True, symmetric normalization, bias
    loop = jnp.arange(num_nodes, dtype=src.dtype)
    src_f = jnp.concatenate([src, loop])
    dst_f = jnp.concatenate([dst, loop])
    deg = jnp.zeros((num_nodes,), dtype=x.dtype).at[dst_f].add(1.0)
    deg_inv_sqrt = jnp.where(deg > 0, 1.0 / jnp.sqrt(deg), 0.0)
    norm = deg_inv_sqrt[src_f] * deg_inv_sqrt[dst_f]
    h = x @ W
    msg = h[src_f] * norm[:, None]
    out = jax.ops.segment_sum(msg, dst_f, num_segments=num_nodes)
    return out + b


def setup_inputs(seed: int = 0) -> dict:
    key = jax.random.key(seed)
    ks = jax.random.split(key, 8)
    x = jax.random.normal(ks[0], (N_NODES, IN_DIM), dtype=jnp.float32)
    edge_index = jax.random.randint(ks[1], (2, N_EDGES), 0, N_NODES, dtype=jnp.int64)
    def glorot(k, fan_in, fan_out):
        lim = jnp.sqrt(6.0 / (fan_in + fan_out))
        return jax.random.uniform(k, (fan_in, fan_out), jnp.float32, -lim, lim)
    W1 = glorot(ks[2], IN_DIM, 512)
    b1 = jnp.zeros((512,), jnp.float32)
    W2 = glorot(ks[3], 512, 256)
    b2 = jnp.zeros((256,), jnp.float32)
    W3 = glorot(ks[4], 256, OUT_DIM)
    b3 = jnp.zeros((OUT_DIM,), jnp.float32)
    return {"x": x, "edge_index": edge_index, "W1": W1, "b1": b1, "W2": W2, "b2": b2, "W3": W3, "b3": b3}


def reference(x, edge_index, W1, b1, W2, b2, W3, b3):
    num_nodes = x.shape[0]
    src, dst = edge_index[0], edge_index[1]
    z = gcn_conv(x, src, dst, W1, b1, num_nodes)
    z = jax.nn.relu(z)
    # dropout inactive in eval mode
    z = gcn_conv(z, src, dst, W2, b2, num_nodes)
    z = jax.nn.relu(z)
    z = gcn_conv(z, src, dst, W3, b3, num_nodes)
    z = jax.nn.relu(z)
    z = z / jnp.sum(z)
    z = jnp.tanh(z) ** 2
    # F.normalize: row-wise L2 with eps clamp
    nrm = jnp.sqrt(jnp.sum(z * z, axis=1, keepdims=True))
    z = z / jnp.maximum(nrm, 1e-12)
    return z

if __name__ == "__main__":
    import jax
    _d = setup_inputs()
    print(jax.jit(kernel)(*tuple(_d.values())))

</pallas_src>

<mosaic_0001>
#map = affine_map<(d0, d1) -> (0, 0)>
#map1 = affine_map<(d0, d1) -> (0, 0, 0)>
module attributes {stable_mosaic.version = 14 : i64} {
  func.func @prop_kernel(%arg0: i32, %arg1: i32, %arg2: memref<10000x128xf32, #tpu.memory_space<hbm>>, %arg3: memref<2560x128xi32, #tpu.memory_space<hbm>>, %arg4: memref<2560x128xi32, #tpu.memory_space<hbm>>, %arg5: memref<640x128xf32, #tpu.memory_space<hbm>>, %arg6: memref<2x10240x128xf32, #tpu.memory_space<hbm>>, %arg7: memref<16x128xi32, #tpu.memory_space<vmem>>, %arg8: memref<16x128xi32, #tpu.memory_space<vmem>>, %arg9: memref<128x128xf32, #tpu.memory_space<vmem>>, %arg10: memref<128x128xf32, #tpu.memory_space<vmem>>, %arg11: memref<10240x128xf32, #tpu.memory_space<vmem_shared>>, %arg12: memref<!tpu.dma_semaphore, #tpu.memory_space<semaphore_mem>>, %arg13: memref<!tpu.dma_semaphore, #tpu.memory_space<semaphore_mem>>, %arg14: memref<!tpu.dma_semaphore, #tpu.memory_space<semaphore_mem>>, %arg15: memref<!tpu.dma_semaphore, #tpu.memory_space<semaphore_mem>>) attributes {dimension_semantics = [#tpu.dimension_semantics<core_parallel>, #tpu.dimension_semantics<subcore_parallel>], iteration_bounds = array<i64: 2, 16>, scalar_prefetch = 0 : i64, scratch_operands = 9 : i64, tpu.core_type = #tpu.core_type<sc_vector_subcore>, window_params = [{transform_indices = #map}, {transform_indices = #map}, {transform_indices = #map}, {transform_indices = #map}, {transform_indices = #map1}]} {
    %mul3A = arith.constant 16 : i32
    %mul3A_0 = arith.muli %arg0, %mul3A : i32
    %add3A = arith.addi %mul3A_0, %arg1 : i32
    %mul3A_1 = arith.constant 640 : i32
    %mul3A_2 = arith.muli %arg1, %mul3A_1 : i32
    "tpu.region"() ({
      %run_scoped3A = tpu.sem_alloc : memref<!tpu.dma_semaphore, #tpu.memory_space<semaphore_mem>>
      %dma_start3A = arith.constant 0 : i32
      %dma_start3A_26 = tpu.memref_slice %arg11[%mul3A_2, %dma_start3A] : memref<10240x128xf32, #tpu.memory_space<vmem_shared>> -> memref<640x128xf32, #tpu.memory_space<vmem_shared>>
      tpu.enqueue_dma source(%arg5 : memref<640x128xf32, #tpu.memory_space<hbm>>) target(%dma_start3A_26 : memref<640x128xf32, #tpu.memory_space<vmem_shared>>) target_semaphore(%run_scoped3A : memref<!tpu.dma_semaphore, #tpu.memory_space<semaphore_mem>>)
      %dma_wait3A_27 = arith.constant 0 : i32
      %dma_wait3A_28 = tpu.memref_slice %arg11[%mul3A_2, %dma_wait3A_27] : memref<10240x128xf32, #tpu.memory_space<vmem_shared>> -> memref<640x128xf32, #tpu.memory_space<vmem_shared>>
      tpu.wait_dma2 semaphore(%run_scoped3A : memref<!tpu.dma_semaphore, #tpu.memory_space<semaphore_mem>>) src(%arg5 : memref<640x128xf32, #tpu.memory_space<hbm>>) dst(%dma_wait3A_28 : memref<640x128xf32, #tpu.memory_space<vmem_shared>>)
      tpu.yield
    }) : () -> ()
    %barrier3A = arith.constant 0 : index
    tpu.barrier barrier_id(%barrier3A)
    %scan3A = arith.constant 0 : i32
    %scan3A_3 = arith.constant 0 : i32
    %scan3A_4 = arith.constant 5 : i32
    %scan3A_5 = arith.addi %scan3A_3, %scan3A_4 : i32
    %scan3A_6 = arith.constant 1 : i32
    scf.for %scan3A_26 = %scan3A_3 to %scan3A_5 step %scan3A_6  : i32 {
      %gt3A = arith.constant 0 : i32
      %gt3A_27 = arith.cmpi sgt, %scan3A_26, %gt3A : i32
      %convert_element_type3A = arith.extui %gt3A_27 : i1 to i32
      %cond3A = arith.constant 0 : i32
      %cond3A_28 = arith.cmpi ne, %convert_element_type3A, %cond3A : i32
      scf.if %cond3A_28 {
        %dma_wait3A_40 = arith.constant 0 : i32
        %dma_wait3A_41 = arith.constant 0 : i32
        %dma_wait3A_42 = tpu.memref_slice %arg8[%dma_wait3A_40, %dma_wait3A_41] : memref<16x128xi32, #tpu.memory_space<vmem>> -> memref<1x128xi32, #tpu.memory_space<vmem>>
        %dma_wait3A_43 = tpu.memref_squeeze %dma_wait3A_42 : memref<1x128xi32, #tpu.memory_space<vmem>> -> memref<128xi32, #tpu.memory_space<vmem>>
        %dma_wait3A_44 = arith.constant 0 : i32
        %dma_wait3A_45 = arith.constant 0 : i32
        %dma_wait3A_46 = tpu.memref_slice %arg11[%dma_wait3A_44, %dma_wait3A_45] : memref<10240x128xf32, #tpu.memory_space<vmem_shared>> -> memref<10240x128xf32, #tpu.memory_space<vmem_shared>>
        tpu.wait_indirect_dma semaphore(%arg14 : memref<!tpu.dma_semaphore, #tpu.memory_space<semaphore_mem>>) src(%arg9 : memref<128x128xf32, #tpu.memory_space<vmem>>) dst(%dma_wait3A_46 : memref<10240x128xf32, #tpu.memory_space<vmem_shared>>)
        %dma_wait3A_47 = arith.constant 0 : i32
        %dma_wait3A_48 = arith.constant 0 : i32
        %dma_wait3A_49 = tpu.memref_slice %arg8[%dma_wait3A_47, %dma_wait3A_48] : memref<16x128xi32, #tpu.memory_space<vmem>> -> memref<1x128xi32, #tpu.memory_space<vmem>>
        %dma_wait3A_50 = tpu.memref_squeeze %dma_wait3A_49 : memref<1x128xi32, #tpu.memory_space<vmem>> -> memref<128xi32, #tpu.memory_space<vmem>>
        %dma_wait3A_51 = arith.constant 0 : i32
        %dma_wait3A_52 = arith.constant 0 : i32
        %dma_wait3A_53 = tpu.memref_slice %arg11[%dma_wait3A_51, %dma_wait3A_52] : memref<10240x128xf32, #tpu.memory_space<vmem_shared>> -> memref<10240x128xf32, #tpu.memory_space<vmem_shared>>
        tpu.wait_indirect_dma semaphore(%arg15 : memref<!tpu.dma_semaphore, #tpu.memory_space<semaphore_mem>>) src(%arg10 : memref<128x128xf32, #tpu.memory_space<vmem>>) dst(%dma_wait3A_53 : memref<10240x128xf32, #tpu.memory_space<vmem_shared>>)
      } else {
      }
      %mul3A_29 = arith.constant 80 : i32
      %mul3A_30 = arith.muli %add3A, %mul3A_29 : i32
      %mul3A_31 = arith.constant 16 : i32
      %mul3A_32 = arith.muli %scan3A_26, %mul3A_31 : i32
      %add3A_33 = arith.addi %mul3A_30, %mul3A_32 : i32
      "tpu.region"() ({
        %run_scoped3A = tpu.sem_alloc : memref<!tpu.dma_semaphore, #tpu.memory_space<semaphore_mem>>
        %dma_start3A = arith.constant 0 : i32
        %dma_start3A_40 = tpu.memref_slice %arg3[%add3A_33, %dma_start3A] : memref<2560x128xi32, #tpu.memory_space<hbm>> -> memref<16x128xi32, #tpu.memory_space<hbm>>
        %dma_start3A_41 = arith.constant 0 : i32
        %dma_start3A_42 = tpu.memref_slice %arg3[%add3A_33, %dma_start3A_41] : memref<2560x128xi32, #tpu.memory_space<hbm>> -> memref<16x128xi32, #tpu.memory_space<hbm>>
        tpu.enqueue_dma source(%dma_start3A_42 : memref<16x128xi32, #tpu.memory_space<hbm>>) target(%arg7 : memref<16x128xi32, #tpu.memory_space<vmem>>) target_semaphore(%run_scoped3A : memref<!tpu.dma_semaphore, #tpu.memory_space<semaphore_mem>>)
        %dma_wait3A_43 = arith.constant 0 : i32
        %dma_wait3A_44 = tpu.memref_slice %arg3[%add3A_33, %dma_wait3A_43] : memref<2560x128xi32, #tpu.memory_space<hbm>> -> memref<16x128xi32, #tpu.memory_space<hbm>>
        %dma_wait3A_45 = arith.constant 0 : i32
        %dma_wait3A_46 = tpu.memref_slice %arg3[%add3A_33, %dma_wait3A_45] : memref<2560x128xi32, #tpu.memory_space<hbm>> -> memref<16x128xi32, #tpu.memory_space<hbm>>
        tpu.wait_dma2 semaphore(%run_scoped3A : memref<!tpu.dma_semaphore, #tpu.memory_space<semaphore_mem>>) src(%dma_wait3A_46 : memref<16x128xi32, #tpu.memory_space<hbm>>) dst(%arg7 : memref<16x128xi32, #tpu.memory_space<vmem>>)
        tpu.yield
      }) : () -> ()
      "tpu.region"() ({
        %run_scoped3A = tpu.sem_alloc : memref<!tpu.dma_semaphore, #tpu.memory_space<semaphore_mem>>
        %dma_start3A = arith.constant 0 : i32
        %dma_start3A_40 = tpu.memref_slice %arg4[%add3A_33, %dma_start3A] : memref<2560x128xi32, #tpu.memory_space<hbm>> -> memref<16x128xi32, #tpu.memory_space<hbm>>
        %dma_start3A_41 = arith.constant 0 : i32
        %dma_start3A_42 = tpu.memref_slice %arg4[%add3A_33, %dma_start3A_41] : memref<2560x128xi32, #tpu.memory_space<hbm>> -> memref<16x128xi32, #tpu.memory_space<hbm>>
        tpu.enqueue_dma source(%dma_start3A_42 : memref<16x128xi32, #tpu.memory_space<hbm>>) target(%arg8 : memref<16x128xi32, #tpu.memory_space<vmem>>) target_semaphore(%run_scoped3A : memref<!tpu.dma_semaphore, #tpu.memory_space<semaphore_mem>>)
        %dma_wait3A_43 = arith.constant 0 : i32
        %dma_wait3A_44 = tpu.memref_slice %arg4[%add3A_33, %dma_wait3A_43] : memref<2560x128xi32, #tpu.memory_space<hbm>> -> memref<16x128xi32, #tpu.memory_space<hbm>>
        %dma_wait3A_45 = arith.constant 0 : i32
        %dma_wait3A_46 = tpu.memref_slice %arg4[%add3A_33, %dma_wait3A_45] : memref<2560x128xi32, #tpu.memory_space<hbm>> -> memref<16x128xi32, #tpu.memory_space<hbm>>
        tpu.wait_dma2 semaphore(%run_scoped3A : memref<!tpu.dma_semaphore, #tpu.memory_space<semaphore_mem>>) src(%dma_wait3A_46 : memref<16x128xi32, #tpu.memory_space<hbm>>) dst(%arg8 : memref<16x128xi32, #tpu.memory_space<vmem>>)
        tpu.yield
      }) : () -> ()
      %scan3A_34 = arith.constant 0 : i32
      %scan3A_35 = arith.constant 0 : i32
      %scan3A_36 = arith.constant 8 : i32
      %scan3A_37 = arith.addi %scan3A_35, %scan3A_36 : i32
      %scan3A_38 = arith.constant 1 : i32
      scf.for %scan3A_40 = %scan3A_35 to %scan3A_37 step %scan3A_38  : i32 {
        %mul3A_41 = arith.constant 2 : i32
        %mul3A_42 = arith.muli %scan3A_40, %mul3A_41 : i32
        %gt3A_43 = arith.constant 0 : i32
        %gt3A_44 = arith.cmpi sgt, %scan3A_40, %gt3A_43 : i32
        %convert_element_type3A_45 = arith.extui %gt3A_44 : i1 to i32
        %cond3A_46 = arith.constant 0 : i32
        %cond3A_47 = arith.cmpi ne, %convert_element_type3A_45, %cond3A_46 : i32
        scf.if %cond3A_47 {
          %dma_wait3A_91 = arith.constant 0 : i32
          %dma_wait3A_92 = arith.constant 0 : i32
          %dma_wait3A_93 = tpu.memref_slice %arg8[%dma_wait3A_91, %dma_wait3A_92] : memref<16x128xi32, #tpu.memory_space<vmem>> -> memref<1x128xi32, #tpu.memory_space<vmem>>
          %dma_wait3A_94 = tpu.memref_squeeze %dma_wait3A_93 : memref<1x128xi32, #tpu.memory_space<vmem>> -> memref<128xi32, #tpu.memory_space<vmem>>
          %dma_wait3A_95 = arith.constant 0 : i32
          %dma_wait3A_96 = arith.constant 0 : i32
          %dma_wait3A_97 = tpu.memref_slice %arg11[%dma_wait3A_95, %dma_wait3A_96] : memref<10240x128xf32, #tpu.memory_space<vmem_shared>> -> memref<10240x128xf32, #tpu.memory_space<vmem_shared>>
          tpu.wait_indirect_dma semaphore(%arg14 : memref<!tpu.dma_semaphore, #tpu.memory_space<semaphore_mem>>) src(%arg9 : memref<128x128xf32, #tpu.memory_space<vmem>>) dst(%dma_wait3A_97 : memref<10240x128xf32, #tpu.memory_space<vmem_shared>>)
          %dma_wait3A_98 = arith.constant 0 : i32
          %dma_wait3A_99 = arith.constant 0 : i32
          %dma_wait3A_100 = tpu.memref_slice %arg8[%dma_wait3A_98, %dma_wait3A_99] : memref<16x128xi32, #tpu.memory_space<vmem>> -> memref<1x128xi32, #tpu.memory_space<vmem>>
          %dma_wait3A_101 = tpu.memref_squeeze %dma_wait3A_100 : memref<1x128xi32, #tpu.memory_space<vmem>> -> memref<128xi32, #tpu.memory_space<vmem>>
          %dma_wait3A_102 = arith.constant 0 : i32
          %dma_wait3A_103 = arith.constant 0 : i32
          %dma_wait3A_104 = tpu.memref_slice %arg11[%dma_wait3A_102, %dma_wait3A_103] : memref<10240x128xf32, #tpu.memory_space<vmem_shared>> -> memref<10240x128xf32, #tpu.memory_space<vmem_shared>>
          tpu.wait_indirect_dma semaphore(%arg15 : memref<!tpu.dma_semaphore, #tpu.memory_space<semaphore_mem>>) src(%arg10 : memref<128x128xf32, #tpu.memory_space<vmem>>) dst(%dma_wait3A_104 : memref<10240x128xf32, #tpu.memory_space<vmem_shared>>)
        } else {
        }
        %add3A_48 = arith.constant 0 : i32
        %add3A_49 = arith.addi %mul3A_42, %add3A_48 : i32
        %dma_start3A = arith.constant 0 : i32
        %dma_start3A_50 = tpu.memref_slice %arg7[%add3A_49, %dma_start3A] : memref<16x128xi32, #tpu.memory_space<vmem>> -> memref<1x128xi32, #tpu.memory_space<vmem>>
        %dma_start3A_51 = tpu.memref_squeeze %dma_start3A_50 : memref<1x128xi32, #tpu.memory_space<vmem>> -> memref<128xi32, #tpu.memory_space<vmem>>
        %dma_start3A_52 = arith.constant 0 : i32
        %dma_start3A_53 = arith.constant 0 : i32
        %dma_start3A_54 = tpu.memref_slice %arg2[%dma_start3A_52, %dma_start3A_53] : memref<10000x128xf32, #tpu.memory_space<hbm>> -> memref<10000x128xf32, #tpu.memory_space<hbm>>
        tpu.enqueue_indirect_dma source(%dma_start3A_54 : memref<10000x128xf32, #tpu.memory_space<hbm>>) target(%arg9 : memref<128x128xf32, #tpu.memory_space<vmem>>) offsets(%dma_start3A_51 : memref<128xi32, #tpu.memory_space<vmem>>) semaphore(%arg12 : memref<!tpu.dma_semaphore, #tpu.memory_space<semaphore_mem>>)
        %add3A_55 = arith.constant 1 : i32
        %add3A_56 = arith.addi %mul3A_42, %add3A_55 : i32
        %dma_start3A_57 = arith.constant 0 : i32
        %dma_start3A_58 = tpu.memref_slice %arg7[%add3A_56, %dma_start3A_57] : memref<16x128xi32, #tpu.memory_space<vmem>> -> memref<1x128xi32, #tpu.memory_space<vmem>>
        %dma_start3A_59 = tpu.memref_squeeze %dma_start3A_58 : memref<1x128xi32, #tpu.memory_space<vmem>> -> memref<128xi32, #tpu.memory_space<vmem>>
        %dma_start3A_60 = arith.constant 0 : i32
        %dma_start3A_61 = arith.constant 0 : i32
        %dma_start3A_62 = tpu.memref_slice %arg2[%dma_start3A_60, %dma_start3A_61] : memref<10000x128xf32, #tpu.memory_space<hbm>> -> memref<10000x128xf32, #tpu.memory_space<hbm>>
        tpu.enqueue_indirect_dma source(%dma_start3A_62 : memref<10000x128xf32, #tpu.memory_space<hbm>>) target(%arg10 : memref<128x128xf32, #tpu.memory_space<vmem>>) offsets(%dma_start3A_59 : memref<128xi32, #tpu.memory_space<vmem>>) semaphore(%arg13 : memref<!tpu.dma_semaphore, #tpu.memory_space<semaphore_mem>>)
        %dma_wait3A_63 = arith.constant 0 : i32
        %dma_wait3A_64 = tpu.memref_slice %arg7[%add3A_49, %dma_wait3A_63] : memref<16x128xi32, #tpu.memory_space<vmem>> -> memref<1x128xi32, #tpu.memory_space<vmem>>
        %dma_wait3A_65 = tpu.memref_squeeze %dma_wait3A_64 : memref<1x128xi32, #tpu.memory_space<vmem>> -> memref<128xi32, #tpu.memory_space<vmem>>
        %dma_wait3A_66 = arith.constant 0 : i32
        %dma_wait3A_67 = arith.constant 0 : i32
        %dma_wait3A_68 = tpu.memref_slice %arg2[%dma_wait3A_66, %dma_wait3A_67] : memref<10000x128xf32, #tpu.memory_space<hbm>> -> memref<10000x128xf32, #tpu.memory_space<hbm>>
        tpu.wait_indirect_dma semaphore(%arg12 : memref<!tpu.dma_semaphore, #tpu.memory_space<semaphore_mem>>) src(%dma_wait3A_68 : memref<10000x128xf32, #tpu.memory_space<hbm>>) dst(%arg9 : memref<128x128xf32, #tpu.memory_space<vmem>>)
        %add3A_69 = arith.constant 0 : i32
        %add3A_70 = arith.addi %mul3A_42, %add3A_69 : i32
        %dma_start3A_71 = arith.constant 0 : i32
        %dma_start3A_72 = tpu.memref_slice %arg8[%add3A_70, %dma_start3A_71] : memref<16x128xi32, #tpu.memory_space<vmem>> -> memref<1x128xi32, #tpu.memory_space<vmem>>
        %dma_start3A_73 = tpu.memref_squeeze %dma_start3A_72 : memref<1x128xi32, #tpu.memory_space<vmem>> -> memref<128xi32, #tpu.memory_space<vmem>>
        %dma_start3A_74 = arith.constant 0 : i32
        %dma_start3A_75 = arith.constant 0 : i32
        %dma_start3A_76 = tpu.memref_slice %arg11[%dma_start3A_74, %dma_start3A_75] : memref<10240x128xf32, #tpu.memory_space<vmem_shared>> -> memref<10240x128xf32, #tpu.memory_space<vmem_shared>>
        tpu.enqueue_indirect_dma source(%arg9 : memref<128x128xf32, #tpu.memory_space<vmem>>) target(%dma_start3A_76 : memref<10240x128xf32, #tpu.memory_space<vmem_shared>>) offsets(%dma_start3A_73 : memref<128xi32, #tpu.memory_space<vmem>>) semaphore(%arg14 : memref<!tpu.dma_semaphore, #tpu.memory_space<semaphore_mem>>) {add = true}
        %dma_wait3A_77 = arith.constant 0 : i32
        %dma_wait3A_78 = tpu.memref_slice %arg7[%add3A_56, %dma_wait3A_77] : memref<16x128xi32, #tpu.memory_space<vmem>> -> memref<1x128xi32, #tpu.memory_space<vmem>>
        %dma_wait3A_79 = tpu.memref_squeeze %dma_wait3A_78 : memref<1x128xi32, #tpu.memory_space<vmem>> -> memref<128xi32, #tpu.memory_space<vmem>>
        %dma_wait3A_80 = arith.constant 0 : i32
        %dma_wait3A_81 = arith.constant 0 : i32
        %dma_wait3A_82 = tpu.memref_slice %arg2[%dma_wait3A_80, %dma_wait3A_81] : memref<10000x128xf32, #tpu.memory_space<hbm>> -> memref<10000x128xf32, #tpu.memory_space<hbm>>
        tpu.wait_indirect_dma semaphore(%arg13 : memref<!tpu.dma_semaphore, #tpu.memory_space<semaphore_mem>>) src(%dma_wait3A_82 : memref<10000x128xf32, #tpu.memory_space<hbm>>) dst(%arg10 : memref<128x128xf32, #tpu.memory_space<vmem>>)
        %add3A_83 = arith.constant 1 : i32
        %add3A_84 = arith.addi %mul3A_42, %add3A_83 : i32
        %dma_start3A_85 = arith.constant 0 : i32
        %dma_start3A_86 = tpu.memref_slice %arg8[%add3A_84, %dma_start3A_85] : memref<16x128xi32, #tpu.memory_space<vmem>> -> memref<1x128xi32, #tpu.memory_space<vmem>>
        %dma_start3A_87 = tpu.memref_squeeze %dma_start3A_86 : memref<1x128xi32, #tpu.memory_space<vmem>> -> memref<128xi32, #tpu.memory_space<vmem>>
        %dma_start3A_88 = arith.constant 0 : i32
        %dma_start3A_89 = arith.constant 0 : i32
        %dma_start3A_90 = tpu.memref_slice %arg11[%dma_start3A_88, %dma_start3A_89] : memref<10240x128xf32, #tpu.memory_space<vmem_shared>> -> memref<10240x128xf32, #tpu.memory_space<vmem_shared>>
        tpu.enqueue_indirect_dma source(%arg10 : memref<128x128xf32, #tpu.memory_space<vmem>>) target(%dma_start3A_90 : memref<10240x128xf32, #tpu.memory_space<vmem_shared>>) offsets(%dma_start3A_87 : memref<128xi32, #tpu.memory_space<vmem>>) semaphore(%arg15 : memref<!tpu.dma_semaphore, #tpu.memory_space<semaphore_mem>>) {add = true}
      }
      %scan3A_39 = arith.constant 8 : i32
    }
    %scan3A_7 = arith.constant 5 : i32
    %dma_wait3A = arith.constant 0 : i32
    %dma_wait3A_8 = arith.constant 0 : i32
    %dma_wait3A_9 = tpu.memref_slice %arg8[%dma_wait3A, %dma_wait3A_8] : memref<16x128xi32, #tpu.memory_space<vmem>> -> memref<1x128xi32, #tpu.memory_space<vmem>>
    %dma_wait3A_10 = tpu.memref_squeeze %dma_wait3A_9 : memref<1x128xi32, #tpu.memory_space<vmem>> -> memref<128xi32, #tpu.memory_space<vmem>>
    %dma_wait3A_11 = arith.constant 0 : i32
    %dma_wait3A_12 = arith.constant 0 : i32
    %dma_wait3A_13 = tpu.memref_slice %arg11[%dma_wait3A_11, %dma_wait3A_12] : memref<10240x128xf32, #tpu.memory_space<vmem_shared>> -> memref<10240x128xf32, #tpu.memory_space<vmem_shared>>
    tpu.wait_indirect_dma semaphore(%arg14 : memref<!tpu.dma_semaphore, #tpu.memory_space<semaphore_mem>>) src(%arg9 : memref<128x128xf32, #tpu.memory_space<vmem>>) dst(%dma_wait3A_13 : memref<10240x128xf32, #tpu.memory_space<vmem_shared>>)
    %dma_wait3A_14 = arith.constant 0 : i32
    %dma_wait3A_15 = arith.constant 0 : i32
    %dma_wait3A_16 = tpu.memref_slice %arg8[%dma_wait3A_14, %dma_wait3A_15] : memref<16x128xi32, #tpu.memory_space<vmem>> -> memref<1x128xi32, #tpu.memory_space<vmem>>
    %dma_wait3A_17 = tpu.memref_squeeze %dma_wait3A_16 : memref<1x128xi32, #tpu.memory_space<vmem>> -> memref<128xi32, #tpu.memory_space<vmem>>
    %dma_wait3A_18 = arith.constant 0 : i32
    %dma_wait3A_19 = arith.constant 0 : i32
    %dma_wait3A_20 = tpu.memref_slice %arg11[%dma_wait3A_18, %dma_wait3A_19] : memref<10240x128xf32, #tpu.memory_space<vmem_shared>> -> memref<10240x128xf32, #tpu.memory_space<vmem_shared>>
    tpu.wait_indirect_dma semaphore(%arg15 : memref<!tpu.dma_semaphore, #tpu.memory_space<semaphore_mem>>) src(%arg10 : memref<128x128xf32, #tpu.memory_space<vmem>>) dst(%dma_wait3A_20 : memref<10240x128xf32, #tpu.memory_space<vmem_shared>>)
    %barrier3A_21 = arith.constant 0 : index
    tpu.barrier barrier_id(%barrier3A_21)
    %mul3A_22 = arith.constant 640 : i32
    %mul3A_23 = arith.muli %arg1, %mul3A_22 : i32
    %mul3A_24 = arith.constant 640 : i32
    %mul3A_25 = arith.muli %arg1, %mul3A_24 : i32
    "tpu.region"() ({
      %run_scoped3A = tpu.sem_alloc : memref<!tpu.dma_semaphore, #tpu.memory_space<semaphore_mem>>
      %dma_start3A = arith.constant 0 : i32
      %dma_start3A_26 = tpu.memref_slice %arg6[%arg0, %mul3A_25, %dma_start3A] : memref<2x10240x128xf32, #tpu.memory_space<hbm>> -> memref<1x640x128xf32, #tpu.memory_space<hbm>>
      %dma_start3A_27 = tpu.memref_squeeze %dma_start3A_26 : memref<1x640x128xf32, #tpu.memory_space<hbm>> -> memref<640x128xf32, #tpu.memory_space<hbm>>
      %dma_start3A_28 = arith.constant 0 : i32
      %dma_start3A_29 = tpu.memref_slice %arg11[%mul3A_23, %dma_start3A_28] : memref<10240x128xf32, #tpu.memory_space<vmem_shared>> -> memref<640x128xf32, #tpu.memory_space<vmem_shared>>
      tpu.enqueue_dma source(%dma_start3A_29 : memref<640x128xf32, #tpu.memory_space<vmem_shared>>) target(%dma_start3A_27 : memref<640x128xf32, #tpu.memory_space<hbm>>) target_semaphore(%run_scoped3A : memref<!tpu.dma_semaphore, #tpu.memory_space<semaphore_mem>>)
      %dma_wait3A_30 = arith.constant 0 : i32
      %dma_wait3A_31 = tpu.memref_slice %arg6[%arg0, %mul3A_25, %dma_wait3A_30] : memref<2x10240x128xf32, #tpu.memory_space<hbm>> -> memref<1x640x128xf32, #tpu.memory_space<hbm>>
      %dma_wait3A_32 = tpu.memref_squeeze %dma_wait3A_31 : memref<1x640x128xf32, #tpu.memory_space<hbm>> -> memref<640x128xf32, #tpu.memory_space<hbm>>
      %dma_wait3A_33 = arith.constant 0 : i32
      %dma_wait3A_34 = tpu.memref_slice %arg11[%mul3A_23, %dma_wait3A_33] : memref<10240x128xf32, #tpu.memory_space<vmem_shared>> -> memref<640x128xf32, #tpu.memory_space<vmem_shared>>
      tpu.wait_dma2 semaphore(%run_scoped3A : memref<!tpu.dma_semaphore, #tpu.memory_space<semaphore_mem>>) src(%dma_wait3A_34 : memref<640x128xf32, #tpu.memory_space<vmem_shared>>) dst(%dma_wait3A_32 : memref<640x128xf32, #tpu.memory_space<hbm>>)
      tpu.yield
    }) : () -> ()
    return
  }
}

#map = affine_map<(d0, d1) -> (0, 0)>
#map1 = affine_map<(d0, d1) -> (0, 0, 0)>
module attributes {stable_mosaic.version = 14 : i64} {
  func.func @prop_kernel(%arg0: i32, %arg1: i32, %arg2: memref<10000x128xf32, #tpu.memory_space<hbm>>, %arg3: memref<2560x128xi32, #tpu.memory_space<hbm>>, %arg4: memref<2560x128xi32, #tpu.memory_space<hbm>>, %arg5: memref<640x128xf32, #tpu.memory_space<hbm>>, %arg6: memref<2x10240x128xf32, #tpu.memory_space<hbm>>, %arg7: memref<16x128xi32, #tpu.memory_space<vmem>>, %arg8: memref<16x128xi32, #tpu.memory_space<vmem>>, %arg9: memref<128x128xf32, #tpu.memory_space<vmem>>, %arg10: memref<128x128xf32, #tpu.memory_space<vmem>>, %arg11: memref<10240x128xf32, #tpu.memory_space<vmem_shared>>, %arg12: memref<!tpu.dma_semaphore, #tpu.memory_space<semaphore_mem>>, %arg13: memref<!tpu.dma_semaphore, #tpu.memory_space<semaphore_mem>>, %arg14: memref<!tpu.dma_semaphore, #tpu.memory_space<semaphore_mem>>, %arg15: memref<!tpu.dma_semaphore, #tpu.memory_space<semaphore_mem>>) attributes {dimension_semantics = [#tpu.dimension_semantics<core_parallel>, #tpu.dimension_semantics<subcore_parallel>], iteration_bounds = array<i64: 2, 16>, scalar_prefetch = 0 : i64, scratch_operands = 9 : i64, tpu.core_type = #tpu.core_type<sc_vector_subcore>, window_params = [{transform_indices = #map}, {transform_indices = #map}, {transform_indices = #map}, {transform_indices = #map}, {transform_indices = #map1}]} {
    %mul3A = arith.constant 16 : i32
    %mul3A_0 = arith.muli %arg0, %mul3A : i32
    %add3A = arith.addi %mul3A_0, %arg1 : i32
    %mul3A_1 = arith.constant 640 : i32
    %mul3A_2 = arith.muli %arg1, %mul3A_1 : i32
    "tpu.region"() ({
      %run_scoped3A = tpu.sem_alloc : memref<!tpu.dma_semaphore, #tpu.memory_space<semaphore_mem>>
      %dma_start3A = arith.constant 0 : i32
      %dma_start3A_26 = tpu.memref_slice %arg11[%mul3A_2, %dma_start3A] : memref<10240x128xf32, #tpu.memory_space<vmem_shared>> -> memref<640x128xf32, #tpu.memory_space<vmem_shared>>
      tpu.enqueue_dma source(%arg5 : memref<640x128xf32, #tpu.memory_space<hbm>>) target(%dma_start3A_26 : memref<640x128xf32, #tpu.memory_space<vmem_shared>>) target_semaphore(%run_scoped3A : memref<!tpu.dma_semaphore, #tpu.memory_space<semaphore_mem>>)
      %dma_wait3A_27 = arith.constant 0 : i32
      %dma_wait3A_28 = tpu.memref_slice %arg11[%mul3A_2, %dma_wait3A_27] : memref<10240x128xf32, #tpu.memory_space<vmem_shared>> -> memref<640x128xf32, #tpu.memory_space<vmem_shared>>
      tpu.wait_dma2 semaphore(%run_scoped3A : memref<!tpu.dma_semaphore, #tpu.memory_space<semaphore_mem>>) src(%arg5 : memref<640x128xf32, #tpu.memory_space<hbm>>) dst(%dma_wait3A_28 : memref<640x128xf32, #tpu.memory_space<vmem_shared>>)
      tpu.yield
    }) : () -> ()
    %barrier3A = arith.constant 0 : index
    tpu.barrier barrier_id(%barrier3A)
    %scan3A = arith.constant 0 : i32
    %scan3A_3 = arith.constant 0 : i32
    %scan3A_4 = arith.constant 5 : i32
    %scan3A_5 = arith.addi %scan3A_3, %scan3A_4 : i32
    %scan3A_6 = arith.constant 1 : i32
    scf.for %scan3A_26 = %scan3A_3 to %scan3A_5 step %scan3A_6  : i32 {
      %gt3A = arith.constant 0 : i32
      %gt3A_27 = arith.cmpi sgt, %scan3A_26, %gt3A : i32
      %convert_element_type3A = arith.extui %gt3A_27 : i1 to i32
      %cond3A = arith.constant 0 : i32
      %cond3A_28 = arith.cmpi ne, %convert_element_type3A, %cond3A : i32
      scf.if %cond3A_28 {
        %dma_wait3A_40 = arith.constant 0 : i32
        %dma_wait3A_41 = arith.constant 0 : i32
        %dma_wait3A_42 = tpu.memref_slice %arg8[%dma_wait3A_40, %dma_wait3A_41] : memref<16x128xi32, #tpu.memory_space<vmem>> -> memref<1x128xi32, #tpu.memory_space<vmem>>
        %dma_wait3A_43 = tpu.memref_squeeze %dma_wait3A_42 : memref<1x128xi32, #tpu.memory_space<vmem>> -> memref<128xi32, #tpu.memory_space<vmem>>
        %dma_wait3A_44 = arith.constant 0 : i32
        %dma_wait3A_45 = arith.constant 0 : i32
        %dma_wait3A_46 = tpu.memref_slice %arg11[%dma_wait3A_44, %dma_wait3A_45] : memref<10240x128xf32, #tpu.memory_space<vmem_shared>> -> memref<10240x128xf32, #tpu.memory_space<vmem_shared>>
        tpu.wait_indirect_dma semaphore(%arg14 : memref<!tpu.dma_semaphore, #tpu.memory_space<semaphore_mem>>) src(%arg9 : memref<128x128xf32, #tpu.memory_space<vmem>>) dst(%dma_wait3A_46 : memref<10240x128xf32, #tpu.memory_space<vmem_shared>>)
        %dma_wait3A_47 = arith.constant 0 : i32
        %dma_wait3A_48 = arith.constant 0 : i32
        %dma_wait3A_49 = tpu.memref_slice %arg8[%dma_wait3A_47, %dma_wait3A_48] : memref<16x128xi32, #tpu.memory_space<vmem>> -> memref<1x128xi32, #tpu.memory_space<vmem>>
        %dma_wait3A_50 = tpu.memref_squeeze %dma_wait3A_49 : memref<1x128xi32, #tpu.memory_space<vmem>> -> memref<128xi32, #tpu.memory_space<vmem>>
        %dma_wait3A_51 = arith.constant 0 : i32
        %dma_wait3A_52 = arith.constant 0 : i32
        %dma_wait3A_53 = tpu.memref_slice %arg11[%dma_wait3A_51, %dma_wait3A_52] : memref<10240x128xf32, #tpu.memory_space<vmem_shared>> -> memref<10240x128xf32, #tpu.memory_space<vmem_shared>>
        tpu.wait_indirect_dma semaphore(%arg15 : memref<!tpu.dma_semaphore, #tpu.memory_space<semaphore_mem>>) src(%arg10 : memref<128x128xf32, #tpu.memory_space<vmem>>) dst(%dma_wait3A_53 : memref<10240x128xf32, #tpu.memory_space<vmem_shared>>)
      } else {
      }
      %mul3A_29 = arith.constant 80 : i32
      %mul3A_30 = arith.muli %add3A, %mul3A_29 : i32
      %mul3A_31 = arith.constant 16 : i32
      %mul3A_32 = arith.muli %scan3A_26, %mul3A_31 : i32
      %add3A_33 = arith.addi %mul3A_30, %mul3A_32 : i32
      "tpu.region"() ({
        %run_scoped3A = tpu.sem_alloc : memref<!tpu.dma_semaphore, #tpu.memory_space<semaphore_mem>>
        %dma_start3A = arith.constant 0 : i32
        %dma_start3A_40 = tpu.memref_slice %arg3[%add3A_33, %dma_start3A] : memref<2560x128xi32, #tpu.memory_space<hbm>> -> memref<16x128xi32, #tpu.memory_space<hbm>>
        %dma_start3A_41 = arith.constant 0 : i32
        %dma_start3A_42 = tpu.memref_slice %arg3[%add3A_33, %dma_start3A_41] : memref<2560x128xi32, #tpu.memory_space<hbm>> -> memref<16x128xi32, #tpu.memory_space<hbm>>
        tpu.enqueue_dma source(%dma_start3A_42 : memref<16x128xi32, #tpu.memory_space<hbm>>) target(%arg7 : memref<16x128xi32, #tpu.memory_space<vmem>>) target_semaphore(%run_scoped3A : memref<!tpu.dma_semaphore, #tpu.memory_space<semaphore_mem>>)
        %dma_wait3A_43 = arith.constant 0 : i32
        %dma_wait3A_44 = tpu.memref_slice %arg3[%add3A_33, %dma_wait3A_43] : memref<2560x128xi32, #tpu.memory_space<hbm>> -> memref<16x128xi32, #tpu.memory_space<hbm>>
        %dma_wait3A_45 = arith.constant 0 : i32
        %dma_wait3A_46 = tpu.memref_slice %arg3[%add3A_33, %dma_wait3A_45] : memref<2560x128xi32, #tpu.memory_space<hbm>> -> memref<16x128xi32, #tpu.memory_space<hbm>>
        tpu.wait_dma2 semaphore(%run_scoped3A : memref<!tpu.dma_semaphore, #tpu.memory_space<semaphore_mem>>) src(%dma_wait3A_46 : memref<16x128xi32, #tpu.memory_space<hbm>>) dst(%arg7 : memref<16x128xi32, #tpu.memory_space<vmem>>)
        tpu.yield
      }) : () -> ()
      "tpu.region"() ({
        %run_scoped3A = tpu.sem_alloc : memref<!tpu.dma_semaphore, #tpu.memory_space<semaphore_mem>>
        %dma_start3A = arith.constant 0 : i32
        %dma_start3A_40 = tpu.memref_slice %arg4[%add3A_33, %dma_start3A] : memref<2560x128xi32, #tpu.memory_space<hbm>> -> memref<16x128xi32, #tpu.memory_space<hbm>>
        %dma_start3A_41 = arith.constant 0 : i32
        %dma_start3A_42 = tpu.memref_slice %arg4[%add3A_33, %dma_start3A_41] : memref<2560x128xi32, #tpu.memory_space<hbm>> -> memref<16x128xi32, #tpu.memory_space<hbm>>
        tpu.enqueue_dma source(%dma_start3A_42 : memref<16x128xi32, #tpu.memory_space<hbm>>) target(%arg8 : memref<16x128xi32, #tpu.memory_space<vmem>>) target_semaphore(%run_scoped3A : memref<!tpu.dma_semaphore, #tpu.memory_space<semaphore_mem>>)
        %dma_wait3A_43 = arith.constant 0 : i32
        %dma_wait3A_44 = tpu.memref_slice %arg4[%add3A_33, %dma_wait3A_43] : memref<2560x128xi32, #tpu.memory_space<hbm>> -> memref<16x128xi32, #tpu.memory_space<hbm>>
        %dma_wait3A_45 = arith.constant 0 : i32
        %dma_wait3A_46 = tpu.memref_slice %arg4[%add3A_33, %dma_wait3A_45] : memref<2560x128xi32, #tpu.memory_space<hbm>> -> memref<16x128xi32, #tpu.memory_space<hbm>>
        tpu.wait_dma2 semaphore(%run_scoped3A : memref<!tpu.dma_semaphore, #tpu.memory_space<semaphore_mem>>) src(%dma_wait3A_46 : memref<16x128xi32, #tpu.memory_space<hbm>>) dst(%arg8 : memref<16x128xi32, #tpu.memory_space<vmem>>)
        tpu.yield
      }) : () -> ()
      %scan3A_34 = arith.constant 0 : i32
      %scan3A_35 = arith.constant 0 : i32
      %scan3A_36 = arith.constant 8 : i32
      %scan3A_37 = arith.addi %scan3A_35, %scan3A_36 : i32
      %scan3A_38 = arith.constant 1 : i32
      scf.for %scan3A_40 = %scan3A_35 to %scan3A_37 step %scan3A_38  : i32 {
        %mul3A_41 = arith.constant 2 : i32
        %mul3A_42 = arith.muli %scan3A_40, %mul3A_41 : i32
        %gt3A_43 = arith.constant 0 : i32
        %gt3A_44 = arith.cmpi sgt, %scan3A_40, %gt3A_43 : i32
        %convert_element_type3A_45 = arith.extui %gt3A_44 : i1 to i32
        %cond3A_46 = arith.constant 0 : i32
        %cond3A_47 = arith.cmpi ne, %convert_element_type3A_45, %cond3A_46 : i32
        scf.if %cond3A_47 {
          %dma_wait3A_91 = arith.constant 0 : i32
          %dma_wait3A_92 = arith.constant 0 : i32
          %dma_wait3A_93 = tpu.memref_slice %arg8[%dma_wait3A_91, %dma_wait3A_92] : memref<16x128xi32, #tpu.memory_space<vmem>> -> memref<1x128xi32, #tpu.memory_space<vmem>>
          %dma_wait3A_94 = tpu.memref_squeeze %dma_wait3A_93 : memref<1x128xi32, #tpu.memory_space<vmem>> -> memref<128xi32, #tpu.memory_space<vmem>>
          %dma_wait3A_95 = arith.constant 0 : i32
          %dma_wait3A_96 = arith.constant 0 : i32
          %dma_wait3A_97 = tpu.memref_slice %arg11[%dma_wait3A_95, %dma_wait3A_96] : memref<10240x128xf32, #tpu.memory_space<vmem_shared>> -> memref<10240x128xf32, #tpu.memory_space<vmem_shared>>
          tpu.wait_indirect_dma semaphore(%arg14 : memref<!tpu.dma_semaphore, #tpu.memory_space<semaphore_mem>>) src(%arg9 : memref<128x128xf32, #tpu.memory_space<vmem>>) dst(%dma_wait3A_97 : memref<10240x128xf32, #tpu.memory_space<vmem_shared>>)
          %dma_wait3A_98 = arith.constant 0 : i32
          %dma_wait3A_99 = arith.constant 0 : i32
          %dma_wait3A_100 = tpu.memref_slice %arg8[%dma_wait3A_98, %dma_wait3A_99] : memref<16x128xi32, #tpu.memory_space<vmem>> -> memref<1x128xi32, #tpu.memory_space<vmem>>
          %dma_wait3A_101 = tpu.memref_squeeze %dma_wait3A_100 : memref<1x128xi32, #tpu.memory_space<vmem>> -> memref<128xi32, #tpu.memory_space<vmem>>
          %dma_wait3A_102 = arith.constant 0 : i32
          %dma_wait3A_103 = arith.constant 0 : i32
          %dma_wait3A_104 = tpu.memref_slice %arg11[%dma_wait3A_102, %dma_wait3A_103] : memref<10240x128xf32, #tpu.memory_space<vmem_shared>> -> memref<10240x128xf32, #tpu.memory_space<vmem_shared>>
          tpu.wait_indirect_dma semaphore(%arg15 : memref<!tpu.dma_semaphore, #tpu.memory_space<semaphore_mem>>) src(%arg10 : memref<128x128xf32, #tpu.memory_space<vmem>>) dst(%dma_wait3A_104 : memref<10240x128xf32, #tpu.memory_space<vmem_shared>>)
        } else {
        }
        %add3A_48 = arith.constant 0 : i32
        %add3A_49 = arith.addi %mul3A_42, %add3A_48 : i32
        %dma_start3A = arith.constant 0 : i32
        %dma_start3A_50 = tpu.memref_slice %arg7[%add3A_49, %dma_start3A] : memref<16x128xi32, #tpu.memory_space<vmem>> -> memref<1x128xi32, #tpu.memory_space<vmem>>
        %dma_start3A_51 = tpu.memref_squeeze %dma_start3A_50 : memref<1x128xi32, #tpu.memory_space<vmem>> -> memref<128xi32, #tpu.memory_space<vmem>>
        %dma_start3A_52 = arith.constant 0 : i32
        %dma_start3A_53 = arith.constant 0 : i32
        %dma_start3A_54 = tpu.memref_slice %arg2[%dma_start3A_52, %dma_start3A_53] : memref<10000x128xf32, #tpu.memory_space<hbm>> -> memref<10000x128xf32, #tpu.memory_space<hbm>>
        tpu.enqueue_indirect_dma source(%dma_start3A_54 : memref<10000x128xf32, #tpu.memory_space<hbm>>) target(%arg9 : memref<128x128xf32, #tpu.memory_space<vmem>>) offsets(%dma_start3A_51 : memref<128xi32, #tpu.memory_space<vmem>>) semaphore(%arg12 : memref<!tpu.dma_semaphore, #tpu.memory_space<semaphore_mem>>)
        %add3A_55 = arith.constant 1 : i32
        %add3A_56 = arith.addi %mul3A_42, %add3A_55 : i32
        %dma_start3A_57 = arith.constant 0 : i32
        %dma_start3A_58 = tpu.memref_slice %arg7[%add3A_56, %dma_start3A_57] : memref<16x128xi32, #tpu.memory_space<vmem>> -> memref<1x128xi32, #tpu.memory_space<vmem>>
        %dma_start3A_59 = tpu.memref_squeeze %dma_start3A_58 : memref<1x128xi32, #tpu.memory_space<vmem>> -> memref<128xi32, #tpu.memory_space<vmem>>
        %dma_start3A_60 = arith.constant 0 : i32
        %dma_start3A_61 = arith.constant 0 : i32
        %dma_start3A_62 = tpu.memref_slice %arg2[%dma_start3A_60, %dma_start3A_61] : memref<10000x128xf32, #tpu.memory_space<hbm>> -> memref<10000x128xf32, #tpu.memory_space<hbm>>
        tpu.enqueue_indirect_dma source(%dma_start3A_62 : memref<10000x128xf32, #tpu.memory_space<hbm>>) target(%arg10 : memref<128x128xf32, #tpu.memory_space<vmem>>) offsets(%dma_start3A_59 : memref<128xi32, #tpu.memory_space<vmem>>) semaphore(%arg13 : memref<!tpu.dma_semaphore, #tpu.memory_space<semaphore_mem>>)
        %dma_wait3A_63 = arith.constant 0 : i32
        %dma_wait3A_64 = tpu.memref_slice %arg7[%add3A_49, %dma_wait3A_63] : memref<16x128xi32, #tpu.memory_space<vmem>> -> memref<1x128xi32, #tpu.memory_space<vmem>>
        %dma_wait3A_65 = tpu.memref_squeeze %dma_wait3A_64 : memref<1x128xi32, #tpu.memory_space<vmem>> -> memref<128xi32, #tpu.memory_space<vmem>>
        %dma_wait3A_66 = arith.constant 0 : i32
        %dma_wait3A_67 = arith.constant 0 : i32
        %dma_wait3A_68 = tpu.memref_slice %arg2[%dma_wait3A_66, %dma_wait3A_67] : memref<10000x128xf32, #tpu.memory_space<hbm>> -> memref<10000x128xf32, #tpu.memory_space<hbm>>
        tpu.wait_indirect_dma semaphore(%arg12 : memref<!tpu.dma_semaphore, #tpu.memory_space<semaphore_mem>>) src(%dma_wait3A_68 : memref<10000x128xf32, #tpu.memory_space<hbm>>) dst(%arg9 : memref<128x128xf32, #tpu.memory_space<vmem>>)
        %add3A_69 = arith.constant 0 : i32
        %add3A_70 = arith.addi %mul3A_42, %add3A_69 : i32
        %dma_start3A_71 = arith.constant 0 : i32
        %dma_start3A_72 = tpu.memref_slice %arg8[%add3A_70, %dma_start3A_71] : memref<16x128xi32, #tpu.memory_space<vmem>> -> memref<1x128xi32, #tpu.memory_space<vmem>>
        %dma_start3A_73 = tpu.memref_squeeze %dma_start3A_72 : memref<1x128xi32, #tpu.memory_space<vmem>> -> memref<128xi32, #tpu.memory_space<vmem>>
        %dma_start3A_74 = arith.constant 0 : i32
        %dma_start3A_75 = arith.constant 0 : i32
        %dma_start3A_76 = tpu.memref_slice %arg11[%dma_start3A_74, %dma_start3A_75] : memref<10240x128xf32, #tpu.memory_space<vmem_shared>> -> memref<10240x128xf32, #tpu.memory_space<vmem_shared>>
        tpu.enqueue_indirect_dma source(%arg9 : memref<128x128xf32, #tpu.memory_space<vmem>>) target(%dma_start3A_76 : memref<10240x128xf32, #tpu.memory_space<vmem_shared>>) offsets(%dma_start3A_73 : memref<128xi32, #tpu.memory_space<vmem>>) semaphore(%arg14 : memref<!tpu.dma_semaphore, #tpu.memory_space<semaphore_mem>>) {add = true}
        %dma_wait3A_77 = arith.constant 0 : i32
        %dma_wait3A_78 = tpu.memref_slice %arg7[%add3A_56, %dma_wait3A_77] : memref<16x128xi32, #tpu.memory_space<vmem>> -> memref<1x128xi32, #tpu.memory_space<vmem>>
        %dma_wait3A_79 = tpu.memref_squeeze %dma_wait3A_78 : memref<1x128xi32, #tpu.memory_space<vmem>> -> memref<128xi32, #tpu.memory_space<vmem>>
        %dma_wait3A_80 = arith.constant 0 : i32
        %dma_wait3A_81 = arith.constant 0 : i32
        %dma_wait3A_82 = tpu.memref_slice %arg2[%dma_wait3A_80, %dma_wait3A_81] : memref<10000x128xf32, #tpu.memory_space<hbm>> -> memref<10000x128xf32, #tpu.memory_space<hbm>>
        tpu.wait_indirect_dma semaphore(%arg13 : memref<!tpu.dma_semaphore, #tpu.memory_space<semaphore_mem>>) src(%dma_wait3A_82 : memref<10000x128xf32, #tpu.memory_space<hbm>>) dst(%arg10 : memref<128x128xf32, #tpu.memory_space<vmem>>)
        %add3A_83 = arith.constant 1 : i32
        %add3A_84 = arith.addi %mul3A_42, %add3A_83 : i32
        %dma_start3A_85 = arith.constant 0 : i32
        %dma_start3A_86 = tpu.memref_slice %arg8[%add3A_84, %dma_start3A_85] : memref<16x128xi32, #tpu.memory_space<vmem>> -> memref<1x128xi32, #tpu.memory_space<vmem>>
        %dma_start3A_87 = tpu.memref_squeeze %dma_start3A_86 : memref<1x128xi32, #tpu.memory_space<vmem>> -> memref<128xi32, #tpu.memory_space<vmem>>
        %dma_start3A_88 = arith.constant 0 : i32
        %dma_start3A_89 = arith.constant 0 : i32
        %dma_start3A_90 = tpu.memref_slice %arg11[%dma_start3A_88, %dma_start3A_89] : memref<10240x128xf32, #tpu.memory_space<vmem_shared>> -> memref<10240x128xf32, #tpu.memory_space<vmem_shared>>
        tpu.enqueue_indirect_dma source(%arg10 : memref<128x128xf32, #tpu.memory_space<vmem>>) target(%dma_start3A_90 : memref<10240x128xf32, #tpu.memory_space<vmem_shared>>) offsets(%dma_start3A_87 : memref<128xi32, #tpu.memory_space<vmem>>) semaphore(%arg15 : memref<!tpu.dma_semaphore, #tpu.memory_space<semaphore_mem>>) {add = true}
      }
      %scan3A_39 = arith.constant 8 : i32
    }
    %scan3A_7 = arith.constant 5 : i32
    %dma_wait3A = arith.constant 0 : i32
    %dma_wait3A_8 = arith.constant 0 : i32
    %dma_wait3A_9 = tpu.memref_slice %arg8[%dma_wait3A, %dma_wait3A_8] : memref<16x128xi32, #tpu.memory_space<vmem>> -> memref<1x128xi32, #tpu.memory_space<vmem>>
    %dma_wait3A_10 = tpu.memref_squeeze %dma_wait3A_9 : memref<1x128xi32, #tpu.memory_space<vmem>> -> memref<128xi32, #tpu.memory_space<vmem>>
    %dma_wait3A_11 = arith.constant 0 : i32
    %dma_wait3A_12 = arith.constant 0 : i32
    %dma_wait3A_13 = tpu.memref_slice %arg11[%dma_wait3A_11, %dma_wait3A_12] : memref<10240x128xf32, #tpu.memory_space<vmem_shared>> -> memref<10240x128xf32, #tpu.memory_space<vmem_shared>>
    tpu.wait_indirect_dma semaphore(%arg14 : memref<!tpu.dma_semaphore, #tpu.memory_space<semaphore_mem>>) src(%arg9 : memref<128x128xf32, #tpu.memory_space<vmem>>) dst(%dma_wait3A_13 : memref<10240x128xf32, #tpu.memory_space<vmem_shared>>)
    %dma_wait3A_14 = arith.constant 0 : i32
    %dma_wait3A_15 = arith.constant 0 : i32
    %dma_wait3A_16 = tpu.memref_slice %arg8[%dma_wait3A_14, %dma_wait3A_15] : memref<16x128xi32, #tpu.memory_space<vmem>> -> memref<1x128xi32, #tpu.memory_space<vmem>>
    %dma_wait3A_17 = tpu.memref_squeeze %dma_wait3A_16 : memref<1x128xi32, #tpu.memory_space<vmem>> -> memref<128xi32, #tpu.memory_space<vmem>>
    %dma_wait3A_18 = arith.constant 0 : i32
    %dma_wait3A_19 = arith.constant 0 : i32
    %dma_wait3A_20 = tpu.memref_slice %arg11[%dma_wait3A_18, %dma_wait3A_19] : memref<10240x128xf32, #tpu.memory_space<vmem_shared>> -> memref<10240x128xf32, #tpu.memory_space<vmem_shared>>
    tpu.wait_indirect_dma semaphore(%arg15 : memref<!tpu.dma_semaphore, #tpu.memory_space<semaphore_mem>>) src(%arg10 : memref<128x128xf32, #tpu.memory_space<vmem>>) dst(%dma_wait3A_20 : memref<10240x128xf32, #tpu.memory_space<vmem_shared>>)
    %barrier3A_21 = arith.constant 0 : index
    tpu.barrier barrier_id(%barrier3A_21)
    %mul3A_22 = arith.constant 640 : i32
    %mul3A_23 = arith.muli %arg1, %mul3A_22 : i32
    %mul3A_24 = arith.constant 640 : i32
    %mul3A_25 = arith.muli %arg1, %mul3A_24 : i32
    "tpu.region"() ({
      %run_scoped3A = tpu.sem_alloc : memref<!tpu.dma_semaphore, #tpu.memory_space<semaphore_mem>>
      %dma_start3A = arith.constant 0 : i32
      %dma_start3A_26 = tpu.memref_slice %arg6[%arg0, %mul3A_25, %dma_start3A] : memref<2x10240x128xf32, #tpu.memory_space<hbm>> -> memref<1x640x128xf32, #tpu.memory_space<hbm>>
      %dma_start3A_27 = tpu.memref_squeeze %dma_start3A_26 : memref<1x640x128xf32, #tpu.memory_space<hbm>> -> memref<640x128xf32, #tpu.memory_space<hbm>>
      %dma_start3A_28 = arith.constant 0 : i32
      %dma_start3A_29 = tpu.memref_slice %arg11[%mul3A_23, %dma_start3A_28] : memref<10240x128xf32, #tpu.memory_space<vmem_shared>> -> memref<640x128xf32, #tpu.memory_space<vmem_shared>>
      tpu.enqueue_dma source(%dma_start3A_29 : memref<640x128xf32, #tpu.memory_space<vmem_shared>>) target(%dma_start3A_27 : memref<640x128xf32, #tpu.memory_space<hbm>>) target_semaphore(%run_scoped3A : memref<!tpu.dma_semaphore, #tpu.memory_space<semaphore_mem>>)
      %dma_wait3A_30 = arith.constant 0 : i32
      %dma_wait3A_31 = tpu.memref_slice %arg6[%arg0, %mul3A_25, %dma_wait3A_30] : memref<2x10240x128xf32, #tpu.memory_space<hbm>> -> memref<1x640x128xf32, #tpu.memory_space<hbm>>
      %dma_wait3A_32 = tpu.memref_squeeze %dma_wait3A_31 : memref<1x640x128xf32, #tpu.memory_space<hbm>> -> memref<640x128xf32, #tpu.memory_space<hbm>>
      %dma_wait3A_33 = arith.constant 0 : i32
      %dma_wait3A_34 = tpu.memref_slice %arg11[%mul3A_23, %dma_wait3A_33] : memref<10240x128xf32, #tpu.memory_space<vmem_shared>> -> memref<640x128xf32, #tpu.memory_space<vmem_shared>>
      tpu.wait_dma2 semaphore(%run_scoped3A : memref<!tpu.dma_semaphore, #tpu.memory_space<semaphore_mem>>) src(%dma_wait3A_34 : memref<640x128xf32, #tpu.memory_space<vmem_shared>>) dst(%dma_wait3A_32 : memref<640x128xf32, #tpu.memory_space<hbm>>)
      tpu.yield
    }) : () -> ()
    return
  }
}

#map = affine_map<(d0, d1) -> (0, 0)>
#map1 = affine_map<(d0, d1) -> (0, 0, 0)>
module attributes {stable_mosaic.version = 14 : i64} {
  func.func @deg_kernel(%arg0: i32, %arg1: i32, %arg2: memref<2560x128xi32, #tpu.memory_space<hbm>>, %arg3: memref<128x128xf32, #tpu.memory_space<hbm>>, %arg4: memref<640x128xf32, #tpu.memory_space<hbm>>, %arg5: memref<2x10240x128xf32, #tpu.memory_space<hbm>>, %arg6: memref<80x128xi32, #tpu.memory_space<vmem>>, %arg7: memref<128x128xf32, #tpu.memory_space<vmem>>, %arg8: memref<10240x128xf32, #tpu.memory_space<vmem_shared>>, %arg9: memref<!tpu.dma_semaphore, #tpu.memory_space<semaphore_mem>>, %arg10: memref<!tpu.dma_semaphore, #tpu.memory_space<semaphore_mem>>, %arg11: memref<!tpu.dma_semaphore, #tpu.memory_space<semaphore_mem>>, %arg12: memref<!tpu.dma_semaphore, #tpu.memory_space<semaphore_mem>>, %arg13: memref<!tpu.dma_semaphore, #tpu.memory_space<semaphore_mem>>) attributes {dimension_semantics = [#tpu.dimension_semantics<core_parallel>, #tpu.dimension_semantics<subcore_parallel>], iteration_bounds = array<i64: 2, 16>, scalar_prefetch = 0 : i64, scratch_operands = 8 : i64, tpu.core_type = #tpu.core_type<sc_vector_subcore>, window_params = [{transform_indices = #map}, {transform_indices = #map}, {transform_indices = #map}, {transform_indices = #map1}]} {
    %mul3A = arith.constant 16 : i32
    %mul3A_0 = arith.muli %arg0, %mul3A : i32
    %add3A = arith.addi %mul3A_0, %arg1 : i32
    %mul3A_1 = arith.constant 640 : i32
    %mul3A_2 = arith.muli %arg1, %mul3A_1 : i32
    "tpu.region"() ({
      %run_scoped3A = tpu.sem_alloc : memref<!tpu.dma_semaphore, #tpu.memory_space<semaphore_mem>>
      %dma_start3A = arith.constant 0 : i32
      %dma_start3A_15 = tpu.memref_slice %arg8[%mul3A_2, %dma_start3A] : memref<10240x128xf32, #tpu.memory_space<vmem_shared>> -> memref<640x128xf32, #tpu.memory_space<vmem_shared>>
      tpu.enqueue_dma source(%arg4 : memref<640x128xf32, #tpu.memory_space<hbm>>) target(%dma_start3A_15 : memref<640x128xf32, #tpu.memory_space<vmem_shared>>) target_semaphore(%run_scoped3A : memref<!tpu.dma_semaphore, #tpu.memory_space<semaphore_mem>>)
      %dma_wait3A = arith.constant 0 : i32
      %dma_wait3A_16 = tpu.memref_slice %arg8[%mul3A_2, %dma_wait3A] : memref<10240x128xf32, #tpu.memory_space<vmem_shared>> -> memref<640x128xf32, #tpu.memory_space<vmem_shared>>
      tpu.wait_dma2 semaphore(%run_scoped3A : memref<!tpu.dma_semaphore, #tpu.memory_space<semaphore_mem>>) src(%arg4 : memref<640x128xf32, #tpu.memory_space<hbm>>) dst(%dma_wait3A_16 : memref<640x128xf32, #tpu.memory_space<vmem_shared>>)
      tpu.yield
    }) : () -> ()
    "tpu.region"() ({
      %run_scoped3A = tpu.sem_alloc : memref<!tpu.dma_semaphore, #tpu.memory_space<semaphore_mem>>
      tpu.enqueue_dma source(%arg3 : memref<128x128xf32, #tpu.memory_space<hbm>>) target(%arg7 : memref<128x128xf32, #tpu.memory_space<vmem>>) target_semaphore(%run_scoped3A : memref<!tpu.dma_semaphore, #tpu.memory_space<semaphore_mem>>)
      tpu.wait_dma2 semaphore(%run_scoped3A : memref<!tpu.dma_semaphore, #tpu.memory_space<semaphore_mem>>) src(%arg3 : memref<128x128xf32, #tpu.memory_space<hbm>>) dst(%arg7 : memref<128x128xf32, #tpu.memory_space<vmem>>)
      tpu.yield
    }) : () -> ()
    %mul3A_3 = arith.constant 80 : i32
    %mul3A_4 = arith.muli %add3A, %mul3A_3 : i32
    "tpu.region"() ({
      %run_scoped3A = tpu.sem_alloc : memref<!tpu.dma_semaphore, #tpu.memory_space<semaphore_mem>>
      %dma_start3A = arith.constant 0 : i32
      %dma_start3A_15 = tpu.memref_slice %arg2[%mul3A_4, %dma_start3A] : memref<2560x128xi32, #tpu.memory_space<hbm>> -> memref<80x128xi32, #tpu.memory_space<hbm>>
      %dma_start3A_16 = arith.constant 0 : i32
      %dma_start3A_17 = tpu.memref_slice %arg2[%mul3A_4, %dma_start3A_16] : memref<2560x128xi32, #tpu.memory_space<hbm>> -> memref<80x128xi32, #tpu.memory_space<hbm>>
      tpu.enqueue_dma source(%dma_start3A_17 : memref<80x128xi32, #tpu.memory_space<hbm>>) target(%arg6 : memref<80x128xi32, #tpu.memory_space<vmem>>) target_semaphore(%run_scoped3A : memref<!tpu.dma_semaphore, #tpu.memory_space<semaphore_mem>>)
      %dma_wait3A = arith.constant 0 : i32
      %dma_wait3A_18 = tpu.memref_slice %arg2[%mul3A_4, %dma_wait3A] : memref<2560x128xi32, #tpu.memory_space<hbm>> -> memref<80x128xi32, #tpu.memory_space<hbm>>
      %dma_wait3A_19 = arith.constant 0 : i32
      %dma_wait3A_20 = tpu.memref_slice %arg2[%mul3A_4, %dma_wait3A_19] : memref<2560x128xi32, #tpu.memory_space<hbm>> -> memref<80x128xi32, #tpu.memory_space<hbm>>
      tpu.wait_dma2 semaphore(%run_scoped3A : memref<!tpu.dma_semaphore, #tpu.memory_space<semaphore_mem>>) src(%dma_wait3A_20 : memref<80x128xi32, #tpu.memory_space<hbm>>) dst(%arg6 : memref<80x128xi32, #tpu.memory_space<vmem>>)
      tpu.yield
    }) : () -> ()
    %barrier3A = arith.constant 0 : index
    tpu.barrier barrier_id(%barrier3A)
    %scan3A = arith.constant 0 : i32
    %scan3A_5 = arith.constant 0 : i32
    %scan3A_6 = arith.constant 16 : i32
    %scan3A_7 = arith.addi %scan3A_5, %scan3A_6 : i32
    %scan3A_8 = arith.constant 1 : i32
    scf.for %scan3A_15 = %scan3A_5 to %scan3A_7 step %scan3A_8  : i32 {
      %mul3A_16 = arith.constant 5 : i32
      %mul3A_17 = arith.muli %scan3A_15, %mul3A_16 : i32
      %add3A_18 = arith.constant 0 : i32
      %add3A_19 = arith.addi %mul3A_17, %add3A_18 : i32
      %dma_start3A = arith.constant 0 : i32
      %dma_start3A_20 = tpu.memref_slice %arg6[%add3A_19, %dma_start3A] : memref<80x128xi32, #tpu.memory_space<vmem>> -> memref<1x128xi32, #tpu.memory_space<vmem>>
      %dma_start3A_21 = tpu.memref_squeeze %dma_start3A_20 : memref<1x128xi32, #tpu.memory_space<vmem>> -> memref<128xi32, #tpu.memory_space<vmem>>
      %dma_start3A_22 = arith.constant 0 : i32
      %dma_start3A_23 = arith.constant 0 : i32
      %dma_start3A_24 = tpu.memref_slice %arg8[%dma_start3A_22, %dma_start3A_23] : memref<10240x128xf32, #tpu.memory_space<vmem_shared>> -> memref<10240x128xf32, #tpu.memory_space<vmem_shared>>
      tpu.enqueue_indirect_dma source(%arg7 : memref<128x128xf32, #tpu.memory_space<vmem>>) target(%dma_start3A_24 : memref<10240x128xf32, #tpu.memory_space<vmem_shared>>) offsets(%dma_start3A_21 : memref<128xi32, #tpu.memory_space<vmem>>) semaphore(%arg9 : memref<!tpu.dma_semaphore, #tpu.memory_space<semaphore_mem>>) {add = true}
      %add3A_25 = arith.constant 1 : i32
      %add3A_26 = arith.addi %mul3A_17, %add3A_25 : i32
      %dma_start3A_27 = arith.constant 0 : i32
      %dma_start3A_28 = tpu.memref_slice %arg6[%add3A_26, %dma_start3A_27] : memref<80x128xi32, #tpu.memory_space<vmem>> -> memref<1x128xi32, #tpu.memory_space<vmem>>
      %dma_start3A_29 = tpu.memref_squeeze %dma_start3A_28 : memref<1x128xi32, #tpu.memory_space<vmem>> -> memref<128xi32, #tpu.memory_space<vmem>>
      %dma_start3A_30 = arith.constant 0 : i32
      %dma_start3A_31 = arith.constant 0 : i32
      %dma_start3A_32 = tpu.memref_slice %arg8[%dma_start3A_30, %dma_start3A_31] : memref<10240x128xf32, #tpu.memory_space<vmem_shared>> -> memref<10240x128xf32, #tpu.memory_space<vmem_shared>>
      tpu.enqueue_indirect_dma source(%arg7 : memref<128x128xf32, #tpu.memory_space<vmem>>) target(%dma_start3A_32 : memref<10240x128xf32, #tpu.memory_space<vmem_shared>>) offsets(%dma_start3A_29 : memref<128xi32, #tpu.memory_space<vmem>>) semaphore(%arg10 : memref<!tpu.dma_semaphore, #tpu.memory_space<semaphore_mem>>) {add = true}
      %add3A_33 = arith.constant 2 : i32
      %add3A_34 = arith.addi %mul3A_17, %add3A_33 : i32
      %dma_start3A_35 = arith.constant 0 : i32
      %dma_start3A_36 = tpu.memref_slice %arg6[%add3A_34, %dma_start3A_35] : memref<80x128xi32, #tpu.memory_space<vmem>> -> memref<1x128xi32, #tpu.memory_space<vmem>>
      %dma_start3A_37 = tpu.memref_squeeze %dma_start3A_36 : memref<1x128xi32, #tpu.memory_space<vmem>> -> memref<128xi32, #tpu.memory_space<vmem>>
      %dma_start3A_38 = arith.constant 0 : i32
      %dma_start3A_39 = arith.constant 0 : i32
      %dma_start3A_40 = tpu.memref_slice %arg8[%dma_start3A_38, %dma_start3A_39] : memref<10240x128xf32, #tpu.memory_space<vmem_shared>> -> memref<10240x128xf32, #tpu.memory_space<vmem_shared>>
      tpu.enqueue_indirect_dma source(%arg7 : memref<128x128xf32, #tpu.memory_space<vmem>>) target(%dma_start3A_40 : memref<10240x128xf32, #tpu.memory_space<vmem_shared>>) offsets(%dma_start3A_37 : memref<128xi32, #tpu.memory_space<vmem>>) semaphore(%arg11 : memref<!tpu.dma_semaphore, #tpu.memory_space<semaphore_mem>>) {add = true}
      %add3A_41 = arith.constant 3 : i32
      %add3A_42 = arith.addi %mul3A_17, %add3A_41 : i32
      %dma_start3A_43 = arith.constant 0 : i32
      %dma_start3A_44 = tpu.memref_slice %arg6[%add3A_42, %dma_start3A_43] : memref<80x128xi32, #tpu.memory_space<vmem>> -> memref<1x128xi32, #tpu.memory_space<vmem>>
      %dma_start3A_45 = tpu.memref_squeeze %dma_start3A_44 : memref<1x128xi32, #tpu.memory_space<vmem>> -> memref<128xi32, #tpu.memory_space<vmem>>
      %dma_start3A_46 = arith.constant 0 : i32
      %dma_start3A_47 = arith.constant 0 : i32
      %dma_start3A_48 = tpu.memref_slice %arg8[%dma_start3A_46, %dma_start3A_47] : memref<10240x128xf32, #tpu.memory_space<vmem_shared>> -> memref<10240x128xf32, #tpu.memory_space<vmem_shared>>
      tpu.enqueue_indirect_dma source(%arg7 : memref<128x128xf32, #tpu.memory_space<vmem>>) target(%dma_start3A_48 : memref<10240x128xf32, #tpu.memory_space<vmem_shared>>) offsets(%dma_start3A_45 : memref<128xi32, #tpu.memory_space<vmem>>) semaphore(%arg12 : memref<!tpu.dma_semaphore, #tpu.memory_space<semaphore_mem>>) {add = true}
      %add3A_49 = arith.constant 4 : i32
      %add3A_50 = arith.addi %mul3A_17, %add3A_49 : i32
      %dma_start3A_51 = arith.constant 0 : i32
      %dma_start3A_52 = tpu.memref_slice %arg6[%add3A_50, %dma_start3A_51] : memref<80x128xi32, #tpu.memory_space<vmem>> -> memref<1x128xi32, #tpu.memory_space<vmem>>
      %dma_start3A_53 = tpu.memref_squeeze %dma_start3A_52 : memref<1x128xi32, #tpu.memory_space<vmem>> -> memref<128xi32, #tpu.memory_space<vmem>>
      %dma_start3A_54 = arith.constant 0 : i32
      %dma_start3A_55 = arith.constant 0 : i32
      %dma_start3A_56 = tpu.memref_slice %arg8[%dma_start3A_54, %dma_start3A_55] : memref<10240x128xf32, #tpu.memory_space<vmem_shared>> -> memref<10240x128xf32, #tpu.memory_space<vmem_shared>>
      tpu.enqueue_indirect_dma source(%arg7 : memref<128x128xf32, #tpu.memory_space<vmem>>) target(%dma_start3A_56 : memref<10240x128xf32, #tpu.memory_space<vmem_shared>>) offsets(%dma_start3A_53 : memref<128xi32, #tpu.memory_space<vmem>>) semaphore(%arg13 : memref<!tpu.dma_semaphore, #tpu.memory_space<semaphore_mem>>) {add = true}
      %dma_wait3A = arith.constant 0 : i32
      %dma_wait3A_57 = tpu.memref_slice %arg6[%add3A_19, %dma_wait3A] : memref<80x128xi32, #tpu.memory_space<vmem>> -> memref<1x128xi32, #tpu.memory_space<vmem>>
      %dma_wait3A_58 = tpu.memref_squeeze %dma_wait3A_57 : memref<1x128xi32, #tpu.memory_space<vmem>> -> memref<128xi32, #tpu.memory_space<vmem>>
      %dma_wait3A_59 = arith.constant 0 : i32
      %dma_wait3A_60 = arith.constant 0 : i32
      %dma_wait3A_61 = tpu.memref_slice %arg8[%dma_wait3A_59, %dma_wait3A_60] : memref<10240x128xf32, #tpu.memory_space<vmem_shared>> -> memref<10240x128xf32, #tpu.memory_space<vmem_shared>>
      tpu.wait_indirect_dma semaphore(%arg9 : memref<!tpu.dma_semaphore, #tpu.memory_space<semaphore_mem>>) src(%arg7 : memref<128x128xf32, #tpu.memory_space<vmem>>) dst(%dma_wait3A_61 : memref<10240x128xf32, #tpu.memory_space<vmem_shared>>)
      %dma_wait3A_62 = arith.constant 0 : i32
      %dma_wait3A_63 = tpu.memref_slice %arg6[%add3A_26, %dma_wait3A_62] : memref<80x128xi32, #tpu.memory_space<vmem>> -> memref<1x128xi32, #tpu.memory_space<vmem>>
      %dma_wait3A_64 = tpu.memref_squeeze %dma_wait3A_63 : memref<1x128xi32, #tpu.memory_space<vmem>> -> memref<128xi32, #tpu.memory_space<vmem>>
      %dma_wait3A_65 = arith.constant 0 : i32
      %dma_wait3A_66 = arith.constant 0 : i32
      %dma_wait3A_67 = tpu.memref_slice %arg8[%dma_wait3A_65, %dma_wait3A_66] : memref<10240x128xf32, #tpu.memory_space<vmem_shared>> -> memref<10240x128xf32, #tpu.memory_space<vmem_shared>>
      tpu.wait_indirect_dma semaphore(%arg10 : memref<!tpu.dma_semaphore, #tpu.memory_space<semaphore_mem>>) src(%arg7 : memref<128x128xf32, #tpu.memory_space<vmem>>) dst(%dma_wait3A_67 : memref<10240x128xf32, #tpu.memory_space<vmem_shared>>)
      %dma_wait3A_68 = arith.constant 0 : i32
      %dma_wait3A_69 = tpu.memref_slice %arg6[%add3A_34, %dma_wait3A_68] : memref<80x128xi32, #tpu.memory_space<vmem>> -> memref<1x128xi32, #tpu.memory_space<vmem>>
      %dma_wait3A_70 = tpu.memref_squeeze %dma_wait3A_69 : memref<1x128xi32, #tpu.memory_space<vmem>> -> memref<128xi32, #tpu.memory_space<vmem>>
      %dma_wait3A_71 = arith.constant 0 : i32
      %dma_wait3A_72 = arith.constant 0 : i32
      %dma_wait3A_73 = tpu.memref_slice %arg8[%dma_wait3A_71, %dma_wait3A_72] : memref<10240x128xf32, #tpu.memory_space<vmem_shared>> -> memref<10240x128xf32, #tpu.memory_space<vmem_shared>>
      tpu.wait_indirect_dma semaphore(%arg11 : memref<!tpu.dma_semaphore, #tpu.memory_space<semaphore_mem>>) src(%arg7 : memref<128x128xf32, #tpu.memory_space<vmem>>) dst(%dma_wait3A_73 : memref<10240x128xf32, #tpu.memory_space<vmem_shared>>)
      %dma_wait3A_74 = arith.constant 0 : i32
      %dma_wait3A_75 = tpu.memref_slice %arg6[%add3A_42, %dma_wait3A_74] : memref<80x128xi32, #tpu.memory_space<vmem>> -> memref<1x128xi32, #tpu.memory_space<vmem>>
      %dma_wait3A_76 = tpu.memref_squeeze %dma_wait3A_75 : memref<1x128xi32, #tpu.memory_space<vmem>> -> memref<128xi32, #tpu.memory_space<vmem>>
      %dma_wait3A_77 = arith.constant 0 : i32
      %dma_wait3A_78 = arith.constant 0 : i32
      %dma_wait3A_79 = tpu.memref_slice %arg8[%dma_wait3A_77, %dma_wait3A_78] : memref<10240x128xf32, #tpu.memory_space<vmem_shared>> -> memref<10240x128xf32, #tpu.memory_space<vmem_shared>>
      tpu.wait_indirect_dma semaphore(%arg12 : memref<!tpu.dma_semaphore, #tpu.memory_space<semaphore_mem>>) src(%arg7 : memref<128x128xf32, #tpu.memory_space<vmem>>) dst(%dma_wait3A_79 : memref<10240x128xf32, #tpu.memory_space<vmem_shared>>)
      %dma_wait3A_80 = arith.constant 0 : i32
      %dma_wait3A_81 = tpu.memref_slice %arg6[%add3A_50, %dma_wait3A_80] : memref<80x128xi32, #tpu.memory_space<vmem>> -> memref<1x128xi32, #tpu.memory_space<vmem>>
      %dma_wait3A_82 = tpu.memref_squeeze %dma_wait3A_81 : memref<1x128xi32, #tpu.memory_space<vmem>> -> memref<128xi32, #tpu.memory_space<vmem>>
      %dma_wait3A_83 = arith.constant 0 : i32
      %dma_wait3A_84 = arith.constant 0 : i32
      %dma_wait3A_85 = tpu.memref_slice %arg8[%dma_wait3A_83, %dma_wait3A_84] : memref<10240x128xf32, #tpu.memory_space<vmem_shared>> -> memref<10240x128xf32, #tpu.memory_space<vmem_shared>>
      tpu.wait_indirect_dma semaphore(%arg13 : memref<!tpu.dma_semaphore, #tpu.memory_space<semaphore_mem>>) src(%arg7 : memref<128x128xf32, #tpu.memory_space<vmem>>) dst(%dma_wait3A_85 : memref<10240x128xf32, #tpu.memory_space<vmem_shared>>)
    }
    %scan3A_9 = arith.constant 16 : i32
    %barrier3A_10 = arith.constant 0 : index
    tpu.barrier barrier_id(%barrier3A_10)
    %mul3A_11 = arith.constant 640 : i32
    %mul3A_12 = arith.muli %arg1, %mul3A_11 : i32
    %mul3A_13 = arith.constant 640 : i32
    %mul3A_14 = arith.muli %arg1, %mul3A_13 : i32
    "tpu.region"() ({
      %run_scoped3A = tpu.sem_alloc : memref<!tpu.dma_semaphore, #tpu.memory_space<semaphore_mem>>
      %dma_start3A = arith.constant 0 : i32
      %dma_start3A_15 = tpu.memref_slice %arg5[%arg0, %mul3A_14, %dma_start3A] : memref<2x10240x128xf32, #tpu.memory_space<hbm>> -> memref<1x640x128xf32, #tpu.memory_space<hbm>>
      %dma_start3A_16 = tpu.memref_squeeze %dma_start3A_15 : memref<1x640x128xf32, #tpu.memory_space<hbm>> -> memref<640x128xf32, #tpu.memory_space<hbm>>
      %dma_start3A_17 = arith.constant 0 : i32
      %dma_start3A_18 = tpu.memref_slice %arg8[%mul3A_12, %dma_start3A_17] : memref<10240x128xf32, #tpu.memory_space<vmem_shared>> -> memref<640x128xf32, #tpu.memory_space<vmem_shared>>
      tpu.enqueue_dma source(%dma_start3A_18 : memref<640x128xf32, #tpu.memory_space<vmem_shared>>) target(%dma_start3A_16 : memref<640x128xf32, #tpu.memory_space<hbm>>) target_semaphore(%run_scoped3A : memref<!tpu.dma_semaphore, #tpu.memory_space<semaphore_mem>>)
      %dma_wait3A = arith.constant 0 : i32
      %dma_wait3A_19 = tpu.memref_slice %arg5[%arg0, %mul3A_14, %dma_wait3A] : memref<2x10240x128xf32, #tpu.memory_space<hbm>> -> memref<1x640x128xf32, #tpu.memory_space<hbm>>
      %dma_wait3A_20 = tpu.memref_squeeze %dma_wait3A_19 : memref<1x640x128xf32, #tpu.memory_space<hbm>> -> memref<640x128xf32, #tpu.memory_space<hbm>>
      %dma_wait3A_21 = arith.constant 0 : i32
      %dma_wait3A_22 = tpu.memref_slice %arg8[%mul3A_12, %dma_wait3A_21] : memref<10240x128xf32, #tpu.memory_space<vmem_shared>> -> memref<640x128xf32, #tpu.memory_space<vmem_shared>>
      tpu.wait_dma2 semaphore(%run_scoped3A : memref<!tpu.dma_semaphore, #tpu.memory_space<semaphore_mem>>) src(%dma_wait3A_22 : memref<640x128xf32, #tpu.memory_space<vmem_shared>>) dst(%dma_wait3A_20 : memref<640x128xf32, #tpu.memory_space<hbm>>)
      tpu.yield
    }) : () -> ()
    return
  }
}

#map = affine_map<(d0, d1) -> (0, 0)>
#map1 = affine_map<(d0, d1) -> (0, 0, 0, 0)>
module attributes {stable_mosaic.version = 14 : i64} {
  func.func @prop2_kernel(%arg0: i32, %arg1: i32, %arg2: memref<10000x128xf32, #tpu.memory_space<hbm>>, %arg3: memref<10000x128xf32, #tpu.memory_space<hbm>>, %arg4: memref<2560x128xi32, #tpu.memory_space<hbm>>, %arg5: memref<2560x128xi32, #tpu.memory_space<hbm>>, %arg6: memref<640x128xf32, #tpu.memory_space<hbm>>, %arg7: memref<2x2x10240x128xf32, #tpu.memory_space<hbm>>, %arg8: memref<16x128xi32, #tpu.memory_space<vmem>>, %arg9: memref<16x128xi32, #tpu.memory_space<vmem>>, %arg10: memref<128x128xf32, #tpu.memory_space<vmem>>, %arg11: memref<128x128xf32, #tpu.memory_space<vmem>>, %arg12: memref<10240x128xf32, #tpu.memory_space<vmem_shared>>, %arg13: memref<!tpu.dma_semaphore, #tpu.memory_space<semaphore_mem>>, %arg14: memref<!tpu.dma_semaphore, #tpu.memory_space<semaphore_mem>>, %arg15: memref<!tpu.dma_semaphore, #tpu.memory_space<semaphore_mem>>, %arg16: memref<!tpu.dma_semaphore, #tpu.memory_space<semaphore_mem>>) attributes {dimension_semantics = [#tpu.dimension_semantics<core_parallel>, #tpu.dimension_semantics<subcore_parallel>], iteration_bounds = array<i64: 2, 16>, scalar_prefetch = 0 : i64, scratch_operands = 9 : i64, tpu.core_type = #tpu.core_type<sc_vector_subcore>, window_params = [{transform_indices = #map}, {transform_indices = #map}, {transform_indices = #map}, {transform_indices = #map}, {transform_indices = #map}, {transform_indices = #map1}]} {
    %mul3A = arith.constant 16 : i32
    %mul3A_0 = arith.muli %arg0, %mul3A : i32
    %add3A = arith.addi %mul3A_0, %arg1 : i32
    %mul3A_1 = arith.constant 640 : i32
    %mul3A_2 = arith.muli %arg1, %mul3A_1 : i32
    "tpu.region"() ({
      %run_scoped3A_58 = tpu.sem_alloc : memref<!tpu.dma_semaphore, #tpu.memory_space<semaphore_mem>>
      %dma_start3A = arith.constant 0 : i32
      %dma_start3A_59 = tpu.memref_slice %arg12[%mul3A_2, %dma_start3A] : memref<10240x128xf32, #tpu.memory_space<vmem_shared>> -> memref<640x128xf32, #tpu.memory_space<vmem_shared>>
      tpu.enqueue_dma source(%arg6 : memref<640x128xf32, #tpu.memory_space<hbm>>) target(%dma_start3A_59 : memref<640x128xf32, #tpu.memory_space<vmem_shared>>) target_semaphore(%run_scoped3A_58 : memref<!tpu.dma_semaphore, #tpu.memory_space<semaphore_mem>>)
      %dma_wait3A_60 = arith.constant 0 : i32
      %dma_wait3A_61 = tpu.memref_slice %arg12[%mul3A_2, %dma_wait3A_60] : memref<10240x128xf32, #tpu.memory_space<vmem_shared>> -> memref<640x128xf32, #tpu.memory_space<vmem_shared>>
      tpu.wait_dma2 semaphore(%run_scoped3A_58 : memref<!tpu.dma_semaphore, #tpu.memory_space<semaphore_mem>>) src(%arg6 : memref<640x128xf32, #tpu.memory_space<hbm>>) dst(%dma_wait3A_61 : memref<640x128xf32, #tpu.memory_space<vmem_shared>>)
      tpu.yield
    }) : () -> ()
    %barrier3A = arith.constant 0 : index
    tpu.barrier barrier_id(%barrier3A)
    %scan3A = arith.constant 0 : i32
    %scan3A_3 = arith.constant 0 : i32
    %scan3A_4 = arith.constant 5 : i32
    %scan3A_5 = arith.addi %scan3A_3, %scan3A_4 : i32
    %scan3A_6 = arith.constant 1 : i32
    scf.for %scan3A_58 = %scan3A_3 to %scan3A_5 step %scan3A_6  : i32 {
      %gt3A = arith.constant 0 : i32
      %gt3A_59 = arith.cmpi sgt, %scan3A_58, %gt3A : i32
      %convert_element_type3A = arith.extui %gt3A_59 : i1 to i32
      %cond3A = arith.constant 0 : i32
      %cond3A_60 = arith.cmpi ne, %convert_element_type3A, %cond3A : i32
      scf.if %cond3A_60 {
        %dma_wait3A_72 = arith.constant 0 : i32
        %dma_wait3A_73 = arith.constant 0 : i32
        %dma_wait3A_74 = tpu.memref_slice %arg9[%dma_wait3A_72, %dma_wait3A_73] : memref<16x128xi32, #tpu.memory_space<vmem>> -> memref<1x128xi32, #tpu.memory_space<vmem>>
        %dma_wait3A_75 = tpu.memref_squeeze %dma_wait3A_74 : memref<1x128xi32, #tpu.memory_space<vmem>> -> memref<128xi32, #tpu.memory_space<vmem>>
        %dma_wait3A_76 = arith.constant 0 : i32
        %dma_wait3A_77 = arith.constant 0 : i32
        %dma_wait3A_78 = tpu.memref_slice %arg12[%dma_wait3A_76, %dma_wait3A_77] : memref<10240x128xf32, #tpu.memory_space<vmem_shared>> -> memref<10240x128xf32, #tpu.memory_space<vmem_shared>>
        tpu.wait_indirect_dma semaphore(%arg15 : memref<!tpu.dma_semaphore, #tpu.memory_space<semaphore_mem>>) src(%arg10 : memref<128x128xf32, #tpu.memory_space<vmem>>) dst(%dma_wait3A_78 : memref<10240x128xf32, #tpu.memory_space<vmem_shared>>)
        %dma_wait3A_79 = arith.constant 0 : i32
        %dma_wait3A_80 = arith.constant 0 : i32
        %dma_wait3A_81 = tpu.memref_slice %arg9[%dma_wait3A_79, %dma_wait3A_80] : memref<16x128xi32, #tpu.memory_space<vmem>> -> memref<1x128xi32, #tpu.memory_space<vmem>>
        %dma_wait3A_82 = tpu.memref_squeeze %dma_wait3A_81 : memref<1x128xi32, #tpu.memory_space<vmem>> -> memref<128xi32, #tpu.memory_space<vmem>>
        %dma_wait3A_83 = arith.constant 0 : i32
        %dma_wait3A_84 = arith.constant 0 : i32
        %dma_wait3A_85 = tpu.memref_slice %arg12[%dma_wait3A_83, %dma_wait3A_84] : memref<10240x128xf32, #tpu.memory_space<vmem_shared>> -> memref<10240x128xf32, #tpu.memory_space<vmem_shared>>
        tpu.wait_indirect_dma semaphore(%arg16 : memref<!tpu.dma_semaphore, #tpu.memory_space<semaphore_mem>>) src(%arg11 : memref<128x128xf32, #tpu.memory_space<vmem>>) dst(%dma_wait3A_85 : memref<10240x128xf32, #tpu.memory_space<vmem_shared>>)
      } else {
      }
      %mul3A_61 = arith.constant 80 : i32
      %mul3A_62 = arith.muli %add3A, %mul3A_61 : i32
      %mul3A_63 = arith.constant 16 : i32
      %mul3A_64 = arith.muli %scan3A_58, %mul3A_63 : i32
      %add3A_65 = arith.addi %mul3A_62, %mul3A_64 : i32
      "tpu.region"() ({
        %run_scoped3A_72 = tpu.sem_alloc : memref<!tpu.dma_semaphore, #tpu.memory_space<semaphore_mem>>
        %dma_start3A = arith.constant 0 : i32
        %dma_start3A_73 = tpu.memref_slice %arg4[%add3A_65, %dma_start3A] : memref<2560x128xi32, #tpu.memory_space<hbm>> -> memref<16x128xi32, #tpu.memory_space<hbm>>
        %dma_start3A_74 = arith.constant 0 : i32
        %dma_start3A_75 = tpu.memref_slice %arg4[%add3A_65, %dma_start3A_74] : memref<2560x128xi32, #tpu.memory_space<hbm>> -> memref<16x128xi32, #tpu.memory_space<hbm>>
        tpu.enqueue_dma source(%dma_start3A_75 : memref<16x128xi32, #tpu.memory_space<hbm>>) target(%arg8 : memref<16x128xi32, #tpu.memory_space<vmem>>) target_semaphore(%run_scoped3A_72 : memref<!tpu.dma_semaphore, #tpu.memory_space<semaphore_mem>>)
        %dma_wait3A_76 = arith.constant 0 : i32
        %dma_wait3A_77 = tpu.memref_slice %arg4[%add3A_65, %dma_wait3A_76] : memref<2560x128xi32, #tpu.memory_space<hbm>> -> memref<16x128xi32, #tpu.memory_space<hbm>>
        %dma_wait3A_78 = arith.constant 0 : i32
        %dma_wait3A_79 = tpu.memref_slice %arg4[%add3A_65, %dma_wait3A_78] : memref<2560x128xi32, #tpu.memory_space<hbm>> -> memref<16x128xi32, #tpu.memory_space<hbm>>
        tpu.wait_dma2 semaphore(%run_scoped3A_72 : memref<!tpu.dma_semaphore, #tpu.memory_space<semaphore_mem>>) src(%dma_wait3A_79 : memref<16x128xi32, #tpu.memory_space<hbm>>) dst(%arg8 : memref<16x128xi32, #tpu.memory_space<vmem>>)
        tpu.yield
      }) : () -> ()
      "tpu.region"() ({
        %run_scoped3A_72 = tpu.sem_alloc : memref<!tpu.dma_semaphore, #tpu.memory_space<semaphore_mem>>
        %dma_start3A = arith.constant 0 : i32
        %dma_start3A_73 = tpu.memref_slice %arg5[%add3A_65, %dma_start3A] : memref<2560x128xi32, #tpu.memory_space<hbm>> -> memref<16x128xi32, #tpu.memory_space<hbm>>
        %dma_start3A_74 = arith.constant 0 : i32
        %dma_start3A_75 = tpu.memref_slice %arg5[%add3A_65, %dma_start3A_74] : memref<2560x128xi32, #tpu.memory_space<hbm>> -> memref<16x128xi32, #tpu.memory_space<hbm>>
        tpu.enqueue_dma source(%dma_start3A_75 : memref<16x128xi32, #tpu.memory_space<hbm>>) target(%arg9 : memref<16x128xi32, #tpu.memory_space<vmem>>) target_semaphore(%run_scoped3A_72 : memref<!tpu.dma_semaphore, #tpu.memory_space<semaphore_mem>>)
        %dma_wait3A_76 = arith.constant 0 : i32
        %dma_wait3A_77 = tpu.memref_slice %arg5[%add3A_65, %dma_wait3A_76] : memref<2560x128xi32, #tpu.memory_space<hbm>> -> memref<16x128xi32, #tpu.memory_space<hbm>>
        %dma_wait3A_78 = arith.constant 0 : i32
        %dma_wait3A_79 = tpu.memref_slice %arg5[%add3A_65, %dma_wait3A_78] : memref<2560x128xi32, #tpu.memory_space<hbm>> -> memref<16x128xi32, #tpu.memory_space<hbm>>
        tpu.wait_dma2 semaphore(%run_scoped3A_72 : memref<!tpu.dma_semaphore, #tpu.memory_space<semaphore_mem>>) src(%dma_wait3A_79 : memref<16x128xi32, #tpu.memory_space<hbm>>) dst(%arg9 : memref<16x128xi32, #tpu.memory_space<vmem>>)
        tpu.yield
      }) : () -> ()
      %scan3A_66 = arith.constant 0 : i32
      %scan3A_67 = arith.constant 0 : i32
      %scan3A_68 = arith.constant 8 : i32
      %scan3A_69 = arith.addi %scan3A_67, %scan3A_68 : i32
      %scan3A_70 = arith.constant 1 : i32
      scf.for %scan3A_72 = %scan3A_67 to %scan3A_69 step %scan3A_70  : i32 {
        %mul3A_73 = arith.constant 2 : i32
        %mul3A_74 = arith.muli %scan3A_72, %mul3A_73 : i32
        %gt3A_75 = arith.constant 0 : i32
        %gt3A_76 = arith.cmpi sgt, %scan3A_72, %gt3A_75 : i32
        %convert_element_type3A_77 = arith.extui %gt3A_76 : i1 to i32
        %cond3A_78 = arith.constant 0 : i32
        %cond3A_79 = arith.cmpi ne, %convert_element_type3A_77, %cond3A_78 : i32
        scf.if %cond3A_79 {
          %dma_wait3A_123 = arith.constant 0 : i32
          %dma_wait3A_124 = arith.constant 0 : i32
          %dma_wait3A_125 = tpu.memref_slice %arg9[%dma_wait3A_123, %dma_wait3A_124] : memref<16x128xi32, #tpu.memory_space<vmem>> -> memref<1x128xi32, #tpu.memory_space<vmem>>
          %dma_wait3A_126 = tpu.memref_squeeze %dma_wait3A_125 : memref<1x128xi32, #tpu.memory_space<vmem>> -> memref<128xi32, #tpu.memory_space<vmem>>
          %dma_wait3A_127 = arith.constant 0 : i32
          %dma_wait3A_128 = arith.constant 0 : i32
          %dma_wait3A_129 = tpu.memref_slice %arg12[%dma_wait3A_127, %dma_wait3A_128] : memref<10240x128xf32, #tpu.memory_space<vmem_shared>> -> memref<10240x128xf32, #tpu.memory_space<vmem_shared>>
          tpu.wait_indirect_dma semaphore(%arg15 : memref<!tpu.dma_semaphore, #tpu.memory_space<semaphore_mem>>) src(%arg10 : memref<128x128xf32, #tpu.memory_space<vmem>>) dst(%dma_wait3A_129 : memref<10240x128xf32, #tpu.memory_space<vmem_shared>>)
          %dma_wait3A_130 = arith.constant 0 : i32
          %dma_wait3A_131 = arith.constant 0 : i32
          %dma_wait3A_132 = tpu.memref_slice %arg9[%dma_wait3A_130, %dma_wait3A_131] : memref<16x128xi32, #tpu.memory_space<vmem>> -> memref<1x128xi32, #tpu.memory_space<vmem>>
          %dma_wait3A_133 = tpu.memref_squeeze %dma_wait3A_132 : memref<1x128xi32, #tpu.memory_space<vmem>> -> memref<128xi32, #tpu.memory_space<vmem>>
          %dma_wait3A_134 = arith.constant 0 : i32
          %dma_wait3A_135 = arith.constant 0 : i32
          %dma_wait3A_136 = tpu.memref_slice %arg12[%dma_wait3A_134, %dma_wait3A_135] : memref<10240x128xf32, #tpu.memory_space<vmem_shared>> -> memref<10240x128xf32, #tpu.memory_space<vmem_shared>>
          tpu.wait_indirect_dma semaphore(%arg16 : memref<!tpu.dma_semaphore, #tpu.memory_space<semaphore_mem>>) src(%arg11 : memref<128x128xf32, #tpu.memory_space<vmem>>) dst(%dma_wait3A_136 : memref<10240x128xf32, #tpu.memory_space<vmem_shared>>)
        } else {
        }
        %add3A_80 = arith.constant 0 : i32
        %add3A_81 = arith.addi %mul3A_74, %add3A_80 : i32
        %dma_start3A = arith.constant 0 : i32
        %dma_start3A_82 = tpu.memref_slice %arg8[%add3A_81, %dma_start3A] : memref<16x128xi32, #tpu.memory_space<vmem>> -> memref<1x128xi32, #tpu.memory_space<vmem>>
        %dma_start3A_83 = tpu.memref_squeeze %dma_start3A_82 : memref<1x128xi32, #tpu.memory_space<vmem>> -> memref<128xi32, #tpu.memory_space<vmem>>
        %dma_start3A_84 = arith.constant 0 : i32
        %dma_start3A_85 = arith.constant 0 : i32
        %dma_start3A_86 = tpu.memref_slice %arg2[%dma_start3A_84, %dma_start3A_85] : memref<10000x128xf32, #tpu.memory_space<hbm>> -> memref<10000x128xf32, #tpu.memory_space<hbm>>
        tpu.enqueue_indirect_dma source(%dma_start3A_86 : memref<10000x128xf32, #tpu.memory_space<hbm>>) target(%arg10 : memref<128x128xf32, #tpu.memory_space<vmem>>) offsets(%dma_start3A_83 : memref<128xi32, #tpu.memory_space<vmem>>) semaphore(%arg13 : memref<!tpu.dma_semaphore, #tpu.memory_space<semaphore_mem>>)
        %add3A_87 = arith.constant 1 : i32
        %add3A_88 = arith.addi %mul3A_74, %add3A_87 : i32
        %dma_start3A_89 = arith.constant 0 : i32
        %dma_start3A_90 = tpu.memref_slice %arg8[%add3A_88, %dma_start3A_89] : memref<16x128xi32, #tpu.memory_space<vmem>> -> memref<1x128xi32, #tpu.memory_space<vmem>>
        %dma_start3A_91 = tpu.memref_squeeze %dma_start3A_90 : memref<1x128xi32, #tpu.memory_space<vmem>> -> memref<128xi32, #tpu.memory_space<vmem>>
        %dma_start3A_92 = arith.constant 0 : i32
        %dma_start3A_93 = arith.constant 0 : i32
        %dma_start3A_94 = tpu.memref_slice %arg2[%dma_start3A_92, %dma_start3A_93] : memref<10000x128xf32, #tpu.memory_space<hbm>> -> memref<10000x128xf32, #tpu.memory_space<hbm>>
        tpu.enqueue_indirect_dma source(%dma_start3A_94 : memref<10000x128xf32, #tpu.memory_space<hbm>>) target(%arg11 : memref<128x128xf32, #tpu.memory_space<vmem>>) offsets(%dma_start3A_91 : memref<128xi32, #tpu.memory_space<vmem>>) semaphore(%arg14 : memref<!tpu.dma_semaphore, #tpu.memory_space<semaphore_mem>>)
        %dma_wait3A_95 = arith.constant 0 : i32
        %dma_wait3A_96 = tpu.memref_slice %arg8[%add3A_81, %dma_wait3A_95] : memref<16x128xi32, #tpu.memory_space<vmem>> -> memref<1x128xi32, #tpu.memory_space<vmem>>
        %dma_wait3A_97 = tpu.memref_squeeze %dma_wait3A_96 : memref<1x128xi32, #tpu.memory_space<vmem>> -> memref<128xi32, #tpu.memory_space<vmem>>
        %dma_wait3A_98 = arith.constant 0 : i32
        %dma_wait3A_99 = arith.constant 0 : i32
        %dma_wait3A_100 = tpu.memref_slice %arg2[%dma_wait3A_98, %dma_wait3A_99] : memref<10000x128xf32, #tpu.memory_space<hbm>> -> memref<10000x128xf32, #tpu.memory_space<hbm>>
        tpu.wait_indirect_dma semaphore(%arg13 : memref<!tpu.dma_semaphore, #tpu.memory_space<semaphore_mem>>) src(%dma_wait3A_100 : memref<10000x128xf32, #tpu.memory_space<hbm>>) dst(%arg10 : memref<128x128xf32, #tpu.memory_space<vmem>>)
        %add3A_101 = arith.constant 0 : i32
        %add3A_102 = arith.addi %mul3A_74, %add3A_101 : i32
        %dma_start3A_103 = arith.constant 0 : i32
        %dma_start3A_104 = tpu.memref_slice %arg9[%add3A_102, %dma_start3A_103] : memref<16x128xi32, #tpu.memory_space<vmem>> -> memref<1x128xi32, #tpu.memory_space<vmem>>
        %dma_start3A_105 = tpu.memref_squeeze %dma_start3A_104 : memref<1x128xi32, #tpu.memory_space<vmem>> -> memref<128xi32, #tpu.memory_space<vmem>>
        %dma_start3A_106 = arith.constant 0 : i32
        %dma_start3A_107 = arith.constant 0 : i32
        %dma_start3A_108 = tpu.memref_slice %arg12[%dma_start3A_106, %dma_start3A_107] : memref<10240x128xf32, #tpu.memory_space<vmem_shared>> -> memref<10240x128xf32, #tpu.memory_space<vmem_shared>>
        tpu.enqueue_indirect_dma source(%arg10 : memref<128x128xf32, #tpu.memory_space<vmem>>) target(%dma_start3A_108 : memref<10240x128xf32, #tpu.memory_space<vmem_shared>>) offsets(%dma_start3A_105 : memref<128xi32, #tpu.memory_space<vmem>>) semaphore(%arg15 : memref<!tpu.dma_semaphore, #tpu.memory_space<semaphore_mem>>) {add = true}
        %dma_wait3A_109 = arith.constant 0 : i32
        %dma_wait3A_110 = tpu.memref_slice %arg8[%add3A_88, %dma_wait3A_109] : memref<16x128xi32, #tpu.memory_space<vmem>> -> memref<1x128xi32, #tpu.memory_space<vmem>>
        %dma_wait3A_111 = tpu.memref_squeeze %dma_wait3A_110 : memref<1x128xi32, #tpu.memory_space<vmem>> -> memref<128xi32, #tpu.memory_space<vmem>>
        %dma_wait3A_112 = arith.constant 0 : i32
        %dma_wait3A_113 = arith.constant 0 : i32
        %dma_wait3A_114 = tpu.memref_slice %arg2[%dma_wait3A_112, %dma_wait3A_113] : memref<10000x128xf32, #tpu.memory_space<hbm>> -> memref<10000x128xf32, #tpu.memory_space<hbm>>
        tpu.wait_indirect_dma semaphore(%arg14 : memref<!tpu.dma_semaphore, #tpu.memory_space<semaphore_mem>>) src(%dma_wait3A_114 : memref<10000x128xf32, #tpu.memory_space<hbm>>) dst(%arg11 : memref<128x128xf32, #tpu.memory_space<vmem>>)
        %add3A_115 = arith.constant 1 : i32
        %add3A_116 = arith.addi %mul3A_74, %add3A_115 : i32
        %dma_start3A_117 = arith.constant 0 : i32
        %dma_start3A_118 = tpu.memref_slice %arg9[%add3A_116, %dma_start3A_117] : memref<16x128xi32, #tpu.memory_space<vmem>> -> memref<1x128xi32, #tpu.memory_space<vmem>>
        %dma_start3A_119 = tpu.memref_squeeze %dma_start3A_118 : memref<1x128xi32, #tpu.memory_space<vmem>> -> memref<128xi32, #tpu.memory_space<vmem>>
        %dma_start3A_120 = arith.constant 0 : i32
        %dma_start3A_121 = arith.constant 0 : i32
        %dma_start3A_122 = tpu.memref_slice %arg12[%dma_start3A_120, %dma_start3A_121] : memref<10240x128xf32, #tpu.memory_space<vmem_shared>> -> memref<10240x128xf32, #tpu.memory_space<vmem_shared>>
        tpu.enqueue_indirect_dma source(%arg11 : memref<128x128xf32, #tpu.memory_space<vmem>>) target(%dma_start3A_122 : memref<10240x128xf32, #tpu.memory_space<vmem_shared>>) offsets(%dma_start3A_119 : memref<128xi32, #tpu.memory_space<vmem>>) semaphore(%arg16 : memref<!tpu.dma_semaphore, #tpu.memory_space<semaphore_mem>>) {add = true}
      }
      %scan3A_71 = arith.constant 8 : i32
    }
    %scan3A_7 = arith.constant 5 : i32
    %dma_wait3A = arith.constant 0 : i32
    %dma_wait3A_8 = arith.constant 0 : i32
    %dma_wait3A_9 = tpu.memref_slice %arg9[%dma_wait3A, %dma_wait3A_8] : memref<16x128xi32, #tpu.memory_space<vmem>> -> memref<1x128xi32, #tpu.memory_space<vmem>>
    %dma_wait3A_10 = tpu.memref_squeeze %dma_wait3A_9 : memref<1x128xi32, #tpu.memory_space<vmem>> -> memref<128xi32, #tpu.memory_space<vmem>>
    %dma_wait3A_11 = arith.constant 0 : i32
    %dma_wait3A_12 = arith.constant 0 : i32
    %dma_wait3A_13 = tpu.memref_slice %arg12[%dma_wait3A_11, %dma_wait3A_12] : memref<10240x128xf32, #tpu.memory_space<vmem_shared>> -> memref<10240x128xf32, #tpu.memory_space<vmem_shared>>
    tpu.wait_indirect_dma semaphore(%arg15 : memref<!tpu.dma_semaphore, #tpu.memory_space<semaphore_mem>>) src(%arg10 : memref<128x128xf32, #tpu.memory_space<vmem>>) dst(%dma_wait3A_13 : memref<10240x128xf32, #tpu.memory_space<vmem_shared>>)
    %dma_wait3A_14 = arith.constant 0 : i32
    %dma_wait3A_15 = arith.constant 0 : i32
    %dma_wait3A_16 = tpu.memref_slice %arg9[%dma_wait3A_14, %dma_wait3A_15] : memref<16x128xi32, #tpu.memory_space<vmem>> -> memref<1x128xi32, #tpu.memory_space<vmem>>
    %dma_wait3A_17 = tpu.memref_squeeze %dma_wait3A_16 : memref<1x128xi32, #tpu.memory_space<vmem>> -> memref<128xi32, #tpu.memory_space<vmem>>
    %dma_wait3A_18 = arith.constant 0 : i32
    %dma_wait3A_19 = arith.constant 0 : i32
    %dma_wait3A_20 = tpu.memref_slice %arg12[%dma_wait3A_18, %dma_wait3A_19] : memref<10240x128xf32, #tpu.memory_space<vmem_shared>> -> memref<10240x128xf32, #tpu.memory_space<vmem_shared>>
    tpu.wait_indirect_dma semaphore(%arg16 : memref<!tpu.dma_semaphore, #tpu.memory_space<semaphore_mem>>) src(%arg11 : memref<128x128xf32, #tpu.memory_space<vmem>>) dst(%dma_wait3A_20 : memref<10240x128xf32, #tpu.memory_space<vmem_shared>>)
    %barrier3A_21 = arith.constant 0 : index
    tpu.barrier barrier_id(%barrier3A_21)
    %mul3A_22 = arith.constant 640 : i32
    %mul3A_23 = arith.muli %arg1, %mul3A_22 : i32
    %mul3A_24 = arith.constant 640 : i32
    %mul3A_25 = arith.muli %arg1, %mul3A_24 : i32
    %run_scoped3A = arith.constant 0 : i32
    "tpu.region"() ({
      %run_scoped3A_58 = tpu.sem_alloc : memref<!tpu.dma_semaphore, #tpu.memory_space<semaphore_mem>>
      %dma_start3A = arith.constant 0 : i32
      %dma_start3A_59 = arith.constant 0 : i32
      %dma_start3A_60 = arith.constant 0 : i32
      %dma_start3A_61 = tpu.memref_slice %arg7[%run_scoped3A, %dma_start3A, %dma_start3A_59, %dma_start3A_60] : memref<2x2x10240x128xf32, #tpu.memory_space<hbm>> -> memref<1x2x10240x128xf32, #tpu.memory_space<hbm>>
      %dma_start3A_62 = tpu.memref_squeeze %dma_start3A_61 : memref<1x2x10240x128xf32, #tpu.memory_space<hbm>> -> memref<2x10240x128xf32, #tpu.memory_space<hbm>>
      %dma_start3A_63 = arith.constant 0 : i32
      %dma_start3A_64 = tpu.memref_slice %dma_start3A_62[%arg0, %mul3A_25, %dma_start3A_63] : memref<2x10240x128xf32, #tpu.memory_space<hbm>> -> memref<1x640x128xf32, #tpu.memory_space<hbm>>
      %dma_start3A_65 = tpu.memref_squeeze %dma_start3A_64 : memref<1x640x128xf32, #tpu.memory_space<hbm>> -> memref<640x128xf32, #tpu.memory_space<hbm>>
      %dma_start3A_66 = arith.constant 0 : i32
      %dma_start3A_67 = tpu.memref_slice %arg12[%mul3A_23, %dma_start3A_66] : memref<10240x128xf32, #tpu.memory_space<vmem_shared>> -> memref<640x128xf32, #tpu.memory_space<vmem_shared>>
      tpu.enqueue_dma source(%dma_start3A_67 : memref<640x128xf32, #tpu.memory_space<vmem_shared>>) target(%dma_start3A_65 : memref<640x128xf32, #tpu.memory_space<hbm>>) target_semaphore(%run_scoped3A_58 : memref<!tpu.dma_semaphore, #tpu.memory_space<semaphore_mem>>)
      %dma_wait3A_68 = arith.constant 0 : i32
      %dma_wait3A_69 = arith.constant 0 : i32
      %dma_wait3A_70 = arith.constant 0 : i32
      %dma_wait3A_71 = tpu.memref_slice %arg7[%run_scoped3A, %dma_wait3A_68, %dma_wait3A_69, %dma_wait3A_70] : memref<2x2x10240x128xf32, #tpu.memory_space<hbm>> -> memref<1x2x10240x128xf32, #tpu.memory_space<hbm>>
      %dma_wait3A_72 = tpu.memref_squeeze %dma_wait3A_71 : memref<1x2x10240x128xf32, #tpu.memory_space<hbm>> -> memref<2x10240x128xf32, #tpu.memory_space<hbm>>
      %dma_wait3A_73 = arith.constant 0 : i32
      %dma_wait3A_74 = tpu.memref_slice %dma_wait3A_72[%arg0, %mul3A_25, %dma_wait3A_73] : memref<2x10240x128xf32, #tpu.memory_space<hbm>> -> memref<1x640x128xf32, #tpu.memory_space<hbm>>
      %dma_wait3A_75 = tpu.memref_squeeze %dma_wait3A_74 : memref<1x640x128xf32, #tpu.memory_space<hbm>> -> memref<640x128xf32, #tpu.memory_space<hbm>>
      %dma_wait3A_76 = arith.constant 0 : i32
      %dma_wait3A_77 = tpu.memref_slice %arg12[%mul3A_23, %dma_wait3A_76] : memref<10240x128xf32, #tpu.memory_space<vmem_shared>> -> memref<640x128xf32, #tpu.memory_space<vmem_shared>>
      tpu.wait_dma2 semaphore(%run_scoped3A_58 : memref<!tpu.dma_semaphore, #tpu.memory_space<semaphore_mem>>) src(%dma_wait3A_77 : memref<640x128xf32, #tpu.memory_space<vmem_shared>>) dst(%dma_wait3A_75 : memref<640x128xf32, #tpu.memory_space<hbm>>)
      tpu.yield
    }) : () -> ()
    %mul3A_26 = arith.constant 16 : i32
    %mul3A_27 = arith.muli %arg0, %mul3A_26 : i32
    %add3A_28 = arith.addi %mul3A_27, %arg1 : i32
    %mul3A_29 = arith.constant 640 : i32
    %mul3A_30 = arith.muli %arg1, %mul3A_29 : i32
    "tpu.region"() ({
      %run_scoped3A_58 = tpu.sem_alloc : memref<!tpu.dma_semaphore, #tpu.memory_space<semaphore_mem>>
      %dma_start3A = arith.constant 0 : i32
      %dma_start3A_59 = tpu.memref_slice %arg12[%mul3A_30, %dma_start3A] : memref<10240x128xf32, #tpu.memory_space<vmem_shared>> -> memref<640x128xf32, #tpu.memory_space<vmem_shared>>
      tpu.enqueue_dma source(%arg6 : memref<640x128xf32, #tpu.memory_space<hbm>>) target(%dma_start3A_59 : memref<640x128xf32, #tpu.memory_space<vmem_shared>>) target_semaphore(%run_scoped3A_58 : memref<!tpu.dma_semaphore, #tpu.memory_space<semaphore_mem>>)
      %dma_wait3A_60 = arith.constant 0 : i32
      %dma_wait3A_61 = tpu.memref_slice %arg12[%mul3A_30, %dma_wait3A_60] : memref<10240x128xf32, #tpu.memory_space<vmem_shared>> -> memref<640x128xf32, #tpu.memory_space<vmem_shared>>
      tpu.wait_dma2 semaphore(%run_scoped3A_58 : memref<!tpu.dma_semaphore, #tpu.memory_space<semaphore_mem>>) src(%arg6 : memref<640x128xf32, #tpu.memory_space<hbm>>) dst(%dma_wait3A_61 : memref<640x128xf32, #tpu.memory_space<vmem_shared>>)
      tpu.yield
    }) : () -> ()
    %barrier3A_31 = arith.constant 0 : index
    tpu.barrier barrier_id(%barrier3A_31)
    %scan3A_32 = arith.constant 0 : i32
    %scan3A_33 = arith.constant 0 : i32
    %scan3A_34 = arith.constant 5 : i32
    %scan3A_35 = arith.addi %scan3A_33, %scan3A_34 : i32
    %scan3A_36 = arith.constant 1 : i32
    scf.for %scan3A_58 = %scan3A_33 to %scan3A_35 step %scan3A_36  : i32 {
      %gt3A = arith.constant 0 : i32
      %gt3A_59 = arith.cmpi sgt, %scan3A_58, %gt3A : i32
      %convert_element_type3A = arith.extui %gt3A_59 : i1 to i32
      %cond3A = arith.constant 0 : i32
      %cond3A_60 = arith.cmpi ne, %convert_element_type3A, %cond3A : i32
      scf.if %cond3A_60 {
        %dma_wait3A_72 = arith.constant 0 : i32
        %dma_wait3A_73 = arith.constant 0 : i32
        %dma_wait3A_74 = tpu.memref_slice %arg9[%dma_wait3A_72, %dma_wait3A_73] : memref<16x128xi32, #tpu.memory_space<vmem>> -> memref<1x128xi32, #tpu.memory_space<vmem>>
        %dma_wait3A_75 = tpu.memref_squeeze %dma_wait3A_74 : memref<1x128xi32, #tpu.memory_space<vmem>> -> memref<128xi32, #tpu.memory_space<vmem>>
        %dma_wait3A_76 = arith.constant 0 : i32
        %dma_wait3A_77 = arith.constant 0 : i32
        %dma_wait3A_78 = tpu.memref_slice %arg12[%dma_wait3A_76, %dma_wait3A_77] : memref<10240x128xf32, #tpu.memory_space<vmem_shared>> -> memref<10240x128xf32, #tpu.memory_space<vmem_shared>>
        tpu.wait_indirect_dma semaphore(%arg15 : memref<!tpu.dma_semaphore, #tpu.memory_space<semaphore_mem>>) src(%arg10 : memref<128x128xf32, #tpu.memory_space<vmem>>) dst(%dma_wait3A_78 : memref<10240x128xf32, #tpu.memory_space<vmem_shared>>)
        %dma_wait3A_79 = arith.constant 0 : i32
        %dma_wait3A_80 = arith.constant 0 : i32
        %dma_wait3A_81 = tpu.memref_slice %arg9[%dma_wait3A_79, %dma_wait3A_80] : memref<16x128xi32, #tpu.memory_space<vmem>> -> memref<1x128xi32, #tpu.memory_space<vmem>>
        %dma_wait3A_82 = tpu.memref_squeeze %dma_wait3A_81 : memref<1x128xi32, #tpu.memory_space<vmem>> -> memref<128xi32, #tpu.memory_space<vmem>>
        %dma_wait3A_83 = arith.constant 0 : i32
        %dma_wait3A_84 = arith.constant 0 : i32
        %dma_wait3A_85 = tpu.memref_slice %arg12[%dma_wait3A_83, %dma_wait3A_84] : memref<10240x128xf32, #tpu.memory_space<vmem_shared>> -> memref<10240x128xf32, #tpu.memory_space<vmem_shared>>
        tpu.wait_indirect_dma semaphore(%arg16 : memref<!tpu.dma_semaphore, #tpu.memory_space<semaphore_mem>>) src(%arg11 : memref<128x128xf32, #tpu.memory_space<vmem>>) dst(%dma_wait3A_85 : memref<10240x128xf32, #tpu.memory_space<vmem_shared>>)
      } else {
      }
      %mul3A_61 = arith.constant 80 : i32
      %mul3A_62 = arith.muli %add3A_28, %mul3A_61 : i32
      %mul3A_63 = arith.constant 16 : i32
      %mul3A_64 = arith.muli %scan3A_58, %mul3A_63 : i32
      %add3A_65 = arith.addi %mul3A_62, %mul3A_64 : i32
      "tpu.region"() ({
        %run_scoped3A_72 = tpu.sem_alloc : memref<!tpu.dma_semaphore, #tpu.memory_space<semaphore_mem>>
        %dma_start3A = arith.constant 0 : i32
        %dma_start3A_73 = tpu.memref_slice %arg4[%add3A_65, %dma_start3A] : memref<2560x128xi32, #tpu.memory_space<hbm>> -> memref<16x128xi32, #tpu.memory_space<hbm>>
        %dma_start3A_74 = arith.constant 0 : i32
        %dma_start3A_75 = tpu.memref_slice %arg4[%add3A_65, %dma_start3A_74] : memref<2560x128xi32, #tpu.memory_space<hbm>> -> memref<16x128xi32, #tpu.memory_space<hbm>>
        tpu.enqueue_dma source(%dma_start3A_75 : memref<16x128xi32, #tpu.memory_space<hbm>>) target(%arg8 : memref<16x128xi32, #tpu.memory_space<vmem>>) target_semaphore(%run_scoped3A_72 : memref<!tpu.dma_semaphore, #tpu.memory_space<semaphore_mem>>)
        %dma_wait3A_76 = arith.constant 0 : i32
        %dma_wait3A_77 = tpu.memref_slice %arg4[%add3A_65, %dma_wait3A_76] : memref<2560x128xi32, #tpu.memory_space<hbm>> -> memref<16x128xi32, #tpu.memory_space<hbm>>
        %dma_wait3A_78 = arith.constant 0 : i32
        %dma_wait3A_79 = tpu.memref_slice %arg4[%add3A_65, %dma_wait3A_78] : memref<2560x128xi32, #tpu.memory_space<hbm>> -> memref<16x128xi32, #tpu.memory_space<hbm>>
        tpu.wait_dma2 semaphore(%run_scoped3A_72 : memref<!tpu.dma_semaphore, #tpu.memory_space<semaphore_mem>>) src(%dma_wait3A_79 : memref<16x128xi32, #tpu.memory_space<hbm>>) dst(%arg8 : memref<16x128xi32, #tpu.memory_space<vmem>>)
        tpu.yield
      }) : () -> ()
      "tpu.region"() ({
        %run_scoped3A_72 = tpu.sem_alloc : memref<!tpu.dma_semaphore, #tpu.memory_space<semaphore_mem>>
        %dma_start3A = arith.constant 0 : i32
        %dma_start3A_73 = tpu.memref_slice %arg5[%add3A_65, %dma_start3A] : memref<2560x128xi32, #tpu.memory_space<hbm>> -> memref<16x128xi32, #tpu.memory_space<hbm>>
        %dma_start3A_74 = arith.constant 0 : i32
        %dma_start3A_75 = tpu.memref_slice %arg5[%add3A_65, %dma_start3A_74] : memref<2560x128xi32, #tpu.memory_space<hbm>> -> memref<16x128xi32, #tpu.memory_space<hbm>>
        tpu.enqueue_dma source(%dma_start3A_75 : memref<16x128xi32, #tpu.memory_space<hbm>>) target(%arg9 : memref<16x128xi32, #tpu.memory_space<vmem>>) target_semaphore(%run_scoped3A_72 : memref<!tpu.dma_semaphore, #tpu.memory_space<semaphore_mem>>)
        %dma_wait3A_76 = arith.constant 0 : i32
        %dma_wait3A_77 = tpu.memref_slice %arg5[%add3A_65, %dma_wait3A_76] : memref<2560x128xi32, #tpu.memory_space<hbm>> -> memref<16x128xi32, #tpu.memory_space<hbm>>
        %dma_wait3A_78 = arith.constant 0 : i32
        %dma_wait3A_79 = tpu.memref_slice %arg5[%add3A_65, %dma_wait3A_78] : memref<2560x128xi32, #tpu.memory_space<hbm>> -> memref<16x128xi32, #tpu.memory_space<hbm>>
        tpu.wait_dma2 semaphore(%run_scoped3A_72 : memref<!tpu.dma_semaphore, #tpu.memory_space<semaphore_mem>>) src(%dma_wait3A_79 : memref<16x128xi32, #tpu.memory_space<hbm>>) dst(%arg9 : memref<16x128xi32, #tpu.memory_space<vmem>>)
        tpu.yield
      }) : () -> ()
      %scan3A_66 = arith.constant 0 : i32
      %scan3A_67 = arith.constant 0 : i32
      %scan3A_68 = arith.constant 8 : i32
      %scan3A_69 = arith.addi %scan3A_67, %scan3A_68 : i32
      %scan3A_70 = arith.constant 1 : i32
      scf.for %scan3A_72 = %scan3A_67 to %scan3A_69 step %scan3A_70  : i32 {
        %mul3A_73 = arith.constant 2 : i32
        %mul3A_74 = arith.muli %scan3A_72, %mul3A_73 : i32
        %gt3A_75 = arith.constant 0 : i32
        %gt3A_76 = arith.cmpi sgt, %scan3A_72, %gt3A_75 : i32
        %convert_element_type3A_77 = arith.extui %gt3A_76 : i1 to i32
        %cond3A_78 = arith.constant 0 : i32
        %cond3A_79 = arith.cmpi ne, %convert_element_type3A_77, %cond3A_78 : i32
        scf.if %cond3A_79 {
          %dma_wait3A_123 = arith.constant 0 : i32
          %dma_wait3A_124 = arith.constant 0 : i32
          %dma_wait3A_125 = tpu.memref_slice %arg9[%dma_wait3A_123, %dma_wait3A_124] : memref<16x128xi32, #tpu.memory_space<vmem>> -> memref<1x128xi32, #tpu.memory_space<vmem>>
          %dma_wait3A_126 = tpu.memref_squeeze %dma_wait3A_125 : memref<1x128xi32, #tpu.memory_space<vmem>> -> memref<128xi32, #tpu.memory_space<vmem>>
          %dma_wait3A_127 = arith.constant 0 : i32
          %dma_wait3A_128 = arith.constant 0 : i32
          %dma_wait3A_129 = tpu.memref_slice %arg12[%dma_wait3A_127, %dma_wait3A_128] : memref<10240x128xf32, #tpu.memory_space<vmem_shared>> -> memref<10240x128xf32, #tpu.memory_space<vmem_shared>>
          tpu.wait_indirect_dma semaphore(%arg15 : memref<!tpu.dma_semaphore, #tpu.memory_space<semaphore_mem>>) src(%arg10 : memref<128x128xf32, #tpu.memory_space<vmem>>) dst(%dma_wait3A_129 : memref<10240x128xf32, #tpu.memory_space<vmem_shared>>)
          %dma_wait3A_130 = arith.constant 0 : i32
          %dma_wait3A_131 = arith.constant 0 : i32
          %dma_wait3A_132 = tpu.memref_slice %arg9[%dma_wait3A_130, %dma_wait3A_131] : memref<16x128xi32, #tpu.memory_space<vmem>> -> memref<1x128xi32, #tpu.memory_space<vmem>>
          %dma_wait3A_133 = tpu.memref_squeeze %dma_wait3A_132 : memref<1x128xi32, #tpu.memory_space<vmem>> -> memref<128xi32, #tpu.memory_space<vmem>>
          %dma_wait3A_134 = arith.constant 0 : i32
          %dma_wait3A_135 = arith.constant 0 : i32
          %dma_wait3A_136 = tpu.memref_slice %arg12[%dma_wait3A_134, %dma_wait3A_135] : memref<10240x128xf32, #tpu.memory_space<vmem_shared>> -> memref<10240x128xf32, #tpu.memory_space<vmem_shared>>
          tpu.wait_indirect_dma semaphore(%arg16 : memref<!tpu.dma_semaphore, #tpu.memory_space<semaphore_mem>>) src(%arg11 : memref<128x128xf32, #tpu.memory_space<vmem>>) dst(%dma_wait3A_136 : memref<10240x128xf32, #tpu.memory_space<vmem_shared>>)
        } else {
        }
        %add3A_80 = arith.constant 0 : i32
        %add3A_81 = arith.addi %mul3A_74, %add3A_80 : i32
        %dma_start3A = arith.constant 0 : i32
        %dma_start3A_82 = tpu.memref_slice %arg8[%add3A_81, %dma_start3A] : memref<16x128xi32, #tpu.memory_space<vmem>> -> memref<1x128xi32, #tpu.memory_space<vmem>>
        %dma_start3A_83 = tpu.memref_squeeze %dma_start3A_82 : memref<1x128xi32, #tpu.memory_space<vmem>> -> memref<128xi32, #tpu.memory_space<vmem>>
        %dma_start3A_84 = arith.constant 0 : i32
        %dma_start3A_85 = arith.constant 0 : i32
        %dma_start3A_86 = tpu.memref_slice %arg3[%dma_start3A_84, %dma_start3A_85] : memref<10000x128xf32, #tpu.memory_space<hbm>> -> memref<10000x128xf32, #tpu.memory_space<hbm>>
        tpu.enqueue_indirect_dma source(%dma_start3A_86 : memref<10000x128xf32, #tpu.memory_space<hbm>>) target(%arg10 : memref<128x128xf32, #tpu.memory_space<vmem>>) offsets(%dma_start3A_83 : memref<128xi32, #tpu.memory_space<vmem>>) semaphore(%arg13 : memref<!tpu.dma_semaphore, #tpu.memory_space<semaphore_mem>>)
        %add3A_87 = arith.constant 1 : i32
        %add3A_88 = arith.addi %mul3A_74, %add3A_87 : i32
        %dma_start3A_89 = arith.constant 0 : i32
        %dma_start3A_90 = tpu.memref_slice %arg8[%add3A_88, %dma_start3A_89] : memref<16x128xi32, #tpu.memory_space<vmem>> -> memref<1x128xi32, #tpu.memory_space<vmem>>
        %dma_start3A_91 = tpu.memref_squeeze %dma_start3A_90 : memref<1x128xi32, #tpu.memory_space<vmem>> -> memref<128xi32, #tpu.memory_space<vmem>>
        %dma_start3A_92 = arith.constant 0 : i32
        %dma_start3A_93 = arith.constant 0 : i32
        %dma_start3A_94 = tpu.memref_slice %arg3[%dma_start3A_92, %dma_start3A_93] : memref<10000x128xf32, #tpu.memory_space<hbm>> -> memref<10000x128xf32, #tpu.memory_space<hbm>>
        tpu.enqueue_indirect_dma source(%dma_start3A_94 : memref<10000x128xf32, #tpu.memory_space<hbm>>) target(%arg11 : memref<128x128xf32, #tpu.memory_space<vmem>>) offsets(%dma_start3A_91 : memref<128xi32, #tpu.memory_space<vmem>>) semaphore(%arg14 : memref<!tpu.dma_semaphore, #tpu.memory_space<semaphore_mem>>)
        %dma_wait3A_95 = arith.constant 0 : i32
        %dma_wait3A_96 = tpu.memref_slice %arg8[%add3A_81, %dma_wait3A_95] : memref<16x128xi32, #tpu.memory_space<vmem>> -> memref<1x128xi32, #tpu.memory_space<vmem>>
        %dma_wait3A_97 = tpu.memref_squeeze %dma_wait3A_96 : memref<1x128xi32, #tpu.memory_space<vmem>> -> memref<128xi32, #tpu.memory_space<vmem>>
        %dma_wait3A_98 = arith.constant 0 : i32
        %dma_wait3A_99 = arith.constant 0 : i32
        %dma_wait3A_100 = tpu.memref_slice %arg3[%dma_wait3A_98, %dma_wait3A_99] : memref<10000x128xf32, #tpu.memory_space<hbm>> -> memref<10000x128xf32, #tpu.memory_space<hbm>>
        tpu.wait_indirect_dma semaphore(%arg13 : memref<!tpu.dma_semaphore, #tpu.memory_space<semaphore_mem>>) src(%dma_wait3A_100 : memref<10000x128xf32, #tpu.memory_space<hbm>>) dst(%arg10 : memref<128x128xf32, #tpu.memory_space<vmem>>)
        %add3A_101 = arith.constant 0 : i32
        %add3A_102 = arith.addi %mul3A_74, %add3A_101 : i32
        %dma_start3A_103 = arith.constant 0 : i32
        %dma_start3A_104 = tpu.memref_slice %arg9[%add3A_102, %dma_start3A_103] : memref<16x128xi32, #tpu.memory_space<vmem>> -> memref<1x128xi32, #tpu.memory_space<vmem>>
        %dma_start3A_105 = tpu.memref_squeeze %dma_start3A_104 : memref<1x128xi32, #tpu.memory_space<vmem>> -> memref<128xi32, #tpu.memory_space<vmem>>
        %dma_start3A_106 = arith.constant 0 : i32
        %dma_start3A_107 = arith.constant 0 : i32
        %dma_start3A_108 = tpu.memref_slice %arg12[%dma_start3A_106, %dma_start3A_107] : memref<10240x128xf32, #tpu.memory_space<vmem_shared>> -> memref<10240x128xf32, #tpu.memory_space<vmem_shared>>
        tpu.enqueue_indirect_dma source(%arg10 : memref<128x128xf32, #tpu.memory_space<vmem>>) target(%dma_start3A_108 : memref<10240x128xf32, #tpu.memory_space<vmem_shared>>) offsets(%dma_start3A_105 : memref<128xi32, #tpu.memory_space<vmem>>) semaphore(%arg15 : memref<!tpu.dma_semaphore, #tpu.memory_space<semaphore_mem>>) {add = true}
        %dma_wait3A_109 = arith.constant 0 : i32
        %dma_wait3A_110 = tpu.memref_slice %arg8[%add3A_88, %dma_wait3A_109] : memref<16x128xi32, #tpu.memory_space<vmem>> -> memref<1x128xi32, #tpu.memory_space<vmem>>
        %dma_wait3A_111 = tpu.memref_squeeze %dma_wait3A_110 : memref<1x128xi32, #tpu.memory_space<vmem>> -> memref<128xi32, #tpu.memory_space<vmem>>
        %dma_wait3A_112 = arith.constant 0 : i32
        %dma_wait3A_113 = arith.constant 0 : i32
        %dma_wait3A_114 = tpu.memref_slice %arg3[%dma_wait3A_112, %dma_wait3A_113] : memref<10000x128xf32, #tpu.memory_space<hbm>> -> memref<10000x128xf32, #tpu.memory_space<hbm>>
        tpu.wait_indirect_dma semaphore(%arg14 : memref<!tpu.dma_semaphore, #tpu.memory_space<semaphore_mem>>) src(%dma_wait3A_114 : memref<10000x128xf32, #tpu.memory_space<hbm>>) dst(%arg11 : memref<128x128xf32, #tpu.memory_space<vmem>>)
        %add3A_115 = arith.constant 1 : i32
        %add3A_116 = arith.addi %mul3A_74, %add3A_115 : i32
        %dma_start3A_117 = arith.constant 0 : i32
        %dma_start3A_118 = tpu.memref_slice %arg9[%add3A_116, %dma_start3A_117] : memref<16x128xi32, #tpu.memory_space<vmem>> -> memref<1x128xi32, #tpu.memory_space<vmem>>
        %dma_start3A_119 = tpu.memref_squeeze %dma_start3A_118 : memref<1x128xi32, #tpu.memory_space<vmem>> -> memref<128xi32, #tpu.memory_space<vmem>>
        %dma_start3A_120 = arith.constant 0 : i32
        %dma_start3A_121 = arith.constant 0 : i32
        %dma_start3A_122 = tpu.memref_slice %arg12[%dma_start3A_120, %dma_start3A_121] : memref<10240x128xf32, #tpu.memory_space<vmem_shared>> -> memref<10240x128xf32, #tpu.memory_space<vmem_shared>>
        tpu.enqueue_indirect_dma source(%arg11 : memref<128x128xf32, #tpu.memory_space<vmem>>) target(%dma_start3A_122 : memref<10240x128xf32, #tpu.memory_space<vmem_shared>>) offsets(%dma_start3A_119 : memref<128xi32, #tpu.memory_space<vmem>>) semaphore(%arg16 : memref<!tpu.dma_semaphore, #tpu.memory_space<semaphore_mem>>) {add = true}
      }
      %scan3A_71 = arith.constant 8 : i32
    }
    %scan3A_37 = arith.constant 5 : i32
    %dma_wait3A_38 = arith.constant 0 : i32
    %dma_wait3A_39 = arith.constant 0 : i32
    %dma_wait3A_40 = tpu.memref_slice %arg9[%dma_wait3A_38, %dma_wait3A_39] : memref<16x128xi32, #tpu.memory_space<vmem>> -> memref<1x128xi32, #tpu.memory_space<vmem>>
    %dma_wait3A_41 = tpu.memref_squeeze %dma_wait3A_40 : memref<1x128xi32, #tpu.memory_space<vmem>> -> memref<128xi32, #tpu.memory_space<vmem>>
    %dma_wait3A_42 = arith.constant 0 : i32
    %dma_wait3A_43 = arith.constant 0 : i32
    %dma_wait3A_44 = tpu.memref_slice %arg12[%dma_wait3A_42, %dma_wait3A_43] : memref<10240x128xf32, #tpu.memory_space<vmem_shared>> -> memref<10240x128xf32, #tpu.memory_space<vmem_shared>>
    tpu.wait_indirect_dma semaphore(%arg15 : memref<!tpu.dma_semaphore, #tpu.memory_space<semaphore_mem>>) src(%arg10 : memref<128x128xf32, #tpu.memory_space<vmem>>) dst(%dma_wait3A_44 : memref<10240x128xf32, #tpu.memory_space<vmem_shared>>)
    %dma_wait3A_45 = arith.constant 0 : i32
    %dma_wait3A_46 = arith.constant 0 : i32
    %dma_wait3A_47 = tpu.memref_slice %arg9[%dma_wait3A_45, %dma_wait3A_46] : memref<16x128xi32, #tpu.memory_space<vmem>> -> memref<1x128xi32, #tpu.memory_space<vmem>>
    %dma_wait3A_48 = tpu.memref_squeeze %dma_wait3A_47 : memref<1x128xi32, #tpu.memory_space<vmem>> -> memref<128xi32, #tpu.memory_space<vmem>>
    %dma_wait3A_49 = arith.constant 0 : i32
    %dma_wait3A_50 = arith.constant 0 : i32
    %dma_wait3A_51 = tpu.memref_slice %arg12[%dma_wait3A_49, %dma_wait3A_50] : memref<10240x128xf32, #tpu.memory_space<vmem_shared>> -> memref<10240x128xf32, #tpu.memory_space<vmem_shared>>
    tpu.wait_indirect_dma semaphore(%arg16 : memref<!tpu.dma_semaphore, #tpu.memory_space<semaphore_mem>>) src(%arg11 : memref<128x128xf32, #tpu.memory_space<vmem>>) dst(%dma_wait3A_51 : memref<10240x128xf32, #tpu.memory_space<vmem_shared>>)
    %barrier3A_52 = arith.constant 0 : index
    tpu.barrier barrier_id(%barrier3A_52)
    %mul3A_53 = arith.constant 640 : i32
    %mul3A_54 = arith.muli %arg1, %mul3A_53 : i32
    %mul3A_55 = arith.constant 640 : i32
    %mul3A_56 = arith.muli %arg1, %mul3A_55 : i32
    %run_scoped3A_57 = arith.constant 1 : i32
    "tpu.region"() ({
      %run_scoped3A_58 = tpu.sem_alloc : memref<!tpu.dma_semaphore, #tpu.memory_space<semaphore_mem>>
      %dma_start3A = arith.constant 0 : i32
      %dma_start3A_59 = arith.constant 0 : i32
      %dma_start3A_60 = arith.constant 0 : i32
      %dma_start3A_61 = tpu.memref_slice %arg7[%run_scoped3A_57, %dma_start3A, %dma_start3A_59, %dma_start3A_60] : memref<2x2x10240x128xf32, #tpu.memory_space<hbm>> -> memref<1x2x10240x128xf32, #tpu.memory_space<hbm>>
      %dma_start3A_62 = tpu.memref_squeeze %dma_start3A_61 : memref<1x2x10240x128xf32, #tpu.memory_space<hbm>> -> memref<2x10240x128xf32, #tpu.memory_space<hbm>>
      %dma_start3A_63 = arith.constant 0 : i32
      %dma_start3A_64 = tpu.memref_slice %dma_start3A_62[%arg0, %mul3A_56, %dma_start3A_63] : memref<2x10240x128xf32, #tpu.memory_space<hbm>> -> memref<1x640x128xf32, #tpu.memory_space<hbm>>
      %dma_start3A_65 = tpu.memref_squeeze %dma_start3A_64 : memref<1x640x128xf32, #tpu.memory_space<hbm>> -> memref<640x128xf32, #tpu.memory_space<hbm>>
      %dma_start3A_66 = arith.constant 0 : i32
      %dma_start3A_67 = tpu.memref_slice %arg12[%mul3A_54, %dma_start3A_66] : memref<10240x128xf32, #tpu.memory_space<vmem_shared>> -> memref<640x128xf32, #tpu.memory_space<vmem_shared>>
      tpu.enqueue_dma source(%dma_start3A_67 : memref<640x128xf32, #tpu.memory_space<vmem_shared>>) target(%dma_start3A_65 : memref<640x128xf32, #tpu.memory_space<hbm>>) target_semaphore(%run_scoped3A_58 : memref<!tpu.dma_semaphore, #tpu.memory_space<semaphore_mem>>)
      %dma_wait3A_68 = arith.constant 0 : i32
      %dma_wait3A_69 = arith.constant 0 : i32
      %dma_wait3A_70 = arith.constant 0 : i32
      %dma_wait3A_71 = tpu.memref_slice %arg7[%run_scoped3A_57, %dma_wait3A_68, %dma_wait3A_69, %dma_wait3A_70] : memref<2x2x10240x128xf32, #tpu.memory_space<hbm>> -> memref<1x2x10240x128xf32, #tpu.memory_space<hbm>>
      %dma_wait3A_72 = tpu.memref_squeeze %dma_wait3A_71 : memref<1x2x10240x128xf32, #tpu.memory_space<hbm>> -> memref<2x10240x128xf32, #tpu.memory_space<hbm>>
      %dma_wait3A_73 = arith.constant 0 : i32
      %dma_wait3A_74 = tpu.memref_slice %dma_wait3A_72[%arg0, %mul3A_56, %dma_wait3A_73] : memref<2x10240x128xf32, #tpu.memory_space<hbm>> -> memref<1x640x128xf32, #tpu.memory_space<hbm>>
      %dma_wait3A_75 = tpu.memref_squeeze %dma_wait3A_74 : memref<1x640x128xf32, #tpu.memory_space<hbm>> -> memref<640x128xf32, #tpu.memory_space<hbm>>
      %dma_wait3A_76 = arith.constant 0 : i32
      %dma_wait3A_77 = tpu.memref_slice %arg12[%mul3A_54, %dma_wait3A_76] : memref<10240x128xf32, #tpu.memory_space<vmem_shared>> -> memref<640x128xf32, #tpu.memory_space<vmem_shared>>
      tpu.wait_dma2 semaphore(%run_scoped3A_58 : memref<!tpu.dma_semaphore, #tpu.memory_space<semaphore_mem>>) src(%dma_wait3A_77 : memref<640x128xf32, #tpu.memory_space<vmem_shared>>) dst(%dma_wait3A_75 : memref<640x128xf32, #tpu.memory_space<hbm>>)
      tpu.yield
    }) : () -> ()
    return
  }
}

module attributes {stable_mosaic.version = 14 : i64} {
  func.func @body(%arg0: i32, %arg1: memref<2x2x400x128xf32, #tpu.memory_space<vmem>>, %arg2: memref<400x128xf32, #tpu.memory_space<vmem>>, %arg3: memref<400x128xf32, #tpu.memory_space<vmem>>, %arg4: memref<400x1xf32, #tpu.memory_space<vmem>>, %arg5: memref<1x256xf32, #tpu.memory_space<vmem>>, %arg6: memref<256x128xf32, #tpu.memory_space<vmem>>, %arg7: memref<400x128xf32, #tpu.memory_space<vmem>>) attributes {dimension_semantics = [#tpu.dimension_semantics<arbitrary>], iteration_bounds = array<i64: 25>, scalar_prefetch = 0 : i64, scratch_operands = 0 : i64, tpu.core_type = #tpu.core_type<tc>, window_params = [{transform_indices = @transform_0, window_bounds = array<i64: 2, 2, 400, 128>}, {transform_indices = @transform_1, window_bounds = array<i64: 400, 128>}, {transform_indices = @transform_2, window_bounds = array<i64: 400, 128>}, {transform_indices = @transform_3, window_bounds = array<i64: 400, 1>}, {pipeline_mode = #tpu.pipeline_mode<synchronous>, transform_indices = @transform_4, window_bounds = array<i64: 1, 256>}, {pipeline_mode = #tpu.pipeline_mode<synchronous>, transform_indices = @transform_5, window_bounds = array<i64: 256, 128>}, {transform_indices = @transform_6, window_bounds = array<i64: 400, 128>}]} {
    %get3A = arith.constant 0 : index
    %get3A_0 = arith.constant 0 : index
    %get3A_1 = vector.load %arg4[%get3A, %get3A_0] : memref<400x1xf32, #tpu.memory_space<vmem>>, vector<400x1xf32>
    %get3A_2 = arith.constant 0 : index
    %get3A_3 = arith.constant 0 : index
    %get3A_4 = arith.constant 0 : index
    %get3A_5 = arith.constant 0 : index
    %get3A_6 = vector.load %arg1[%get3A_2, %get3A_3, %get3A_4, %get3A_5] : memref<2x2x400x128xf32, #tpu.memory_space<vmem>>, vector<1x1x400x128xf32>
    %get3A_7 = vector.shape_cast %get3A_6 : vector<1x1x400x128xf32> to vector<400x128xf32>
    %get3A_8 = arith.constant 0 : index
    %get3A_9 = arith.constant 1 : index
    %get3A_10 = arith.constant 0 : index
    %get3A_11 = arith.constant 0 : index
    %get3A_12 = vector.load %arg1[%get3A_8, %get3A_9, %get3A_10, %get3A_11] : memref<2x2x400x128xf32, #tpu.memory_space<vmem>>, vector<1x1x400x128xf32>
    %get3A_13 = vector.shape_cast %get3A_12 : vector<1x1x400x128xf32> to vector<400x128xf32>
    %add3A = arith.addf %get3A_7, %get3A_13 : vector<400x128xf32>
    %get3A_14 = arith.constant 0 : index
    %get3A_15 = arith.constant 0 : index
    %get3A_16 = vector.load %arg2[%get3A_14, %get3A_15] : memref<400x128xf32, #tpu.memory_space<vmem>>, vector<400x128xf32>
    %add3A_17 = arith.addf %add3A, %get3A_16 : vector<400x128xf32>
    %mul3A = vector.broadcast %get3A_1 : vector<400x1xf32> to vector<400x128xf32>
    %mul3A_18 = arith.mulf %add3A_17, %mul3A : vector<400x128xf32>
    %get3A_19 = arith.constant 0 : index
    %get3A_20 = arith.constant 0 : index
    %get3A_21 = vector.load %arg5[%get3A_19, %get3A_20] : memref<1x256xf32, #tpu.memory_space<vmem>>, vector<1x128xf32>
    %add3A_22 = vector.broadcast %get3A_21 : vector<1x128xf32> to vector<400x128xf32>
    %add3A_23 = arith.addf %mul3A_18, %add3A_22 : vector<400x128xf32>
    %max3A = arith.constant 0.000000e+00 : f32
    %max3A_24 = vector.broadcast %max3A : f32 to vector<400x128xf32>
    %max3A_25 = arith.maximumf %add3A_23, %max3A_24 : vector<400x128xf32>
    %get3A_26 = arith.constant 1 : index
    %get3A_27 = arith.constant 0 : index
    %get3A_28 = arith.constant 0 : index
    %get3A_29 = arith.constant 0 : index
    %get3A_30 = vector.load %arg1[%get3A_26, %get3A_27, %get3A_28, %get3A_29] : memref<2x2x400x128xf32, #tpu.memory_space<vmem>>, vector<1x1x400x128xf32>
    %get3A_31 = vector.shape_cast %get3A_30 : vector<1x1x400x128xf32> to vector<400x128xf32>
    %get3A_32 = arith.constant 1 : index
    %get3A_33 = arith.constant 1 : index
    %get3A_34 = arith.constant 0 : index
    %get3A_35 = arith.constant 0 : index
    %get3A_36 = vector.load %arg1[%get3A_32, %get3A_33, %get3A_34, %get3A_35] : memref<2x2x400x128xf32, #tpu.memory_space<vmem>>, vector<1x1x400x128xf32>
    %get3A_37 = vector.shape_cast %get3A_36 : vector<1x1x400x128xf32> to vector<400x128xf32>
    %add3A_38 = arith.addf %get3A_31, %get3A_37 : vector<400x128xf32>
    %get3A_39 = arith.constant 0 : index
    %get3A_40 = arith.constant 0 : index
    %get3A_41 = vector.load %arg3[%get3A_39, %get3A_40] : memref<400x128xf32, #tpu.memory_space<vmem>>, vector<400x128xf32>
    %add3A_42 = arith.addf %add3A_38, %get3A_41 : vector<400x128xf32>
    %mul3A_43 = vector.broadcast %get3A_1 : vector<400x1xf32> to vector<400x128xf32>
    %mul3A_44 = arith.mulf %add3A_42, %mul3A_43 : vector<400x128xf32>
    %get3A_45 = arith.constant 0 : index
    %get3A_46 = arith.constant 128 : index
    %get3A_47 = vector.load %arg5[%get3A_45, %get3A_46] : memref<1x256xf32, #tpu.memory_space<vmem>>, vector<1x128xf32>
    %add3A_48 = vector.broadcast %get3A_47 : vector<1x128xf32> to vector<400x128xf32>
    %add3A_49 = arith.addf %mul3A_44, %add3A_48 : vector<400x128xf32>
    %max3A_50 = arith.constant 0.000000e+00 : f32
    %max3A_51 = vector.broadcast %max3A_50 : f32 to vector<400x128xf32>
    %max3A_52 = arith.maximumf %add3A_49, %max3A_51 : vector<400x128xf32>
    %get3A_53 = arith.constant 0 : index
    %get3A_54 = arith.constant 0 : index
    %get3A_55 = vector.load %arg6[%get3A_53, %get3A_54] : memref<256x128xf32, #tpu.memory_space<vmem>>, vector<128x128xf32>
    %dot_general3A = arith.constant dense<0.000000e+00> : vector<400x128xf32>
    %dot_general3A_56 = tpu.matmul %max3A_25, %get3A_55, %dot_general3A {dimension_numbers = #tpu.dot_dimension_numbers<[1], [0], [0], [1], [0, 0, 1, 1], [], []>, transpose_lhs_hint = false} : vector<400x128xf32>, vector<128x128xf32>, vector<400x128xf32> -> vector<400x128xf32>
    %get3A_57 = arith.constant 128 : index
    %get3A_58 = arith.constant 0 : index
    %get3A_59 = vector.load %arg6[%get3A_57, %get3A_58] : memref<256x128xf32, #tpu.memory_space<vmem>>, vector<128x128xf32>
    %dot_general3A_60 = arith.constant dense<0.000000e+00> : vector<400x128xf32>
    %dot_general3A_61 = tpu.matmul %max3A_52, %get3A_59, %dot_general3A_60 {dimension_numbers = #tpu.dot_dimension_numbers<[1], [0], [0], [1], [0, 0, 1, 1], [], []>, transpose_lhs_hint = false} : vector<400x128xf32>, vector<128x128xf32>, vector<400x128xf32> -> vector<400x128xf32>
    %add3A_62 = arith.addf %dot_general3A_56, %dot_general3A_61 : vector<400x128xf32>
    %mul3A_63 = vector.broadcast %get3A_1 : vector<400x1xf32> to vector<400x128xf32>
    %mul3A_64 = arith.mulf %add3A_62, %mul3A_63 : vector<400x128xf32>
    %swap3A = arith.constant 0 : index
    %swap3A_65 = arith.constant 0 : index
    %swap3A_66 = vector.load %arg7[%swap3A, %swap3A_65] : memref<400x128xf32, #tpu.memory_space<vmem>>, vector<400x128xf32>
    tpu.vector_store %arg7[%swap3A, %swap3A_65], %mul3A_64 {strides = array<i32>} : memref<400x128xf32, #tpu.memory_space<vmem>>, vector<400x128xf32>,
    return
  }
  func.func @transform_0(%arg0: i32) -> (i32, i32, i32, i32) {
    %c0_i32 = arith.constant 0 : i32
    %c0_i32_0 = arith.constant 0 : i32
    %c0_i32_1 = arith.constant 0 : i32
    %c0_i32_2 = arith.constant 0 : i32
    return %c0_i32, %c0_i32_0, %arg0, %c0_i32_1 : i32, i32, i32, i32
  }
  func.func @transform_1(%arg0: i32) -> (i32, i32) {
    %c0_i32 = arith.constant 0 : i32
    %c0_i32_0 = arith.constant 0 : i32
    return %arg0, %c0_i32 : i32, i32
  }
  func.func @transform_2(%arg0: i32) -> (i32, i32) {
    %c0_i32 = arith.constant 0 : i32
    %c0_i32_0 = arith.constant 0 : i32
    return %arg0, %c0_i32 : i32, i32
  }
  func.func @transform_3(%arg0: i32) -> (i32, i32) {
    %c0_i32 = arith.constant 0 : i32
    %c0_i32_0 = arith.constant 0 : i32
    return %arg0, %c0_i32 : i32, i32
  }
  func.func @transform_4(%arg0: i32) -> (i32, i32) {
    %c0_i32 = arith.constant 0 : i32
    %c0_i32_0 = arith.constant 0 : i32
    %c0_i32_1 = arith.constant 0 : i32
    return %c0_i32, %c0_i32_0 : i32, i32
  }
  func.func @transform_5(%arg0: i32) -> (i32, i32) {
    %c0_i32 = arith.constant 0 : i32
    %c0_i32_0 = arith.constant 0 : i32
    %c0_i32_1 = arith.constant 0 : i32
    return %c0_i32, %c0_i32_0 : i32, i32
  }
  func.func @transform_6(%arg0: i32) -> (i32, i32) {
    %c0_i32 = arith.constant 0 : i32
    %c0_i32_0 = arith.constant 0 : i32
    return %arg0, %c0_i32 : i32, i32
  }
}

module attributes {stable_mosaic.version = 14 : i64} {
  func.func @body(%arg0: i32, %arg1: memref<2x400x128xf32, #tpu.memory_space<vmem>>, %arg2: memref<400x128xf32, #tpu.memory_space<vmem>>, %arg3: memref<400x1xf32, #tpu.memory_space<vmem>>, %arg4: memref<128x512xf32, #tpu.memory_space<vmem>>, %arg5: memref<1x512xf32, #tpu.memory_space<vmem>>, %arg6: memref<512x256xf32, #tpu.memory_space<vmem>>, %arg7: memref<400x128xf32, #tpu.memory_space<vmem>>, %arg8: memref<400x128xf32, #tpu.memory_space<vmem>>) attributes {dimension_semantics = [#tpu.dimension_semantics<arbitrary>], iteration_bounds = array<i64: 25>, scalar_prefetch = 0 : i64, scratch_operands = 0 : i64, tpu.core_type = #tpu.core_type<tc>, window_params = [{transform_indices = @transform_0, window_bounds = array<i64: 2, 400, 128>}, {transform_indices = @transform_1, window_bounds = array<i64: 400, 128>}, {transform_indices = @transform_2, window_bounds = array<i64: 400, 1>}, {pipeline_mode = #tpu.pipeline_mode<synchronous>, transform_indices = @transform_3, window_bounds = array<i64: 128, 512>}, {pipeline_mode = #tpu.pipeline_mode<synchronous>, transform_indices = @transform_4, window_bounds = array<i64: 1, 512>}, {pipeline_mode = #tpu.pipeline_mode<synchronous>, transform_indices = @transform_5, window_bounds = array<i64: 512, 256>}, {transform_indices = @transform_6, window_bounds = array<i64: 400, 128>}, {transform_indices = @transform_7, window_bounds = array<i64: 400, 128>}]} {
    %get3A = arith.constant 0 : index
    %get3A_0 = arith.constant 0 : index
    %get3A_1 = vector.load %arg3[%get3A, %get3A_0] : memref<400x1xf32, #tpu.memory_space<vmem>>, vector<400x1xf32>
    %get3A_2 = arith.constant 0 : index
    %get3A_3 = arith.constant 0 : index
    %get3A_4 = arith.constant 0 : index
    %get3A_5 = vector.load %arg1[%get3A_2, %get3A_3, %get3A_4] : memref<2x400x128xf32, #tpu.memory_space<vmem>>, vector<1x400x128xf32>
    %get3A_6 = vector.shape_cast %get3A_5 : vector<1x400x128xf32> to vector<400x128xf32>
    %get3A_7 = arith.constant 1 : index
    %get3A_8 = arith.constant 0 : index
    %get3A_9 = arith.constant 0 : index
    %get3A_10 = vector.load %arg1[%get3A_7, %get3A_8, %get3A_9] : memref<2x400x128xf32, #tpu.memory_space<vmem>>, vector<1x400x128xf32>
    %get3A_11 = vector.shape_cast %get3A_10 : vector<1x400x128xf32> to vector<400x128xf32>
    %add3A = arith.addf %get3A_6, %get3A_11 : vector<400x128xf32>
    %get3A_12 = arith.constant 0 : index
    %get3A_13 = arith.constant 0 : index
    %get3A_14 = vector.load %arg2[%get3A_12, %get3A_13] : memref<400x128xf32, #tpu.memory_space<vmem>>, vector<400x128xf32>
    %add3A_15 = arith.addf %add3A, %get3A_14 : vector<400x128xf32>
    %mul3A = vector.broadcast %get3A_1 : vector<400x1xf32> to vector<400x128xf32>
    %mul3A_16 = arith.mulf %add3A_15, %mul3A : vector<400x128xf32>
    %get3A_17 = arith.constant 0 : index
    %get3A_18 = arith.constant 0 : index
    %get3A_19 = vector.load %arg4[%get3A_17, %get3A_18] : memref<128x512xf32, #tpu.memory_space<vmem>>, vector<128x512xf32>
    %dot_general3A = arith.constant dense<0.000000e+00> : vector<400x512xf32>
    %dot_general3A_20 = tpu.matmul %mul3A_16, %get3A_19, %dot_general3A {dimension_numbers = #tpu.dot_dimension_numbers<[1], [0], [0], [1], [0, 0, 1, 1], [], []>, transpose_lhs_hint = false} : vector<400x128xf32>, vector<128x512xf32>, vector<400x512xf32> -> vector<400x512xf32>
    %get3A_21 = arith.constant 0 : index
    %get3A_22 = arith.constant 0 : index
    %get3A_23 = vector.load %arg5[%get3A_21, %get3A_22] : memref<1x512xf32, #tpu.memory_space<vmem>>, vector<1x512xf32>
    %add3A_24 = vector.broadcast %get3A_23 : vector<1x512xf32> to vector<400x512xf32>
    %add3A_25 = arith.addf %dot_general3A_20, %add3A_24 : vector<400x512xf32>
    %max3A = arith.constant 0.000000e+00 : f32
    %max3A_26 = vector.broadcast %max3A : f32 to vector<400x512xf32>
    %max3A_27 = arith.maximumf %add3A_25, %max3A_26 : vector<400x512xf32>
    %get3A_28 = arith.constant 0 : index
    %get3A_29 = arith.constant 0 : index
    %get3A_30 = vector.load %arg6[%get3A_28, %get3A_29] : memref<512x256xf32, #tpu.memory_space<vmem>>, vector<512x256xf32>
    %dot_general3A_31 = arith.constant dense<0.000000e+00> : vector<400x256xf32>
    %dot_general3A_32 = tpu.matmul %max3A_27, %get3A_30, %dot_general3A_31 {dimension_numbers = #tpu.dot_dimension_numbers<[1], [0], [0], [1], [0, 0, 1, 1], [], []>, transpose_lhs_hint = false} : vector<400x512xf32>, vector<512x256xf32>, vector<400x256xf32> -> vector<400x256xf32>
    %slice3A = vector.extract_strided_slice %dot_general3A_32 {offsets = [0, 0], sizes = [400, 128], strides = [1, 1]} : vector<400x256xf32> to vector<400x128xf32>
    %mul3A_33 = vector.broadcast %get3A_1 : vector<400x1xf32> to vector<400x128xf32>
    %mul3A_34 = arith.mulf %slice3A, %mul3A_33 : vector<400x128xf32>
    %swap3A = arith.constant 0 : index
    %swap3A_35 = arith.constant 0 : index
    %swap3A_36 = vector.load %arg7[%swap3A, %swap3A_35] : memref<400x128xf32, #tpu.memory_space<vmem>>, vector<400x128xf32>
    tpu.vector_store %arg7[%swap3A, %swap3A_35], %mul3A_34 {strides = array<i32>} : memref<400x128xf32, #tpu.memory_space<vmem>>, vector<400x128xf32>,
    %slice3A_37 = vector.extract_strided_slice %dot_general3A_32 {offsets = [0, 128], sizes = [400, 128], strides = [1, 1]} : vector<400x256xf32> to vector<400x128xf32>
    %mul3A_38 = vector.broadcast %get3A_1 : vector<400x1xf32> to vector<400x128xf32>
    %mul3A_39 = arith.mulf %slice3A_37, %mul3A_38 : vector<400x128xf32>
    %swap3A_40 = arith.constant 0 : index
    %swap3A_41 = arith.constant 0 : index
    %swap3A_42 = vector.load %arg8[%swap3A_40, %swap3A_41] : memref<400x128xf32, #tpu.memory_space<vmem>>, vector<400x128xf32>
    tpu.vector_store %arg8[%swap3A_40, %swap3A_41], %mul3A_39 {strides = array<i32>} : memref<400x128xf32, #tpu.memory_space<vmem>>, vector<400x128xf32>,
    return
  }
  func.func @transform_0(%arg0: i32) -> (i32, i32, i32) {
    %c0_i32 = arith.constant 0 : i32
    %c0_i32_0 = arith.constant 0 : i32
    %c0_i32_1 = arith.constant 0 : i32
    return %c0_i32, %arg0, %c0_i32_0 : i32, i32, i32
  }
  func.func @transform_1(%arg0: i32) -> (i32, i32) {
    %c0_i32 = arith.constant 0 : i32
    %c0_i32_0 = arith.constant 0 : i32
    return %arg0, %c0_i32 : i32, i32
  }
  func.func @transform_2(%arg0: i32) -> (i32, i32) {
    %c0_i32 = arith.constant 0 : i32
    %c0_i32_0 = arith.constant 0 : i32
    return %arg0, %c0_i32 : i32, i32
  }
  func.func @transform_3(%arg0: i32) -> (i32, i32) {
    %c0_i32 = arith.constant 0 : i32
    %c0_i32_0 = arith.constant 0 : i32
    %c0_i32_1 = arith.constant 0 : i32
    return %c0_i32, %c0_i32_0 : i32, i32
  }
  func.func @transform_4(%arg0: i32) -> (i32, i32) {
    %c0_i32 = arith.constant 0 : i32
    %c0_i32_0 = arith.constant 0 : i32
    %c0_i32_1 = arith.constant 0 : i32
    return %c0_i32, %c0_i32_0 : i32, i32
  }
  func.func @transform_5(%arg0: i32) -> (i32, i32) {
    %c0_i32 = arith.constant 0 : i32
    %c0_i32_0 = arith.constant 0 : i32
    %c0_i32_1 = arith.constant 0 : i32
    return %c0_i32, %c0_i32_0 : i32, i32
  }
  func.func @transform_6(%arg0: i32) -> (i32, i32) {
    %c0_i32 = arith.constant 0 : i32
    %c0_i32_0 = arith.constant 0 : i32
    return %arg0, %c0_i32 : i32, i32
  }
  func.func @transform_7(%arg0: i32) -> (i32, i32) {
    %c0_i32 = arith.constant 0 : i32
    %c0_i32_0 = arith.constant 0 : i32
    return %arg0, %c0_i32 : i32, i32
  }
}

module attributes {stable_mosaic.version = 14 : i64} {
  func.func @body(%arg0: i32, %arg1: memref<2x400x128xf32, #tpu.memory_space<vmem>>, %arg2: memref<400x128xf32, #tpu.memory_space<vmem>>, %arg3: memref<400x1xf32, #tpu.memory_space<vmem>>, %arg4: memref<400x128xf32, #tpu.memory_space<vmem>>) attributes {dimension_semantics = [#tpu.dimension_semantics<arbitrary>], iteration_bounds = array<i64: 25>, scalar_prefetch = 0 : i64, scratch_operands = 0 : i64, tpu.core_type = #tpu.core_type<tc>, window_params = [{transform_indices = @transform_0, window_bounds = array<i64: 2, 400, 128>}, {transform_indices = @transform_1, window_bounds = array<i64: 400, 128>}, {transform_indices = @transform_2, window_bounds = array<i64: 400, 1>}, {transform_indices = @transform_3, window_bounds = array<i64: 400, 128>}]} {
    %get3A = arith.constant 0 : index
    %get3A_0 = arith.constant 0 : index
    %get3A_1 = arith.constant 0 : index
    %get3A_2 = vector.load %arg1[%get3A, %get3A_0, %get3A_1] : memref<2x400x128xf32, #tpu.memory_space<vmem>>, vector<1x400x128xf32>
    %get3A_3 = vector.shape_cast %get3A_2 : vector<1x400x128xf32> to vector<400x128xf32>
    %slice3A = vector.extract_strided_slice %get3A_3 {offsets = [0, 0], sizes = [400, 1], strides = [1, 1]} : vector<400x128xf32> to vector<400x1xf32>
    %get3A_4 = arith.constant 1 : index
    %get3A_5 = arith.constant 0 : index
    %get3A_6 = arith.constant 0 : index
    %get3A_7 = vector.load %arg1[%get3A_4, %get3A_5, %get3A_6] : memref<2x400x128xf32, #tpu.memory_space<vmem>>, vector<1x400x128xf32>
    %get3A_8 = vector.shape_cast %get3A_7 : vector<1x400x128xf32> to vector<400x128xf32>
    %slice3A_9 = vector.extract_strided_slice %get3A_8 {offsets = [0, 0], sizes = [400, 1], strides = [1, 1]} : vector<400x128xf32> to vector<400x1xf32>
    %add3A = arith.addf %slice3A, %slice3A_9 : vector<400x1xf32>
    %add3A_10 = arith.constant 1.000000e+00 : f32
    %add3A_11 = vector.broadcast %add3A_10 : f32 to vector<400x1xf32>
    %add3A_12 = arith.addf %add3A, %add3A_11 : vector<400x1xf32>
    %rsqrt3A = math.rsqrt %add3A_12 : vector<400x1xf32>
    %swap3A = arith.constant 0 : index
    %swap3A_13 = arith.constant 0 : index
    %swap3A_14 = vector.load %arg3[%swap3A, %swap3A_13] : memref<400x1xf32, #tpu.memory_space<vmem>>, vector<400x1xf32>
    tpu.vector_store %arg3[%swap3A, %swap3A_13], %rsqrt3A {strides = array<i32>} : memref<400x1xf32, #tpu.memory_space<vmem>>, vector<400x1xf32>,
    %get3A_15 = arith.constant 0 : index
    %get3A_16 = arith.constant 0 : index
    %get3A_17 = vector.load %arg2[%get3A_15, %get3A_16] : memref<400x128xf32, #tpu.memory_space<vmem>>, vector<400x128xf32>
    %mul3A = vector.broadcast %rsqrt3A : vector<400x1xf32> to vector<400x128xf32>
    %mul3A_18 = arith.mulf %get3A_17, %mul3A : vector<400x128xf32>
    %swap3A_19 = arith.constant 0 : index
    %swap3A_20 = arith.constant 0 : index
    %swap3A_21 = vector.load %arg4[%swap3A_19, %swap3A_20] : memref<400x128xf32, #tpu.memory_space<vmem>>, vector<400x128xf32>
    tpu.vector_store %arg4[%swap3A_19, %swap3A_20], %mul3A_18 {strides = array<i32>} : memref<400x128xf32, #tpu.memory_space<vmem>>, vector<400x128xf32>,
    return
  }
  func.func @transform_0(%arg0: i32) -> (i32, i32, i32) {
    %c0_i32 = arith.constant 0 : i32
    %c0_i32_0 = arith.constant 0 : i32
    %c0_i32_1 = arith.constant 0 : i32
    return %c0_i32, %arg0, %c0_i32_0 : i32, i32, i32
  }
  func.func @transform_1(%arg0: i32) -> (i32, i32) {
    %c0_i32 = arith.constant 0 : i32
    %c0_i32_0 = arith.constant 0 : i32
    return %arg0, %c0_i32 : i32, i32
  }
  func.func @transform_2(%arg0: i32) -> (i32, i32) {
    %c0_i32 = arith.constant 0 : i32
    %c0_i32_0 = arith.constant 0 : i32
    return %arg0, %c0_i32 : i32, i32
  }
  func.func @transform_3(%arg0: i32) -> (i32, i32) {
    %c0_i32 = arith.constant 0 : i32
    %c0_i32_0 = arith.constant 0 : i32
    return %arg0, %c0_i32 : i32, i32
  }
}

module attributes {stable_mosaic.version = 14 : i64} {
  func.func @body(%arg0: i32, %arg1: memref<400x128xf32, #tpu.memory_space<vmem>>, %arg2: memref<1x1xf32, #tpu.memory_space<smem>>, %arg3: memref<400x128xf32, #tpu.memory_space<vmem>>) attributes {dimension_semantics = [#tpu.dimension_semantics<arbitrary>], iteration_bounds = array<i64: 25>, scalar_prefetch = 0 : i64, scratch_operands = 0 : i64, tpu.core_type = #tpu.core_type<tc>, window_params = [{transform_indices = @transform_0, window_bounds = array<i64: 400, 128>}, {transform_indices = @transform_1, window_bounds = array<i64: 1, 1>}, {transform_indices = @transform_2, window_bounds = array<i64: 400, 128>}]} {
    %get3A = arith.constant 0 : index
    %get3A_0 = arith.constant 0 : index
    %get3A_1 = vector.load %arg1[%get3A, %get3A_0] : memref<400x128xf32, #tpu.memory_space<vmem>>, vector<400x128xf32>
    %get3A_2 = arith.constant 0 : index
    %get3A_3 = arith.constant 0 : index
    %get3A_4 = memref.load %arg2[%get3A_2, %get3A_3] : memref<1x1xf32, #tpu.memory_space<smem>>
    %div3A = vector.broadcast %get3A_4 : f32 to vector<400x128xf32>
    %div3A_5 = arith.divf %get3A_1, %div3A : vector<400x128xf32>
    %tanh3A = math.tanh %div3A_5 : vector<400x128xf32>
    %mul3A = arith.mulf %tanh3A, %tanh3A : vector<400x128xf32>
    %mul3A_6 = arith.mulf %mul3A, %mul3A : vector<400x128xf32>
    %reduce_sum3A = arith.constant dense<0.000000e+00> : vector<400xf32>
    %reduce_sum3A_7 = vector.multi_reduction <add>, %mul3A_6, %reduce_sum3A [1] : vector<400x128xf32> to vector<400xf32>
    %broadcast_in_dim3A = vector.shape_cast %reduce_sum3A_7 : vector<400xf32> to vector<400x1xf32>
    %sqrt3A = math.sqrt %broadcast_in_dim3A : vector<400x1xf32>
    %max3A = arith.constant 9.99999996E-13 : f32
    %max3A_8 = vector.broadcast %max3A : f32 to vector<400x1xf32>
    %max3A_9 = arith.maximumf %sqrt3A, %max3A_8 : vector<400x1xf32>
    %div3A_10 = vector.broadcast %max3A_9 : vector<400x1xf32> to vector<400x128xf32>
    %div3A_11 = arith.divf %mul3A, %div3A_10 : vector<400x128xf32>
    %swap3A = arith.constant 0 : index
    %swap3A_12 = arith.constant 0 : index
    %swap3A_13 = vector.load %arg3[%swap3A, %swap3A_12] : memref<400x128xf32, #tpu.memory_space<vmem>>, vector<400x128xf32>
    tpu.vector_store %arg3[%swap3A, %swap3A_12], %div3A_11 {strides = array<i32>} : memref<400x128xf32, #tpu.memory_space<vmem>>, vector<400x128xf32>,
    return
  }
  func.func @transform_0(%arg0: i32) -> (i32, i32) {
    %c0_i32 = arith.constant 0 : i32
    %c0_i32_0 = arith.constant 0 : i32
    return %arg0, %c0_i32 : i32, i32
  }
  func.func @transform_1(%arg0: i32) -> (i32, i32) {
    %c0_i32 = arith.constant 0 : i32
    %c0_i32_0 = arith.constant 0 : i32
    %c0_i32_1 = arith.constant 0 : i32
    return %c0_i32, %c0_i32_0 : i32, i32
  }
  func.func @transform_2(%arg0: i32) -> (i32, i32) {
    %c0_i32 = arith.constant 0 : i32
    %c0_i32_0 = arith.constant 0 : i32
    return %arg0, %c0_i32 : i32, i32
  }
}

module attributes {stable_mosaic.version = 14 : i64} {
  func.func @body(%arg0: i32, %arg1: memref<2x400x128xf32, #tpu.memory_space<vmem>>, %arg2: memref<400x128xf32, #tpu.memory_space<vmem>>, %arg3: memref<400x1xf32, #tpu.memory_space<vmem>>, %arg4: memref<1x128xf32, #tpu.memory_space<vmem>>, %arg5: memref<400x128xf32, #tpu.memory_space<vmem>>, %arg6: memref<1x1xf32, #tpu.memory_space<smem>>) attributes {dimension_semantics = [#tpu.dimension_semantics<arbitrary>], iteration_bounds = array<i64: 25>, scalar_prefetch = 0 : i64, scratch_operands = 0 : i64, tpu.core_type = #tpu.core_type<tc>, window_params = [{transform_indices = @transform_0, window_bounds = array<i64: 2, 400, 128>}, {transform_indices = @transform_1, window_bounds = array<i64: 400, 128>}, {transform_indices = @transform_2, window_bounds = array<i64: 400, 1>}, {pipeline_mode = #tpu.pipeline_mode<synchronous>, transform_indices = @transform_3, window_bounds = array<i64: 1, 128>}, {transform_indices = @transform_4, window_bounds = array<i64: 400, 128>}, {transform_indices = @transform_5, window_bounds = array<i64: 1, 1>}]} {
    %get3A = arith.constant 0 : index
    %get3A_0 = arith.constant 0 : index
    %get3A_1 = arith.constant 0 : index
    %get3A_2 = vector.load %arg1[%get3A, %get3A_0, %get3A_1] : memref<2x400x128xf32, #tpu.memory_space<vmem>>, vector<1x400x128xf32>
    %get3A_3 = vector.shape_cast %get3A_2 : vector<1x400x128xf32> to vector<400x128xf32>
    %get3A_4 = arith.constant 1 : index
    %get3A_5 = arith.constant 0 : index
    %get3A_6 = arith.constant 0 : index
    %get3A_7 = vector.load %arg1[%get3A_4, %get3A_5, %get3A_6] : memref<2x400x128xf32, #tpu.memory_space<vmem>>, vector<1x400x128xf32>
    %get3A_8 = vector.shape_cast %get3A_7 : vector<1x400x128xf32> to vector<400x128xf32>
    %add3A = arith.addf %get3A_3, %get3A_8 : vector<400x128xf32>
    %get3A_9 = arith.constant 0 : index
    %get3A_10 = arith.constant 0 : index
    %get3A_11 = vector.load %arg2[%get3A_9, %get3A_10] : memref<400x128xf32, #tpu.memory_space<vmem>>, vector<400x128xf32>
    %add3A_12 = arith.addf %add3A, %get3A_11 : vector<400x128xf32>
    %get3A_13 = arith.constant 0 : index
    %get3A_14 = arith.constant 0 : index
    %get3A_15 = vector.load %arg3[%get3A_13, %get3A_14] : memref<400x1xf32, #tpu.memory_space<vmem>>, vector<400x1xf32>
    %mul3A = vector.broadcast %get3A_15 : vector<400x1xf32> to vector<400x128xf32>
    %mul3A_16 = arith.mulf %add3A_12, %mul3A : vector<400x128xf32>
    %get3A_17 = arith.constant 0 : index
    %get3A_18 = arith.constant 0 : index
    %get3A_19 = vector.load %arg4[%get3A_17, %get3A_18] : memref<1x128xf32, #tpu.memory_space<vmem>>, vector<1x128xf32>
    %add3A_20 = vector.broadcast %get3A_19 : vector<1x128xf32> to vector<400x128xf32>
    %add3A_21 = arith.addf %mul3A_16, %add3A_20 : vector<400x128xf32>
    %max3A = arith.constant 0.000000e+00 : f32
    %max3A_22 = vector.broadcast %max3A : f32 to vector<400x128xf32>
    %max3A_23 = arith.maximumf %add3A_21, %max3A_22 : vector<400x128xf32>
    %swap3A = arith.constant 0 : index
    %swap3A_24 = arith.constant 0 : index
    %swap3A_25 = vector.load %arg5[%swap3A, %swap3A_24] : memref<400x128xf32, #tpu.memory_space<vmem>>, vector<400x128xf32>
    tpu.vector_store %arg5[%swap3A, %swap3A_24], %max3A_23 {strides = array<i32>} : memref<400x128xf32, #tpu.memory_space<vmem>>, vector<400x128xf32>,
    %eq3A = arith.constant 0 : i32
    %eq3A_26 = arith.cmpi eq, %arg0, %eq3A : i32
    %get3A_27 = arith.constant 0 : index
    %get3A_28 = arith.constant 0 : index
    %get3A_29 = memref.load %arg6[%get3A_27, %get3A_28] : memref<1x1xf32, #tpu.memory_space<smem>>
    %jit3A = arith.constant 0.000000e+00 : f32
    %select_n3A = arith.select %eq3A_26, %jit3A, %get3A_29 : f32
    %reduce_sum3A = vector.shape_cast %max3A_23 : vector<400x128xf32> to vector<1x400x128xf32>
    %reduce_sum3A_30 = arith.constant dense<0.000000e+00> : vector<1xf32>
    %reduce_sum3A_31 = vector.multi_reduction <add>, %reduce_sum3A, %reduce_sum3A_30 [1, 2] : vector<1x400x128xf32> to vector<1xf32>
    %reduce_sum3A_32 = vector.shape_cast %reduce_sum3A_31 : vector<1xf32> to vector<1x1x1xf32>
    %reduce_sum3A_33 = vector.extract %reduce_sum3A_32[0, 0, 0] : f32 from vector<1x1x1xf32>
    %add3A_34 = arith.addf %select_n3A, %reduce_sum3A_33 : f32
    %swap3A_35 = arith.constant 0 : index
    %swap3A_36 = arith.constant 0 : index
    %swap3A_37 = memref.load %arg6[%swap3A_35, %swap3A_36] : memref<1x1xf32, #tpu.memory_space<smem>>
    memref.store %add3A_34, %arg6[%swap3A_35, %swap3A_36] : memref<1x1xf32, #tpu.memory_space<smem>>
    return
  }
  func.func @transform_0(%arg0: i32) -> (i32, i32, i32) {
    %c0_i32 = arith.constant 0 : i32
    %c0_i32_0 = arith.constant 0 : i32
    %c0_i32_1 = arith.constant 0 : i32
    return %c0_i32, %arg0, %c0_i32_0 : i32, i32, i32
  }
  func.func @transform_1(%arg0: i32) -> (i32, i32) {
    %c0_i32 = arith.constant 0 : i32
    %c0_i32_0 = arith.constant 0 : i32
    return %arg0, %c0_i32 : i32, i32
  }
  func.func @transform_2(%arg0: i32) -> (i32, i32) {
    %c0_i32 = arith.constant 0 : i32
    %c0_i32_0 = arith.constant 0 : i32
    return %arg0, %c0_i32 : i32, i32
  }
  func.func @transform_3(%arg0: i32) -> (i32, i32) {
    %c0_i32 = arith.constant 0 : i32
    %c0_i32_0 = arith.constant 0 : i32
    %c0_i32_1 = arith.constant 0 : i32
    return %c0_i32, %c0_i32_0 : i32, i32
  }
  func.func @transform_4(%arg0: i32) -> (i32, i32) {
    %c0_i32 = arith.constant 0 : i32
    %c0_i32_0 = arith.constant 0 : i32
    return %arg0, %c0_i32 : i32, i32
  }
  func.func @transform_5(%arg0: i32) -> (i32, i32) {
    %c0_i32 = arith.constant 0 : i32
    %c0_i32_0 = arith.constant 0 : i32
    %c0_i32_1 = arith.constant 0 : i32
    return %c0_i32, %c0_i32_0 : i32, i32
  }
}

</mosaic_0001>

<sc_bundles>
// kernel: kernel.11.cloned.1.call-start
scs
__scs_entry_jumppad:
0x0: {  	(pc) =	sbr.rel $0x88, $3  }
0x1: {  	(tag) =	ssettag $0x0;
	lr =	simm.s32 $0x1  }
0x2: {  	[smem:$0x3F99] =	sst lr;
	_ =	strace $0xD0000000  }
0x3: {  	_ = 	snop  }
0x4: {  	_ = 	snop  }
0x5: {  	_ = 	snop  }
0x6: {  	_ = 	snop  }
0x7: {  	_ = 	snop  }
__scs_overlays_trampoline_lowered:
0x8: {  	[smem:$0x3FA8] =	sst s0  }
0x9: {  	[smem:$0x3FA9] =	sst s1  }
0xa: {  	[smem:$0x3FAA] =	sst s2  }
0xb: {  	[smem:$0x3FAB] =	sst s3  }
0xc: {  	[smem:$0x3FAC] =	sst s4  }
0xd: {  	[smem:$0x3FAD] =	sst s5  }
0xe: {  	[smem:$0x3FAE] =	sst s6  }
0xf: {  	[smem:$0x3FAF] =	sst s7  }
0x10: {  	[smem:$0x3FB0] =	sst s8  }
0x11: {  	[smem:$0x3FB1] =	sst s9;
	s0 =	simm.s32 @!p0 $0x0  }
0x12: {  	s1 =	sld [smem:$0x3F97];
	s0 =	simm.s32 @p0 $0x1  }
0x13: {  	[smem:$0x3FB2] =	sst s0;
	s0 =	simm.s32 @!p1 $0x0  }
0x14: {  	s2 =	sld [smem:$0x3F96];
	s0 =	simm.s32 @p1 $0x1  }
0x15: {  	[smem:$0x3FB3] =	sst s0;
	s0 =	simm.s32 @!p2 $0x0  }
0x16: {  	s3 =	sld [smem:$0x3FDB];
	s0 =	simm.s32 @p2 $0x1  }
0x17: {  	s4 =	simm.s32 $0x1BF5;
	[smem:$0x3FB5] =	sst s0  }
0x18: {  	s0 =	sld [smem:$0x3F98];
	_ =	swait.ge [sflag:s4], $0x0  }
0x19: {  	s7 =	sld [smem:$0x3F99]  }
0x1a: {  	s8 =	sadd.s32 $0xFFFFE003, lr  }
0x1b: {  	s9 =	sadd.s32 $0xFFFFFEF7, lr;
	s5 =	simm.s32 $0xFFFFFFFF;
	p2 =	slt.u32 s8, $0xFFFFF086  }
0x1c: {  	p1 =	slt.u32 s9, $0xF7A;
	s5 =	simm.s32 @!p2 $0x0  }
0x1d: {  	s5 =	simm.s32 @p1 $0x1;
	p0 =	seq.s32 s7, s2  }
0x1e: {  	s7 =	smul.u32 @!p0 $0xF7A, s2;
	p2 =	seq.s32 @!p0 s5, $0x0  }
0x1f: {  	s9 =	smul.u32 $0xF7A, s1;
	s8 =	simm.s32 @!p0 $0x1BF5;
	p2 =	por !p2, p0  }
0x20: {  	[sflag:s8] =	ssyncset.s32 @!p0 $0xFFFFF086;
	s6 =	sadd.s32 @!p0 s3, s7;
	s7 =	simm.s32 @!p0 $0x108  }
0x21: {  	s3 =	sadd.s32 s3, s9;
	s6 =	sadd.s32 @!p0 $0x88, s6;
	s7 =	simm.s32 @p2 $0x1082  }
0x22: {  	[simem:s7], [sflag:s8] =	dma.local @!p0 [hbm:s6], $0xF7A  }
0x23: {  	s9 =	sor.u32 $0xD0000000, s2;
	s6 =	simm.s32 $0x108;
	_ =	swait.ge @!p0 [sflag:s8], $0x0  }
0x24: {  	s3 =	sadd.s32 $0x88, s3;
	s6 =	simm.s32 @!p1 $0x1082;
	[sflag:s4] =	ssyncset.s32 $0xFFFFF086  }
0x25: {  	[simem:s6], [sflag:s4] =	dma.local [hbm:s3], $0xF7A  }
0x26: {  	[smem:$0x3F99] =	sst s1;
	(tag) =	ssettag s2;
	_ =	strace s9  }
0x27: {  	s1 =	sld [smem:$0x3FA9]  }
0x28: {  	s2 =	sld [smem:$0x3FAA]  }
0x29: {  	s4 =	sld [smem:$0x3FAC]  }
0x2a: {  	p0 =	seq.s32 s5, $0x0;
	s5 =	sld [smem:$0x3FAD]  }
0x2b: {  	s6 =	sld [smem:$0x3FAE]  }
0x2c: {  	s7 =	sld [smem:$0x3FAF]  }
0x2d: {  	s3 =	simm.s32 $0x108;
	s8 =	sld [smem:$0x3FB0]  }
0x2e: {  	s3 =	simm.s32 @!p0 $0x1082;
	s9 =	sld [smem:$0x3FB1]  }
0x2f: {  	lr =	sadd.s32 s0, s3;
	s0 =	sld [smem:$0x3FA8]  }
0x30: {  	s3 =	sld [smem:$0x3FAB]  }
0x31: {  	[smem:$0x3FB4] =	sst s10  }
0x32: {  	s10 =	sld [smem:$0x3FB2];
	_ =	sdelay $0x3  }
0x33: {  	p0 =	seq.s32 s10, $0x1;
	s10 =	sld [smem:$0x3FB4];
	_ =	sdelay $0x3  }
0x34: {  	[smem:$0x3FB4] =	sst s10  }
0x35: {  	s10 =	sld [smem:$0x3FB3];
	_ =	sdelay $0x3  }
0x36: {  	p1 =	seq.s32 s10, $0x1;
	s10 =	sld [smem:$0x3FB4];
	_ =	sdelay $0x3  }
0x37: {  	[smem:$0x3FB4] =	sst s10  }
0x38: {  	s10 =	sld [smem:$0x3FB5]  }
0x39: {  	_ = 	snop;
	(pc) =	sbr.ind lr, $3  }
0x3a: {  	_ = 	snop  }
0x3b: {  	_ = 	snop  }
0x3c: {  	p2 =	seq.s32 s10, $0x1;
	s10 =	sld [smem:$0x3FB4]  }
0x3d: {  	_ =	shalt  }
0x3e: {  	_ =	shalt  }
0x3f: {  	_ =	shalt  }
0x40: {  	_ =	shalt  }
0x41: {  	_ =	shalt  }
0x42: {  	_ =	shalt  }
0x43: {  	_ =	shalt  }
0x44: {  	_ =	shalt  }
0x45: {  	_ =	shalt  }
0x46: {  	_ =	shalt  }
0x47: {  	_ =	shalt  }
0x48: {  	_ =	shalt  }
0x49: {  	_ =	shalt  }
0x4a: {  	_ =	shalt  }
0x4b: {  	_ =	shalt  }
0x4c: {  	_ =	shalt  }
0x4d: {  	_ =	shalt  }
0x4e: {  	_ =	shalt  }
0x4f: {  	_ =	shalt  }
0x50: {  	_ =	shalt  }
0x51: {  	_ =	shalt  }
0x52: {  	_ =	shalt  }
0x53: {  	_ =	shalt  }
0x54: {  	_ =	shalt  }
0x55: {  	_ =	shalt  }
0x56: {  	_ =	shalt  }
0x57: {  	_ =	shalt  }
0x58: {  	_ =	shalt  }
0x59: {  	_ =	shalt  }
0x5a: {  	_ =	shalt  }
0x5b: {  	_ =	shalt  }
0x5c: {  	_ =	shalt  }
0x5d: {  	_ =	shalt  }
0x5e: {  	_ =	shalt  }
0x5f: {  	_ =	shalt  }
0x60: {  	_ =	shalt  }
0x61: {  	_ =	shalt  }
0x62: {  	_ =	shalt  }
0x63: {  	_ =	shalt  }
0x64: {  	_ =	shalt  }
0x65: {  	_ =	shalt  }
0x66: {  	_ =	shalt  }
0x67: {  	_ =	shalt  }
0x68: {  	_ =	shalt  }
0x69: {  	_ =	shalt  }
0x6a: {  	_ =	shalt  }
0x6b: {  	_ =	shalt  }
0x6c: {  	_ =	shalt  }
0x6d: {  	_ =	shalt  }
0x6e: {  	_ =	shalt  }
0x6f: {  	_ =	shalt  }
0x70: {  	_ =	shalt  }
0x71: {  	_ =	shalt  }
0x72: {  	_ =	shalt  }
0x73: {  	_ =	shalt  }
0x74: {  	_ =	shalt  }
0x75: {  	_ =	shalt  }
0x76: {  	_ =	shalt  }
0x77: {  	_ =	shalt  }
0x78: {  	_ =	shalt  }
0x79: {  	_ =	shalt  }
0x7a: {  	_ =	shalt  }
0x7b: {  	_ =	shalt  }
0x7c: {  	_ =	shalt  }
0x7d: {  	_ =	shalt  }
0x7e: {  	_ =	shalt  }
0x7f: {  	_ =	shalt  }
0x80: {  	_ =	shalt  }
0x81: {  	_ =	shalt  }
0x82: {  	_ =	shalt  }
0x83: {  	_ =	shalt  }
0x84: {  	_ =	shalt  }
0x85: {  	_ =	shalt  }
0x86: {  	_ =	shalt  }
0x87: {  	_ =	shalt  }
.Lfunc_end0:
.L_simem_size_0:
called_computation_lowered:
.L_overlay_start_0:
0x88: {  	s2 =	sld [smem:$0x3FD9]  }
0x89: {  	s3 =	sld [smem:$0x3FFE];
	_ =	sdelay $0x1  }
0x8a: {  	s1 =	srdreg.scid  }
0x8b: {  	s0 =	sand.u32 $0x1, s1  }
0x8c: {  	s17 =	sshll.u32 s0, $0xA;
	s2 =	sadd.s32 s3, s2  }
0x8d: {  	s2 =	sadd.s32 s2, s17  }
0x8e: {  	[smem:$0x3FC0] =	sst s2  }
0x8f: {  	_ = 	snop  }
0x90: {  	s2 =	sld [smem:$0x3FD0];
	(tm) =	ssettm $0x1  }
0x91: {  	s18 =	sld [smem:$0x3FFB];
	_ =	sdelay $0x3  }
0x92: {  	_ =	strace s18  }
0x93: {  	s3 =	sld [smem:$0x3FFC];
	_ =	sdelay $0x3  }
0x94: {  	_ =	strace s3  }
0x95: {  	s3 =	sld [smem:$0x3FFD];
	_ =	sdelay $0x3  }
0x96: {  	_ =	strace s3  }
0x97: {  	_ =	strace $0x8FFFFFFF  }
0x98: {  	s19 =	sld [smem:$0x3FDB];
	_ =	sdelay $0x1  }
0x99: {  	s4 =	simm.s32 $_scs_section_size  }
0x9a: {  	s5 =	simm.s32 $_size__tile_overlayer_lowered;
	s6 =	simm.s32 $_tile_overlayer_lowered  }
0x9b: {  	s22 =	simm.s32 $0x1BFF;
	s21 =	sshll.u32 s6, $0x1;
	s3 =	sadd.s32 s4, s19  }
0x9c: {  	s7 =	simm.s32 $0x0;
	s20 =	sshll.u32 s5, $0x1;
	s5 =	sadd.s32 s21, s3  }
0x9d: {  	[timem:s7], [sflag:s22] =	dma.local [hbm:s5], s20  }
0x9e: {  	_ =	swait.ge [sflag:s22], s20  }
0x9f: {  	s4 =	ssub.s32 $0x0, s20;
	[sflag:s22] =	ssyncset.done $0x0  }
0xa0: {  	[sflag:s22] =	ssyncadd.s32 s4;
	_ =	sdelay $0x1  }
0xa1: {  	s23 =	simm.s32 $0x1B8B  }
0xa2: {  	_ =	swait.ge [sflag:s23], $0x1  }
0xa3: {  	[sflag:s23] =	ssyncset.done $0x0  }
0xa4: {  	s25 =	simm.s32 $0x1B8E;
	s24 =	sld [smem:$0x3FFE];
	[sflag:s23] =	ssyncadd.s32 $0xFFFFFFFF  }
0xa5: {  	s26 =	simm.s32 $execute0_lowered;
	[smem:$0x3FD2] =	sst s25  }
0xa6: {  	s5 =	sshll.u32 s26, $0x1;
	_ =	strace $0x80000046;
	[dreg:$0x1] =	wrdreg $0xFFFFFFFF  }
0xa7: {  	s28 =	simm.s32 $_size_execute0_lowered;
	s3 =	sadd.s32 s3, s5;
	[dreg:$0x0] =	wrdreg $0x0  }
0xa8: {  	s5 =	sshll.u32 s28, $0x1;
	[dreg:$0x2] =	wrdreg s3  }
0xa9: {  	[dreg:$0x3] =	wrdreg s5  }
0xaa: {  	[dreg:$0x4] =	wrdreg $0xC0  }
0xab: {  	_ =	task [dreg:s7], $0x5FFFF  }
0xac: {  	[dreg:$0x1] =	wrdreg $0xFFFFFFFF  }
0xad: {  	[dreg:$0x0] =	wrdreg $0x60  }
0xae: {  	[dreg:$0x2] =	wrdreg s24  }
0xaf: {  	[dreg:$0x3] =	wrdreg s2  }
0xb0: {  	[dreg:$0x4] =	wrdreg $0x68000  }
0xb1: {  	[dreg:$0x5] =	wrdreg $0x9  }
0xb2: {  	_ =	task.clear_ibuf [dreg:s7], $0x6FFFF;
	_ =	strace $0x90000046  }
0xb3: {  	s29 =	simm.s32 $0x9;
	_ =	strace $0x80000048  }
0xb4: {  	_ =	swait.ge [sflag:s29], $0x1  }
0xb5: {  	[sflag:s29] =	ssyncadd.s32 $0xFFFFFFFF  }
0xb6: {  	_ =	strace $0x90000048  }
0xb7: {  	_ =	sfence  }
0xb8: {  	s30 =	sld [smem:$0x0];
	_ =	sdelay $0x2  }
0xb9: {  	s31 =	sshll.u32 s1, $0xD;
	s1 =	sshrl.u32 s1, $0x2  }
0xba: {  	s3 =	sand.u32 $0x4000, s31;
	s1 =	sadd.s32 s1, s30  }
0xbb: {  	s0 =	sor.u32 s3, s0;
	s1 =	sshll.u32 s1, $0x11  }
0xbc: {  	s0 =	sor.u32 s1, s0  }
0xbd: {  	s0 =	sadd.s32 $0x8F2B, s0  }
0xbe: {  	[sflag:s0] =	ssyncadd.remote.s32 $0x1  }
0xbf: {  	_ =	sfence.sel $0xFFFF  }
0xc0: {  	[dreg:$0x0] =	wrdreg $0xFFFFFFFF;
	(pc) =	sbr.abs _section_cstart, $3  }
0xc1: {  	[dreg:$0x1] =	wrdreg $0xFFFFFFFF  }
0xc2: {  	_ =	task.clear_ibuf [dreg:s7], $0x2FFFF;
	_ =	strace $0x9FFFFFFF  }
0xc3: {  	(tm) =	ssettm $0x7FFFFFFF  }
tec
execute0_lowered:
.L_overlay_start_1:
0x0: {  	(tag) =	ssettag $0x1  }
0x1: {  	s6 =	rddreg [dreg:$0x0]  }
0x2: {  	s2 =	rddreg [dreg:$0x1]  }
0x3: {  	s0 =	srdreg.scid;
	s3 =	rddreg [dreg:$0x2];
	s4 =	simm.s32 $0x0  }
0x4: {  	s12 =	simm.s32 $0x2800;
	s13 =	simm.s32 $0x80;
	s14 =	simm.s32 $0x1  }
0x5: {  	s15 =	simm.s32 $0x2;
	s16 =	simm.s32 $0x3;
	s17 =	simm.s32 $0x4  }
0x6: {  	s18 =	simm.s32 $0x5;
	s5 =	sand.u32 $0x1, s0;
	s0 =	stileid.u32  }
0x7: {  	s19 =	simm.s32 $0x0;
	[smem:$0x7FF] =	sst s4;
	s8 =	smul.u32 $0x140000, s5  }
0x8: {  	s1 =	sshll.u32 s5, $0x4;
	s9 =	smul.u32 $0x14000, s0;
	s28 =	ssub.s32 $0x2, s5  }
0x9: {  	s10 =	smul.u32 $0x50000, s0;
	s5 =	sadd.s32 $0x18600, s6;
	s1 =	sor.u32 s0, s1  }
0xa: {  	s31 =	sshll.u32 s0, $0x6;
	s29 =	sshrl.u32 s28, $0x1;
	s7 =	smul.u32 $0x500, s1  }
0xb: {  	s1 =	rddreg [dreg:$0x3];
	_ =	strace $0x80000047;
	s8 =	sadd.s32 s9, s8  }
0xc: {  	s9 =	ssub.s32 s28, s29;
	s30 =	sshrl.u32 s10, $0x2;
	s8 =	sshrl.u32 s8, $0x3  }
0xd: {  	s11 =	sadd.s32 s30, s3;
	s9 =	smax.u32 s9, $0x1;
	s7 =	sadd.s32 s7, s6  }
0xe: {  	s8 =	sadd.s32 s8, s6;
	s6 =	sor.u32 $0x1C06, s31;
	s10 =	sshrl.u32 s11, $0x3  }
0xf: {  	s11 =	simm.s32 $0x6;
	s7 =	sadd.s32 $0x4600, s7;
	s8 =	sadd.s32 $0x1AE00, s8  }
.LBB2_1:
0x10: {  	[spmem:s10], [sflag:s6] =	dma.local [hbm:s5], $0x2800  }
0x11: {  	_ =	swait.ge [sflag:s11], $0x2800  }
0x12: {  	[sflag:s11] =	ssyncset.done $0x0  }
0x13: {  	[sflag:s11] =	ssyncadd.s32 $0xFFFFD800  }
0x14: {  	[tilespmem:s12], [sflag:$0x6] =	stream.linear.gather [hbm4b:s2+s4], $0x4000, $0x38;
	[tilespmem:$0x1A800] =	vst v63  }
0x15: {  	_ =	swait.ge [sflag:s11], $0x4000  }
0x16: {  	[sflag:s11] =	ssyncset.done $0x0  }
0x17: {  	[sflag:s11] =	ssyncadd.s32 $0xFFFFC000  }
0x18: {  	[tilespmem:s4], [sflag:$0x6] =	stream.linear.gather [hbm4b:s7+s4], $0x2800, $0x38;
	[tilespmem:$0x1A800] =	vst v63  }
0x19: {  	_ =	swait.ge [sflag:s11], $0x2800  }
0x1a: {  	[sflag:s11] =	ssyncset.done $0x0  }
0x1b: {  	[sflag:s11] =	ssyncadd.s32 $0xFFFFD800  }
0x1c: {  	s20 =	simm.s32 $0x0;
	[bflag:$0x0] =	sbarrier.arrive $0xFFFF  }
0x1d: {  	[spmem:s3] =	stream.indirect.scatter.add.f32 [tilespmem:s12], [sflag:$0x1], $0x80, s20, s13, $0xb8;
	[tilespmem:$0x1A800] =	vst v63  }
0x1e: {  	s28 =	simm.s32 $0x80  }
0x1f: {  	[spmem:s3] =	stream.indirect.scatter.add.f32 [tilespmem:s12], [sflag:$0x2], $0x80, s28, s13, $0xb8;
	[tilespmem:$0x1A800] =	vst v63  }
0x20: {  	s29 =	simm.s32 $0x100  }
0x21: {  	[spmem:s3] =	stream.indirect.scatter.add.f32 [tilespmem:s12], [sflag:$0x3], $0x80, s29, s13, $0xb8;
	[tilespmem:$0x1A800] =	vst v63  }
0x22: {  	s30 =	simm.s32 $0x180  }
0x23: {  	[spmem:s3] =	stream.indirect.scatter.add.f32 [tilespmem:s12], [sflag:$0x4], $0x80, s30, s13, $0xb8;
	[tilespmem:$0x1A800] =	vst v63  }
0x24: {  	s31 =	simm.s32 $0x200  }
0x25: {  	[spmem:s3] =	stream.indirect.scatter.add.f32 [tilespmem:s12], [sflag:$0x5], $0x80, s31, s13, $0xb8;
	[tilespmem:$0x1A800] =	vst v63  }
0x26: {  	_ =	swait.ge [sflag:s14], $0x4000  }
0x27: {  	[sflag:s14] =	ssyncset.done $0x0  }
0x28: {  	[sflag:s14] =	ssyncadd.s32 $0xFFFFC000  }
0x29: {  	_ =	swait.ge [sflag:s15], $0x4000  }
0x2a: {  	[sflag:s15] =	ssyncset.done $0x0  }
0x2b: {  	[sflag:s15] =	ssyncadd.s32 $0xFFFFC000  }
0x2c: {  	_ =	swait.ge [sflag:s16], $0x4000  }
0x2d: {  	[sflag:s16] =	ssyncset.done $0x0  }
0x2e: {  	[sflag:s16] =	ssyncadd.s32 $0xFFFFC000  }
0x2f: {  	_ =	swait.ge [sflag:s17], $0x4000  }
0x30: {  	[sflag:s17] =	ssyncset.done $0x0  }
0x31: {  	[sflag:s17] =	ssyncadd.s32 $0xFFFFC000  }
0x32: {  	_ =	swait.ge [sflag:s18], $0x4000  }
0x33: {  	s21 =	simm.s32 $0x1400;
	s20 =	simm.s32 $0xA00;
	[sflag:s18] =	ssyncset.done $0x0  }
.LBB2_2:
0x34: {  	s22 =	sshra.s32 s20, $0x2  }
0x35: {  	[sflag:s18] =	ssyncadd.s32 $0xFFFFC000;
	s20 =	smov.u32 s21;
	s23 =	sadd.s32 $0xA00, s21  }
0x36: {  	[spmem:s3] =	stream.indirect.scatter.add.f32 [tilespmem:s12], [sflag:$0x1], $0x80, s22, s13, $0xb8;
	[tilespmem:$0x1A800] =	vst v63  }
0x37: {  	p0 =	sne.s32 s21, $0x9600;
	s21 =	sadd.s32 $0x80, s22  }
0x38: {  	[spmem:s3] =	stream.indirect.scatter.add.f32 [tilespmem:s12], [sflag:$0x2], $0x80, s21, s13, $0xb8;
	[tilespmem:$0x1A800] =	vst v63  }
0x39: {  	s21 =	sadd.s32 $0x100, s22  }
0x3a: {  	[spmem:s3] =	stream.indirect.scatter.add.f32 [tilespmem:s12], [sflag:$0x3], $0x80, s21, s13, $0xb8;
	[tilespmem:$0x1A800] =	vst v63  }
0x3b: {  	s21 =	sadd.s32 $0x180, s22  }
0x3c: {  	[spmem:s3] =	stream.indirect.scatter.add.f32 [tilespmem:s12], [sflag:$0x4], $0x80, s21, s13, $0xb8;
	[tilespmem:$0x1A800] =	vst v63  }
0x3d: {  	s21 =	sadd.s32 $0x200, s22  }
0x3e: {  	[spmem:s3] =	stream.indirect.scatter.add.f32 [tilespmem:s12], [sflag:$0x5], $0x80, s21, s13, $0xb8;
	[tilespmem:$0x1A800] =	vst v63  }
0x3f: {  	_ =	swait.ge [sflag:s14], $0x4000  }
0x40: {  	[sflag:s14] =	ssyncset.done $0x0  }
0x41: {  	[sflag:s14] =	ssyncadd.s32 $0xFFFFC000  }
0x42: {  	_ =	swait.ge [sflag:s15], $0x4000  }
0x43: {  	[sflag:s15] =	ssyncset.done $0x0  }
0x44: {  	[sflag:s15] =	ssyncadd.s32 $0xFFFFC000  }
0x45: {  	_ =	swait.ge [sflag:s16], $0x4000  }
0x46: {  	[sflag:s16] =	ssyncset.done $0x0  }
0x47: {  	[sflag:s16] =	ssyncadd.s32 $0xFFFFC000  }
.Ltmp0:
0x48: {  	_ =	swait.ge [sflag:s17], $0x4000;
	(pc) =	sbr.rel @p0 .LBB2_2-.Ltmp0, $4  }
0x49: {  	[sflag:s17] =	ssyncset.done $0x0  }
0x4a: {  	[sflag:s17] =	ssyncadd.s32 $0xFFFFC000  }
0x4b: {  	_ =	swait.ge [sflag:s18], $0x4000  }
0x4c: {  	s21 =	smov.u32 s23;
	[sflag:s18] =	ssyncset.done $0x0  }
0x4d: {  	s20 =	sshra.s32 s20, $0x2;
	[sflag:s18] =	ssyncadd.s32 $0xFFFFC000  }
0x4e: {  	[spmem:s3] =	stream.indirect.scatter.add.f32 [tilespmem:s12], [sflag:$0x1], $0x80, s20, s13, $0xb8;
	[tilespmem:$0x1A800] =	vst v63  }
0x4f: {  	s21 =	sadd.s32 $0x80, s20  }
0x50: {  	[spmem:s3] =	stream.indirect.scatter.add.f32 [tilespmem:s12], [sflag:$0x2], $0x80, s21, s13, $0xb8;
	[tilespmem:$0x1A800] =	vst v63  }
0x51: {  	s30 =	sadd.s32 $0x100, s20  }
0x52: {  	[spmem:s3] =	stream.indirect.scatter.add.f32 [tilespmem:s12], [sflag:$0x3], $0x80, s30, s13, $0xb8;
	[tilespmem:$0x1A800] =	vst v63  }
0x53: {  	s31 =	sadd.s32 $0x180, s20  }
0x54: {  	[spmem:s3] =	stream.indirect.scatter.add.f32 [tilespmem:s12], [sflag:$0x4], $0x80, s31, s13, $0xb8;
	[tilespmem:$0x1A800] =	vst v63  }
0x55: {  	s20 =	sadd.s32 $0x200, s20  }
0x56: {  	[spmem:s3] =	stream.indirect.scatter.add.f32 [tilespmem:s12], [sflag:$0x5], $0x80, s20, s13, $0xb8;
	[tilespmem:$0x1A800] =	vst v63  }
0x57: {  	_ =	swait.ge [sflag:s14], $0x4000  }
0x58: {  	[sflag:s14] =	ssyncset.done $0x0  }
0x59: {  	[sflag:s14] =	ssyncadd.s32 $0xFFFFC000  }
0x5a: {  	_ =	swait.ge [sflag:s15], $0x4000  }
0x5b: {  	[sflag:s15] =	ssyncset.done $0x0  }
0x5c: {  	[sflag:s15] =	ssyncadd.s32 $0xFFFFC000  }
0x5d: {  	_ =	swait.ge [sflag:s16], $0x4000  }
0x5e: {  	[sflag:s16] =	ssyncset.done $0x0  }
0x5f: {  	[sflag:s16] =	ssyncadd.s32 $0xFFFFC000  }
0x60: {  	_ =	swait.ge [sflag:s17], $0x4000  }
0x61: {  	[sflag:s17] =	ssyncset.done $0x0  }
0x62: {  	[sflag:s17] =	ssyncadd.s32 $0xFFFFC000  }
0x63: {  	_ =	swait.ge [sflag:s18], $0x4000  }
0x64: {  	s19 =	sadd.s32 $0x1, s19;
	[sflag:s18] =	ssyncset.done $0x0  }
0x65: {  	p0 =	sne.s32 s19, s9;
	[sflag:s18] =	ssyncadd.s32 $0xFFFFC000  }
.Ltmp1:
0x66: {  	[bflag:$0x0] =	sbarrier.arrive $0xFFFF;
	(pc) =	sbr.rel @p0 .LBB2_1-.Ltmp1, $4  }
0x67: {  	[hbm:s8], [sflag:s6] =	dma.local [spmem:s10], $0x2800  }
0x68: {  	_ =	swait.ge [sflag:s11], $0x2800  }
0x69: {  	[sflag:s11] =	ssyncset.done $0x0  }
0x6a: {  	[sflag:s11] =	ssyncadd.s32 $0xFFFFD800  }
0x6b: {  	_ =	sfence.sel $0x180000  }
0x6c: {  	[bflag:$0x0] =	sbarrier.arrive $0xFFFF  }
0x6d: {  	p0 =	sne.s32 s0, $0x0;
	_ =	strace $0x90000047  }
0x6e: {  	s0 =	sadd.s32 @!p0 $0x100000, s1;
	[bflag:$0x2] =	sbarrier.arrive $0xFFFF  }
0x6f: {  	[sflag:s0] =	ssyncadd.tile.s32 @!p0 $0x1;
	_ =	shalt  }
.Lfunc_end2:
_tile_overlayer_lowered:
.L_overlay_start_2:
0x70: {  	(tag) =	ssettag $0x2  }
0x71: {  	s0 =	rddreg [dreg:$0x0];
	s2 =	stileid.u32  }
0x72: {  	s1 =	rddreg [dreg:$0x1];
	p0 =	sne.s32 s2, $0x0  }
0x73: {  	s3 =	rddreg [dreg:$0x2];
	[bflag:$0x3] =	sbarrier.arrive $0xFFFF;
	s2 =	simm.s32 @!p0 $0x1C06  }
0x74: {  	[timem:s3], [sflag:s2] =	dma.local @!p0 [hbm:s0], s1  }
0x75: {  	s0 =	simm.s32 @!p0 $0x6  }
0x76: {  	_ =	swait.ge @!p0 [sflag:s0], s1  }
0x77: {  	s1 =	ssub.s32 @!p0 $0x0, s1;
	[sflag:s0] =	ssyncset.done @!p0 $0x0  }
0x78: {  	[sflag:s0] =	ssyncadd.s32 @!p0 s1  }
0x79: {  	[bflag:$0x3] =	sbarrier.arrive $0xFFFF  }
0x7a: {  	_ =	shalt  }

// kernel: kernel.14.cloned.1.call-start
scs
__scs_entry_jumppad:
0x0: {  	(pc) =	sbr.rel $0x88, $3  }
0x1: {  	(tag) =	ssettag $0x0;
	lr =	simm.s32 $0x1  }
0x2: {  	[smem:$0x3F99] =	sst lr;
	_ =	strace $0xD0000000  }
0x3: {  	_ = 	snop  }
0x4: {  	_ = 	snop  }
0x5: {  	_ = 	snop  }
0x6: {  	_ = 	snop  }
0x7: {  	_ = 	snop  }
__scs_overlays_trampoline_lowered:
0x8: {  	[smem:$0x3FA8] =	sst s0  }
0x9: {  	[smem:$0x3FA9] =	sst s1  }
0xa: {  	[smem:$0x3FAA] =	sst s2  }
0xb: {  	[smem:$0x3FAB] =	sst s3  }
0xc: {  	[smem:$0x3FAC] =	sst s4  }
0xd: {  	[smem:$0x3FAD] =	sst s5  }
0xe: {  	[smem:$0x3FAE] =	sst s6  }
0xf: {  	[smem:$0x3FAF] =	sst s7  }
0x10: {  	[smem:$0x3FB0] =	sst s8  }
0x11: {  	[smem:$0x3FB1] =	sst s9;
	s0 =	simm.s32 @!p0 $0x0  }
0x12: {  	s1 =	sld [smem:$0x3F97];
	s0 =	simm.s32 @p0 $0x1  }
0x13: {  	[smem:$0x3FB2] =	sst s0;
	s0 =	simm.s32 @!p1 $0x0  }
0x14: {  	s2 =	sld [smem:$0x3F96];
	s0 =	simm.s32 @p1 $0x1  }
0x15: {  	[smem:$0x3FB3] =	sst s0;
	s0 =	simm.s32 @!p2 $0x0  }
0x16: {  	s3 =	sld [smem:$0x3FDB];
	s0 =	simm.s32 @p2 $0x1  }
0x17: {  	s4 =	simm.s32 $0x1BF5;
	[smem:$0x3FB5] =	sst s0  }
0x18: {  	s0 =	sld [smem:$0x3F98];
	_ =	swait.ge [sflag:s4], $0x0  }
0x19: {  	s7 =	sld [smem:$0x3F99]  }
0x1a: {  	s8 =	sadd.s32 $0xFFFFE003, lr  }
0x1b: {  	s9 =	sadd.s32 $0xFFFFFEF7, lr;
	s5 =	simm.s32 $0xFFFFFFFF;
	p2 =	slt.u32 s8, $0xFFFFF086  }
0x1c: {  	p1 =	slt.u32 s9, $0xF7A;
	s5 =	simm.s32 @!p2 $0x0  }
0x1d: {  	s5 =	simm.s32 @p1 $0x1;
	p0 =	seq.s32 s7, s2  }
0x1e: {  	s7 =	smul.u32 @!p0 $0xF7A, s2;
	p2 =	seq.s32 @!p0 s5, $0x0  }
0x1f: {  	s9 =	smul.u32 $0xF7A, s1;
	s8 =	simm.s32 @!p0 $0x1BF5;
	p2 =	por !p2, p0  }
0x20: {  	[sflag:s8] =	ssyncset.s32 @!p0 $0xFFFFF086;
	s6 =	sadd.s32 @!p0 s3, s7;
	s7 =	simm.s32 @!p0 $0x108  }
0x21: {  	s3 =	sadd.s32 s3, s9;
	s6 =	sadd.s32 @!p0 $0x88, s6;
	s7 =	simm.s32 @p2 $0x1082  }
0x22: {  	[simem:s7], [sflag:s8] =	dma.local @!p0 [hbm:s6], $0xF7A  }
0x23: {  	s9 =	sor.u32 $0xD0000000, s2;
	s6 =	simm.s32 $0x108;
	_ =	swait.ge @!p0 [sflag:s8], $0x0  }
0x24: {  	s3 =	sadd.s32 $0x88, s3;
	s6 =	simm.s32 @!p1 $0x1082;
	[sflag:s4] =	ssyncset.s32 $0xFFFFF086  }
0x25: {  	[simem:s6], [sflag:s4] =	dma.local [hbm:s3], $0xF7A  }
0x26: {  	[smem:$0x3F99] =	sst s1;
	(tag) =	ssettag s2;
	_ =	strace s9  }
0x27: {  	s1 =	sld [smem:$0x3FA9]  }
0x28: {  	s2 =	sld [smem:$0x3FAA]  }
0x29: {  	s4 =	sld [smem:$0x3FAC]  }
0x2a: {  	p0 =	seq.s32 s5, $0x0;
	s5 =	sld [smem:$0x3FAD]  }
0x2b: {  	s6 =	sld [smem:$0x3FAE]  }
0x2c: {  	s7 =	sld [smem:$0x3FAF]  }
0x2d: {  	s3 =	simm.s32 $0x108;
	s8 =	sld [smem:$0x3FB0]  }
0x2e: {  	s3 =	simm.s32 @!p0 $0x1082;
	s9 =	sld [smem:$0x3FB1]  }
0x2f: {  	lr =	sadd.s32 s0, s3;
	s0 =	sld [smem:$0x3FA8]  }
0x30: {  	s3 =	sld [smem:$0x3FAB]  }
0x31: {  	[smem:$0x3FB4] =	sst s10  }
0x32: {  	s10 =	sld [smem:$0x3FB2];
	_ =	sdelay $0x3  }
0x33: {  	p0 =	seq.s32 s10, $0x1;
	s10 =	sld [smem:$0x3FB4];
	_ =	sdelay $0x3  }
0x34: {  	[smem:$0x3FB4] =	sst s10  }
0x35: {  	s10 =	sld [smem:$0x3FB3];
	_ =	sdelay $0x3  }
0x36: {  	p1 =	seq.s32 s10, $0x1;
	s10 =	sld [smem:$0x3FB4];
	_ =	sdelay $0x3  }
0x37: {  	[smem:$0x3FB4] =	sst s10  }
0x38: {  	s10 =	sld [smem:$0x3FB5]  }
0x39: {  	_ = 	snop;
	(pc) =	sbr.ind lr, $3  }
0x3a: {  	_ = 	snop  }
0x3b: {  	_ = 	snop  }
0x3c: {  	p2 =	seq.s32 s10, $0x1;
	s10 =	sld [smem:$0x3FB4]  }
0x3d: {  	_ =	shalt  }
0x3e: {  	_ =	shalt  }
0x3f: {  	_ =	shalt  }
0x40: {  	_ =	shalt  }
0x41: {  	_ =	shalt  }
0x42: {  	_ =	shalt  }
0x43: {  	_ =	shalt  }
0x44: {  	_ =	shalt  }
0x45: {  	_ =	shalt  }
0x46: {  	_ =	shalt  }
0x47: {  	_ =	shalt  }
0x48: {  	_ =	shalt  }
0x49: {  	_ =	shalt  }
0x4a: {  	_ =	shalt  }
0x4b: {  	_ =	shalt  }
0x4c: {  	_ =	shalt  }
0x4d: {  	_ =	shalt  }
0x4e: {  	_ =	shalt  }
0x4f: {  	_ =	shalt  }
0x50: {  	_ =	shalt  }
0x51: {  	_ =	shalt  }
0x52: {  	_ =	shalt  }
0x53: {  	_ =	shalt  }
0x54: {  	_ =	shalt  }
0x55: {  	_ =	shalt  }
0x56: {  	_ =	shalt  }
0x57: {  	_ =	shalt  }
0x58: {  	_ =	shalt  }
0x59: {  	_ =	shalt  }
0x5a: {  	_ =	shalt  }
0x5b: {  	_ =	shalt  }
0x5c: {  	_ =	shalt  }
0x5d: {  	_ =	shalt  }
0x5e: {  	_ =	shalt  }
0x5f: {  	_ =	shalt  }
0x60: {  	_ =	shalt  }
0x61: {  	_ =	shalt  }
0x62: {  	_ =	shalt  }
0x63: {  	_ =	shalt  }
0x64: {  	_ =	shalt  }
0x65: {  	_ =	shalt  }
0x66: {  	_ =	shalt  }
0x67: {  	_ =	shalt  }
0x68: {  	_ =	shalt  }
0x69: {  	_ =	shalt  }
0x6a: {  	_ =	shalt  }
0x6b: {  	_ =	shalt  }
0x6c: {  	_ =	shalt  }
0x6d: {  	_ =	shalt  }
0x6e: {  	_ =	shalt  }
0x6f: {  	_ =	shalt  }
0x70: {  	_ =	shalt  }
0x71: {  	_ =	shalt  }
0x72: {  	_ =	shalt  }
0x73: {  	_ =	shalt  }
0x74: {  	_ =	shalt  }
0x75: {  	_ =	shalt  }
0x76: {  	_ =	shalt  }
0x77: {  	_ =	shalt  }
0x78: {  	_ =	shalt  }
0x79: {  	_ =	shalt  }
0x7a: {  	_ =	shalt  }
0x7b: {  	_ =	shalt  }
0x7c: {  	_ =	shalt  }
0x7d: {  	_ =	shalt  }
0x7e: {  	_ =	shalt  }
0x7f: {  	_ =	shalt  }
0x80: {  	_ =	shalt  }
0x81: {  	_ =	shalt  }
0x82: {  	_ =	shalt  }
0x83: {  	_ =	shalt  }
0x84: {  	_ =	shalt  }
0x85: {  	_ =	shalt  }
0x86: {  	_ =	shalt  }
0x87: {  	_ =	shalt  }
.Lfunc_end0:
.L_simem_size_0:
called_computation.1_lowered:
.L_overlay_start_0:
0x88: {  	s2 =	sld [smem:$0x3FD9]  }
0x89: {  	s3 =	sld [smem:$0x3FFE];
	_ =	sdelay $0x1  }
0x8a: {  	s1 =	srdreg.scid  }
0x8b: {  	s0 =	sand.u32 $0x1, s1  }
0x8c: {  	s17 =	sshll.u32 s0, $0xA;
	s2 =	sadd.s32 s3, s2  }
0x8d: {  	s2 =	sadd.s32 s2, s17  }
0x8e: {  	[smem:$0x3FC0] =	sst s2  }
0x8f: {  	_ = 	snop  }
0x90: {  	s2 =	sld [smem:$0x3FD0];
	(tm) =	ssettm $0x1  }
0x91: {  	s18 =	sld [smem:$0x3FFB];
	_ =	sdelay $0x3  }
0x92: {  	_ =	strace s18  }
0x93: {  	s3 =	sld [smem:$0x3FFC];
	_ =	sdelay $0x3  }
0x94: {  	_ =	strace s3  }
0x95: {  	s3 =	sld [smem:$0x3FFD];
	_ =	sdelay $0x3  }
0x96: {  	_ =	strace s3  }
0x97: {  	_ =	strace $0x8FFFFFFF  }
0x98: {  	s19 =	sld [smem:$0x3FDB];
	_ =	sdelay $0x1  }
0x99: {  	s4 =	simm.s32 $_scs_section_size  }
0x9a: {  	s5 =	simm.s32 $_size__tile_overlayer_lowered;
	s6 =	simm.s32 $_tile_overlayer_lowered  }
0x9b: {  	s22 =	simm.s32 $0x1BFF;
	s21 =	sshll.u32 s6, $0x1;
	s3 =	sadd.s32 s4, s19  }
0x9c: {  	s7 =	simm.s32 $0x0;
	s20 =	sshll.u32 s5, $0x1;
	s5 =	sadd.s32 s21, s3  }
0x9d: {  	[timem:s7], [sflag:s22] =	dma.local [hbm:s5], s20  }
0x9e: {  	_ =	swait.ge [sflag:s22], s20  }
0x9f: {  	s4 =	ssub.s32 $0x0, s20;
	[sflag:s22] =	ssyncset.done $0x0  }
0xa0: {  	[sflag:s22] =	ssyncadd.s32 s4;
	_ =	sdelay $0x1  }
0xa1: {  	s23 =	simm.s32 $0x1B8B  }
0xa2: {  	_ =	swait.ge [sflag:s23], $0x1  }
0xa3: {  	[sflag:s23] =	ssyncset.done $0x0  }
0xa4: {  	s25 =	simm.s32 $0x1B8E;
	s24 =	sld [smem:$0x3FFE];
	[sflag:s23] =	ssyncadd.s32 $0xFFFFFFFF  }
0xa5: {  	s26 =	simm.s32 $execute0_lowered;
	[smem:$0x3FD2] =	sst s25  }
0xa6: {  	s5 =	sshll.u32 s26, $0x1;
	_ =	strace $0x80000049;
	[dreg:$0x1] =	wrdreg $0xFFFFFFFF  }
0xa7: {  	s28 =	simm.s32 $_size_execute0_lowered;
	s3 =	sadd.s32 s3, s5;
	[dreg:$0x0] =	wrdreg $0x0  }
0xa8: {  	s5 =	sshll.u32 s28, $0x1;
	[dreg:$0x2] =	wrdreg s3  }
0xa9: {  	[dreg:$0x3] =	wrdreg s5  }
0xaa: {  	[dreg:$0x4] =	wrdreg $0xC0  }
0xab: {  	_ =	task [dreg:s7], $0x5FFFF  }
0xac: {  	[dreg:$0x1] =	wrdreg $0xFFFFFFFF  }
0xad: {  	[dreg:$0x0] =	wrdreg $0x60  }
0xae: {  	[dreg:$0x2] =	wrdreg s2  }
0xaf: {  	[dreg:$0x3] =	wrdreg s24  }
0xb0: {  	[dreg:$0x4] =	wrdreg $0x90000  }
0xb1: {  	[dreg:$0x5] =	wrdreg $0x9  }
0xb2: {  	_ =	task.clear_ibuf [dreg:s7], $0x6FFFF;
	_ =	strace $0x90000049  }
0xb3: {  	s29 =	simm.s32 $0x9;
	_ =	strace $0x8000004B  }
0xb4: {  	_ =	swait.ge [sflag:s29], $0x1  }
0xb5: {  	[sflag:s29] =	ssyncadd.s32 $0xFFFFFFFF  }
0xb6: {  	_ =	strace $0x9000004B  }
0xb7: {  	_ =	sfence  }
0xb8: {  	s30 =	sld [smem:$0x0];
	_ =	sdelay $0x2  }
0xb9: {  	s31 =	sshll.u32 s1, $0xD;
	s1 =	sshrl.u32 s1, $0x2  }
0xba: {  	s3 =	sand.u32 $0x4000, s31;
	s1 =	sadd.s32 s1, s30  }
0xbb: {  	s0 =	sor.u32 s3, s0;
	s1 =	sshll.u32 s1, $0x11  }
0xbc: {  	s0 =	sor.u32 s1, s0  }
0xbd: {  	s0 =	sadd.s32 $0x8F2B, s0  }
0xbe: {  	[sflag:s0] =	ssyncadd.remote.s32 $0x1  }
0xbf: {  	_ =	sfence.sel $0xFFFF  }
0xc0: {  	[dreg:$0x0] =	wrdreg $0xFFFFFFFF;
	(pc) =	sbr.abs _section_cstart, $3  }
0xc1: {  	[dreg:$0x1] =	wrdreg $0xFFFFFFFF  }
0xc2: {  	_ =	task.clear_ibuf [dreg:s7], $0x2FFFF;
	_ =	strace $0x9FFFFFFF  }
0xc3: {  	(tm) =	ssettm $0x7FFFFFFF  }
tec
execute0_lowered:
.L_overlay_start_1:
0x0: {  	(tag) =	ssettag $0x1  }
0x1: {  	s2 =	rddreg [dreg:$0x0]  }
0x2: {  	s0 =	srdreg.scid;
	s6 =	rddreg [dreg:$0x1]  }
0x3: {  	s9 =	stileid.u32;
	s3 =	rddreg [dreg:$0x2]  }
0x4: {  	s4 =	simm.s32 $0x0;
	s10 =	simm.s32 $0x880;
	s11 =	simm.s32 $0x100  }
0x5: {  	s13 =	simm.s32 $0x180;
	s14 =	simm.s32 $0x900;
	s15 =	simm.s32 $0x980  }
0x6: {  	s16 =	simm.s32 $0x200;
	[smem:$0x7FF] =	sst s4;
	s23 =	sadd.s32 $0x18600, s6  }
0x7: {  	s17 =	simm.s32 $0x280;
	_ =	strace $0x8000004A;
	[dreg:$0x16] =	wrdreg s23  }
0x8: {  	s18 =	simm.s32 $0xA00;
	s19 =	simm.s32 $0xA80;
	[dreg:$0x6] =	wrdreg s10  }
0x9: {  	s20 =	simm.s32 $0x300;
	s21 =	simm.s32 $0x380;
	[dreg:$0x7] =	wrdreg s11  }
0xa: {  	s28 =	simm.s32 $0xE80;
	s29 =	simm.s32 $0x700;
	[dreg:$0x8] =	wrdreg s13  }
0xb: {  	s30 =	simm.s32 $0x780;
	s5 =	smul.u32 $0x2800, s9;
	[dreg:$0x9] =	wrdreg s14  }
0xc: {  	s31 =	simm.s32 $0xF00;
	s8 =	smul.u32 $0x14000, s9;
	[dreg:$0xa] =	wrdreg s15  }
0xd: {  	s0 =	sand.u32 $0x1, s0;
	s25 =	smul.u32 $0x50000, s9;
	[dreg:$0xb] =	wrdreg s16  }
0xe: {  	s12 =	sshll.u32 s9, $0x6;
	s1 =	smul.u32 $0x28000, s0;
	[dreg:$0xc] =	wrdreg s17  }
0xf: {  	s7 =	smul.u32 $0x140000, s0;
	s0 =	ssub.s32 $0x2, s0;
	[dreg:$0xd] =	wrdreg s18  }
0x10: {  	s10 =	simm.s32 $0x5;
	s11 =	simm.s32 $0x800;
	[dreg:$0xe] =	wrdreg s19  }
0x11: {  	s13 =	simm.s32 $0x1000;
	[dreg:$0xf] =	wrdreg s20;
	s14 =	simm.s32 $0x5000  }
0x12: {  	[dreg:$0x10] =	wrdreg s21;
	s15 =	simm.s32 $0x1;
	s23 =	simm.s32 $0xB80  }
0x13: {  	s16 =	simm.s32 $0x2;
	s17 =	simm.s32 $0x3;
	s18 =	simm.s32 $0x4  }
0x14: {  	s19 =	simm.s32 $0xC80;
	s20 =	simm.s32 $0x500;
	s21 =	simm.s32 $0x580  }
0x15: {  	s24 =	sshrl.u32 s0, $0x1;
	[dreg:$0x12] =	wrdreg s23;
	s23 =	simm.s32 $0xD80  }
0x16: {  	s1 =	sadd.s32 s5, s1;
	s22 =	sadd.s32 s8, s7;
	s0 =	ssub.s32 s0, s24  }
0x17: {  	s8 =	sshrl.u32 s25, $0x2;
	s24 =	simm.s32 $0x400;
	s25 =	simm.s32 $0x480  }
0x18: {  	s1 =	sshrl.u32 s1, $0x3;
	s5 =	sshrl.u32 s22, $0x3;
	[dreg:$0x13] =	wrdreg s24  }
0x19: {  	s7 =	sadd.s32 s8, s3;
	s0 =	smax.u32 s0, $0x1;
	[dreg:$0x14] =	wrdreg s25  }
0x1a: {  	s22 =	simm.s32 $0xB00;
	s1 =	sadd.s32 s1, s6;
	[dreg:$0x19] =	wrdreg s0  }
0x1b: {  	s5 =	sadd.s32 s5, s6;
	s6 =	sor.u32 $0x1C05, s12;
	[dreg:$0x11] =	wrdreg s22  }
0x1c: {  	s24 =	simm.s32 $0x600;
	s7 =	sshrl.u32 s7, $0x3;
	[dreg:$0x17] =	wrdreg s6  }
0x1d: {  	s25 =	simm.s32 $0x680;
	s26 =	sadd.s32 $0x4600, s1;
	[dreg:$0x1a] =	wrdreg s7  }
0x1e: {  	s12 =	simm.s32 $0x80;
	s1 =	sadd.s32 $0xE600, s1;
	[dreg:$0x4] =	wrdreg s26  }
0x1f: {  	s22 =	simm.s32 $0xD00;
	s5 =	sadd.s32 $0x1AE00, s5;
	[dreg:$0x5] =	wrdreg s1  }
0x20: {  	s0 =	simm.s32 $0x0;
	[dreg:$0x18] =	wrdreg s5;
	s26 =	simm.s32 $0xC00  }
0x21: {  	s1 =	simm.s32 $0xF80;
	[dreg:$0x15] =	wrdreg s26;
	s26 =	simm.s32 $0xE00  }
.LBB2_1:
0x22: {  	s5 =	rddreg [dreg:$0x16]  }
0x23: {  	[spmem:s7], [sflag:s6] =	dma.local [hbm:s5], $0x2800  }
0x24: {  	_ =	swait.ge [sflag:s10], $0x2800  }
0x25: {  	[sflag:s10] =	ssyncset.done $0x0  }
0x26: {  	p0 =	por $0x1, $0x1;
	[sflag:s10] =	ssyncadd.s32 $0xFFFFD800  }
0x27: {  	s5 =	simm.s32 @!p0 $0x3;
	[bflag:$0x0] =	sbarrier.arrive $0xFFFF  }
0x28: {  	_ =	swait.ge @!p0 [sflag:s5], $0x4000  }
0x29: {  	[sflag:s5] =	ssyncset.done @!p0 $0x0  }
0x2a: {  	[sflag:s5] =	ssyncadd.s32 @!p0 $0xFFFFC000;
	s5 =	simm.s32 @!p0 $0x4  }
0x2b: {  	_ =	swait.ge @!p0 [sflag:s5], $0x4000  }
0x2c: {  	s6 =	rddreg [dreg:$0x5];
	[sflag:s5] =	ssyncset.done @!p0 $0x0  }
0x2d: {  	[sflag:s5] =	ssyncadd.s32 @!p0 $0xFFFFC000;
	s8 =	sadd.s32 $0x0, s6  }
0x2e: {  	[tilespmem:s4], [sflag:$0x5] =	stream.linear.gather [hbm4b:s8+s4], $0x800, $0x38;
	[tilespmem:$0x1D000] =	vst v63  }
0x2f: {  	_ =	swait.ge [sflag:s10], $0x800  }
0x30: {  	s9 =	rddreg [dreg:$0x4];
	[sflag:s10] =	ssyncset.done $0x0  }
0x31: {  	[sflag:s10] =	ssyncadd.s32 $0xFFFFF800;
	s5 =	sadd.s32 $0x0, s9  }
0x32: {  	[tilespmem:s11], [sflag:$0x5] =	stream.linear.gather [hbm4b:s5+s4], $0x800, $0x38;
	[tilespmem:$0x1D000] =	vst v63  }
0x33: {  	_ =	swait.ge [sflag:s10], $0x800  }
0x34: {  	[sflag:s10] =	ssyncset.done $0x0  }
0x35: {  	[sflag:s10] =	ssyncadd.s32 $0xFFFFF800  }
0x36: {  	[tilespmem:s13], [sflag:$0x1] =	stream.indirect.gather [hbm4b:s2+s12], $0x80, s4, s12, $0xb8;
	[tilespmem:$0x1D000] =	vst v63  }
0x37: {  	_ = 	snop  }
0x38: {  	[tilespmem:s14], [sflag:$0x2] =	stream.indirect.gather [hbm4b:s2+s12], $0x80, s12, s12, $0xb8;
	[tilespmem:$0x1D000] =	vst v63  }
0x39: {  	_ =	swait.ge [sflag:s15], $0x4000  }
0x3a: {  	[sflag:s15] =	ssyncset.done $0x0  }
0x3b: {  	[sflag:s15] =	ssyncadd.s32 $0xFFFFC000  }
0x3c: {  	[spmem:s3] =	stream.indirect.scatter.add.f32 [tilespmem:s13], [sflag:$0x3], $0x80, s11, s12, $0xb8;
	[tilespmem:$0x1D000] =	vst v63  }
0x3d: {  	_ =	swait.ge [sflag:s16], $0x4000  }
0x3e: {  	[sflag:s16] =	ssyncset.done $0x0  }
0x3f: {  	s6 =	rddreg [dreg:$0x6];
	[sflag:s16] =	ssyncadd.s32 $0xFFFFC000  }
0x40: {  	[spmem:s3] =	stream.indirect.scatter.add.f32 [tilespmem:s14], [sflag:$0x4], $0x80, s6, s12, $0xb8;
	[tilespmem:$0x1D000] =	vst v63  }
0x41: {  	_ =	swait.ge [sflag:s17], $0x4000  }
0x42: {  	[sflag:s17] =	ssyncset.done $0x0  }
0x43: {  	[sflag:s17] =	ssyncadd.s32 $0xFFFFC000  }
0x44: {  	_ =	swait.ge [sflag:s18], $0x4000  }
0x45: {  	[sflag:s18] =	ssyncset.done $0x0  }
0x46: {  	s7 =	rddreg [dreg:$0x7];
	[sflag:s18] =	ssyncadd.s32 $0xFFFFC000  }
0x47: {  	[tilespmem:s13], [sflag:$0x1] =	stream.indirect.gather [hbm4b:s2+s12], $0x80, s7, s12, $0xb8;
	[tilespmem:$0x1D000] =	vst v63  }
0x48: {  	s8 =	rddreg [dreg:$0x8]  }
0x49: {  	[tilespmem:s14], [sflag:$0x2] =	stream.indirect.gather [hbm4b:s2+s12], $0x80, s8, s12, $0xb8;
	[tilespmem:$0x1D000] =	vst v63  }
0x4a: {  	_ =	swait.ge [sflag:s15], $0x4000  }
0x4b: {  	[sflag:s15] =	ssyncset.done $0x0  }
0x4c: {  	s9 =	rddreg [dreg:$0x9];
	[sflag:s15] =	ssyncadd.s32 $0xFFFFC000  }
0x4d: {  	[spmem:s3] =	stream.indirect.scatter.add.f32 [tilespmem:s13], [sflag:$0x3], $0x80, s9, s12, $0xb8;
	[tilespmem:$0x1D000] =	vst v63  }
0x4e: {  	_ =	swait.ge [sflag:s16], $0x4000  }
0x4f: {  	[sflag:s16] =	ssyncset.done $0x0  }
0x50: {  	s6 =	rddreg [dreg:$0xa];
	[sflag:s16] =	ssyncadd.s32 $0xFFFFC000  }
0x51: {  	[spmem:s3] =	stream.indirect.scatter.add.f32 [tilespmem:s14], [sflag:$0x4], $0x80, s6, s12, $0xb8;
	[tilespmem:$0x1D000] =	vst v63  }
0x52: {  	_ =	swait.ge [sflag:s17], $0x4000  }
0x53: {  	[sflag:s17] =	ssyncset.done $0x0  }
0x54: {  	[sflag:s17] =	ssyncadd.s32 $0xFFFFC000  }
0x55: {  	_ =	swait.ge [sflag:s18], $0x4000  }
0x56: {  	[sflag:s18] =	ssyncset.done $0x0  }
0x57: {  	s7 =	rddreg [dreg:$0xb];
	[sflag:s18] =	ssyncadd.s32 $0xFFFFC000  }
0x58: {  	[tilespmem:s13], [sflag:$0x1] =	stream.indirect.gather [hbm4b:s2+s12], $0x80, s7, s12, $0xb8;
	[tilespmem:$0x1D000] =	vst v63  }
0x59: {  	s8 =	rddreg [dreg:$0xc]  }
0x5a: {  	[tilespmem:s14], [sflag:$0x2] =	stream.indirect.gather [hbm4b:s2+s12], $0x80, s8, s12, $0xb8;
	[tilespmem:$0x1D000] =	vst v63  }
0x5b: {  	_ =	swait.ge [sflag:s15], $0x4000  }
0x5c: {  	[sflag:s15] =	ssyncset.done $0x0  }
0x5d: {  	s9 =	rddreg [dreg:$0xd];
	[sflag:s15] =	ssyncadd.s32 $0xFFFFC000  }
0x5e: {  	[spmem:s3] =	stream.indirect.scatter.add.f32 [tilespmem:s13], [sflag:$0x3], $0x80, s9, s12, $0xb8;
	[tilespmem:$0x1D000] =	vst v63  }
0x5f: {  	_ =	swait.ge [sflag:s16], $0x4000  }
0x60: {  	[sflag:s16] =	ssyncset.done $0x0  }
0x61: {  	s6 =	rddreg [dreg:$0xe];
	[sflag:s16] =	ssyncadd.s32 $0xFFFFC000  }
0x62: {  	[spmem:s3] =	stream.indirect.scatter.add.f32 [tilespmem:s14], [sflag:$0x4], $0x80, s6, s12, $0xb8;
	[tilespmem:$0x1D000] =	vst v63  }
0x63: {  	_ =	swait.ge [sflag:s17], $0x4000  }
0x64: {  	[sflag:s17] =	ssyncset.done $0x0  }
0x65: {  	[sflag:s17] =	ssyncadd.s32 $0xFFFFC000  }
0x66: {  	_ =	swait.ge [sflag:s18], $0x4000  }
0x67: {  	[sflag:s18] =	ssyncset.done $0x0  }
0x68: {  	s7 =	rddreg [dreg:$0xf];
	[sflag:s18] =	ssyncadd.s32 $0xFFFFC000  }
0x69: {  	[tilespmem:s13], [sflag:$0x1] =	stream.indirect.gather [hbm4b:s2+s12], $0x80, s7, s12, $0xb8;
	[tilespmem:$0x1D000] =	vst v63  }
0x6a: {  	s8 =	rddreg [dreg:$0x10]  }
0x6b: {  	[tilespmem:s14], [sflag:$0x2] =	stream.indirect.gather [hbm4b:s2+s12], $0x80, s8, s12, $0xb8;
	[tilespmem:$0x1D000] =	vst v63  }
0x6c: {  	_ =	swait.ge [sflag:s15], $0x4000  }
0x6d: {  	[sflag:s15] =	ssyncset.done $0x0  }
0x6e: {  	s9 =	rddreg [dreg:$0x11];
	[sflag:s15] =	ssyncadd.s32 $0xFFFFC000  }
0x6f: {  	[spmem:s3] =	stream.indirect.scatter.add.f32 [tilespmem:s13], [sflag:$0x3], $0x80, s9, s12, $0xb8;
	[tilespmem:$0x1D000] =	vst v63  }
0x70: {  	_ =	swait.ge [sflag:s16], $0x4000  }
0x71: {  	[sflag:s16] =	ssyncset.done $0x0  }
0x72: {  	s6 =	rddreg [dreg:$0x12];
	[sflag:s16] =	ssyncadd.s32 $0xFFFFC000  }
0x73: {  	[spmem:s3] =	stream.indirect.scatter.add.f32 [tilespmem:s14], [sflag:$0x4], $0x80, s6, s12, $0xb8;
	[tilespmem:$0x1D000] =	vst v63  }
0x74: {  	_ =	swait.ge [sflag:s17], $0x4000  }
0x75: {  	[sflag:s17] =	ssyncset.done $0x0  }
0x76: {  	[sflag:s17] =	ssyncadd.s32 $0xFFFFC000  }
0x77: {  	_ =	swait.ge [sflag:s18], $0x4000  }
0x78: {  	[sflag:s18] =	ssyncset.done $0x0  }
0x79: {  	s7 =	rddreg [dreg:$0x13];
	[sflag:s18] =	ssyncadd.s32 $0xFFFFC000  }
0x7a: {  	[tilespmem:s13], [sflag:$0x1] =	stream.indirect.gather [hbm4b:s2+s12], $0x80, s7, s12, $0xb8;
	[tilespmem:$0x1D000] =	vst v63  }
0x7b: {  	s8 =	rddreg [dreg:$0x14]  }
0x7c: {  	[tilespmem:s14], [sflag:$0x2] =	stream.indirect.gather [hbm4b:s2+s12], $0x80, s8, s12, $0xb8;
	[tilespmem:$0x1D000] =	vst v63  }
0x7d: {  	_ =	swait.ge [sflag:s15], $0x4000  }
0x7e: {  	[sflag:s15] =	ssyncset.done $0x0  }
0x7f: {  	s9 =	rddreg [dreg:$0x15];
	[sflag:s15] =	ssyncadd.s32 $0xFFFFC000  }
0x80: {  	[spmem:s3] =	stream.indirect.scatter.add.f32 [tilespmem:s13], [sflag:$0x3], $0x80, s9, s12, $0xb8;
	[tilespmem:$0x1D000] =	vst v63  }
0x81: {  	_ =	swait.ge [sflag:s16], $0x4000  }
0x82: {  	[sflag:s16] =	ssyncset.done $0x0  }
0x83: {  	[sflag:s16] =	ssyncadd.s32 $0xFFFFC000  }
0x84: {  	[spmem:s3] =	stream.indirect.scatter.add.f32 [tilespmem:s14], [sflag:$0x4], $0x80, s19, s12, $0xb8;
	[tilespmem:$0x1D000] =	vst v63  }
0x85: {  	_ =	swait.ge [sflag:s17], $0x4000  }
0x86: {  	[sflag:s17] =	ssyncset.done $0x0  }
0x87: {  	[sflag:s17] =	ssyncadd.s32 $0xFFFFC000  }
0x88: {  	_ =	swait.ge [sflag:s18], $0x4000  }
0x89: {  	[sflag:s18] =	ssyncset.done $0x0  }
0x8a: {  	[sflag:s18] =	ssyncadd.s32 $0xFFFFC000  }
0x8b: {  	[tilespmem:s13], [sflag:$0x1] =	stream.indirect.gather [hbm4b:s2+s12], $0x80, s20, s12, $0xb8;
	[tilespmem:$0x1D000] =	vst v63  }
0x8c: {  	_ = 	snop  }
0x8d: {  	[tilespmem:s14], [sflag:$0x2] =	stream.indirect.gather [hbm4b:s2+s12], $0x80, s21, s12, $0xb8;
	[tilespmem:$0x1D000] =	vst v63  }
0x8e: {  	_ =	swait.ge [sflag:s15], $0x4000  }
0x8f: {  	[sflag:s15] =	ssyncset.done $0x0  }
0x90: {  	[sflag:s15] =	ssyncadd.s32 $0xFFFFC000  }
0x91: {  	[spmem:s3] =	stream.indirect.scatter.add.f32 [tilespmem:s13], [sflag:$0x3], $0x80, s22, s12, $0xb8;
	[tilespmem:$0x1D000] =	vst v63  }
0x92: {  	_ =	swait.ge [sflag:s16], $0x4000  }
0x93: {  	[sflag:s16] =	ssyncset.done $0x0  }
0x94: {  	[sflag:s16] =	ssyncadd.s32 $0xFFFFC000  }
0x95: {  	[spmem:s3] =	stream.indirect.scatter.add.f32 [tilespmem:s14], [sflag:$0x4], $0x80, s23, s12, $0xb8;
	[tilespmem:$0x1D000] =	vst v63  }
0x96: {  	_ =	swait.ge [sflag:s17], $0x4000  }
0x97: {  	[sflag:s17] =	ssyncset.done $0x0  }
0x98: {  	[sflag:s17] =	ssyncadd.s32 $0xFFFFC000  }
0x99: {  	_ =	swait.ge [sflag:s18], $0x4000  }
0x9a: {  	[sflag:s18] =	ssyncset.done $0x0  }
0x9b: {  	[sflag:s18] =	ssyncadd.s32 $0xFFFFC000  }
0x9c: {  	[tilespmem:s13], [sflag:$0x1] =	stream.indirect.gather [hbm4b:s2+s12], $0x80, s24, s12, $0xb8;
	[tilespmem:$0x1D000] =	vst v63  }
0x9d: {  	_ = 	snop  }
0x9e: {  	[tilespmem:s14], [sflag:$0x2] =	stream.indirect.gather [hbm4b:s2+s12], $0x80, s25, s12, $0xb8;
	[tilespmem:$0x1D000] =	vst v63  }
0x9f: {  	_ =	swait.ge [sflag:s15], $0x4000  }
0xa0: {  	[sflag:s15] =	ssyncset.done $0x0  }
0xa1: {  	[sflag:s15] =	ssyncadd.s32 $0xFFFFC000  }
0xa2: {  	[spmem:s3] =	stream.indirect.scatter.add.f32 [tilespmem:s13], [sflag:$0x3], $0x80, s26, s12, $0xb8;
	[tilespmem:$0x1D000] =	vst v63  }
0xa3: {  	_ =	swait.ge [sflag:s16], $0x4000  }
0xa4: {  	[sflag:s16] =	ssyncset.done $0x0  }
0xa5: {  	[sflag:s16] =	ssyncadd.s32 $0xFFFFC000  }
0xa6: {  	[spmem:s3] =	stream.indirect.scatter.add.f32 [tilespmem:s14], [sflag:$0x4], $0x80, s28, s12, $0xb8;
	[tilespmem:$0x1D000] =	vst v63  }
0xa7: {  	_ =	swait.ge [sflag:s17], $0x4000  }
0xa8: {  	[sflag:s17] =	ssyncset.done $0x0  }
0xa9: {  	[sflag:s17] =	ssyncadd.s32 $0xFFFFC000  }
0xaa: {  	_ =	swait.ge [sflag:s18], $0x4000  }
0xab: {  	[sflag:s18] =	ssyncset.done $0x0  }
0xac: {  	[sflag:s18] =	ssyncadd.s32 $0xFFFFC000  }
0xad: {  	[tilespmem:s13], [sflag:$0x1] =	stream.indirect.gather [hbm4b:s2+s12], $0x80, s29, s12, $0xb8;
	[tilespmem:$0x1D000] =	vst v63  }
0xae: {  	_ = 	snop  }
0xaf: {  	[tilespmem:s14], [sflag:$0x2] =	stream.indirect.gather [hbm4b:s2+s12], $0x80, s30, s12, $0xb8;
	[tilespmem:$0x1D000] =	vst v63  }
0xb0: {  	_ =	swait.ge [sflag:s15], $0x4000  }
0xb1: {  	[sflag:s15] =	ssyncset.done $0x0  }
0xb2: {  	[sflag:s15] =	ssyncadd.s32 $0xFFFFC000  }
0xb3: {  	[spmem:s3] =	stream.indirect.scatter.add.f32 [tilespmem:s13], [sflag:$0x3], $0x80, s31, s12, $0xb8;
	[tilespmem:$0x1D000] =	vst v63  }
0xb4: {  	p1 =	por $0x0, $0x0;
	_ =	swait.ge [sflag:s16], $0x4000  }
0xb5: {  	s5 =	simm.s32 $0x100;
	s7 =	simm.s32 $0x200;
	[sflag:s16] =	ssyncset.done $0x0  }
.LBB2_2:
0xb6: {  	s8 =	simm.s32 @!p1 $0x3;
	[sflag:s16] =	ssyncadd.s32 $0xFFFFC000  }
0xb7: {  	[spmem:s3] =	stream.indirect.scatter.add.f32 [tilespmem:s14], [sflag:$0x4], $0x80, s1, s12, $0xb8;
	[tilespmem:$0x1D000] =	vst v63  }
0xb8: {  	_ =	swait.ge @!p1 [sflag:s8], $0x4000  }
0xb9: {  	[sflag:s8] =	ssyncset.done @!p1 $0x0  }
0xba: {  	[sflag:s8] =	ssyncadd.s32 @!p1 $0xFFFFC000;
	s8 =	simm.s32 @!p1 $0x4  }
0xbb: {  	_ =	swait.ge @!p1 [sflag:s8], $0x4000  }
0xbc: {  	[sflag:s8] =	ssyncset.done @!p1 $0x0;
	s9 =	rddreg [dreg:$0x5]  }
0xbd: {  	[sflag:s8] =	ssyncadd.s32 @!p1 $0xFFFFC000;
	s9 =	sadd.s32 s5, s9  }
0xbe: {  	[tilespmem:s4], [sflag:$0x5] =	stream.linear.gather [hbm4b:s9+s4], $0x800, $0x38;
	[tilespmem:$0x1D000] =	vst v63  }
0xbf: {  	_ =	swait.ge [sflag:s10], $0x800  }
0xc0: {  	s9 =	rddreg [dreg:$0x4];
	[sflag:s10] =	ssyncset.done $0x0  }
0xc1: {  	[sflag:s10] =	ssyncadd.s32 $0xFFFFF800;
	s8 =	sadd.s32 s5, s9  }
0xc2: {  	[tilespmem:s11], [sflag:$0x5] =	stream.linear.gather [hbm4b:s8+s4], $0x800, $0x38;
	[tilespmem:$0x1D000] =	vst v63  }
0xc3: {  	_ =	swait.ge [sflag:s10], $0x800  }
0xc4: {  	[sflag:s10] =	ssyncset.done $0x0  }
0xc5: {  	[sflag:s10] =	ssyncadd.s32 $0xFFFFF800  }
0xc6: {  	[tilespmem:s13], [sflag:$0x1] =	stream.indirect.gather [hbm4b:s2+s12], $0x80, s4, s12, $0xb8;
	[tilespmem:$0x1D000] =	vst v63  }
0xc7: {  	_ = 	snop  }
0xc8: {  	[tilespmem:s14], [sflag:$0x2] =	stream.indirect.gather [hbm4b:s2+s12], $0x80, s12, s12, $0xb8;
	[tilespmem:$0x1D000] =	vst v63  }
0xc9: {  	_ =	swait.ge [sflag:s15], $0x4000  }
0xca: {  	[sflag:s15] =	ssyncset.done $0x0  }
0xcb: {  	[sflag:s15] =	ssyncadd.s32 $0xFFFFC000  }
0xcc: {  	[spmem:s3] =	stream.indirect.scatter.add.f32 [tilespmem:s13], [sflag:$0x3], $0x80, s11, s12, $0xb8;
	[tilespmem:$0x1D000] =	vst v63  }
0xcd: {  	_ =	swait.ge [sflag:s16], $0x4000  }
0xce: {  	[sflag:s16] =	ssyncset.done $0x0  }
0xcf: {  	s9 =	rddreg [dreg:$0x6];
	[sflag:s16] =	ssyncadd.s32 $0xFFFFC000  }
0xd0: {  	[spmem:s3] =	stream.indirect.scatter.add.f32 [tilespmem:s14], [sflag:$0x4], $0x80, s9, s12, $0xb8;
	[tilespmem:$0x1D000] =	vst v63  }
0xd1: {  	_ =	swait.ge [sflag:s17], $0x4000  }
0xd2: {  	[sflag:s17] =	ssyncset.done $0x0  }
0xd3: {  	[sflag:s17] =	ssyncadd.s32 $0xFFFFC000  }
0xd4: {  	_ =	swait.ge [sflag:s18], $0x4000  }
0xd5: {  	[sflag:s18] =	ssyncset.done $0x0  }
0xd6: {  	s8 =	rddreg [dreg:$0x7];
	[sflag:s18] =	ssyncadd.s32 $0xFFFFC000  }
0xd7: {  	[tilespmem:s13], [sflag:$0x1] =	stream.indirect.gather [hbm4b:s2+s12], $0x80, s8, s12, $0xb8;
	[tilespmem:$0x1D000] =	vst v63  }
0xd8: {  	s9 =	rddreg [dreg:$0x8]  }
0xd9: {  	[tilespmem:s14], [sflag:$0x2] =	stream.indirect.gather [hbm4b:s2+s12], $0x80, s9, s12, $0xb8;
	[tilespmem:$0x1D000] =	vst v63  }
0xda: {  	_ =	swait.ge [sflag:s15], $0x4000  }
0xdb: {  	[sflag:s15] =	ssyncset.done $0x0  }
0xdc: {  	s8 =	rddreg [dreg:$0x9];
	[sflag:s15] =	ssyncadd.s32 $0xFFFFC000  }
0xdd: {  	[spmem:s3] =	stream.indirect.scatter.add.f32 [tilespmem:s13], [sflag:$0x3], $0x80, s8, s12, $0xb8;
	[tilespmem:$0x1D000] =	vst v63  }
0xde: {  	_ =	swait.ge [sflag:s16], $0x4000  }
0xdf: {  	[sflag:s16] =	ssyncset.done $0x0  }
0xe0: {  	s9 =	rddreg [dreg:$0xa];
	[sflag:s16] =	ssyncadd.s32 $0xFFFFC000  }
0xe1: {  	[spmem:s3] =	stream.indirect.scatter.add.f32 [tilespmem:s14], [sflag:$0x4], $0x80, s9, s12, $0xb8;
	[tilespmem:$0x1D000] =	vst v63  }
0xe2: {  	_ =	swait.ge [sflag:s17], $0x4000  }
0xe3: {  	[sflag:s17] =	ssyncset.done $0x0  }
0xe4: {  	[sflag:s17] =	ssyncadd.s32 $0xFFFFC000  }
0xe5: {  	_ =	swait.ge [sflag:s18], $0x4000  }
0xe6: {  	[sflag:s18] =	ssyncset.done $0x0  }
0xe7: {  	s8 =	rddreg [dreg:$0xb];
	[sflag:s18] =	ssyncadd.s32 $0xFFFFC000  }
0xe8: {  	[tilespmem:s13], [sflag:$0x1] =	stream.indirect.gather [hbm4b:s2+s12], $0x80, s8, s12, $0xb8;
	[tilespmem:$0x1D000] =	vst v63  }
0xe9: {  	s9 =	rddreg [dreg:$0xc]  }
0xea: {  	[tilespmem:s14], [sflag:$0x2] =	stream.indirect.gather [hbm4b:s2+s12], $0x80, s9, s12, $0xb8;
	[tilespmem:$0x1D000] =	vst v63  }
0xeb: {  	_ =	swait.ge [sflag:s15], $0x4000  }
0xec: {  	[sflag:s15] =	ssyncset.done $0x0  }
0xed: {  	s8 =	rddreg [dreg:$0xd];
	[sflag:s15] =	ssyncadd.s32 $0xFFFFC000  }
0xee: {  	[spmem:s3] =	stream.indirect.scatter.add.f32 [tilespmem:s13], [sflag:$0x3], $0x80, s8, s12, $0xb8;
	[tilespmem:$0x1D000] =	vst v63  }
0xef: {  	_ =	swait.ge [sflag:s16], $0x4000  }
0xf0: {  	[sflag:s16] =	ssyncset.done $0x0  }
0xf1: {  	s9 =	rddreg [dreg:$0xe];
	[sflag:s16] =	ssyncadd.s32 $0xFFFFC000  }
0xf2: {  	[spmem:s3] =	stream.indirect.scatter.add.f32 [tilespmem:s14], [sflag:$0x4], $0x80, s9, s12, $0xb8;
	[tilespmem:$0x1D000] =	vst v63  }
0xf3: {  	_ =	swait.ge [sflag:s17], $0x4000  }
0xf4: {  	[sflag:s17] =	ssyncset.done $0x0  }
0xf5: {  	[sflag:s17] =	ssyncadd.s32 $0xFFFFC000  }
0xf6: {  	_ =	swait.ge [sflag:s18], $0x4000  }
0xf7: {  	[sflag:s18] =	ssyncset.done $0x0  }
0xf8: {  	s8 =	rddreg [dreg:$0xf];
	[sflag:s18] =	ssyncadd.s32 $0xFFFFC000  }
0xf9: {  	[tilespmem:s13], [sflag:$0x1] =	stream.indirect.gather [hbm4b:s2+s12], $0x80, s8, s12, $0xb8;
	[tilespmem:$0x1D000] =	vst v63  }
0xfa: {  	s9 =	rddreg [dreg:$0x10]  }
0xfb: {  	[tilespmem:s14], [sflag:$0x2] =	stream.indirect.gather [hbm4b:s2+s12], $0x80, s9, s12, $0xb8;
	[tilespmem:$0x1D000] =	vst v63  }
0xfc: {  	_ =	swait.ge [sflag:s15], $0x4000  }
0xfd: {  	[sflag:s15] =	ssyncset.done $0x0  }
0xfe: {  	s8 =	rddreg [dreg:$0x11];
	[sflag:s15] =	ssyncadd.s32 $0xFFFFC000  }
0xff: {  	[spmem:s3] =	stream.indirect.scatter.add.f32 [tilespmem:s13], [sflag:$0x3], $0x80, s8, s12, $0xb8;
	[tilespmem:$0x1D000] =	vst v63  }
0x100: {  	_ =	swait.ge [sflag:s16], $0x4000  }
0x101: {  	[sflag:s16] =	ssyncset.done $0x0  }
0x102: {  	s9 =	rddreg [dreg:$0x12];
	[sflag:s16] =	ssyncadd.s32 $0xFFFFC000  }
0x103: {  	[spmem:s3] =	stream.indirect.scatter.add.f32 [tilespmem:s14], [sflag:$0x4], $0x80, s9, s12, $0xb8;
	[tilespmem:$0x1D000] =	vst v63  }
0x104: {  	_ =	swait.ge [sflag:s17], $0x4000  }
0x105: {  	[sflag:s17] =	ssyncset.done $0x0  }
0x106: {  	[sflag:s17] =	ssyncadd.s32 $0xFFFFC000  }
0x107: {  	_ =	swait.ge [sflag:s18], $0x4000  }
0x108: {  	[sflag:s18] =	ssyncset.done $0x0  }
0x109: {  	s8 =	rddreg [dreg:$0x13];
	[sflag:s18] =	ssyncadd.s32 $0xFFFFC000  }
0x10a: {  	[tilespmem:s13], [sflag:$0x1] =	stream.indirect.gather [hbm4b:s2+s12], $0x80, s8, s12, $0xb8;
	[tilespmem:$0x1D000] =	vst v63  }
0x10b: {  	s9 =	rddreg [dreg:$0x14]  }
0x10c: {  	[tilespmem:s14], [sflag:$0x2] =	stream.indirect.gather [hbm4b:s2+s12], $0x80, s9, s12, $0xb8;
	[tilespmem:$0x1D000] =	vst v63  }
0x10d: {  	_ =	swait.ge [sflag:s15], $0x4000  }
0x10e: {  	[sflag:s15] =	ssyncset.done $0x0  }
0x10f: {  	s9 =	rddreg [dreg:$0x15];
	[sflag:s15] =	ssyncadd.s32 $0xFFFFC000  }
0x110: {  	[spmem:s3] =	stream.indirect.scatter.add.f32 [tilespmem:s13], [sflag:$0x3], $0x80, s9, s12, $0xb8;
	[tilespmem:$0x1D000] =	vst v63  }
0x111: {  	_ =	swait.ge [sflag:s16], $0x4000  }
0x112: {  	[sflag:s16] =	ssyncset.done $0x0  }
0x113: {  	[sflag:s16] =	ssyncadd.s32 $0xFFFFC000  }
0x114: {  	[spmem:s3] =	stream.indirect.scatter.add.f32 [tilespmem:s14], [sflag:$0x4], $0x80, s19, s12, $0xb8;
	[tilespmem:$0x1D000] =	vst v63  }
0x115: {  	_ =	swait.ge [sflag:s17], $0x4000  }
0x116: {  	[sflag:s17] =	ssyncset.done $0x0  }
0x117: {  	[sflag:s17] =	ssyncadd.s32 $0xFFFFC000  }
0x118: {  	_ =	swait.ge [sflag:s18], $0x4000  }
0x119: {  	[sflag:s18] =	ssyncset.done $0x0  }
0x11a: {  	[sflag:s18] =	ssyncadd.s32 $0xFFFFC000  }
0x11b: {  	[tilespmem:s13], [sflag:$0x1] =	stream.indirect.gather [hbm4b:s2+s12], $0x80, s20, s12, $0xb8;
	[tilespmem:$0x1D000] =	vst v63  }
0x11c: {  	_ = 	snop  }
0x11d: {  	[tilespmem:s14], [sflag:$0x2] =	stream.indirect.gather [hbm4b:s2+s12], $0x80, s21, s12, $0xb8;
	[tilespmem:$0x1D000] =	vst v63  }
0x11e: {  	_ =	swait.ge [sflag:s15], $0x4000  }
0x11f: {  	[sflag:s15] =	ssyncset.done $0x0  }
0x120: {  	[sflag:s15] =	ssyncadd.s32 $0xFFFFC000  }
0x121: {  	[spmem:s3] =	stream.indirect.scatter.add.f32 [tilespmem:s13], [sflag:$0x3], $0x80, s22, s12, $0xb8;
	[tilespmem:$0x1D000] =	vst v63  }
0x122: {  	_ =	swait.ge [sflag:s16], $0x4000  }
0x123: {  	[sflag:s16] =	ssyncset.done $0x0  }
0x124: {  	[sflag:s16] =	ssyncadd.s32 $0xFFFFC000  }
0x125: {  	[spmem:s3] =	stream.indirect.scatter.add.f32 [tilespmem:s14], [sflag:$0x4], $0x80, s23, s12, $0xb8;
	[tilespmem:$0x1D000] =	vst v63  }
0x126: {  	_ =	swait.ge [sflag:s17], $0x4000  }
0x127: {  	[sflag:s17] =	ssyncset.done $0x0  }
0x128: {  	[sflag:s17] =	ssyncadd.s32 $0xFFFFC000  }
0x129: {  	_ =	swait.ge [sflag:s18], $0x4000  }
0x12a: {  	[sflag:s18] =	ssyncset.done $0x0  }
0x12b: {  	[sflag:s18] =	ssyncadd.s32 $0xFFFFC000  }
0x12c: {  	[tilespmem:s13], [sflag:$0x1] =	stream.indirect.gather [hbm4b:s2+s12], $0x80, s24, s12, $0xb8;
	[tilespmem:$0x1D000] =	vst v63  }
0x12d: {  	_ = 	snop  }
0x12e: {  	[tilespmem:s14], [sflag:$0x2] =	stream.indirect.gather [hbm4b:s2+s12], $0x80, s25, s12, $0xb8;
	[tilespmem:$0x1D000] =	vst v63  }
0x12f: {  	_ =	swait.ge [sflag:s15], $0x4000  }
0x130: {  	[sflag:s15] =	ssyncset.done $0x0  }
0x131: {  	[sflag:s15] =	ssyncadd.s32 $0xFFFFC000  }
0x132: {  	[spmem:s3] =	stream.indirect.scatter.add.f32 [tilespmem:s13], [sflag:$0x3], $0x80, s26, s12, $0xb8;
	[tilespmem:$0x1D000] =	vst v63  }
0x133: {  	_ =	swait.ge [sflag:s16], $0x4000  }
0x134: {  	[sflag:s16] =	ssyncset.done $0x0  }
0x135: {  	[sflag:s16] =	ssyncadd.s32 $0xFFFFC000  }
0x136: {  	[spmem:s3] =	stream.indirect.scatter.add.f32 [tilespmem:s14], [sflag:$0x4], $0x80, s28, s12, $0xb8;
	[tilespmem:$0x1D000] =	vst v63  }
0x137: {  	_ =	swait.ge [sflag:s17], $0x4000  }
0x138: {  	[sflag:s17] =	ssyncset.done $0x0  }
0x139: {  	[sflag:s17] =	ssyncadd.s32 $0xFFFFC000  }
0x13a: {  	_ =	swait.ge [sflag:s18], $0x4000  }
0x13b: {  	[sflag:s18] =	ssyncset.done $0x0  }
0x13c: {  	[sflag:s18] =	ssyncadd.s32 $0xFFFFC000  }
0x13d: {  	[tilespmem:s13], [sflag:$0x1] =	stream.indirect.gather [hbm4b:s2+s12], $0x80, s29, s12, $0xb8;
	[tilespmem:$0x1D000] =	vst v63  }
0x13e: {  	s6 =	smov.u32 s7;
	s7 =	sadd.s32 $0x100, s7  }
0x13f: {  	[tilespmem:s14], [sflag:$0x2] =	stream.indirect.gather [hbm4b:s2+s12], $0x80, s30, s12, $0xb8;
	[tilespmem:$0x1D000] =	vst v63  }
0x140: {  	p0 =	sne.s32 s7, $0x500;
	_ =	swait.ge [sflag:s15], $0x4000  }
.Ltmp0:
0x141: {  	[sflag:s15] =	ssyncset.done $0x0;
	(pc) =	sbr.rel @p0 .LBB2_2-.Ltmp0, $4  }
0x142: {  	[sflag:s15] =	ssyncadd.s32 $0xFFFFC000  }
0x143: {  	[spmem:s3] =	stream.indirect.scatter.add.f32 [tilespmem:s13], [sflag:$0x3], $0x80, s31, s12, $0xb8;
	[tilespmem:$0x1D000] =	vst v63  }
0x144: {  	s5 =	smov.u32 s6;
	_ =	swait.ge [sflag:s16], $0x4000  }
0x145: {  	p1 =	seq.s32 s5, $0x0;
	[sflag:s16] =	ssyncset.done $0x0  }
0x146: {  	s6 =	simm.s32 @!p1 $0x3;
	[sflag:s16] =	ssyncadd.s32 $0xFFFFC000  }
0x147: {  	[spmem:s3] =	stream.indirect.scatter.add.f32 [tilespmem:s14], [sflag:$0x4], $0x80, s1, s12, $0xb8;
	[tilespmem:$0x1D000] =	vst v63  }
0x148: {  	_ =	swait.ge @!p1 [sflag:s6], $0x4000  }
0x149: {  	[sflag:s6] =	ssyncset.done @!p1 $0x0  }
0x14a: {  	[sflag:s6] =	ssyncadd.s32 @!p1 $0xFFFFC000;
	s6 =	simm.s32 @!p1 $0x4  }
0x14b: {  	_ =	swait.ge @!p1 [sflag:s6], $0x4000  }
0x14c: {  	s7 =	rddreg [dreg:$0x5];
	[sflag:s6] =	ssyncset.done @!p1 $0x0  }
0x14d: {  	[sflag:s6] =	ssyncadd.s32 @!p1 $0xFFFFC000;
	s8 =	sadd.s32 s5, s7  }
0x14e: {  	[tilespmem:s4], [sflag:$0x5] =	stream.linear.gather [hbm4b:s8+s4], $0x800, $0x38;
	[tilespmem:$0x1D000] =	vst v63  }
0x14f: {  	_ =	swait.ge [sflag:s10], $0x800  }
0x150: {  	s9 =	rddreg [dreg:$0x4];
	[sflag:s10] =	ssyncset.done $0x0  }
0x151: {  	[sflag:s10] =	ssyncadd.s32 $0xFFFFF800;
	s6 =	sadd.s32 s5, s9  }
0x152: {  	[tilespmem:s11], [sflag:$0x5] =	stream.linear.gather [hbm4b:s6+s4], $0x800, $0x38;
	[tilespmem:$0x1D000] =	vst v63  }
0x153: {  	_ =	swait.ge [sflag:s10], $0x800  }
0x154: {  	[sflag:s10] =	ssyncset.done $0x0  }
0x155: {  	[sflag:s10] =	ssyncadd.s32 $0xFFFFF800  }
0x156: {  	[tilespmem:s13], [sflag:$0x1] =	stream.indirect.gather [hbm4b:s2+s12], $0x80, s4, s12, $0xb8;
	[tilespmem:$0x1D000] =	vst v63  }
0x157: {  	_ = 	snop  }
0x158: {  	[tilespmem:s14], [sflag:$0x2] =	stream.indirect.gather [hbm4b:s2+s12], $0x80, s12, s12, $0xb8;
	[tilespmem:$0x1D000] =	vst v63  }
0x159: {  	_ =	swait.ge [sflag:s15], $0x4000  }
0x15a: {  	[sflag:s15] =	ssyncset.done $0x0  }
0x15b: {  	[sflag:s15] =	ssyncadd.s32 $0xFFFFC000  }
0x15c: {  	[spmem:s3] =	stream.indirect.scatter.add.f32 [tilespmem:s13], [sflag:$0x3], $0x80, s11, s12, $0xb8;
	[tilespmem:$0x1D000] =	vst v63  }
0x15d: {  	_ =	swait.ge [sflag:s16], $0x4000  }
0x15e: {  	[sflag:s16] =	ssyncset.done $0x0  }
0x15f: {  	s7 =	rddreg [dreg:$0x6];
	[sflag:s16] =	ssyncadd.s32 $0xFFFFC000  }
0x160: {  	[spmem:s3] =	stream.indirect.scatter.add.f32 [tilespmem:s14], [sflag:$0x4], $0x80, s7, s12, $0xb8;
	[tilespmem:$0x1D000] =	vst v63  }
0x161: {  	_ =	swait.ge [sflag:s17], $0x4000  }
0x162: {  	[sflag:s17] =	ssyncset.done $0x0  }
0x163: {  	[sflag:s17] =	ssyncadd.s32 $0xFFFFC000  }
0x164: {  	_ =	swait.ge [sflag:s18], $0x4000  }
0x165: {  	[sflag:s18] =	ssyncset.done $0x0  }
0x166: {  	s8 =	rddreg [dreg:$0x7];
	[sflag:s18] =	ssyncadd.s32 $0xFFFFC000  }
0x167: {  	[tilespmem:s13], [sflag:$0x1] =	stream.indirect.gather [hbm4b:s2+s12], $0x80, s8, s12, $0xb8;
	[tilespmem:$0x1D000] =	vst v63  }
0x168: {  	s9 =	rddreg [dreg:$0x8]  }
0x169: {  	[tilespmem:s14], [sflag:$0x2] =	stream.indirect.gather [hbm4b:s2+s12], $0x80, s9, s12, $0xb8;
	[tilespmem:$0x1D000] =	vst v63  }
0x16a: {  	_ =	swait.ge [sflag:s15], $0x4000  }
0x16b: {  	[sflag:s15] =	ssyncset.done $0x0  }
0x16c: {  	s6 =	rddreg [dreg:$0x9];
	[sflag:s15] =	ssyncadd.s32 $0xFFFFC000  }
0x16d: {  	[spmem:s3] =	stream.indirect.scatter.add.f32 [tilespmem:s13], [sflag:$0x3], $0x80, s6, s12, $0xb8;
	[tilespmem:$0x1D000] =	vst v63  }
0x16e: {  	_ =	swait.ge [sflag:s16], $0x4000  }
0x16f: {  	[sflag:s16] =	ssyncset.done $0x0  }
0x170: {  	s7 =	rddreg [dreg:$0xa];
	[sflag:s16] =	ssyncadd.s32 $0xFFFFC000  }
0x171: {  	[spmem:s3] =	stream.indirect.scatter.add.f32 [tilespmem:s14], [sflag:$0x4], $0x80, s7, s12, $0xb8;
	[tilespmem:$0x1D000] =	vst v63  }
0x172: {  	_ =	swait.ge [sflag:s17], $0x4000  }
0x173: {  	[sflag:s17] =	ssyncset.done $0x0  }
0x174: {  	[sflag:s17] =	ssyncadd.s32 $0xFFFFC000  }
0x175: {  	_ =	swait.ge [sflag:s18], $0x4000  }
0x176: {  	[sflag:s18] =	ssyncset.done $0x0  }
0x177: {  	s8 =	rddreg [dreg:$0xb];
	[sflag:s18] =	ssyncadd.s32 $0xFFFFC000  }
0x178: {  	[tilespmem:s13], [sflag:$0x1] =	stream.indirect.gather [hbm4b:s2+s12], $0x80, s8, s12, $0xb8;
	[tilespmem:$0x1D000] =	vst v63  }
0x179: {  	s9 =	rddreg [dreg:$0xc]  }
0x17a: {  	[tilespmem:s14], [sflag:$0x2] =	stream.indirect.gather [hbm4b:s2+s12], $0x80, s9, s12, $0xb8;
	[tilespmem:$0x1D000] =	vst v63  }
0x17b: {  	_ =	swait.ge [sflag:s15], $0x4000  }
0x17c: {  	[sflag:s15] =	ssyncset.done $0x0  }
0x17d: {  	s6 =	rddreg [dreg:$0xd];
	[sflag:s15] =	ssyncadd.s32 $0xFFFFC000  }
0x17e: {  	[spmem:s3] =	stream.indirect.scatter.add.f32 [tilespmem:s13], [sflag:$0x3], $0x80, s6, s12, $0xb8;
	[tilespmem:$0x1D000] =	vst v63  }
0x17f: {  	_ =	swait.ge [sflag:s16], $0x4000  }
0x180: {  	[sflag:s16] =	ssyncset.done $0x0  }
0x181: {  	s7 =	rddreg [dreg:$0xe];
	[sflag:s16] =	ssyncadd.s32 $0xFFFFC000  }
0x182: {  	[spmem:s3] =	stream.indirect.scatter.add.f32 [tilespmem:s14], [sflag:$0x4], $0x80, s7, s12, $0xb8;
	[tilespmem:$0x1D000] =	vst v63  }
0x183: {  	_ =	swait.ge [sflag:s17], $0x4000  }
0x184: {  	[sflag:s17] =	ssyncset.done $0x0  }
0x185: {  	[sflag:s17] =	ssyncadd.s32 $0xFFFFC000  }
0x186: {  	_ =	swait.ge [sflag:s18], $0x4000  }
0x187: {  	[sflag:s18] =	ssyncset.done $0x0  }
0x188: {  	s8 =	rddreg [dreg:$0xf];
	[sflag:s18] =	ssyncadd.s32 $0xFFFFC000  }
0x189: {  	[tilespmem:s13], [sflag:$0x1] =	stream.indirect.gather [hbm4b:s2+s12], $0x80, s8, s12, $0xb8;
	[tilespmem:$0x1D000] =	vst v63  }
0x18a: {  	s9 =	rddreg [dreg:$0x10]  }
0x18b: {  	[tilespmem:s14], [sflag:$0x2] =	stream.indirect.gather [hbm4b:s2+s12], $0x80, s9, s12, $0xb8;
	[tilespmem:$0x1D000] =	vst v63  }
0x18c: {  	_ =	swait.ge [sflag:s15], $0x4000  }
0x18d: {  	[sflag:s15] =	ssyncset.done $0x0  }
0x18e: {  	s6 =	rddreg [dreg:$0x11];
	[sflag:s15] =	ssyncadd.s32 $0xFFFFC000  }
0x18f: {  	[spmem:s3] =	stream.indirect.scatter.add.f32 [tilespmem:s13], [sflag:$0x3], $0x80, s6, s12, $0xb8;
	[tilespmem:$0x1D000] =	vst v63  }
0x190: {  	_ =	swait.ge [sflag:s16], $0x4000  }
0x191: {  	[sflag:s16] =	ssyncset.done $0x0  }
0x192: {  	s7 =	rddreg [dreg:$0x12];
	[sflag:s16] =	ssyncadd.s32 $0xFFFFC000  }
0x193: {  	[spmem:s3] =	stream.indirect.scatter.add.f32 [tilespmem:s14], [sflag:$0x4], $0x80, s7, s12, $0xb8;
	[tilespmem:$0x1D000] =	vst v63  }
0x194: {  	_ =	swait.ge [sflag:s17], $0x4000  }
0x195: {  	[sflag:s17] =	ssyncset.done $0x0  }
0x196: {  	[sflag:s17] =	ssyncadd.s32 $0xFFFFC000  }
0x197: {  	_ =	swait.ge [sflag:s18], $0x4000  }
0x198: {  	[sflag:s18] =	ssyncset.done $0x0  }
0x199: {  	s8 =	rddreg [dreg:$0x13];
	[sflag:s18] =	ssyncadd.s32 $0xFFFFC000  }
0x19a: {  	[tilespmem:s13], [sflag:$0x1] =	stream.indirect.gather [hbm4b:s2+s12], $0x80, s8, s12, $0xb8;
	[tilespmem:$0x1D000] =	vst v63  }
0x19b: {  	s9 =	rddreg [dreg:$0x14]  }
0x19c: {  	[tilespmem:s14], [sflag:$0x2] =	stream.indirect.gather [hbm4b:s2+s12], $0x80, s9, s12, $0xb8;
	[tilespmem:$0x1D000] =	vst v63  }
0x19d: {  	_ =	swait.ge [sflag:s15], $0x4000  }
0x19e: {  	[sflag:s15] =	ssyncset.done $0x0  }
0x19f: {  	s7 =	rddreg [dreg:$0x15];
	[sflag:s15] =	ssyncadd.s32 $0xFFFFC000  }
0x1a0: {  	[spmem:s3] =	stream.indirect.scatter.add.f32 [tilespmem:s13], [sflag:$0x3], $0x80, s7, s12, $0xb8;
	[tilespmem:$0x1D000] =	vst v63  }
0x1a1: {  	_ =	swait.ge [sflag:s16], $0x4000  }
0x1a2: {  	[sflag:s16] =	ssyncset.done $0x0  }
0x1a3: {  	[sflag:s16] =	ssyncadd.s32 $0xFFFFC000  }
0x1a4: {  	[spmem:s3] =	stream.indirect.scatter.add.f32 [tilespmem:s14], [sflag:$0x4], $0x80, s19, s12, $0xb8;
	[tilespmem:$0x1D000] =	vst v63  }
0x1a5: {  	_ =	swait.ge [sflag:s17], $0x4000  }
0x1a6: {  	[sflag:s17] =	ssyncset.done $0x0  }
0x1a7: {  	[sflag:s17] =	ssyncadd.s32 $0xFFFFC000  }
0x1a8: {  	_ =	swait.ge [sflag:s18], $0x4000  }
0x1a9: {  	[sflag:s18] =	ssyncset.done $0x0  }
0x1aa: {  	[sflag:s18] =	ssyncadd.s32 $0xFFFFC000  }
0x1ab: {  	[tilespmem:s13], [sflag:$0x1] =	stream.indirect.gather [hbm4b:s2+s12], $0x80, s20, s12, $0xb8;
	[tilespmem:$0x1D000] =	vst v63  }
0x1ac: {  	_ = 	snop  }
0x1ad: {  	[tilespmem:s14], [sflag:$0x2] =	stream.indirect.gather [hbm4b:s2+s12], $0x80, s21, s12, $0xb8;
	[tilespmem:$0x1D000] =	vst v63  }
0x1ae: {  	_ =	swait.ge [sflag:s15], $0x4000  }
0x1af: {  	[sflag:s15] =	ssyncset.done $0x0  }
0x1b0: {  	[sflag:s15] =	ssyncadd.s32 $0xFFFFC000  }
0x1b1: {  	[spmem:s3] =	stream.indirect.scatter.add.f32 [tilespmem:s13], [sflag:$0x3], $0x80, s22, s12, $0xb8;
	[tilespmem:$0x1D000] =	vst v63  }
0x1b2: {  	_ =	swait.ge [sflag:s16], $0x4000  }
0x1b3: {  	[sflag:s16] =	ssyncset.done $0x0  }
0x1b4: {  	[sflag:s16] =	ssyncadd.s32 $0xFFFFC000  }
0x1b5: {  	[spmem:s3] =	stream.indirect.scatter.add.f32 [tilespmem:s14], [sflag:$0x4], $0x80, s23, s12, $0xb8;
	[tilespmem:$0x1D000] =	vst v63  }
0x1b6: {  	_ =	swait.ge [sflag:s17], $0x4000  }
0x1b7: {  	[sflag:s17] =	ssyncset.done $0x0  }
0x1b8: {  	[sflag:s17] =	ssyncadd.s32 $0xFFFFC000  }
0x1b9: {  	_ =	swait.ge [sflag:s18], $0x4000  }
0x1ba: {  	[sflag:s18] =	ssyncset.done $0x0  }
0x1bb: {  	[sflag:s18] =	ssyncadd.s32 $0xFFFFC000  }
0x1bc: {  	[tilespmem:s13], [sflag:$0x1] =	stream.indirect.gather [hbm4b:s2+s12], $0x80, s24, s12, $0xb8;
	[tilespmem:$0x1D000] =	vst v63  }
0x1bd: {  	_ = 	snop  }
0x1be: {  	[tilespmem:s14], [sflag:$0x2] =	stream.indirect.gather [hbm4b:s2+s12], $0x80, s25, s12, $0xb8;
	[tilespmem:$0x1D000] =	vst v63  }
0x1bf: {  	_ =	swait.ge [sflag:s15], $0x4000  }
0x1c0: {  	[sflag:s15] =	ssyncset.done $0x0  }
0x1c1: {  	[sflag:s15] =	ssyncadd.s32 $0xFFFFC000  }
0x1c2: {  	[spmem:s3] =	stream.indirect.scatter.add.f32 [tilespmem:s13], [sflag:$0x3], $0x80, s26, s12, $0xb8;
	[tilespmem:$0x1D000] =	vst v63  }
0x1c3: {  	_ =	swait.ge [sflag:s16], $0x4000  }
0x1c4: {  	[sflag:s16] =	ssyncset.done $0x0  }
0x1c5: {  	[sflag:s16] =	ssyncadd.s32 $0xFFFFC000  }
0x1c6: {  	[spmem:s3] =	stream.indirect.scatter.add.f32 [tilespmem:s14], [sflag:$0x4], $0x80, s28, s12, $0xb8;
	[tilespmem:$0x1D000] =	vst v63  }
0x1c7: {  	_ =	swait.ge [sflag:s17], $0x4000  }
0x1c8: {  	[sflag:s17] =	ssyncset.done $0x0  }
0x1c9: {  	[sflag:s17] =	ssyncadd.s32 $0xFFFFC000  }
0x1ca: {  	_ =	swait.ge [sflag:s18], $0x4000  }
0x1cb: {  	[sflag:s18] =	ssyncset.done $0x0  }
0x1cc: {  	[sflag:s18] =	ssyncadd.s32 $0xFFFFC000  }
0x1cd: {  	[tilespmem:s13], [sflag:$0x1] =	stream.indirect.gather [hbm4b:s2+s12], $0x80, s29, s12, $0xb8;
	[tilespmem:$0x1D000] =	vst v63  }
0x1ce: {  	_ = 	snop  }
0x1cf: {  	[tilespmem:s14], [sflag:$0x2] =	stream.indirect.gather [hbm4b:s2+s12], $0x80, s30, s12, $0xb8;
	[tilespmem:$0x1D000] =	vst v63  }
0x1d0: {  	_ =	swait.ge [sflag:s15], $0x4000  }
0x1d1: {  	[sflag:s15] =	ssyncset.done $0x0  }
0x1d2: {  	[sflag:s15] =	ssyncadd.s32 $0xFFFFC000  }
0x1d3: {  	[spmem:s3] =	stream.indirect.scatter.add.f32 [tilespmem:s13], [sflag:$0x3], $0x80, s31, s12, $0xb8;
	[tilespmem:$0x1D000] =	vst v63  }
0x1d4: {  	_ =	swait.ge [sflag:s16], $0x4000  }
0x1d5: {  	[sflag:s16] =	ssyncset.done $0x0  }
0x1d6: {  	[sflag:s16] =	ssyncadd.s32 $0xFFFFC000  }
0x1d7: {  	[spmem:s3] =	stream.indirect.scatter.add.f32 [tilespmem:s14], [sflag:$0x4], $0x80, s1, s12, $0xb8;
	[tilespmem:$0x1D000] =	vst v63  }
0x1d8: {  	_ =	swait.ge [sflag:s17], $0x4000  }
0x1d9: {  	[sflag:s17] =	ssyncset.done $0x0  }
0x1da: {  	[sflag:s17] =	ssyncadd.s32 $0xFFFFC000  }
0x1db: {  	_ =	swait.ge [sflag:s18], $0x4000  }
0x1dc: {  	[sflag:s18] =	ssyncset.done $0x0  }
0x1dd: {  	[sflag:s18] =	ssyncadd.s32 $0xFFFFC000  }
0x1de: {  	[bflag:$0x0] =	sbarrier.arrive $0xFFFF  }
0x1df: {  	s6 =	rddreg [dreg:$0x17]  }
0x1e0: {  	s8 =	rddreg [dreg:$0x18]  }
0x1e1: {  	s7 =	rddreg [dreg:$0x1a]  }
0x1e2: {  	[hbm:s8], [sflag:s6] =	dma.local [spmem:s7], $0x2800  }
0x1e3: {  	_ =	swait.ge [sflag:s10], $0x2800  }
0x1e4: {  	s0 =	sadd.s32 $0x1, s0;
	s9 =	rddreg [dreg:$0x19]  }
0x1e5: {  	p0 =	sne.s32 s0, s9  }
.Ltmp1:
0x1e6: {  	_ = 	snop;
	(pc) =	sbr.rel @p0 .LBB2_1-.Ltmp1, $3  }
0x1e7: {  	_ =	sdelay $0x1  }
0x1e8: {  	[sflag:s10] =	ssyncset.done $0x0  }
0x1e9: {  	[sflag:s10] =	ssyncadd.s32 $0xFFFFD800  }
0x1ea: {  	_ =	sfence.sel $0x180000  }
0x1eb: {  	[bflag:$0x0] =	sbarrier.arrive $0xFFFF  }
0x1ec: {  	_ =	strace $0x9000004A  }
0x1ed: {  	s0 =	stileid.u32;
	[bflag:$0x2] =	sbarrier.arrive $0xFFFF  }
0x1ee: {  	p0 =	sne.s32 s0, $0x0;
	s0 =	rddreg [dreg:$0x3]  }
0x1ef: {  	s0 =	sadd.s32 @!p0 $0x100000, s0  }
0x1f0: {  	[sflag:s0] =	ssyncadd.tile.s32 @!p0 $0x1;
	_ =	shalt  }
.Lfunc_end2:
_tile_overlayer_lowered:
.L_overlay_start_2:
0x1f1: {  	(tag) =	ssettag $0x2  }
0x1f2: {  	s0 =	rddreg [dreg:$0x0];
	s2 =	stileid.u32  }
0x1f3: {  	s1 =	rddreg [dreg:$0x1];
	p0 =	sne.s32 s2, $0x0  }
0x1f4: {  	s3 =	rddreg [dreg:$0x2];
	[bflag:$0x3] =	sbarrier.arrive $0xFFFF;
	s2 =	simm.s32 @!p0 $0x1C05  }
0x1f5: {  	[timem:s3], [sflag:s2] =	dma.local @!p0 [hbm:s0], s1  }
0x1f6: {  	s0 =	simm.s32 @!p0 $0x5  }
0x1f7: {  	_ =	swait.ge @!p0 [sflag:s0], s1  }
0x1f8: {  	s1 =	ssub.s32 @!p0 $0x0, s1;
	[sflag:s0] =	ssyncset.done @!p0 $0x0  }
0x1f9: {  	[sflag:s0] =	ssyncadd.s32 @!p0 s1  }
0x1fa: {  	[bflag:$0x3] =	sbarrier.arrive $0xFFFF  }
0x1fb: {  	_ =	shalt  }

// kernel: kernel.17.cloned.1.call-start
scs
__scs_entry_jumppad:
0x0: {  	(pc) =	sbr.rel $0x88, $3  }
0x1: {  	(tag) =	ssettag $0x0;
	lr =	simm.s32 $0x1  }
0x2: {  	[smem:$0x3F99] =	sst lr;
	_ =	strace $0xD0000000  }
0x3: {  	_ = 	snop  }
0x4: {  	_ = 	snop  }
0x5: {  	_ = 	snop  }
0x6: {  	_ = 	snop  }
0x7: {  	_ = 	snop  }
__scs_overlays_trampoline_lowered:
0x8: {  	[smem:$0x3FA8] =	sst s0  }
0x9: {  	[smem:$0x3FA9] =	sst s1  }
0xa: {  	[smem:$0x3FAA] =	sst s2  }
0xb: {  	[smem:$0x3FAB] =	sst s3  }
0xc: {  	[smem:$0x3FAC] =	sst s4  }
0xd: {  	[smem:$0x3FAD] =	sst s5  }
0xe: {  	[smem:$0x3FAE] =	sst s6  }
0xf: {  	[smem:$0x3FAF] =	sst s7  }
0x10: {  	[smem:$0x3FB0] =	sst s8  }
0x11: {  	[smem:$0x3FB1] =	sst s9;
	s0 =	simm.s32 @!p0 $0x0  }
0x12: {  	s1 =	sld [smem:$0x3F97];
	s0 =	simm.s32 @p0 $0x1  }
0x13: {  	[smem:$0x3FB2] =	sst s0;
	s0 =	simm.s32 @!p1 $0x0  }
0x14: {  	s2 =	sld [smem:$0x3F96];
	s0 =	simm.s32 @p1 $0x1  }
0x15: {  	[smem:$0x3FB3] =	sst s0;
	s0 =	simm.s32 @!p2 $0x0  }
0x16: {  	s3 =	sld [smem:$0x3FDB];
	s0 =	simm.s32 @p2 $0x1  }
0x17: {  	s4 =	simm.s32 $0x1BF5;
	[smem:$0x3FB5] =	sst s0  }
0x18: {  	s0 =	sld [smem:$0x3F98];
	_ =	swait.ge [sflag:s4], $0x0  }
0x19: {  	s7 =	sld [smem:$0x3F99]  }
0x1a: {  	s8 =	sadd.s32 $0xFFFFE003, lr  }
0x1b: {  	s9 =	sadd.s32 $0xFFFFFEF7, lr;
	s5 =	simm.s32 $0xFFFFFFFF;
	p2 =	slt.u32 s8, $0xFFFFF086  }
0x1c: {  	p1 =	slt.u32 s9, $0xF7A;
	s5 =	simm.s32 @!p2 $0x0  }
0x1d: {  	s5 =	simm.s32 @p1 $0x1;
	p0 =	seq.s32 s7, s2  }
0x1e: {  	s7 =	smul.u32 @!p0 $0xF7A, s2;
	p2 =	seq.s32 @!p0 s5, $0x0  }
0x1f: {  	s9 =	smul.u32 $0xF7A, s1;
	s8 =	simm.s32 @!p0 $0x1BF5;
	p2 =	por !p2, p0  }
0x20: {  	[sflag:s8] =	ssyncset.s32 @!p0 $0xFFFFF086;
	s6 =	sadd.s32 @!p0 s3, s7;
	s7 =	simm.s32 @!p0 $0x108  }
0x21: {  	s3 =	sadd.s32 s3, s9;
	s6 =	sadd.s32 @!p0 $0x88, s6;
	s7 =	simm.s32 @p2 $0x1082  }
0x22: {  	[simem:s7], [sflag:s8] =	dma.local @!p0 [hbm:s6], $0xF7A  }
0x23: {  	s9 =	sor.u32 $0xD0000000, s2;
	s6 =	simm.s32 $0x108;
	_ =	swait.ge @!p0 [sflag:s8], $0x0  }
0x24: {  	s3 =	sadd.s32 $0x88, s3;
	s6 =	simm.s32 @!p1 $0x1082;
	[sflag:s4] =	ssyncset.s32 $0xFFFFF086  }
0x25: {  	[simem:s6], [sflag:s4] =	dma.local [hbm:s3], $0xF7A  }
0x26: {  	[smem:$0x3F99] =	sst s1;
	(tag) =	ssettag s2;
	_ =	strace s9  }
0x27: {  	s1 =	sld [smem:$0x3FA9]  }
0x28: {  	s2 =	sld [smem:$0x3FAA]  }
0x29: {  	s4 =	sld [smem:$0x3FAC]  }
0x2a: {  	p0 =	seq.s32 s5, $0x0;
	s5 =	sld [smem:$0x3FAD]  }
0x2b: {  	s6 =	sld [smem:$0x3FAE]  }
0x2c: {  	s7 =	sld [smem:$0x3FAF]  }
0x2d: {  	s3 =	simm.s32 $0x108;
	s8 =	sld [smem:$0x3FB0]  }
0x2e: {  	s3 =	simm.s32 @!p0 $0x1082;
	s9 =	sld [smem:$0x3FB1]  }
0x2f: {  	lr =	sadd.s32 s0, s3;
	s0 =	sld [smem:$0x3FA8]  }
0x30: {  	s3 =	sld [smem:$0x3FAB]  }
0x31: {  	[smem:$0x3FB4] =	sst s10  }
0x32: {  	s10 =	sld [smem:$0x3FB2];
	_ =	sdelay $0x3  }
0x33: {  	p0 =	seq.s32 s10, $0x1;
	s10 =	sld [smem:$0x3FB4];
	_ =	sdelay $0x3  }
0x34: {  	[smem:$0x3FB4] =	sst s10  }
0x35: {  	s10 =	sld [smem:$0x3FB3];
	_ =	sdelay $0x3  }
0x36: {  	p1 =	seq.s32 s10, $0x1;
	s10 =	sld [smem:$0x3FB4];
	_ =	sdelay $0x3  }
0x37: {  	[smem:$0x3FB4] =	sst s10  }
0x38: {  	s10 =	sld [smem:$0x3FB5]  }
0x39: {  	_ = 	snop;
	(pc) =	sbr.ind lr, $3  }
0x3a: {  	_ = 	snop  }
0x3b: {  	_ = 	snop  }
0x3c: {  	p2 =	seq.s32 s10, $0x1;
	s10 =	sld [smem:$0x3FB4]  }
0x3d: {  	_ =	shalt  }
0x3e: {  	_ =	shalt  }
0x3f: {  	_ =	shalt  }
0x40: {  	_ =	shalt  }
0x41: {  	_ =	shalt  }
0x42: {  	_ =	shalt  }
0x43: {  	_ =	shalt  }
0x44: {  	_ =	shalt  }
0x45: {  	_ =	shalt  }
0x46: {  	_ =	shalt  }
0x47: {  	_ =	shalt  }
0x48: {  	_ =	shalt  }
0x49: {  	_ =	shalt  }
0x4a: {  	_ =	shalt  }
0x4b: {  	_ =	shalt  }
0x4c: {  	_ =	shalt  }
0x4d: {  	_ =	shalt  }
0x4e: {  	_ =	shalt  }
0x4f: {  	_ =	shalt  }
0x50: {  	_ =	shalt  }
0x51: {  	_ =	shalt  }
0x52: {  	_ =	shalt  }
0x53: {  	_ =	shalt  }
0x54: {  	_ =	shalt  }
0x55: {  	_ =	shalt  }
0x56: {  	_ =	shalt  }
0x57: {  	_ =	shalt  }
0x58: {  	_ =	shalt  }
0x59: {  	_ =	shalt  }
0x5a: {  	_ =	shalt  }
0x5b: {  	_ =	shalt  }
0x5c: {  	_ =	shalt  }
0x5d: {  	_ =	shalt  }
0x5e: {  	_ =	shalt  }
0x5f: {  	_ =	shalt  }
0x60: {  	_ =	shalt  }
0x61: {  	_ =	shalt  }
0x62: {  	_ =	shalt  }
0x63: {  	_ =	shalt  }
0x64: {  	_ =	shalt  }
0x65: {  	_ =	shalt  }
0x66: {  	_ =	shalt  }
0x67: {  	_ =	shalt  }
0x68: {  	_ =	shalt  }
0x69: {  	_ =	shalt  }
0x6a: {  	_ =	shalt  }
0x6b: {  	_ =	shalt  }
0x6c: {  	_ =	shalt  }
0x6d: {  	_ =	shalt  }
0x6e: {  	_ =	shalt  }
0x6f: {  	_ =	shalt  }
0x70: {  	_ =	shalt  }
0x71: {  	_ =	shalt  }
0x72: {  	_ =	shalt  }
0x73: {  	_ =	shalt  }
0x74: {  	_ =	shalt  }
0x75: {  	_ =	shalt  }
0x76: {  	_ =	shalt  }
0x77: {  	_ =	shalt  }
0x78: {  	_ =	shalt  }
0x79: {  	_ =	shalt  }
0x7a: {  	_ =	shalt  }
0x7b: {  	_ =	shalt  }
0x7c: {  	_ =	shalt  }
0x7d: {  	_ =	shalt  }
0x7e: {  	_ =	shalt  }
0x7f: {  	_ =	shalt  }
0x80: {  	_ =	shalt  }
0x81: {  	_ =	shalt  }
0x82: {  	_ =	shalt  }
0x83: {  	_ =	shalt  }
0x84: {  	_ =	shalt  }
0x85: {  	_ =	shalt  }
0x86: {  	_ =	shalt  }
0x87: {  	_ =	shalt  }
.Lfunc_end0:
.L_simem_size_0:
called_computation.2_lowered:
.L_overlay_start_0:
0x88: {  	s2 =	sld [smem:$0x3FD9]  }
0x89: {  	s3 =	sld [smem:$0x3FFE];
	_ =	sdelay $0x1  }
0x8a: {  	s1 =	srdreg.scid  }
0x8b: {  	s0 =	sand.u32 $0x1, s1  }
0x8c: {  	s17 =	sshll.u32 s0, $0xA;
	s2 =	sadd.s32 s3, s2  }
0x8d: {  	s2 =	sadd.s32 s2, s17  }
0x8e: {  	[smem:$0x3FC0] =	sst s2  }
0x8f: {  	_ = 	snop  }
0x90: {  	s2 =	sld [smem:$0x3FD0];
	(tm) =	ssettm $0x1  }
0x91: {  	s18 =	sld [smem:$0x3FFB];
	_ =	sdelay $0x3  }
0x92: {  	_ =	strace s18  }
0x93: {  	s3 =	sld [smem:$0x3FFC];
	_ =	sdelay $0x3  }
0x94: {  	_ =	strace s3  }
0x95: {  	s3 =	sld [smem:$0x3FFD];
	_ =	sdelay $0x3  }
0x96: {  	_ =	strace s3  }
0x97: {  	_ =	strace $0x8FFFFFFF  }
0x98: {  	s19 =	sld [smem:$0x3FDB];
	_ =	sdelay $0x1  }
0x99: {  	s4 =	simm.s32 $_scs_section_size  }
0x9a: {  	s5 =	simm.s32 $_size__tile_overlayer_lowered;
	s6 =	simm.s32 $_tile_overlayer_lowered  }
0x9b: {  	s22 =	simm.s32 $0x1BFF;
	s21 =	sshll.u32 s6, $0x1;
	s3 =	sadd.s32 s4, s19  }
0x9c: {  	s7 =	simm.s32 $0x0;
	s20 =	sshll.u32 s5, $0x1;
	s5 =	sadd.s32 s21, s3  }
0x9d: {  	[timem:s7], [sflag:s22] =	dma.local [hbm:s5], s20  }
0x9e: {  	_ =	swait.ge [sflag:s22], s20  }
0x9f: {  	s4 =	ssub.s32 $0x0, s20;
	[sflag:s22] =	ssyncset.done $0x0  }
0xa0: {  	[sflag:s22] =	ssyncadd.s32 s4;
	_ =	sdelay $0x1  }
0xa1: {  	s23 =	simm.s32 $0x1B8B  }
0xa2: {  	_ =	swait.ge [sflag:s23], $0x1  }
0xa3: {  	[sflag:s23] =	ssyncset.done $0x0  }
0xa4: {  	s25 =	simm.s32 $0x1B8E;
	s24 =	sld [smem:$0x3FFE];
	[sflag:s23] =	ssyncadd.s32 $0xFFFFFFFF  }
0xa5: {  	s26 =	simm.s32 $execute0_lowered;
	[smem:$0x3FD2] =	sst s25  }
0xa6: {  	s5 =	sshll.u32 s26, $0x1;
	_ =	strace $0x8000004C;
	[dreg:$0x1] =	wrdreg $0xFFFFFFFF  }
0xa7: {  	s28 =	simm.s32 $_size_execute0_lowered;
	s3 =	sadd.s32 s3, s5;
	[dreg:$0x0] =	wrdreg $0x0  }
0xa8: {  	s5 =	sshll.u32 s28, $0x1;
	[dreg:$0x2] =	wrdreg s3  }
0xa9: {  	[dreg:$0x3] =	wrdreg s5  }
0xaa: {  	[dreg:$0x4] =	wrdreg $0xC0  }
0xab: {  	_ =	task [dreg:s7], $0x5FFFF  }
0xac: {  	[dreg:$0x1] =	wrdreg $0xFFFFFFFF  }
0xad: {  	[dreg:$0x0] =	wrdreg $0x60  }
0xae: {  	[dreg:$0x2] =	wrdreg s2  }
0xaf: {  	[dreg:$0x3] =	wrdreg s24  }
0xb0: {  	[dreg:$0x4] =	wrdreg $0x90000  }
0xb1: {  	[dreg:$0x5] =	wrdreg $0x9  }
0xb2: {  	_ =	task.clear_ibuf [dreg:s7], $0x6FFFF;
	_ =	strace $0x9000004C  }
0xb3: {  	s29 =	simm.s32 $0x9;
	_ =	strace $0x8000004E  }
0xb4: {  	_ =	swait.ge [sflag:s29], $0x1  }
0xb5: {  	[sflag:s29] =	ssyncadd.s32 $0xFFFFFFFF  }
0xb6: {  	_ =	strace $0x9000004E  }
0xb7: {  	_ =	sfence  }
0xb8: {  	s30 =	sld [smem:$0x0];
	_ =	sdelay $0x2  }
0xb9: {  	s31 =	sshll.u32 s1, $0xD;
	s1 =	sshrl.u32 s1, $0x2  }
0xba: {  	s3 =	sand.u32 $0x4000, s31;
	s1 =	sadd.s32 s1, s30  }
0xbb: {  	s0 =	sor.u32 s3, s0;
	s1 =	sshll.u32 s1, $0x11  }
0xbc: {  	s0 =	sor.u32 s1, s0  }
0xbd: {  	s0 =	sadd.s32 $0x8F2B, s0  }
0xbe: {  	[sflag:s0] =	ssyncadd.remote.s32 $0x1  }
0xbf: {  	_ =	sfence.sel $0xFFFF  }
0xc0: {  	[dreg:$0x0] =	wrdreg $0xFFFFFFFF;
	(pc) =	sbr.abs _section_cstart, $3  }
0xc1: {  	[dreg:$0x1] =	wrdreg $0xFFFFFFFF  }
0xc2: {  	_ =	task.clear_ibuf [dreg:s7], $0x2FFFF;
	_ =	strace $0x9FFFFFFF  }
0xc3: {  	(tm) =	ssettm $0x7FFFFFFF  }
tec
execute0_lowered:
.L_overlay_start_1:
0x0: {  	(tag) =	ssettag $0x1  }
0x1: {  	s1 =	rddreg [dreg:$0x0];
	s0 =	srdreg.scid  }
0x2: {  	s2 =	rddreg [dreg:$0x1];
	s11 =	stileid.u32  }
0x3: {  	s3 =	rddreg [dreg:$0x2];
	s4 =	simm.s32 $0x0;
	s13 =	simm.s32 $0x5  }
0x4: {  	s15 =	simm.s32 $0x80;
	s16 =	simm.s32 $0x1000;
	s17 =	simm.s32 $0x5000  }
0x5: {  	s18 =	simm.s32 $0x1;
	s19 =	simm.s32 $0x2;
	s14 =	simm.s32 $0x480  }
0x6: {  	s28 =	simm.s32 $0x580;
	s29 =	simm.s32 $0xD00;
	s6 =	smul.u32 $0x2800, s11  }
0x7: {  	s30 =	simm.s32 $0xD80;
	s31 =	simm.s32 $0x600;
	s20 =	smul.u32 $0x14000, s11  }
0x8: {  	s0 =	sand.u32 $0x1, s0;
	[smem:$0x7FF] =	sst s4;
	s21 =	smul.u32 $0x50000, s11  }
0x9: {  	s9 =	sadd.s32 $0x18600, s2;
	s23 =	sshll.u32 s11, $0x6;
	s5 =	smul.u32 $0x28000, s0  }
0xa: {  	s7 =	smul.u32 $0x140000, s0;
	_ =	strace $0x8000004D;
	s0 =	ssub.s32 $0x2, s0  }
0xb: {  	[dreg:$0x6] =	wrdreg s9;
	s12 =	sor.u32 $0x1C05, s23;
	s23 =	simm.s32 $0xC00  }
0xc: {  	s10 =	sshrl.u32 s0, $0x1;
	[dreg:$0x7] =	wrdreg s12;
	s5 =	sadd.s32 s6, s5  }
0xd: {  	s6 =	sadd.s32 s20, s7;
	s0 =	ssub.s32 s0, s10;
	s7 =	sshrl.u32 s21, $0x2  }
0xe: {  	s21 =	simm.s32 $0x3;
	s10 =	simm.s32 $0xF00;
	s20 =	simm.s32 $0x0  }
0xf: {  	s8 =	sshrl.u32 s5, $0x3;
	s5 =	sadd.s32 $0x1AE00, s2;
	s6 =	sshrl.u32 s6, $0x3  }
0x10: {  	s7 =	sadd.s32 s7, s3;
	s0 =	smax.u32 s0, $0x1;
	s8 =	sadd.s32 s8, s2  }
0x11: {  	s22 =	sadd.s32 s6, s2;
	[dreg:$0x9] =	wrdreg s0;
	s7 =	sshrl.u32 s7, $0x3  }
0x12: {  	s2 =	sadd.s32 $0x92000, s2;
	s9 =	sadd.s32 $0x42000, s22;
	[dreg:$0xa] =	wrdreg s7  }
0x13: {  	s0 =	simm.s32 $0xE00;
	s24 =	sadd.s32 $0x4600, s8;
	[dreg:$0x8] =	wrdreg s9  }
0x14: {  	s25 =	sadd.s32 $0xE600, s8;
	s22 =	simm.s32 $0x4;
	[dreg:$0x4] =	wrdreg s24  }
0x15: {  	s26 =	sadd.s32 s6, s2;
	s2 =	simm.s32 $0x680;
	[dreg:$0x5] =	wrdreg s25  }
0x16: {  	s8 =	simm.s32 $0xE80;
	[dreg:$0xb] =	wrdreg s26;
	s25 =	simm.s32 $0xC80  }
0x17: {  	s26 =	simm.s32 $0x500;
	s9 =	simm.s32 $0x700;
	s24 =	simm.s32 $0x780  }
.LBB2_1:
0x18: {  	[dreg:$0xc] =	wrdreg s20  }
0x19: {  	s6 =	rddreg [dreg:$0x6]  }
0x1a: {  	[spmem:s7], [sflag:s12] =	dma.local [hbm:s6], $0x2800  }
0x1b: {  	_ =	swait.ge [sflag:s13], $0x2800  }
0x1c: {  	[sflag:s13] =	ssyncset.done $0x0  }
0x1d: {  	p0 =	por $0x1, $0x1;
	[sflag:s13] =	ssyncadd.s32 $0xFFFFD800  }
0x1e: {  	s6 =	simm.s32 @!p0 $0x3;
	[bflag:$0x0] =	sbarrier.arrive $0xFFFF  }
0x1f: {  	_ =	swait.ge @!p0 [sflag:s6], $0x4000  }
0x20: {  	[sflag:s6] =	ssyncset.done @!p0 $0x0  }
0x21: {  	[sflag:s6] =	ssyncadd.s32 @!p0 $0xFFFFC000;
	s6 =	simm.s32 @!p0 $0x4  }
0x22: {  	_ =	swait.ge @!p0 [sflag:s6], $0x4000  }
0x23: {  	[sflag:s6] =	ssyncset.done @!p0 $0x0;
	s20 =	rddreg [dreg:$0x5]  }
0x24: {  	[sflag:s6] =	ssyncadd.s32 @!p0 $0xFFFFC000;
	s6 =	sadd.s32 $0x0, s20  }
0x25: {  	[tilespmem:s4], [sflag:$0x5] =	stream.linear.gather [hbm4b:s6+s4], $0x800, $0x38;
	[tilespmem:$0x1D000] =	vst v63  }
0x26: {  	_ =	swait.ge [sflag:s13], $0x800  }
0x27: {  	[sflag:s13] =	ssyncset.done $0x0;
	s7 =	rddreg [dreg:$0x4]  }
0x28: {  	s11 =	simm.s32 $0x800;
	[sflag:s13] =	ssyncadd.s32 $0xFFFFF800;
	s6 =	sadd.s32 $0x0, s7  }
0x29: {  	[tilespmem:s11], [sflag:$0x5] =	stream.linear.gather [hbm4b:s6+s4], $0x800, $0x38;
	[tilespmem:$0x1D000] =	vst v63  }
0x2a: {  	_ =	swait.ge [sflag:s13], $0x800  }
0x2b: {  	[sflag:s13] =	ssyncset.done $0x0  }
0x2c: {  	[sflag:s13] =	ssyncadd.s32 $0xFFFFF800  }
0x2d: {  	[tilespmem:s16], [sflag:$0x1] =	stream.indirect.gather [hbm4b:s1+s15], $0x80, s4, s15, $0xb8;
	[tilespmem:$0x1D000] =	vst v63  }
0x2e: {  	_ = 	snop  }
0x2f: {  	[tilespmem:s17], [sflag:$0x2] =	stream.indirect.gather [hbm4b:s1+s15], $0x80, s15, s15, $0xb8;
	[tilespmem:$0x1D000] =	vst v63  }
0x30: {  	_ =	swait.ge [sflag:s18], $0x4000  }
0x31: {  	[sflag:s18] =	ssyncset.done $0x0  }
0x32: {  	[sflag:s18] =	ssyncadd.s32 $0xFFFFC000  }
0x33: {  	[spmem:s3] =	stream.indirect.scatter.add.f32 [tilespmem:s16], [sflag:$0x3], $0x80, s11, s15, $0xb8;
	[tilespmem:$0x1D000] =	vst v63  }
0x34: {  	_ =	swait.ge [sflag:s19], $0x4000  }
0x35: {  	[sflag:s19] =	ssyncset.done $0x0  }
0x36: {  	s12 =	simm.s32 $0x880;
	[sflag:s19] =	ssyncadd.s32 $0xFFFFC000  }
0x37: {  	[spmem:s3] =	stream.indirect.scatter.add.f32 [tilespmem:s17], [sflag:$0x4], $0x80, s12, s15, $0xb8;
	[tilespmem:$0x1D000] =	vst v63  }
0x38: {  	_ =	swait.ge [sflag:s21], $0x4000  }
0x39: {  	[sflag:s21] =	ssyncset.done $0x0  }
0x3a: {  	[sflag:s21] =	ssyncadd.s32 $0xFFFFC000  }
0x3b: {  	_ =	swait.ge [sflag:s22], $0x4000  }
0x3c: {  	[sflag:s22] =	ssyncset.done $0x0  }
0x3d: {  	s20 =	simm.s32 $0x100;
	[sflag:s22] =	ssyncadd.s32 $0xFFFFC000  }
0x3e: {  	[tilespmem:s16], [sflag:$0x1] =	stream.indirect.gather [hbm4b:s1+s15], $0x80, s20, s15, $0xb8;
	[tilespmem:$0x1D000] =	vst v63  }
0x3f: {  	s7 =	simm.s32 $0x180  }
0x40: {  	[tilespmem:s17], [sflag:$0x2] =	stream.indirect.gather [hbm4b:s1+s15], $0x80, s7, s15, $0xb8;
	[tilespmem:$0x1D000] =	vst v63  }
0x41: {  	_ =	swait.ge [sflag:s18], $0x4000  }
0x42: {  	[sflag:s18] =	ssyncset.done $0x0  }
0x43: {  	s11 =	simm.s32 $0x900;
	[sflag:s18] =	ssyncadd.s32 $0xFFFFC000  }
0x44: {  	[spmem:s3] =	stream.indirect.scatter.add.f32 [tilespmem:s16], [sflag:$0x3], $0x80, s11, s15, $0xb8;
	[tilespmem:$0x1D000] =	vst v63  }
0x45: {  	_ =	swait.ge [sflag:s19], $0x4000  }
0x46: {  	[sflag:s19] =	ssyncset.done $0x0  }
0x47: {  	s12 =	simm.s32 $0x980;
	[sflag:s19] =	ssyncadd.s32 $0xFFFFC000  }
0x48: {  	[spmem:s3] =	stream.indirect.scatter.add.f32 [tilespmem:s17], [sflag:$0x4], $0x80, s12, s15, $0xb8;
	[tilespmem:$0x1D000] =	vst v63  }
0x49: {  	_ =	swait.ge [sflag:s21], $0x4000  }
0x4a: {  	[sflag:s21] =	ssyncset.done $0x0  }
0x4b: {  	[sflag:s21] =	ssyncadd.s32 $0xFFFFC000  }
0x4c: {  	_ =	swait.ge [sflag:s22], $0x4000  }
0x4d: {  	[sflag:s22] =	ssyncset.done $0x0  }
0x4e: {  	s20 =	simm.s32 $0x200;
	[sflag:s22] =	ssyncadd.s32 $0xFFFFC000  }
0x4f: {  	[tilespmem:s16], [sflag:$0x1] =	stream.indirect.gather [hbm4b:s1+s15], $0x80, s20, s15, $0xb8;
	[tilespmem:$0x1D000] =	vst v63  }
0x50: {  	s7 =	simm.s32 $0x280  }
0x51: {  	[tilespmem:s17], [sflag:$0x2] =	stream.indirect.gather [hbm4b:s1+s15], $0x80, s7, s15, $0xb8;
	[tilespmem:$0x1D000] =	vst v63  }
0x52: {  	_ =	swait.ge [sflag:s18], $0x4000  }
0x53: {  	[sflag:s18] =	ssyncset.done $0x0  }
0x54: {  	s11 =	simm.s32 $0xA00;
	[sflag:s18] =	ssyncadd.s32 $0xFFFFC000  }
0x55: {  	[spmem:s3] =	stream.indirect.scatter.add.f32 [tilespmem:s16], [sflag:$0x3], $0x80, s11, s15, $0xb8;
	[tilespmem:$0x1D000] =	vst v63  }
0x56: {  	_ =	swait.ge [sflag:s19], $0x4000  }
0x57: {  	[sflag:s19] =	ssyncset.done $0x0  }
0x58: {  	s12 =	simm.s32 $0xA80;
	[sflag:s19] =	ssyncadd.s32 $0xFFFFC000  }
0x59: {  	[spmem:s3] =	stream.indirect.scatter.add.f32 [tilespmem:s17], [sflag:$0x4], $0x80, s12, s15, $0xb8;
	[tilespmem:$0x1D000] =	vst v63  }
0x5a: {  	_ =	swait.ge [sflag:s21], $0x4000  }
0x5b: {  	[sflag:s21] =	ssyncset.done $0x0  }
0x5c: {  	[sflag:s21] =	ssyncadd.s32 $0xFFFFC000  }
0x5d: {  	_ =	swait.ge [sflag:s22], $0x4000  }
0x5e: {  	[sflag:s22] =	ssyncset.done $0x0  }
0x5f: {  	s20 =	simm.s32 $0x300;
	[sflag:s22] =	ssyncadd.s32 $0xFFFFC000  }
0x60: {  	[tilespmem:s16], [sflag:$0x1] =	stream.indirect.gather [hbm4b:s1+s15], $0x80, s20, s15, $0xb8;
	[tilespmem:$0x1D000] =	vst v63  }
0x61: {  	s7 =	simm.s32 $0x380  }
0x62: {  	[tilespmem:s17], [sflag:$0x2] =	stream.indirect.gather [hbm4b:s1+s15], $0x80, s7, s15, $0xb8;
	[tilespmem:$0x1D000] =	vst v63  }
0x63: {  	_ =	swait.ge [sflag:s18], $0x4000  }
0x64: {  	[sflag:s18] =	ssyncset.done $0x0  }
0x65: {  	s11 =	simm.s32 $0xB00;
	[sflag:s18] =	ssyncadd.s32 $0xFFFFC000  }
0x66: {  	[spmem:s3] =	stream.indirect.scatter.add.f32 [tilespmem:s16], [sflag:$0x3], $0x80, s11, s15, $0xb8;
	[tilespmem:$0x1D000] =	vst v63  }
0x67: {  	_ =	swait.ge [sflag:s19], $0x4000  }
0x68: {  	[sflag:s19] =	ssyncset.done $0x0  }
0x69: {  	s12 =	simm.s32 $0xB80;
	[sflag:s19] =	ssyncadd.s32 $0xFFFFC000  }
0x6a: {  	[spmem:s3] =	stream.indirect.scatter.add.f32 [tilespmem:s17], [sflag:$0x4], $0x80, s12, s15, $0xb8;
	[tilespmem:$0x1D000] =	vst v63  }
0x6b: {  	_ =	swait.ge [sflag:s21], $0x4000  }
0x6c: {  	[sflag:s21] =	ssyncset.done $0x0  }
0x6d: {  	[sflag:s21] =	ssyncadd.s32 $0xFFFFC000  }
0x6e: {  	_ =	swait.ge [sflag:s22], $0x4000  }
0x6f: {  	[sflag:s22] =	ssyncset.done $0x0  }
0x70: {  	s20 =	simm.s32 $0x400;
	[sflag:s22] =	ssyncadd.s32 $0xFFFFC000  }
0x71: {  	[tilespmem:s16], [sflag:$0x1] =	stream.indirect.gather [hbm4b:s1+s15], $0x80, s20, s15, $0xb8;
	[tilespmem:$0x1D000] =	vst v63  }
0x72: {  	_ = 	snop  }
0x73: {  	[tilespmem:s17], [sflag:$0x2] =	stream.indirect.gather [hbm4b:s1+s15], $0x80, s14, s15, $0xb8;
	[tilespmem:$0x1D000] =	vst v63  }
0x74: {  	_ =	swait.ge [sflag:s18], $0x4000  }
0x75: {  	[sflag:s18] =	ssyncset.done $0x0  }
0x76: {  	[sflag:s18] =	ssyncadd.s32 $0xFFFFC000  }
0x77: {  	[spmem:s3] =	stream.indirect.scatter.add.f32 [tilespmem:s16], [sflag:$0x3], $0x80, s23, s15, $0xb8;
	[tilespmem:$0x1D000] =	vst v63  }
0x78: {  	_ =	swait.ge [sflag:s19], $0x4000  }
0x79: {  	[sflag:s19] =	ssyncset.done $0x0  }
0x7a: {  	[sflag:s19] =	ssyncadd.s32 $0xFFFFC000  }
0x7b: {  	[spmem:s3] =	stream.indirect.scatter.add.f32 [tilespmem:s17], [sflag:$0x4], $0x80, s25, s15, $0xb8;
	[tilespmem:$0x1D000] =	vst v63  }
0x7c: {  	_ =	swait.ge [sflag:s21], $0x4000  }
0x7d: {  	[sflag:s21] =	ssyncset.done $0x0  }
0x7e: {  	[sflag:s21] =	ssyncadd.s32 $0xFFFFC000  }
0x7f: {  	_ =	swait.ge [sflag:s22], $0x4000  }
0x80: {  	[sflag:s22] =	ssyncset.done $0x0  }
0x81: {  	[sflag:s22] =	ssyncadd.s32 $0xFFFFC000  }
0x82: {  	[tilespmem:s16], [sflag:$0x1] =	stream.indirect.gather [hbm4b:s1+s15], $0x80, s26, s15, $0xb8;
	[tilespmem:$0x1D000] =	vst v63  }
0x83: {  	_ = 	snop  }
0x84: {  	[tilespmem:s17], [sflag:$0x2] =	stream.indirect.gather [hbm4b:s1+s15], $0x80, s28, s15, $0xb8;
	[tilespmem:$0x1D000] =	vst v63  }
0x85: {  	_ =	swait.ge [sflag:s18], $0x4000  }
0x86: {  	[sflag:s18] =	ssyncset.done $0x0  }
0x87: {  	[sflag:s18] =	ssyncadd.s32 $0xFFFFC000  }
0x88: {  	[spmem:s3] =	stream.indirect.scatter.add.f32 [tilespmem:s16], [sflag:$0x3], $0x80, s29, s15, $0xb8;
	[tilespmem:$0x1D000] =	vst v63  }
0x89: {  	_ =	swait.ge [sflag:s19], $0x4000  }
0x8a: {  	[sflag:s19] =	ssyncset.done $0x0  }
0x8b: {  	[sflag:s19] =	ssyncadd.s32 $0xFFFFC000  }
0x8c: {  	[spmem:s3] =	stream.indirect.scatter.add.f32 [tilespmem:s17], [sflag:$0x4], $0x80, s30, s15, $0xb8;
	[tilespmem:$0x1D000] =	vst v63  }
0x8d: {  	_ =	swait.ge [sflag:s21], $0x4000  }
0x8e: {  	[sflag:s21] =	ssyncset.done $0x0  }
0x8f: {  	[sflag:s21] =	ssyncadd.s32 $0xFFFFC000  }
0x90: {  	_ =	swait.ge [sflag:s22], $0x4000  }
0x91: {  	[sflag:s22] =	ssyncset.done $0x0  }
0x92: {  	[sflag:s22] =	ssyncadd.s32 $0xFFFFC000  }
0x93: {  	[tilespmem:s16], [sflag:$0x1] =	stream.indirect.gather [hbm4b:s1+s15], $0x80, s31, s15, $0xb8;
	[tilespmem:$0x1D000] =	vst v63  }
0x94: {  	_ = 	snop  }
0x95: {  	[tilespmem:s17], [sflag:$0x2] =	stream.indirect.gather [hbm4b:s1+s15], $0x80, s2, s15, $0xb8;
	[tilespmem:$0x1D000] =	vst v63  }
0x96: {  	_ =	swait.ge [sflag:s18], $0x4000  }
0x97: {  	[sflag:s18] =	ssyncset.done $0x0  }
0x98: {  	[sflag:s18] =	ssyncadd.s32 $0xFFFFC000  }
0x99: {  	[spmem:s3] =	stream.indirect.scatter.add.f32 [tilespmem:s16], [sflag:$0x3], $0x80, s0, s15, $0xb8;
	[tilespmem:$0x1D000] =	vst v63  }
0x9a: {  	_ =	swait.ge [sflag:s19], $0x4000  }
0x9b: {  	[sflag:s19] =	ssyncset.done $0x0  }
0x9c: {  	[sflag:s19] =	ssyncadd.s32 $0xFFFFC000  }
0x9d: {  	[spmem:s3] =	stream.indirect.scatter.add.f32 [tilespmem:s17], [sflag:$0x4], $0x80, s8, s15, $0xb8;
	[tilespmem:$0x1D000] =	vst v63  }
0x9e: {  	_ =	swait.ge [sflag:s21], $0x4000  }
0x9f: {  	[sflag:s21] =	ssyncset.done $0x0  }
0xa0: {  	[sflag:s21] =	ssyncadd.s32 $0xFFFFC000  }
0xa1: {  	_ =	swait.ge [sflag:s22], $0x4000  }
0xa2: {  	[sflag:s22] =	ssyncset.done $0x0  }
0xa3: {  	[sflag:s22] =	ssyncadd.s32 $0xFFFFC000  }
0xa4: {  	[tilespmem:s16], [sflag:$0x1] =	stream.indirect.gather [hbm4b:s1+s15], $0x80, s9, s15, $0xb8;
	[tilespmem:$0x1D000] =	vst v63  }
0xa5: {  	_ = 	snop  }
0xa6: {  	[tilespmem:s17], [sflag:$0x2] =	stream.indirect.gather [hbm4b:s1+s15], $0x80, s24, s15, $0xb8;
	[tilespmem:$0x1D000] =	vst v63  }
0xa7: {  	_ =	swait.ge [sflag:s18], $0x4000  }
0xa8: {  	[sflag:s18] =	ssyncset.done $0x0  }
0xa9: {  	[sflag:s18] =	ssyncadd.s32 $0xFFFFC000  }
0xaa: {  	[spmem:s3] =	stream.indirect.scatter.add.f32 [tilespmem:s16], [sflag:$0x3], $0x80, s10, s15, $0xb8;
	[tilespmem:$0x1D000] =	vst v63  }
0xab: {  	p1 =	por $0x0, $0x0;
	_ =	swait.ge [sflag:s19], $0x4000  }
0xac: {  	s6 =	simm.s32 $0x100;
	s7 =	simm.s32 $0x200;
	[sflag:s19] =	ssyncset.done $0x0  }
.LBB2_2:
0xad: {  	s12 =	simm.s32 @!p1 $0x3;
	[sflag:s19] =	ssyncadd.s32 $0xFFFFC000;
	s11 =	simm.s32 $0xF80  }
0xae: {  	[spmem:s3] =	stream.indirect.scatter.add.f32 [tilespmem:s17], [sflag:$0x4], $0x80, s11, s15, $0xb8;
	[tilespmem:$0x1D000] =	vst v63  }
0xaf: {  	_ =	swait.ge @!p1 [sflag:s12], $0x4000  }
0xb0: {  	[sflag:s12] =	ssyncset.done @!p1 $0x0  }
0xb1: {  	[sflag:s12] =	ssyncadd.s32 @!p1 $0xFFFFC000;
	s12 =	simm.s32 @!p1 $0x4  }
0xb2: {  	_ =	swait.ge @!p1 [sflag:s12], $0x4000  }
0xb3: {  	[sflag:s12] =	ssyncset.done @!p1 $0x0;
	s11 =	rddreg [dreg:$0x5]  }
0xb4: {  	[sflag:s12] =	ssyncadd.s32 @!p1 $0xFFFFC000;
	s12 =	sadd.s32 s6, s11  }
0xb5: {  	[tilespmem:s4], [sflag:$0x5] =	stream.linear.gather [hbm4b:s12+s4], $0x800, $0x38;
	[tilespmem:$0x1D000] =	vst v63  }
0xb6: {  	_ =	swait.ge [sflag:s13], $0x800  }
0xb7: {  	[sflag:s13] =	ssyncset.done $0x0;
	s11 =	rddreg [dreg:$0x4]  }
0xb8: {  	[sflag:s13] =	ssyncadd.s32 $0xFFFFF800;
	s12 =	sadd.s32 s6, s11;
	s11 =	simm.s32 $0x800  }
0xb9: {  	[tilespmem:s11], [sflag:$0x5] =	stream.linear.gather [hbm4b:s12+s4], $0x800, $0x38;
	[tilespmem:$0x1D000] =	vst v63  }
0xba: {  	_ =	swait.ge [sflag:s13], $0x800  }
0xbb: {  	[sflag:s13] =	ssyncset.done $0x0  }
0xbc: {  	[sflag:s13] =	ssyncadd.s32 $0xFFFFF800  }
0xbd: {  	[tilespmem:s16], [sflag:$0x1] =	stream.indirect.gather [hbm4b:s1+s15], $0x80, s4, s15, $0xb8;
	[tilespmem:$0x1D000] =	vst v63  }
0xbe: {  	_ = 	snop  }
0xbf: {  	[tilespmem:s17], [sflag:$0x2] =	stream.indirect.gather [hbm4b:s1+s15], $0x80, s15, s15, $0xb8;
	[tilespmem:$0x1D000] =	vst v63  }
0xc0: {  	_ =	swait.ge [sflag:s18], $0x4000  }
0xc1: {  	[sflag:s18] =	ssyncset.done $0x0  }
0xc2: {  	[sflag:s18] =	ssyncadd.s32 $0xFFFFC000  }
0xc3: {  	[spmem:s3] =	stream.indirect.scatter.add.f32 [tilespmem:s16], [sflag:$0x3], $0x80, s11, s15, $0xb8;
	[tilespmem:$0x1D000] =	vst v63  }
0xc4: {  	_ =	swait.ge [sflag:s19], $0x4000  }
0xc5: {  	[sflag:s19] =	ssyncset.done $0x0  }
0xc6: {  	s11 =	simm.s32 $0x880;
	[sflag:s19] =	ssyncadd.s32 $0xFFFFC000  }
0xc7: {  	[spmem:s3] =	stream.indirect.scatter.add.f32 [tilespmem:s17], [sflag:$0x4], $0x80, s11, s15, $0xb8;
	[tilespmem:$0x1D000] =	vst v63  }
0xc8: {  	_ =	swait.ge [sflag:s21], $0x4000  }
0xc9: {  	[sflag:s21] =	ssyncset.done $0x0  }
0xca: {  	[sflag:s21] =	ssyncadd.s32 $0xFFFFC000  }
0xcb: {  	_ =	swait.ge [sflag:s22], $0x4000  }
0xcc: {  	s20 =	smov.u32 s7;
	[sflag:s22] =	ssyncset.done $0x0  }
0xcd: {  	s6 =	smov.u32 s20;
	s20 =	simm.s32 $0x100;
	[sflag:s22] =	ssyncadd.s32 $0xFFFFC000  }
0xce: {  	[tilespmem:s16], [sflag:$0x1] =	stream.indirect.gather [hbm4b:s1+s15], $0x80, s20, s15, $0xb8;
	[tilespmem:$0x1D000] =	vst v63  }
0xcf: {  	s11 =	simm.s32 $0x180  }
0xd0: {  	[tilespmem:s17], [sflag:$0x2] =	stream.indirect.gather [hbm4b:s1+s15], $0x80, s11, s15, $0xb8;
	[tilespmem:$0x1D000] =	vst v63  }
0xd1: {  	_ =	swait.ge [sflag:s18], $0x4000  }
0xd2: {  	[sflag:s18] =	ssyncset.done $0x0  }
0xd3: {  	s20 =	simm.s32 $0x900;
	[sflag:s18] =	ssyncadd.s32 $0xFFFFC000  }
0xd4: {  	[spmem:s3] =	stream.indirect.scatter.add.f32 [tilespmem:s16], [sflag:$0x3], $0x80, s20, s15, $0xb8;
	[tilespmem:$0x1D000] =	vst v63  }
0xd5: {  	_ =	swait.ge [sflag:s19], $0x4000  }
0xd6: {  	[sflag:s19] =	ssyncset.done $0x0  }
0xd7: {  	s11 =	simm.s32 $0x980;
	[sflag:s19] =	ssyncadd.s32 $0xFFFFC000  }
0xd8: {  	[spmem:s3] =	stream.indirect.scatter.add.f32 [tilespmem:s17], [sflag:$0x4], $0x80, s11, s15, $0xb8;
	[tilespmem:$0x1D000] =	vst v63  }
0xd9: {  	_ =	swait.ge [sflag:s21], $0x4000  }
0xda: {  	[sflag:s21] =	ssyncset.done $0x0  }
0xdb: {  	[sflag:s21] =	ssyncadd.s32 $0xFFFFC000  }
0xdc: {  	_ =	swait.ge [sflag:s22], $0x4000  }
0xdd: {  	[sflag:s22] =	ssyncset.done $0x0  }
0xde: {  	s20 =	simm.s32 $0x200;
	[sflag:s22] =	ssyncadd.s32 $0xFFFFC000  }
0xdf: {  	[tilespmem:s16], [sflag:$0x1] =	stream.indirect.gather [hbm4b:s1+s15], $0x80, s20, s15, $0xb8;
	[tilespmem:$0x1D000] =	vst v63  }
0xe0: {  	s11 =	simm.s32 $0x280  }
0xe1: {  	[tilespmem:s17], [sflag:$0x2] =	stream.indirect.gather [hbm4b:s1+s15], $0x80, s11, s15, $0xb8;
	[tilespmem:$0x1D000] =	vst v63  }
0xe2: {  	_ =	swait.ge [sflag:s18], $0x4000  }
0xe3: {  	[sflag:s18] =	ssyncset.done $0x0  }
0xe4: {  	s20 =	simm.s32 $0xA00;
	[sflag:s18] =	ssyncadd.s32 $0xFFFFC000  }
0xe5: {  	[spmem:s3] =	stream.indirect.scatter.add.f32 [tilespmem:s16], [sflag:$0x3], $0x80, s20, s15, $0xb8;
	[tilespmem:$0x1D000] =	vst v63  }
0xe6: {  	_ =	swait.ge [sflag:s19], $0x4000  }
0xe7: {  	[sflag:s19] =	ssyncset.done $0x0  }
0xe8: {  	s11 =	simm.s32 $0xA80;
	[sflag:s19] =	ssyncadd.s32 $0xFFFFC000  }
0xe9: {  	[spmem:s3] =	stream.indirect.scatter.add.f32 [tilespmem:s17], [sflag:$0x4], $0x80, s11, s15, $0xb8;
	[tilespmem:$0x1D000] =	vst v63  }
0xea: {  	_ =	swait.ge [sflag:s21], $0x4000  }
0xeb: {  	[sflag:s21] =	ssyncset.done $0x0  }
0xec: {  	[sflag:s21] =	ssyncadd.s32 $0xFFFFC000  }
0xed: {  	_ =	swait.ge [sflag:s22], $0x4000  }
0xee: {  	[sflag:s22] =	ssyncset.done $0x0  }
0xef: {  	s20 =	simm.s32 $0x300;
	[sflag:s22] =	ssyncadd.s32 $0xFFFFC000  }
0xf0: {  	[tilespmem:s16], [sflag:$0x1] =	stream.indirect.gather [hbm4b:s1+s15], $0x80, s20, s15, $0xb8;
	[tilespmem:$0x1D000] =	vst v63  }
0xf1: {  	s11 =	simm.s32 $0x380  }
0xf2: {  	[tilespmem:s17], [sflag:$0x2] =	stream.indirect.gather [hbm4b:s1+s15], $0x80, s11, s15, $0xb8;
	[tilespmem:$0x1D000] =	vst v63  }
0xf3: {  	_ =	swait.ge [sflag:s18], $0x4000  }
0xf4: {  	[sflag:s18] =	ssyncset.done $0x0  }
0xf5: {  	s20 =	simm.s32 $0xB00;
	[sflag:s18] =	ssyncadd.s32 $0xFFFFC000  }
0xf6: {  	[spmem:s3] =	stream.indirect.scatter.add.f32 [tilespmem:s16], [sflag:$0x3], $0x80, s20, s15, $0xb8;
	[tilespmem:$0x1D000] =	vst v63  }
0xf7: {  	_ =	swait.ge [sflag:s19], $0x4000  }
0xf8: {  	[sflag:s19] =	ssyncset.done $0x0  }
0xf9: {  	s11 =	simm.s32 $0xB80;
	[sflag:s19] =	ssyncadd.s32 $0xFFFFC000  }
0xfa: {  	[spmem:s3] =	stream.indirect.scatter.add.f32 [tilespmem:s17], [sflag:$0x4], $0x80, s11, s15, $0xb8;
	[tilespmem:$0x1D000] =	vst v63  }
0xfb: {  	_ =	swait.ge [sflag:s21], $0x4000  }
0xfc: {  	[sflag:s21] =	ssyncset.done $0x0  }
0xfd: {  	[sflag:s21] =	ssyncadd.s32 $0xFFFFC000  }
0xfe: {  	_ =	swait.ge [sflag:s22], $0x4000  }
0xff: {  	[sflag:s22] =	ssyncset.done $0x0  }
0x100: {  	s20 =	simm.s32 $0x400;
	[sflag:s22] =	ssyncadd.s32 $0xFFFFC000  }
0x101: {  	[tilespmem:s16], [sflag:$0x1] =	stream.indirect.gather [hbm4b:s1+s15], $0x80, s20, s15, $0xb8;
	[tilespmem:$0x1D000] =	vst v63  }
0x102: {  	_ = 	snop  }
0x103: {  	[tilespmem:s17], [sflag:$0x2] =	stream.indirect.gather [hbm4b:s1+s15], $0x80, s14, s15, $0xb8;
	[tilespmem:$0x1D000] =	vst v63  }
0x104: {  	_ =	swait.ge [sflag:s18], $0x4000  }
0x105: {  	[sflag:s18] =	ssyncset.done $0x0  }
0x106: {  	[sflag:s18] =	ssyncadd.s32 $0xFFFFC000  }
0x107: {  	[spmem:s3] =	stream.indirect.scatter.add.f32 [tilespmem:s16], [sflag:$0x3], $0x80, s23, s15, $0xb8;
	[tilespmem:$0x1D000] =	vst v63  }
0x108: {  	_ =	swait.ge [sflag:s19], $0x4000  }
0x109: {  	[sflag:s19] =	ssyncset.done $0x0  }
0x10a: {  	[sflag:s19] =	ssyncadd.s32 $0xFFFFC000  }
0x10b: {  	[spmem:s3] =	stream.indirect.scatter.add.f32 [tilespmem:s17], [sflag:$0x4], $0x80, s25, s15, $0xb8;
	[tilespmem:$0x1D000] =	vst v63  }
0x10c: {  	_ =	swait.ge [sflag:s21], $0x4000  }
0x10d: {  	[sflag:s21] =	ssyncset.done $0x0  }
0x10e: {  	[sflag:s21] =	ssyncadd.s32 $0xFFFFC000  }
0x10f: {  	_ =	swait.ge [sflag:s22], $0x4000  }
0x110: {  	[sflag:s22] =	ssyncset.done $0x0  }
0x111: {  	[sflag:s22] =	ssyncadd.s32 $0xFFFFC000  }
0x112: {  	[tilespmem:s16], [sflag:$0x1] =	stream.indirect.gather [hbm4b:s1+s15], $0x80, s26, s15, $0xb8;
	[tilespmem:$0x1D000] =	vst v63  }
0x113: {  	_ = 	snop  }
0x114: {  	[tilespmem:s17], [sflag:$0x2] =	stream.indirect.gather [hbm4b:s1+s15], $0x80, s28, s15, $0xb8;
	[tilespmem:$0x1D000] =	vst v63  }
0x115: {  	_ =	swait.ge [sflag:s18], $0x4000  }
0x116: {  	[sflag:s18] =	ssyncset.done $0x0  }
0x117: {  	[sflag:s18] =	ssyncadd.s32 $0xFFFFC000  }
0x118: {  	[spmem:s3] =	stream.indirect.scatter.add.f32 [tilespmem:s16], [sflag:$0x3], $0x80, s29, s15, $0xb8;
	[tilespmem:$0x1D000] =	vst v63  }
0x119: {  	_ =	swait.ge [sflag:s19], $0x4000  }
0x11a: {  	[sflag:s19] =	ssyncset.done $0x0  }
0x11b: {  	[sflag:s19] =	ssyncadd.s32 $0xFFFFC000  }
0x11c: {  	[spmem:s3] =	stream.indirect.scatter.add.f32 [tilespmem:s17], [sflag:$0x4], $0x80, s30, s15, $0xb8;
	[tilespmem:$0x1D000] =	vst v63  }
0x11d: {  	_ =	swait.ge [sflag:s21], $0x4000  }
0x11e: {  	[sflag:s21] =	ssyncset.done $0x0  }
0x11f: {  	[sflag:s21] =	ssyncadd.s32 $0xFFFFC000  }
0x120: {  	_ =	swait.ge [sflag:s22], $0x4000  }
0x121: {  	[sflag:s22] =	ssyncset.done $0x0  }
0x122: {  	[sflag:s22] =	ssyncadd.s32 $0xFFFFC000  }
0x123: {  	[tilespmem:s16], [sflag:$0x1] =	stream.indirect.gather [hbm4b:s1+s15], $0x80, s31, s15, $0xb8;
	[tilespmem:$0x1D000] =	vst v63  }
0x124: {  	_ = 	snop  }
0x125: {  	[tilespmem:s17], [sflag:$0x2] =	stream.indirect.gather [hbm4b:s1+s15], $0x80, s2, s15, $0xb8;
	[tilespmem:$0x1D000] =	vst v63  }
0x126: {  	_ =	swait.ge [sflag:s18], $0x4000  }
0x127: {  	[sflag:s18] =	ssyncset.done $0x0  }
0x128: {  	[sflag:s18] =	ssyncadd.s32 $0xFFFFC000  }
0x129: {  	[spmem:s3] =	stream.indirect.scatter.add.f32 [tilespmem:s16], [sflag:$0x3], $0x80, s0, s15, $0xb8;
	[tilespmem:$0x1D000] =	vst v63  }
0x12a: {  	_ =	swait.ge [sflag:s19], $0x4000  }
0x12b: {  	[sflag:s19] =	ssyncset.done $0x0  }
0x12c: {  	[sflag:s19] =	ssyncadd.s32 $0xFFFFC000  }
0x12d: {  	[spmem:s3] =	stream.indirect.scatter.add.f32 [tilespmem:s17], [sflag:$0x4], $0x80, s8, s15, $0xb8;
	[tilespmem:$0x1D000] =	vst v63  }
0x12e: {  	_ =	swait.ge [sflag:s21], $0x4000  }
0x12f: {  	[sflag:s21] =	ssyncset.done $0x0  }
0x130: {  	[sflag:s21] =	ssyncadd.s32 $0xFFFFC000  }
0x131: {  	_ =	swait.ge [sflag:s22], $0x4000  }
0x132: {  	[sflag:s22] =	ssyncset.done $0x0  }
0x133: {  	[sflag:s22] =	ssyncadd.s32 $0xFFFFC000  }
0x134: {  	[tilespmem:s16], [sflag:$0x1] =	stream.indirect.gather [hbm4b:s1+s15], $0x80, s9, s15, $0xb8;
	[tilespmem:$0x1D000] =	vst v63  }
0x135: {  	s7 =	sadd.s32 $0x100, s7  }
0x136: {  	[tilespmem:s17], [sflag:$0x2] =	stream.indirect.gather [hbm4b:s1+s15], $0x80, s24, s15, $0xb8;
	[tilespmem:$0x1D000] =	vst v63  }
0x137: {  	p0 =	sne.s32 s7, $0x500;
	_ =	swait.ge [sflag:s18], $0x4000  }
.Ltmp0:
0x138: {  	[sflag:s18] =	ssyncset.done $0x0;
	(pc) =	sbr.rel @p0 .LBB2_2-.Ltmp0, $4  }
0x139: {  	[sflag:s18] =	ssyncadd.s32 $0xFFFFC000  }
0x13a: {  	[spmem:s3] =	stream.indirect.scatter.add.f32 [tilespmem:s16], [sflag:$0x3], $0x80, s10, s15, $0xb8;
	[tilespmem:$0x1D000] =	vst v63  }
0x13b: {  	_ =	swait.ge [sflag:s19], $0x4000  }
0x13c: {  	p1 =	seq.s32 s6, $0x0;
	[sflag:s19] =	ssyncset.done $0x0  }
0x13d: {  	s7 =	simm.s32 @!p1 $0x3;
	[sflag:s19] =	ssyncadd.s32 $0xFFFFC000;
	s9 =	simm.s32 $0xF80  }
0x13e: {  	[spmem:s3] =	stream.indirect.scatter.add.f32 [tilespmem:s17], [sflag:$0x4], $0x80, s9, s15, $0xb8;
	[tilespmem:$0x1D000] =	vst v63  }
0x13f: {  	_ =	swait.ge @!p1 [sflag:s7], $0x4000  }
0x140: {  	[sflag:s7] =	ssyncset.done @!p1 $0x0  }
0x141: {  	[sflag:s7] =	ssyncadd.s32 @!p1 $0xFFFFC000;
	s7 =	simm.s32 @!p1 $0x4  }
0x142: {  	_ =	swait.ge @!p1 [sflag:s7], $0x4000  }
0x143: {  	[sflag:s7] =	ssyncset.done @!p1 $0x0;
	s2 =	rddreg [dreg:$0x5]  }
0x144: {  	[sflag:s7] =	ssyncadd.s32 @!p1 $0xFFFFC000;
	s10 =	sadd.s32 s6, s2  }
0x145: {  	[tilespmem:s4], [sflag:$0x5] =	stream.linear.gather [hbm4b:s10+s4], $0x800, $0x38;
	[tilespmem:$0x1D000] =	vst v63  }
0x146: {  	_ =	swait.ge [sflag:s13], $0x800  }
0x147: {  	[sflag:s13] =	ssyncset.done $0x0;
	s0 =	rddreg [dreg:$0x4]  }
0x148: {  	s8 =	simm.s32 $0x800;
	[sflag:s13] =	ssyncadd.s32 $0xFFFFF800;
	s11 =	sadd.s32 s6, s0  }
0x149: {  	[tilespmem:s8], [sflag:$0x5] =	stream.linear.gather [hbm4b:s11+s4], $0x800, $0x38;
	[tilespmem:$0x1D000] =	vst v63  }
0x14a: {  	_ =	swait.ge [sflag:s13], $0x800  }
0x14b: {  	[sflag:s13] =	ssyncset.done $0x0  }
0x14c: {  	[sflag:s13] =	ssyncadd.s32 $0xFFFFF800  }
0x14d: {  	[tilespmem:s16], [sflag:$0x1] =	stream.indirect.gather [hbm4b:s1+s15], $0x80, s4, s15, $0xb8;
	[tilespmem:$0x1D000] =	vst v63  }
0x14e: {  	_ = 	snop  }
0x14f: {  	[tilespmem:s17], [sflag:$0x2] =	stream.indirect.gather [hbm4b:s1+s15], $0x80, s15, s15, $0xb8;
	[tilespmem:$0x1D000] =	vst v63  }
0x150: {  	_ =	swait.ge [sflag:s18], $0x4000  }
0x151: {  	[sflag:s18] =	ssyncset.done $0x0  }
0x152: {  	[sflag:s18] =	ssyncadd.s32 $0xFFFFC000  }
0x153: {  	[spmem:s3] =	stream.indirect.scatter.add.f32 [tilespmem:s16], [sflag:$0x3], $0x80, s8, s15, $0xb8;
	[tilespmem:$0x1D000] =	vst v63  }
0x154: {  	_ =	swait.ge [sflag:s19], $0x4000  }
0x155: {  	[sflag:s19] =	ssyncset.done $0x0  }
0x156: {  	s20 =	simm.s32 $0x880;
	[sflag:s19] =	ssyncadd.s32 $0xFFFFC000  }
0x157: {  	[spmem:s3] =	stream.indirect.scatter.add.f32 [tilespmem:s17], [sflag:$0x4], $0x80, s20, s15, $0xb8;
	[tilespmem:$0x1D000] =	vst v63  }
0x158: {  	_ =	swait.ge [sflag:s21], $0x4000  }
0x159: {  	[sflag:s21] =	ssyncset.done $0x0  }
0x15a: {  	[sflag:s21] =	ssyncadd.s32 $0xFFFFC000  }
0x15b: {  	_ =	swait.ge [sflag:s22], $0x4000  }
0x15c: {  	[sflag:s22] =	ssyncset.done $0x0  }
0x15d: {  	s10 =	simm.s32 $0x100;
	[sflag:s22] =	ssyncadd.s32 $0xFFFFC000  }
0x15e: {  	[tilespmem:s16], [sflag:$0x1] =	stream.indirect.gather [hbm4b:s1+s15], $0x80, s10, s15, $0xb8;
	[tilespmem:$0x1D000] =	vst v63  }
0x15f: {  	s11 =	simm.s32 $0x180  }
0x160: {  	[tilespmem:s17], [sflag:$0x2] =	stream.indirect.gather [hbm4b:s1+s15], $0x80, s11, s15, $0xb8;
	[tilespmem:$0x1D000] =	vst v63  }
0x161: {  	_ =	swait.ge [sflag:s18], $0x4000  }
0x162: {  	[sflag:s18] =	ssyncset.done $0x0  }
0x163: {  	s14 =	simm.s32 $0x900;
	[sflag:s18] =	ssyncadd.s32 $0xFFFFC000  }
0x164: {  	[spmem:s3] =	stream.indirect.scatter.add.f32 [tilespmem:s16], [sflag:$0x3], $0x80, s14, s15, $0xb8;
	[tilespmem:$0x1D000] =	vst v63  }
0x165: {  	_ =	swait.ge [sflag:s19], $0x4000  }
0x166: {  	[sflag:s19] =	ssyncset.done $0x0  }
0x167: {  	s23 =	simm.s32 $0x980;
	[sflag:s19] =	ssyncadd.s32 $0xFFFFC000  }
0x168: {  	[spmem:s3] =	stream.indirect.scatter.add.f32 [tilespmem:s17], [sflag:$0x4], $0x80, s23, s15, $0xb8;
	[tilespmem:$0x1D000] =	vst v63  }
0x169: {  	_ =	swait.ge [sflag:s21], $0x4000  }
0x16a: {  	[sflag:s21] =	ssyncset.done $0x0  }
0x16b: {  	[sflag:s21] =	ssyncadd.s32 $0xFFFFC000  }
0x16c: {  	_ =	swait.ge [sflag:s22], $0x4000  }
0x16d: {  	[sflag:s22] =	ssyncset.done $0x0  }
0x16e: {  	s24 =	simm.s32 $0x200;
	[sflag:s22] =	ssyncadd.s32 $0xFFFFC000  }
0x16f: {  	[tilespmem:s16], [sflag:$0x1] =	stream.indirect.gather [hbm4b:s1+s15], $0x80, s24, s15, $0xb8;
	[tilespmem:$0x1D000] =	vst v63  }
0x170: {  	s25 =	simm.s32 $0x280  }
0x171: {  	[tilespmem:s17], [sflag:$0x2] =	stream.indirect.gather [hbm4b:s1+s15], $0x80, s25, s15, $0xb8;
	[tilespmem:$0x1D000] =	vst v63  }
0x172: {  	_ =	swait.ge [sflag:s18], $0x4000  }
0x173: {  	[sflag:s18] =	ssyncset.done $0x0  }
0x174: {  	s26 =	simm.s32 $0xA00;
	[sflag:s18] =	ssyncadd.s32 $0xFFFFC000  }
0x175: {  	[spmem:s3] =	stream.indirect.scatter.add.f32 [tilespmem:s16], [sflag:$0x3], $0x80, s26, s15, $0xb8;
	[tilespmem:$0x1D000] =	vst v63  }
0x176: {  	_ =	swait.ge [sflag:s19], $0x4000  }
0x177: {  	[sflag:s19] =	ssyncset.done $0x0  }
0x178: {  	s28 =	simm.s32 $0xA80;
	[sflag:s19] =	ssyncadd.s32 $0xFFFFC000  }
0x179: {  	[spmem:s3] =	stream.indirect.scatter.add.f32 [tilespmem:s17], [sflag:$0x4], $0x80, s28, s15, $0xb8;
	[tilespmem:$0x1D000] =	vst v63  }
0x17a: {  	_ =	swait.ge [sflag:s21], $0x4000  }
0x17b: {  	[sflag:s21] =	ssyncset.done $0x0  }
0x17c: {  	[sflag:s21] =	ssyncadd.s32 $0xFFFFC000  }
0x17d: {  	_ =	swait.ge [sflag:s22], $0x4000  }
0x17e: {  	[sflag:s22] =	ssyncset.done $0x0  }
0x17f: {  	s29 =	simm.s32 $0x300;
	[sflag:s22] =	ssyncadd.s32 $0xFFFFC000  }
0x180: {  	[tilespmem:s16], [sflag:$0x1] =	stream.indirect.gather [hbm4b:s1+s15], $0x80, s29, s15, $0xb8;
	[tilespmem:$0x1D000] =	vst v63  }
0x181: {  	s30 =	simm.s32 $0x380  }
0x182: {  	[tilespmem:s17], [sflag:$0x2] =	stream.indirect.gather [hbm4b:s1+s15], $0x80, s30, s15, $0xb8;
	[tilespmem:$0x1D000] =	vst v63  }
0x183: {  	_ =	swait.ge [sflag:s18], $0x4000  }
0x184: {  	[sflag:s18] =	ssyncset.done $0x0  }
0x185: {  	s31 =	simm.s32 $0xB00;
	[sflag:s18] =	ssyncadd.s32 $0xFFFFC000  }
0x186: {  	[spmem:s3] =	stream.indirect.scatter.add.f32 [tilespmem:s16], [sflag:$0x3], $0x80, s31, s15, $0xb8;
	[tilespmem:$0x1D000] =	vst v63  }
0x187: {  	_ =	swait.ge [sflag:s19], $0x4000  }
0x188: {  	[sflag:s19] =	ssyncset.done $0x0  }
0x189: {  	s12 =	simm.s32 $0xB80;
	[sflag:s19] =	ssyncadd.s32 $0xFFFFC000  }
0x18a: {  	[spmem:s3] =	stream.indirect.scatter.add.f32 [tilespmem:s17], [sflag:$0x4], $0x80, s12, s15, $0xb8;
	[tilespmem:$0x1D000] =	vst v63  }
0x18b: {  	_ =	swait.ge [sflag:s21], $0x4000  }
0x18c: {  	[sflag:s21] =	ssyncset.done $0x0  }
0x18d: {  	[sflag:s21] =	ssyncadd.s32 $0xFFFFC000  }
0x18e: {  	_ =	swait.ge [sflag:s22], $0x4000  }
0x18f: {  	[sflag:s22] =	ssyncset.done $0x0  }
0x190: {  	s7 =	simm.s32 $0x400;
	[sflag:s22] =	ssyncadd.s32 $0xFFFFC000  }
0x191: {  	[tilespmem:s16], [sflag:$0x1] =	stream.indirect.gather [hbm4b:s1+s15], $0x80, s7, s15, $0xb8;
	[tilespmem:$0x1D000] =	vst v63  }
0x192: {  	s12 =	simm.s32 $0x480  }
0x193: {  	[tilespmem:s17], [sflag:$0x2] =	stream.indirect.gather [hbm4b:s1+s15], $0x80, s12, s15, $0xb8;
	[tilespmem:$0x1D000] =	vst v63  }
0x194: {  	_ =	swait.ge [sflag:s18], $0x4000  }
0x195: {  	[sflag:s18] =	ssyncset.done $0x0  }
0x196: {  	s7 =	simm.s32 $0xC00;
	[sflag:s18] =	ssyncadd.s32 $0xFFFFC000  }
0x197: {  	[spmem:s3] =	stream.indirect.scatter.add.f32 [tilespmem:s16], [sflag:$0x3], $0x80, s7, s15, $0xb8;
	[tilespmem:$0x1D000] =	vst v63  }
0x198: {  	_ =	swait.ge [sflag:s19], $0x4000  }
0x199: {  	[sflag:s19] =	ssyncset.done $0x0  }
0x19a: {  	s12 =	simm.s32 $0xC80;
	[sflag:s19] =	ssyncadd.s32 $0xFFFFC000  }
0x19b: {  	[spmem:s3] =	stream.indirect.scatter.add.f32 [tilespmem:s17], [sflag:$0x4], $0x80, s12, s15, $0xb8;
	[tilespmem:$0x1D000] =	vst v63  }
0x19c: {  	_ =	swait.ge [sflag:s21], $0x4000  }
0x19d: {  	[sflag:s21] =	ssyncset.done $0x0  }
0x19e: {  	[sflag:s21] =	ssyncadd.s32 $0xFFFFC000  }
0x19f: {  	_ =	swait.ge [sflag:s22], $0x4000  }
0x1a0: {  	[sflag:s22] =	ssyncset.done $0x0  }
0x1a1: {  	s7 =	simm.s32 $0x500;
	[sflag:s22] =	ssyncadd.s32 $0xFFFFC000  }
0x1a2: {  	[tilespmem:s16], [sflag:$0x1] =	stream.indirect.gather [hbm4b:s1+s15], $0x80, s7, s15, $0xb8;
	[tilespmem:$0x1D000] =	vst v63  }
0x1a3: {  	s12 =	simm.s32 $0x580  }
0x1a4: {  	[tilespmem:s17], [sflag:$0x2] =	stream.indirect.gather [hbm4b:s1+s15], $0x80, s12, s15, $0xb8;
	[tilespmem:$0x1D000] =	vst v63  }
0x1a5: {  	_ =	swait.ge [sflag:s18], $0x4000  }
0x1a6: {  	[sflag:s18] =	ssyncset.done $0x0  }
0x1a7: {  	s7 =	simm.s32 $0xD00;
	[sflag:s18] =	ssyncadd.s32 $0xFFFFC000  }
0x1a8: {  	[spmem:s3] =	stream.indirect.scatter.add.f32 [tilespmem:s16], [sflag:$0x3], $0x80, s7, s15, $0xb8;
	[tilespmem:$0x1D000] =	vst v63  }
0x1a9: {  	_ =	swait.ge [sflag:s19], $0x4000  }
0x1aa: {  	[sflag:s19] =	ssyncset.done $0x0  }
0x1ab: {  	s12 =	simm.s32 $0xD80;
	[sflag:s19] =	ssyncadd.s32 $0xFFFFC000  }
0x1ac: {  	[spmem:s3] =	stream.indirect.scatter.add.f32 [tilespmem:s17], [sflag:$0x4], $0x80, s12, s15, $0xb8;
	[tilespmem:$0x1D000] =	vst v63  }
0x1ad: {  	_ =	swait.ge [sflag:s21], $0x4000  }
0x1ae: {  	[sflag:s21] =	ssyncset.done $0x0  }
0x1af: {  	[sflag:s21] =	ssyncadd.s32 $0xFFFFC000  }
0x1b0: {  	_ =	swait.ge [sflag:s22], $0x4000  }
0x1b1: {  	[sflag:s22] =	ssyncset.done $0x0  }
0x1b2: {  	s7 =	simm.s32 $0x600;
	[sflag:s22] =	ssyncadd.s32 $0xFFFFC000  }
0x1b3: {  	[tilespmem:s16], [sflag:$0x1] =	stream.indirect.gather [hbm4b:s1+s15], $0x80, s7, s15, $0xb8;
	[tilespmem:$0x1D000] =	vst v63  }
0x1b4: {  	s12 =	simm.s32 $0x680  }
0x1b5: {  	[tilespmem:s17], [sflag:$0x2] =	stream.indirect.gather [hbm4b:s1+s15], $0x80, s12, s15, $0xb8;
	[tilespmem:$0x1D000] =	vst v63  }
0x1b6: {  	_ =	swait.ge [sflag:s18], $0x4000  }
0x1b7: {  	[sflag:s18] =	ssyncset.done $0x0  }
0x1b8: {  	s7 =	simm.s32 $0xE00;
	[sflag:s18] =	ssyncadd.s32 $0xFFFFC000  }
0x1b9: {  	[spmem:s3] =	stream.indirect.scatter.add.f32 [tilespmem:s16], [sflag:$0x3], $0x80, s7, s15, $0xb8;
	[tilespmem:$0x1D000] =	vst v63  }
0x1ba: {  	_ =	swait.ge [sflag:s19], $0x4000  }
0x1bb: {  	[sflag:s19] =	ssyncset.done $0x0  }
0x1bc: {  	s12 =	simm.s32 $0xE80;
	[sflag:s19] =	ssyncadd.s32 $0xFFFFC000  }
0x1bd: {  	[spmem:s3] =	stream.indirect.scatter.add.f32 [tilespmem:s17], [sflag:$0x4], $0x80, s12, s15, $0xb8;
	[tilespmem:$0x1D000] =	vst v63  }
0x1be: {  	_ =	swait.ge [sflag:s21], $0x4000  }
0x1bf: {  	[sflag:s21] =	ssyncset.done $0x0  }
0x1c0: {  	[sflag:s21] =	ssyncadd.s32 $0xFFFFC000  }
0x1c1: {  	_ =	swait.ge [sflag:s22], $0x4000  }
0x1c2: {  	[sflag:s22] =	ssyncset.done $0x0  }
0x1c3: {  	s7 =	simm.s32 $0x700;
	[sflag:s22] =	ssyncadd.s32 $0xFFFFC000  }
0x1c4: {  	[tilespmem:s16], [sflag:$0x1] =	stream.indirect.gather [hbm4b:s1+s15], $0x80, s7, s15, $0xb8;
	[tilespmem:$0x1D000] =	vst v63  }
0x1c5: {  	s12 =	simm.s32 $0x780  }
0x1c6: {  	[tilespmem:s17], [sflag:$0x2] =	stream.indirect.gather [hbm4b:s1+s15], $0x80, s12, s15, $0xb8;
	[tilespmem:$0x1D000] =	vst v63  }
0x1c7: {  	_ =	swait.ge [sflag:s18], $0x4000  }
0x1c8: {  	[sflag:s18] =	ssyncset.done $0x0  }
0x1c9: {  	s7 =	simm.s32 $0xF00;
	[sflag:s18] =	ssyncadd.s32 $0xFFFFC000  }
0x1ca: {  	[spmem:s3] =	stream.indirect.scatter.add.f32 [tilespmem:s16], [sflag:$0x3], $0x80, s7, s15, $0xb8;
	[tilespmem:$0x1D000] =	vst v63  }
0x1cb: {  	_ =	swait.ge [sflag:s19], $0x4000  }
0x1cc: {  	[sflag:s19] =	ssyncset.done $0x0  }
0x1cd: {  	[sflag:s19] =	ssyncadd.s32 $0xFFFFC000  }
0x1ce: {  	[spmem:s3] =	stream.indirect.scatter.add.f32 [tilespmem:s17], [sflag:$0x4], $0x80, s9, s15, $0xb8;
	[tilespmem:$0x1D000] =	vst v63  }
0x1cf: {  	_ =	swait.ge [sflag:s21], $0x4000  }
0x1d0: {  	[sflag:s21] =	ssyncset.done $0x0  }
0x1d1: {  	[sflag:s21] =	ssyncadd.s32 $0xFFFFC000  }
0x1d2: {  	_ =	swait.ge [sflag:s22], $0x4000  }
0x1d3: {  	[sflag:s22] =	ssyncset.done $0x0  }
0x1d4: {  	[sflag:s22] =	ssyncadd.s32 $0xFFFFC000  }
0x1d5: {  	[bflag:$0x0] =	sbarrier.arrive $0xFFFF  }
0x1d6: {  	s7 =	rddreg [dreg:$0x7]  }
0x1d7: {  	s9 =	rddreg [dreg:$0x8]  }
0x1d8: {  	s12 =	rddreg [dreg:$0xa]  }
0x1d9: {  	[hbm:s9], [sflag:s7] =	dma.local [spmem:s12], $0x2800  }
0x1da: {  	_ =	swait.ge [sflag:s13], $0x2800  }
0x1db: {  	[sflag:s13] =	ssyncset.done $0x0  }
0x1dc: {  	s9 =	rddreg [dreg:$0x6];
	[sflag:s13] =	ssyncadd.s32 $0xFFFFD800  }
0x1dd: {  	[spmem:s12], [sflag:s7] =	dma.local [hbm:s9], $0x2800  }
0x1de: {  	_ =	swait.ge [sflag:s13], $0x2800  }
0x1df: {  	[sflag:s13] =	ssyncset.done $0x0  }
0x1e0: {  	p0 =	por $0x1, $0x1;
	[sflag:s13] =	ssyncadd.s32 $0xFFFFD800  }
0x1e1: {  	s6 =	simm.s32 @!p0 $0x3;
	[bflag:$0x0] =	sbarrier.arrive $0xFFFF  }
0x1e2: {  	_ =	swait.ge @!p0 [sflag:s6], $0x4000  }
0x1e3: {  	[sflag:s6] =	ssyncset.done @!p0 $0x0  }
0x1e4: {  	[sflag:s6] =	ssyncadd.s32 @!p0 $0xFFFFC000;
	s6 =	simm.s32 @!p0 $0x4  }
0x1e5: {  	_ =	swait.ge @!p0 [sflag:s6], $0x4000  }
0x1e6: {  	[sflag:s6] =	ssyncset.done @!p0 $0x0  }
0x1e7: {  	s2 =	sadd.s32 $0x0, s2;
	[sflag:s6] =	ssyncadd.s32 @!p0 $0xFFFFC000  }
0x1e8: {  	[tilespmem:s4], [sflag:$0x5] =	stream.linear.gather [hbm4b:s2+s4], $0x800, $0x38;
	[tilespmem:$0x1D000] =	vst v63  }
0x1e9: {  	_ =	swait.ge [sflag:s13], $0x800  }
0x1ea: {  	[sflag:s13] =	ssyncset.done $0x0  }
0x1eb: {  	s7 =	sadd.s32 $0x0, s0;
	[sflag:s13] =	ssyncadd.s32 $0xFFFFF800  }
0x1ec: {  	[tilespmem:s8], [sflag:$0x5] =	stream.linear.gather [hbm4b:s7+s4], $0x800, $0x38;
	[tilespmem:$0x1D000] =	vst v63  }
0x1ed: {  	_ =	swait.ge [sflag:s13], $0x800  }
0x1ee: {  	[sflag:s13] =	ssyncset.done $0x0  }
0x1ef: {  	[sflag:s13] =	ssyncadd.s32 $0xFFFFF800  }
0x1f0: {  	[tilespmem:s16], [sflag:$0x1] =	stream.indirect.gather [hbm4b:s5+s15], $0x80, s4, s15, $0xb8;
	[tilespmem:$0x1D000] =	vst v63  }
0x1f1: {  	_ = 	snop  }
0x1f2: {  	[tilespmem:s17], [sflag:$0x2] =	stream.indirect.gather [hbm4b:s5+s15], $0x80, s15, s15, $0xb8;
	[tilespmem:$0x1D000] =	vst v63  }
0x1f3: {  	_ =	swait.ge [sflag:s18], $0x4000  }
0x1f4: {  	[sflag:s18] =	ssyncset.done $0x0  }
0x1f5: {  	[sflag:s18] =	ssyncadd.s32 $0xFFFFC000  }
0x1f6: {  	[spmem:s3] =	stream.indirect.scatter.add.f32 [tilespmem:s16], [sflag:$0x3], $0x80, s8, s15, $0xb8;
	[tilespmem:$0x1D000] =	vst v63  }
0x1f7: {  	_ =	swait.ge [sflag:s19], $0x4000  }
0x1f8: {  	[sflag:s19] =	ssyncset.done $0x0  }
0x1f9: {  	[sflag:s19] =	ssyncadd.s32 $0xFFFFC000  }
0x1fa: {  	[spmem:s3] =	stream.indirect.scatter.add.f32 [tilespmem:s17], [sflag:$0x4], $0x80, s20, s15, $0xb8;
	[tilespmem:$0x1D000] =	vst v63  }
0x1fb: {  	_ =	swait.ge [sflag:s21], $0x4000  }
0x1fc: {  	[sflag:s21] =	ssyncset.done $0x0  }
0x1fd: {  	[sflag:s21] =	ssyncadd.s32 $0xFFFFC000  }
0x1fe: {  	_ =	swait.ge [sflag:s22], $0x4000  }
0x1ff: {  	[sflag:s22] =	ssyncset.done $0x0  }
0x200: {  	[sflag:s22] =	ssyncadd.s32 $0xFFFFC000  }
0x201: {  	[tilespmem:s16], [sflag:$0x1] =	stream.indirect.gather [hbm4b:s5+s15], $0x80, s10, s15, $0xb8;
	[tilespmem:$0x1D000] =	vst v63  }
0x202: {  	_ = 	snop  }
0x203: {  	[tilespmem:s17], [sflag:$0x2] =	stream.indirect.gather [hbm4b:s5+s15], $0x80, s11, s15, $0xb8;
	[tilespmem:$0x1D000] =	vst v63  }
0x204: {  	_ =	swait.ge [sflag:s18], $0x4000  }
0x205: {  	[sflag:s18] =	ssyncset.done $0x0  }
0x206: {  	[sflag:s18] =	ssyncadd.s32 $0xFFFFC000  }
0x207: {  	[spmem:s3] =	stream.indirect.scatter.add.f32 [tilespmem:s16], [sflag:$0x3], $0x80, s14, s15, $0xb8;
	[tilespmem:$0x1D000] =	vst v63  }
0x208: {  	_ =	swait.ge [sflag:s19], $0x4000  }
0x209: {  	[sflag:s19] =	ssyncset.done $0x0  }
0x20a: {  	[sflag:s19] =	ssyncadd.s32 $0xFFFFC000  }
0x20b: {  	[spmem:s3] =	stream.indirect.scatter.add.f32 [tilespmem:s17], [sflag:$0x4], $0x80, s23, s15, $0xb8;
	[tilespmem:$0x1D000] =	vst v63  }
0x20c: {  	_ =	swait.ge [sflag:s21], $0x4000  }
0x20d: {  	[sflag:s21] =	ssyncset.done $0x0  }
0x20e: {  	[sflag:s21] =	ssyncadd.s32 $0xFFFFC000  }
0x20f: {  	_ =	swait.ge [sflag:s22], $0x4000  }
0x210: {  	[sflag:s22] =	ssyncset.done $0x0  }
0x211: {  	[sflag:s22] =	ssyncadd.s32 $0xFFFFC000  }
0x212: {  	[tilespmem:s16], [sflag:$0x1] =	stream.indirect.gather [hbm4b:s5+s15], $0x80, s24, s15, $0xb8;
	[tilespmem:$0x1D000] =	vst v63  }
0x213: {  	_ = 	snop  }
0x214: {  	[tilespmem:s17], [sflag:$0x2] =	stream.indirect.gather [hbm4b:s5+s15], $0x80, s25, s15, $0xb8;
	[tilespmem:$0x1D000] =	vst v63  }
0x215: {  	_ =	swait.ge [sflag:s18], $0x4000  }
0x216: {  	[sflag:s18] =	ssyncset.done $0x0  }
0x217: {  	[sflag:s18] =	ssyncadd.s32 $0xFFFFC000  }
0x218: {  	[spmem:s3] =	stream.indirect.scatter.add.f32 [tilespmem:s16], [sflag:$0x3], $0x80, s26, s15, $0xb8;
	[tilespmem:$0x1D000] =	vst v63  }
0x219: {  	_ =	swait.ge [sflag:s19], $0x4000  }
0x21a: {  	[sflag:s19] =	ssyncset.done $0x0  }
0x21b: {  	[sflag:s19] =	ssyncadd.s32 $0xFFFFC000  }
0x21c: {  	[spmem:s3] =	stream.indirect.scatter.add.f32 [tilespmem:s17], [sflag:$0x4], $0x80, s28, s15, $0xb8;
	[tilespmem:$0x1D000] =	vst v63  }
0x21d: {  	_ =	swait.ge [sflag:s21], $0x4000  }
0x21e: {  	[sflag:s21] =	ssyncset.done $0x0  }
0x21f: {  	[sflag:s21] =	ssyncadd.s32 $0xFFFFC000  }
0x220: {  	_ =	swait.ge [sflag:s22], $0x4000  }
0x221: {  	[sflag:s22] =	ssyncset.done $0x0  }
0x222: {  	[sflag:s22] =	ssyncadd.s32 $0xFFFFC000  }
0x223: {  	[tilespmem:s16], [sflag:$0x1] =	stream.indirect.gather [hbm4b:s5+s15], $0x80, s29, s15, $0xb8;
	[tilespmem:$0x1D000] =	vst v63  }
0x224: {  	_ = 	snop  }
0x225: {  	[tilespmem:s17], [sflag:$0x2] =	stream.indirect.gather [hbm4b:s5+s15], $0x80, s30, s15, $0xb8;
	[tilespmem:$0x1D000] =	vst v63  }
0x226: {  	_ =	swait.ge [sflag:s18], $0x4000  }
0x227: {  	[sflag:s18] =	ssyncset.done $0x0  }
0x228: {  	[sflag:s18] =	ssyncadd.s32 $0xFFFFC000  }
0x229: {  	[spmem:s3] =	stream.indirect.scatter.add.f32 [tilespmem:s16], [sflag:$0x3], $0x80, s31, s15, $0xb8;
	[tilespmem:$0x1D000] =	vst v63  }
0x22a: {  	_ =	swait.ge [sflag:s19], $0x4000  }
0x22b: {  	[sflag:s19] =	ssyncset.done $0x0  }
0x22c: {  	s8 =	simm.s32 $0xB80;
	[sflag:s19] =	ssyncadd.s32 $0xFFFFC000  }
0x22d: {  	[spmem:s3] =	stream.indirect.scatter.add.f32 [tilespmem:s17], [sflag:$0x4], $0x80, s8, s15, $0xb8;
	[tilespmem:$0x1D000] =	vst v63  }
0x22e: {  	_ =	swait.ge [sflag:s21], $0x4000  }
0x22f: {  	[sflag:s21] =	ssyncset.done $0x0  }
0x230: {  	[sflag:s21] =	ssyncadd.s32 $0xFFFFC000  }
0x231: {  	_ =	swait.ge [sflag:s22], $0x4000  }
0x232: {  	[sflag:s22] =	ssyncset.done $0x0  }
0x233: {  	s9 =	simm.s32 $0x400;
	[sflag:s22] =	ssyncadd.s32 $0xFFFFC000  }
0x234: {  	[tilespmem:s16], [sflag:$0x1] =	stream.indirect.gather [hbm4b:s5+s15], $0x80, s9, s15, $0xb8;
	[tilespmem:$0x1D000] =	vst v63  }
0x235: {  	s10 =	simm.s32 $0x480  }
0x236: {  	[tilespmem:s17], [sflag:$0x2] =	stream.indirect.gather [hbm4b:s5+s15], $0x80, s10, s15, $0xb8;
	[tilespmem:$0x1D000] =	vst v63  }
0x237: {  	_ =	swait.ge [sflag:s18], $0x4000  }
0x238: {  	[sflag:s18] =	ssyncset.done $0x0  }
0x239: {  	s11 =	simm.s32 $0xC00;
	[sflag:s18] =	ssyncadd.s32 $0xFFFFC000  }
0x23a: {  	[spmem:s3] =	stream.indirect.scatter.add.f32 [tilespmem:s16], [sflag:$0x3], $0x80, s11, s15, $0xb8;
	[tilespmem:$0x1D000] =	vst v63  }
0x23b: {  	_ =	swait.ge [sflag:s19], $0x4000  }
0x23c: {  	[sflag:s19] =	ssyncset.done $0x0  }
0x23d: {  	s12 =	simm.s32 $0xC80;
	[sflag:s19] =	ssyncadd.s32 $0xFFFFC000  }
0x23e: {  	[spmem:s3] =	stream.indirect.scatter.add.f32 [tilespmem:s17], [sflag:$0x4], $0x80, s12, s15, $0xb8;
	[tilespmem:$0x1D000] =	vst v63  }
0x23f: {  	_ =	swait.ge [sflag:s21], $0x4000  }
0x240: {  	[sflag:s21] =	ssyncset.done $0x0  }
0x241: {  	[sflag:s21] =	ssyncadd.s32 $0xFFFFC000  }
0x242: {  	_ =	swait.ge [sflag:s22], $0x4000  }
0x243: {  	[sflag:s22] =	ssyncset.done $0x0  }
0x244: {  	s20 =	simm.s32 $0x500;
	[sflag:s22] =	ssyncadd.s32 $0xFFFFC000  }
0x245: {  	[tilespmem:s16], [sflag:$0x1] =	stream.indirect.gather [hbm4b:s5+s15], $0x80, s20, s15, $0xb8;
	[tilespmem:$0x1D000] =	vst v63  }
0x246: {  	s24 =	simm.s32 $0x580  }
0x247: {  	[tilespmem:s17], [sflag:$0x2] =	stream.indirect.gather [hbm4b:s5+s15], $0x80, s24, s15, $0xb8;
	[tilespmem:$0x1D000] =	vst v63  }
0x248: {  	_ =	swait.ge [sflag:s18], $0x4000  }
0x249: {  	[sflag:s18] =	ssyncset.done $0x0  }
0x24a: {  	s2 =	simm.s32 $0xD00;
	[sflag:s18] =	ssyncadd.s32 $0xFFFFC000  }
0x24b: {  	[spmem:s3] =	stream.indirect.scatter.add.f32 [tilespmem:s16], [sflag:$0x3], $0x80, s2, s15, $0xb8;
	[tilespmem:$0x1D000] =	vst v63  }
0x24c: {  	_ =	swait.ge [sflag:s19], $0x4000  }
0x24d: {  	[sflag:s19] =	ssyncset.done $0x0  }
0x24e: {  	s6 =	simm.s32 $0xD80;
	[sflag:s19] =	ssyncadd.s32 $0xFFFFC000  }
0x24f: {  	[spmem:s3] =	stream.indirect.scatter.add.f32 [tilespmem:s17], [sflag:$0x4], $0x80, s6, s15, $0xb8;
	[tilespmem:$0x1D000] =	vst v63  }
0x250: {  	_ =	swait.ge [sflag:s21], $0x4000  }
0x251: {  	[sflag:s21] =	ssyncset.done $0x0  }
0x252: {  	[sflag:s21] =	ssyncadd.s32 $0xFFFFC000  }
0x253: {  	_ =	swait.ge [sflag:s22], $0x4000  }
0x254: {  	[sflag:s22] =	ssyncset.done $0x0  }
0x255: {  	s7 =	simm.s32 $0x600;
	[sflag:s22] =	ssyncadd.s32 $0xFFFFC000  }
0x256: {  	[tilespmem:s16], [sflag:$0x1] =	stream.indirect.gather [hbm4b:s5+s15], $0x80, s7, s15, $0xb8;
	[tilespmem:$0x1D000] =	vst v63  }
0x257: {  	s8 =	simm.s32 $0x680  }
0x258: {  	[tilespmem:s17], [sflag:$0x2] =	stream.indirect.gather [hbm4b:s5+s15], $0x80, s8, s15, $0xb8;
	[tilespmem:$0x1D000] =	vst v63  }
0x259: {  	_ =	swait.ge [sflag:s18], $0x4000  }
0x25a: {  	[sflag:s18] =	ssyncset.done $0x0  }
0x25b: {  	s9 =	simm.s32 $0xE00;
	[sflag:s18] =	ssyncadd.s32 $0xFFFFC000  }
0x25c: {  	[spmem:s3] =	stream.indirect.scatter.add.f32 [tilespmem:s16], [sflag:$0x3], $0x80, s9, s15, $0xb8;
	[tilespmem:$0x1D000] =	vst v63  }
0x25d: {  	_ =	swait.ge [sflag:s19], $0x4000  }
0x25e: {  	[sflag:s19] =	ssyncset.done $0x0  }
0x25f: {  	s10 =	simm.s32 $0xE80;
	[sflag:s19] =	ssyncadd.s32 $0xFFFFC000  }
0x260: {  	[spmem:s3] =	stream.indirect.scatter.add.f32 [tilespmem:s17], [sflag:$0x4], $0x80, s10, s15, $0xb8;
	[tilespmem:$0x1D000] =	vst v63  }
0x261: {  	_ =	swait.ge [sflag:s21], $0x4000  }
0x262: {  	[sflag:s21] =	ssyncset.done $0x0  }
0x263: {  	p1 =	por $0x0, $0x0;
	[sflag:s21] =	ssyncadd.s32 $0xFFFFC000  }
0x264: {  	s0 =	simm.s32 $0xE00;
	s14 =	simm.s32 $0x480;
	_ =	swait.ge [sflag:s22], $0x4000  }
0x265: {  	s23 =	simm.s32 $0xC00;
	s25 =	simm.s32 $0xC80;
	[sflag:s22] =	ssyncset.done $0x0  }
0x266: {  	s26 =	simm.s32 $0x500;
	s11 =	simm.s32 $0x700;
	[sflag:s22] =	ssyncadd.s32 $0xFFFFC000  }
0x267: {  	[tilespmem:s16], [sflag:$0x1] =	stream.indirect.gather [hbm4b:s5+s15], $0x80, s11, s15, $0xb8;
	[tilespmem:$0x1D000] =	vst v63  }
0x268: {  	s28 =	simm.s32 $0x580;
	s29 =	simm.s32 $0xD00;
	s12 =	simm.s32 $0x780  }
0x269: {  	[tilespmem:s17], [sflag:$0x2] =	stream.indirect.gather [hbm4b:s5+s15], $0x80, s12, s15, $0xb8;
	[tilespmem:$0x1D000] =	vst v63  }
0x26a: {  	s30 =	simm.s32 $0xD80;
	s31 =	simm.s32 $0x600;
	_ =	swait.ge [sflag:s18], $0x4000  }
0x26b: {  	s20 =	simm.s32 $0xF00;
	s24 =	simm.s32 $0x780;
	[sflag:s18] =	ssyncset.done $0x0  }
0x26c: {  	s2 =	simm.s32 $0x680;
	s6 =	simm.s32 $0x100;
	[sflag:s18] =	ssyncadd.s32 $0xFFFFC000  }
0x26d: {  	[spmem:s3] =	stream.indirect.scatter.add.f32 [tilespmem:s16], [sflag:$0x3], $0x80, s20, s15, $0xb8;
	[tilespmem:$0x1D000] =	vst v63  }
0x26e: {  	s7 =	simm.s32 $0x200;
	s8 =	simm.s32 $0xE80;
	_ =	swait.ge [sflag:s19], $0x4000  }
0x26f: {  	s9 =	simm.s32 $0x700;
	s10 =	simm.s32 $0xF00;
	[sflag:s19] =	ssyncset.done $0x0  }
.LBB2_4:
0x270: {  	s12 =	simm.s32 @!p1 $0x3;
	[sflag:s19] =	ssyncadd.s32 $0xFFFFC000;
	s11 =	simm.s32 $0xF80  }
0x271: {  	[spmem:s3] =	stream.indirect.scatter.add.f32 [tilespmem:s17], [sflag:$0x4], $0x80, s11, s15, $0xb8;
	[tilespmem:$0x1D000] =	vst v63  }
0x272: {  	_ =	swait.ge @!p1 [sflag:s12], $0x4000  }
0x273: {  	[sflag:s12] =	ssyncset.done @!p1 $0x0  }
0x274: {  	[sflag:s12] =	ssyncadd.s32 @!p1 $0xFFFFC000;
	s12 =	simm.s32 @!p1 $0x4  }
0x275: {  	_ =	swait.ge @!p1 [sflag:s12], $0x4000  }
0x276: {  	[sflag:s12] =	ssyncset.done @!p1 $0x0;
	s11 =	rddreg [dreg:$0x5]  }
0x277: {  	[sflag:s12] =	ssyncadd.s32 @!p1 $0xFFFFC000;
	s12 =	sadd.s32 s6, s11  }
0x278: {  	[tilespmem:s4], [sflag:$0x5] =	stream.linear.gather [hbm4b:s12+s4], $0x800, $0x38;
	[tilespmem:$0x1D000] =	vst v63  }
0x279: {  	_ =	swait.ge [sflag:s13], $0x800  }
0x27a: {  	[sflag:s13] =	ssyncset.done $0x0;
	s11 =	rddreg [dreg:$0x4]  }
0x27b: {  	[sflag:s13] =	ssyncadd.s32 $0xFFFFF800;
	s12 =	sadd.s32 s6, s11;
	s11 =	simm.s32 $0x800  }
0x27c: {  	[tilespmem:s11], [sflag:$0x5] =	stream.linear.gather [hbm4b:s12+s4], $0x800, $0x38;
	[tilespmem:$0x1D000] =	vst v63  }
0x27d: {  	_ =	swait.ge [sflag:s13], $0x800  }
0x27e: {  	[sflag:s13] =	ssyncset.done $0x0  }
0x27f: {  	[sflag:s13] =	ssyncadd.s32 $0xFFFFF800  }
0x280: {  	[tilespmem:s16], [sflag:$0x1] =	stream.indirect.gather [hbm4b:s5+s15], $0x80, s4, s15, $0xb8;
	[tilespmem:$0x1D000] =	vst v63  }
0x281: {  	_ = 	snop  }
0x282: {  	[tilespmem:s17], [sflag:$0x2] =	stream.indirect.gather [hbm4b:s5+s15], $0x80, s15, s15, $0xb8;
	[tilespmem:$0x1D000] =	vst v63  }
0x283: {  	_ =	swait.ge [sflag:s18], $0x4000  }
0x284: {  	[sflag:s18] =	ssyncset.done $0x0  }
0x285: {  	[sflag:s18] =	ssyncadd.s32 $0xFFFFC000  }
0x286: {  	[spmem:s3] =	stream.indirect.scatter.add.f32 [tilespmem:s16], [sflag:$0x3], $0x80, s11, s15, $0xb8;
	[tilespmem:$0x1D000] =	vst v63  }
0x287: {  	_ =	swait.ge [sflag:s19], $0x4000  }
0x288: {  	[sflag:s19] =	ssyncset.done $0x0  }
0x289: {  	s11 =	simm.s32 $0x880;
	[sflag:s19] =	ssyncadd.s32 $0xFFFFC000  }
0x28a: {  	[spmem:s3] =	stream.indirect.scatter.add.f32 [tilespmem:s17], [sflag:$0x4], $0x80, s11, s15, $0xb8;
	[tilespmem:$0x1D000] =	vst v63  }
0x28b: {  	_ =	swait.ge [sflag:s21], $0x4000  }
0x28c: {  	[sflag:s21] =	ssyncset.done $0x0  }
0x28d: {  	[sflag:s21] =	ssyncadd.s32 $0xFFFFC000  }
0x28e: {  	_ =	swait.ge [sflag:s22], $0x4000  }
0x28f: {  	s20 =	smov.u32 s7;
	[sflag:s22] =	ssyncset.done $0x0  }
0x290: {  	s6 =	smov.u32 s20;
	s20 =	simm.s32 $0x100;
	[sflag:s22] =	ssyncadd.s32 $0xFFFFC000  }
0x291: {  	[tilespmem:s16], [sflag:$0x1] =	stream.indirect.gather [hbm4b:s5+s15], $0x80, s20, s15, $0xb8;
	[tilespmem:$0x1D000] =	vst v63  }
0x292: {  	s11 =	simm.s32 $0x180  }
0x293: {  	[tilespmem:s17], [sflag:$0x2] =	stream.indirect.gather [hbm4b:s5+s15], $0x80, s11, s15, $0xb8;
	[tilespmem:$0x1D000] =	vst v63  }
0x294: {  	_ =	swait.ge [sflag:s18], $0x4000  }
0x295: {  	[sflag:s18] =	ssyncset.done $0x0  }
0x296: {  	s20 =	simm.s32 $0x900;
	[sflag:s18] =	ssyncadd.s32 $0xFFFFC000  }
0x297: {  	[spmem:s3] =	stream.indirect.scatter.add.f32 [tilespmem:s16], [sflag:$0x3], $0x80, s20, s15, $0xb8;
	[tilespmem:$0x1D000] =	vst v63  }
0x298: {  	_ =	swait.ge [sflag:s19], $0x4000  }
0x299: {  	[sflag:s19] =	ssyncset.done $0x0  }
0x29a: {  	s11 =	simm.s32 $0x980;
	[sflag:s19] =	ssyncadd.s32 $0xFFFFC000  }
0x29b: {  	[spmem:s3] =	stream.indirect.scatter.add.f32 [tilespmem:s17], [sflag:$0x4], $0x80, s11, s15, $0xb8;
	[tilespmem:$0x1D000] =	vst v63  }
0x29c: {  	_ =	swait.ge [sflag:s21], $0x4000  }
0x29d: {  	[sflag:s21] =	ssyncset.done $0x0  }
0x29e: {  	[sflag:s21] =	ssyncadd.s32 $0xFFFFC000  }
0x29f: {  	_ =	swait.ge [sflag:s22], $0x4000  }
0x2a0: {  	[sflag:s22] =	ssyncset.done $0x0  }
0x2a1: {  	s20 =	simm.s32 $0x200;
	[sflag:s22] =	ssyncadd.s32 $0xFFFFC000  }
0x2a2: {  	[tilespmem:s16], [sflag:$0x1] =	stream.indirect.gather [hbm4b:s5+s15], $0x80, s20, s15, $0xb8;
	[tilespmem:$0x1D000] =	vst v63  }
0x2a3: {  	s11 =	simm.s32 $0x280  }
0x2a4: {  	[tilespmem:s17], [sflag:$0x2] =	stream.indirect.gather [hbm4b:s5+s15], $0x80, s11, s15, $0xb8;
	[tilespmem:$0x1D000] =	vst v63  }
0x2a5: {  	_ =	swait.ge [sflag:s18], $0x4000  }
0x2a6: {  	[sflag:s18] =	ssyncset.done $0x0  }
0x2a7: {  	s20 =	simm.s32 $0xA00;
	[sflag:s18] =	ssyncadd.s32 $0xFFFFC000  }
0x2a8: {  	[spmem:s3] =	stream.indirect.scatter.add.f32 [tilespmem:s16], [sflag:$0x3], $0x80, s20, s15, $0xb8;
	[tilespmem:$0x1D000] =	vst v63  }
0x2a9: {  	_ =	swait.ge [sflag:s19], $0x4000  }
0x2aa: {  	[sflag:s19] =	ssyncset.done $0x0  }
0x2ab: {  	s11 =	simm.s32 $0xA80;
	[sflag:s19] =	ssyncadd.s32 $0xFFFFC000  }
0x2ac: {  	[spmem:s3] =	stream.indirect.scatter.add.f32 [tilespmem:s17], [sflag:$0x4], $0x80, s11, s15, $0xb8;
	[tilespmem:$0x1D000] =	vst v63  }
0x2ad: {  	_ =	swait.ge [sflag:s21], $0x4000  }
0x2ae: {  	[sflag:s21] =	ssyncset.done $0x0  }
0x2af: {  	[sflag:s21] =	ssyncadd.s32 $0xFFFFC000  }
0x2b0: {  	_ =	swait.ge [sflag:s22], $0x4000  }
0x2b1: {  	[sflag:s22] =	ssyncset.done $0x0  }
0x2b2: {  	s20 =	simm.s32 $0x300;
	[sflag:s22] =	ssyncadd.s32 $0xFFFFC000  }
0x2b3: {  	[tilespmem:s16], [sflag:$0x1] =	stream.indirect.gather [hbm4b:s5+s15], $0x80, s20, s15, $0xb8;
	[tilespmem:$0x1D000] =	vst v63  }
0x2b4: {  	s11 =	simm.s32 $0x380  }
0x2b5: {  	[tilespmem:s17], [sflag:$0x2] =	stream.indirect.gather [hbm4b:s5+s15], $0x80, s11, s15, $0xb8;
	[tilespmem:$0x1D000] =	vst v63  }
0x2b6: {  	_ =	swait.ge [sflag:s18], $0x4000  }
0x2b7: {  	[sflag:s18] =	ssyncset.done $0x0  }
0x2b8: {  	s20 =	simm.s32 $0xB00;
	[sflag:s18] =	ssyncadd.s32 $0xFFFFC000  }
0x2b9: {  	[spmem:s3] =	stream.indirect.scatter.add.f32 [tilespmem:s16], [sflag:$0x3], $0x80, s20, s15, $0xb8;
	[tilespmem:$0x1D000] =	vst v63  }
0x2ba: {  	_ =	swait.ge [sflag:s19], $0x4000  }
0x2bb: {  	[sflag:s19] =	ssyncset.done $0x0  }
0x2bc: {  	s11 =	simm.s32 $0xB80;
	[sflag:s19] =	ssyncadd.s32 $0xFFFFC000  }
0x2bd: {  	[spmem:s3] =	stream.indirect.scatter.add.f32 [tilespmem:s17], [sflag:$0x4], $0x80, s11, s15, $0xb8;
	[tilespmem:$0x1D000] =	vst v63  }
0x2be: {  	_ =	swait.ge [sflag:s21], $0x4000  }
0x2bf: {  	[sflag:s21] =	ssyncset.done $0x0  }
0x2c0: {  	[sflag:s21] =	ssyncadd.s32 $0xFFFFC000  }
0x2c1: {  	_ =	swait.ge [sflag:s22], $0x4000  }
0x2c2: {  	[sflag:s22] =	ssyncset.done $0x0  }
0x2c3: {  	s20 =	simm.s32 $0x400;
	[sflag:s22] =	ssyncadd.s32 $0xFFFFC000  }
0x2c4: {  	[tilespmem:s16], [sflag:$0x1] =	stream.indirect.gather [hbm4b:s5+s15], $0x80, s20, s15, $0xb8;
	[tilespmem:$0x1D000] =	vst v63  }
0x2c5: {  	_ = 	snop  }
0x2c6: {  	[tilespmem:s17], [sflag:$0x2] =	stream.indirect.gather [hbm4b:s5+s15], $0x80, s14, s15, $0xb8;
	[tilespmem:$0x1D000] =	vst v63  }
0x2c7: {  	_ =	swait.ge [sflag:s18], $0x4000  }
0x2c8: {  	[sflag:s18] =	ssyncset.done $0x0  }
0x2c9: {  	[sflag:s18] =	ssyncadd.s32 $0xFFFFC000  }
0x2ca: {  	[spmem:s3] =	stream.indirect.scatter.add.f32 [tilespmem:s16], [sflag:$0x3], $0x80, s23, s15, $0xb8;
	[tilespmem:$0x1D000] =	vst v63  }
0x2cb: {  	_ =	swait.ge [sflag:s19], $0x4000  }
0x2cc: {  	[sflag:s19] =	ssyncset.done $0x0  }
0x2cd: {  	[sflag:s19] =	ssyncadd.s32 $0xFFFFC000  }
0x2ce: {  	[spmem:s3] =	stream.indirect.scatter.add.f32 [tilespmem:s17], [sflag:$0x4], $0x80, s25, s15, $0xb8;
	[tilespmem:$0x1D000] =	vst v63  }
0x2cf: {  	_ =	swait.ge [sflag:s21], $0x4000  }
0x2d0: {  	[sflag:s21] =	ssyncset.done $0x0  }
0x2d1: {  	[sflag:s21] =	ssyncadd.s32 $0xFFFFC000  }
0x2d2: {  	_ =	swait.ge [sflag:s22], $0x4000  }
0x2d3: {  	[sflag:s22] =	ssyncset.done $0x0  }
0x2d4: {  	[sflag:s22] =	ssyncadd.s32 $0xFFFFC000  }
0x2d5: {  	[tilespmem:s16], [sflag:$0x1] =	stream.indirect.gather [hbm4b:s5+s15], $0x80, s26, s15, $0xb8;
	[tilespmem:$0x1D000] =	vst v63  }
0x2d6: {  	_ = 	snop  }
0x2d7: {  	[tilespmem:s17], [sflag:$0x2] =	stream.indirect.gather [hbm4b:s5+s15], $0x80, s28, s15, $0xb8;
	[tilespmem:$0x1D000] =	vst v63  }
0x2d8: {  	_ =	swait.ge [sflag:s18], $0x4000  }
0x2d9: {  	[sflag:s18] =	ssyncset.done $0x0  }
0x2da: {  	[sflag:s18] =	ssyncadd.s32 $0xFFFFC000  }
0x2db: {  	[spmem:s3] =	stream.indirect.scatter.add.f32 [tilespmem:s16], [sflag:$0x3], $0x80, s29, s15, $0xb8;
	[tilespmem:$0x1D000] =	vst v63  }
0x2dc: {  	_ =	swait.ge [sflag:s19], $0x4000  }
0x2dd: {  	[sflag:s19] =	ssyncset.done $0x0  }
0x2de: {  	[sflag:s19] =	ssyncadd.s32 $0xFFFFC000  }
0x2df: {  	[spmem:s3] =	stream.indirect.scatter.add.f32 [tilespmem:s17], [sflag:$0x4], $0x80, s30, s15, $0xb8;
	[tilespmem:$0x1D000] =	vst v63  }
0x2e0: {  	_ =	swait.ge [sflag:s21], $0x4000  }
0x2e1: {  	[sflag:s21] =	ssyncset.done $0x0  }
0x2e2: {  	[sflag:s21] =	ssyncadd.s32 $0xFFFFC000  }
0x2e3: {  	_ =	swait.ge [sflag:s22], $0x4000  }
0x2e4: {  	[sflag:s22] =	ssyncset.done $0x0  }
0x2e5: {  	[sflag:s22] =	ssyncadd.s32 $0xFFFFC000  }
0x2e6: {  	[tilespmem:s16], [sflag:$0x1] =	stream.indirect.gather [hbm4b:s5+s15], $0x80, s31, s15, $0xb8;
	[tilespmem:$0x1D000] =	vst v63  }
0x2e7: {  	_ = 	snop  }
0x2e8: {  	[tilespmem:s17], [sflag:$0x2] =	stream.indirect.gather [hbm4b:s5+s15], $0x80, s2, s15, $0xb8;
	[tilespmem:$0x1D000] =	vst v63  }
0x2e9: {  	_ =	swait.ge [sflag:s18], $0x4000  }
0x2ea: {  	[sflag:s18] =	ssyncset.done $0x0  }
0x2eb: {  	[sflag:s18] =	ssyncadd.s32 $0xFFFFC000  }
0x2ec: {  	[spmem:s3] =	stream.indirect.scatter.add.f32 [tilespmem:s16], [sflag:$0x3], $0x80, s0, s15, $0xb8;
	[tilespmem:$0x1D000] =	vst v63  }
0x2ed: {  	_ =	swait.ge [sflag:s19], $0x4000  }
0x2ee: {  	[sflag:s19] =	ssyncset.done $0x0  }
0x2ef: {  	[sflag:s19] =	ssyncadd.s32 $0xFFFFC000  }
0x2f0: {  	[spmem:s3] =	stream.indirect.scatter.add.f32 [tilespmem:s17], [sflag:$0x4], $0x80, s8, s15, $0xb8;
	[tilespmem:$0x1D000] =	vst v63  }
0x2f1: {  	_ =	swait.ge [sflag:s21], $0x4000  }
0x2f2: {  	[sflag:s21] =	ssyncset.done $0x0  }
0x2f3: {  	[sflag:s21] =	ssyncadd.s32 $0xFFFFC000  }
0x2f4: {  	_ =	swait.ge [sflag:s22], $0x4000  }
0x2f5: {  	[sflag:s22] =	ssyncset.done $0x0  }
0x2f6: {  	[sflag:s22] =	ssyncadd.s32 $0xFFFFC000  }
0x2f7: {  	[tilespmem:s16], [sflag:$0x1] =	stream.indirect.gather [hbm4b:s5+s15], $0x80, s9, s15, $0xb8;
	[tilespmem:$0x1D000] =	vst v63  }
0x2f8: {  	s7 =	sadd.s32 $0x100, s7  }
0x2f9: {  	[tilespmem:s17], [sflag:$0x2] =	stream.indirect.gather [hbm4b:s5+s15], $0x80, s24, s15, $0xb8;
	[tilespmem:$0x1D000] =	vst v63  }
0x2fa: {  	p0 =	sne.s32 s7, $0x500;
	_ =	swait.ge [sflag:s18], $0x4000  }
.Ltmp1:
0x2fb: {  	[sflag:s18] =	ssyncset.done $0x0;
	(pc) =	sbr.rel @p0 .LBB2_4-.Ltmp1, $4  }
0x2fc: {  	[sflag:s18] =	ssyncadd.s32 $0xFFFFC000  }
0x2fd: {  	[spmem:s3] =	stream.indirect.scatter.add.f32 [tilespmem:s16], [sflag:$0x3], $0x80, s10, s15, $0xb8;
	[tilespmem:$0x1D000] =	vst v63  }
0x2fe: {  	_ =	swait.ge [sflag:s19], $0x4000  }
0x2ff: {  	p1 =	seq.s32 s6, $0x0;
	[sflag:s19] =	ssyncset.done $0x0  }
0x300: {  	s7 =	simm.s32 @!p1 $0x3;
	[sflag:s19] =	ssyncadd.s32 $0xFFFFC000;
	s12 =	simm.s32 $0xF80  }
0x301: {  	[spmem:s3] =	stream.indirect.scatter.add.f32 [tilespmem:s17], [sflag:$0x4], $0x80, s12, s15, $0xb8;
	[tilespmem:$0x1D000] =	vst v63  }
0x302: {  	_ =	swait.ge @!p1 [sflag:s7], $0x4000  }
0x303: {  	[sflag:s7] =	ssyncset.done @!p1 $0x0  }
0x304: {  	[sflag:s7] =	ssyncadd.s32 @!p1 $0xFFFFC000;
	s7 =	simm.s32 @!p1 $0x4  }
0x305: {  	_ =	swait.ge @!p1 [sflag:s7], $0x4000  }
0x306: {  	[sflag:s7] =	ssyncset.done @!p1 $0x0;
	s11 =	rddreg [dreg:$0x5]  }
0x307: {  	[sflag:s7] =	ssyncadd.s32 @!p1 $0xFFFFC000;
	s7 =	sadd.s32 s6, s11  }
0x308: {  	[tilespmem:s4], [sflag:$0x5] =	stream.linear.gather [hbm4b:s7+s4], $0x800, $0x38;
	[tilespmem:$0x1D000] =	vst v63  }
0x309: {  	_ =	swait.ge [sflag:s13], $0x800  }
0x30a: {  	[sflag:s13] =	ssyncset.done $0x0;
	s20 =	rddreg [dreg:$0x4]  }
0x30b: {  	[sflag:s13] =	ssyncadd.s32 $0xFFFFF800;
	s11 =	sadd.s32 s6, s20;
	s20 =	simm.s32 $0x800  }
0x30c: {  	[tilespmem:s20], [sflag:$0x5] =	stream.linear.gather [hbm4b:s11+s4], $0x800, $0x38;
	[tilespmem:$0x1D000] =	vst v63  }
0x30d: {  	_ =	swait.ge [sflag:s13], $0x800  }
0x30e: {  	[sflag:s13] =	ssyncset.done $0x0  }
0x30f: {  	[sflag:s13] =	ssyncadd.s32 $0xFFFFF800  }
0x310: {  	[tilespmem:s16], [sflag:$0x1] =	stream.indirect.gather [hbm4b:s5+s15], $0x80, s4, s15, $0xb8;
	[tilespmem:$0x1D000] =	vst v63  }
0x311: {  	_ = 	snop  }
0x312: {  	[tilespmem:s17], [sflag:$0x2] =	stream.indirect.gather [hbm4b:s5+s15], $0x80, s15, s15, $0xb8;
	[tilespmem:$0x1D000] =	vst v63  }
0x313: {  	_ =	swait.ge [sflag:s18], $0x4000  }
0x314: {  	[sflag:s18] =	ssyncset.done $0x0  }
0x315: {  	[sflag:s18] =	ssyncadd.s32 $0xFFFFC000  }
0x316: {  	[spmem:s3] =	stream.indirect.scatter.add.f32 [tilespmem:s16], [sflag:$0x3], $0x80, s20, s15, $0xb8;
	[tilespmem:$0x1D000] =	vst v63  }
0x317: {  	_ =	swait.ge [sflag:s19], $0x4000  }
0x318: {  	[sflag:s19] =	ssyncset.done $0x0  }
0x319: {  	s7 =	simm.s32 $0x880;
	[sflag:s19] =	ssyncadd.s32 $0xFFFFC000  }
0x31a: {  	[spmem:s3] =	stream.indirect.scatter.add.f32 [tilespmem:s17], [sflag:$0x4], $0x80, s7, s15, $0xb8;
	[tilespmem:$0x1D000] =	vst v63  }
0x31b: {  	_ =	swait.ge [sflag:s21], $0x4000  }
0x31c: {  	[sflag:s21] =	ssyncset.done $0x0  }
0x31d: {  	[sflag:s21] =	ssyncadd.s32 $0xFFFFC000  }
0x31e: {  	_ =	swait.ge [sflag:s22], $0x4000  }
0x31f: {  	[sflag:s22] =	ssyncset.done $0x0  }
0x320: {  	s11 =	simm.s32 $0x100;
	[sflag:s22] =	ssyncadd.s32 $0xFFFFC000  }
0x321: {  	[tilespmem:s16], [sflag:$0x1] =	stream.indirect.gather [hbm4b:s5+s15], $0x80, s11, s15, $0xb8;
	[tilespmem:$0x1D000] =	vst v63  }
0x322: {  	s20 =	simm.s32 $0x180  }
0x323: {  	[tilespmem:s17], [sflag:$0x2] =	stream.indirect.gather [hbm4b:s5+s15], $0x80, s20, s15, $0xb8;
	[tilespmem:$0x1D000] =	vst v63  }
0x324: {  	_ =	swait.ge [sflag:s18], $0x4000  }
0x325: {  	[sflag:s18] =	ssyncset.done $0x0  }
0x326: {  	s7 =	simm.s32 $0x900;
	[sflag:s18] =	ssyncadd.s32 $0xFFFFC000  }
0x327: {  	[spmem:s3] =	stream.indirect.scatter.add.f32 [tilespmem:s16], [sflag:$0x3], $0x80, s7, s15, $0xb8;
	[tilespmem:$0x1D000] =	vst v63  }
0x328: {  	_ =	swait.ge [sflag:s19], $0x4000  }
0x329: {  	[sflag:s19] =	ssyncset.done $0x0  }
0x32a: {  	s11 =	simm.s32 $0x980;
	[sflag:s19] =	ssyncadd.s32 $0xFFFFC000  }
0x32b: {  	[spmem:s3] =	stream.indirect.scatter.add.f32 [tilespmem:s17], [sflag:$0x4], $0x80, s11, s15, $0xb8;
	[tilespmem:$0x1D000] =	vst v63  }
0x32c: {  	_ =	swait.ge [sflag:s21], $0x4000  }
0x32d: {  	[sflag:s21] =	ssyncset.done $0x0  }
0x32e: {  	[sflag:s21] =	ssyncadd.s32 $0xFFFFC000  }
0x32f: {  	_ =	swait.ge [sflag:s22], $0x4000  }
0x330: {  	[sflag:s22] =	ssyncset.done $0x0  }
0x331: {  	s20 =	simm.s32 $0x200;
	[sflag:s22] =	ssyncadd.s32 $0xFFFFC000  }
0x332: {  	[tilespmem:s16], [sflag:$0x1] =	stream.indirect.gather [hbm4b:s5+s15], $0x80, s20, s15, $0xb8;
	[tilespmem:$0x1D000] =	vst v63  }
0x333: {  	s7 =	simm.s32 $0x280  }
0x334: {  	[tilespmem:s17], [sflag:$0x2] =	stream.indirect.gather [hbm4b:s5+s15], $0x80, s7, s15, $0xb8;
	[tilespmem:$0x1D000] =	vst v63  }
0x335: {  	_ =	swait.ge [sflag:s18], $0x4000  }
0x336: {  	[sflag:s18] =	ssyncset.done $0x0  }
0x337: {  	s11 =	simm.s32 $0xA00;
	[sflag:s18] =	ssyncadd.s32 $0xFFFFC000  }
0x338: {  	[spmem:s3] =	stream.indirect.scatter.add.f32 [tilespmem:s16], [sflag:$0x3], $0x80, s11, s15, $0xb8;
	[tilespmem:$0x1D000] =	vst v63  }
0x339: {  	_ =	swait.ge [sflag:s19], $0x4000  }
0x33a: {  	[sflag:s19] =	ssyncset.done $0x0  }
0x33b: {  	s20 =	simm.s32 $0xA80;
	[sflag:s19] =	ssyncadd.s32 $0xFFFFC000  }
0x33c: {  	[spmem:s3] =	stream.indirect.scatter.add.f32 [tilespmem:s17], [sflag:$0x4], $0x80, s20, s15, $0xb8;
	[tilespmem:$0x1D000] =	vst v63  }
0x33d: {  	_ =	swait.ge [sflag:s21], $0x4000  }
0x33e: {  	[sflag:s21] =	ssyncset.done $0x0  }
0x33f: {  	[sflag:s21] =	ssyncadd.s32 $0xFFFFC000  }
0x340: {  	_ =	swait.ge [sflag:s22], $0x4000  }
0x341: {  	[sflag:s22] =	ssyncset.done $0x0  }
0x342: {  	s7 =	simm.s32 $0x300;
	[sflag:s22] =	ssyncadd.s32 $0xFFFFC000  }
0x343: {  	[tilespmem:s16], [sflag:$0x1] =	stream.indirect.gather [hbm4b:s5+s15], $0x80, s7, s15, $0xb8;
	[tilespmem:$0x1D000] =	vst v63  }
0x344: {  	s11 =	simm.s32 $0x380  }
0x345: {  	[tilespmem:s17], [sflag:$0x2] =	stream.indirect.gather [hbm4b:s5+s15], $0x80, s11, s15, $0xb8;
	[tilespmem:$0x1D000] =	vst v63  }
0x346: {  	_ =	swait.ge [sflag:s18], $0x4000  }
0x347: {  	[sflag:s18] =	ssyncset.done $0x0  }
0x348: {  	s20 =	simm.s32 $0xB00;
	[sflag:s18] =	ssyncadd.s32 $0xFFFFC000  }
0x349: {  	[spmem:s3] =	stream.indirect.scatter.add.f32 [tilespmem:s16], [sflag:$0x3], $0x80, s20, s15, $0xb8;
	[tilespmem:$0x1D000] =	vst v63  }
0x34a: {  	_ =	swait.ge [sflag:s19], $0x4000  }
0x34b: {  	[sflag:s19] =	ssyncset.done $0x0  }
0x34c: {  	s7 =	simm.s32 $0xB80;
	[sflag:s19] =	ssyncadd.s32 $0xFFFFC000  }
0x34d: {  	[spmem:s3] =	stream.indirect.scatter.add.f32 [tilespmem:s17], [sflag:$0x4], $0x80, s7, s15, $0xb8;
	[tilespmem:$0x1D000] =	vst v63  }
0x34e: {  	_ =	swait.ge [sflag:s21], $0x4000  }
0x34f: {  	[sflag:s21] =	ssyncset.done $0x0  }
0x350: {  	[sflag:s21] =	ssyncadd.s32 $0xFFFFC000  }
0x351: {  	_ =	swait.ge [sflag:s22], $0x4000  }
0x352: {  	[sflag:s22] =	ssyncset.done $0x0  }
0x353: {  	s11 =	simm.s32 $0x400;
	[sflag:s22] =	ssyncadd.s32 $0xFFFFC000  }
0x354: {  	[tilespmem:s16], [sflag:$0x1] =	stream.indirect.gather [hbm4b:s5+s15], $0x80, s11, s15, $0xb8;
	[tilespmem:$0x1D000] =	vst v63  }
0x355: {  	_ = 	snop  }
0x356: {  	[tilespmem:s17], [sflag:$0x2] =	stream.indirect.gather [hbm4b:s5+s15], $0x80, s14, s15, $0xb8;
	[tilespmem:$0x1D000] =	vst v63  }
0x357: {  	_ =	swait.ge [sflag:s18], $0x4000  }
0x358: {  	[sflag:s18] =	ssyncset.done $0x0  }
0x359: {  	[sflag:s18] =	ssyncadd.s32 $0xFFFFC000  }
0x35a: {  	[spmem:s3] =	stream.indirect.scatter.add.f32 [tilespmem:s16], [sflag:$0x3], $0x80, s23, s15, $0xb8;
	[tilespmem:$0x1D000] =	vst v63  }
0x35b: {  	_ =	swait.ge [sflag:s19], $0x4000  }
0x35c: {  	[sflag:s19] =	ssyncset.done $0x0  }
0x35d: {  	[sflag:s19] =	ssyncadd.s32 $0xFFFFC000  }
0x35e: {  	[spmem:s3] =	stream.indirect.scatter.add.f32 [tilespmem:s17], [sflag:$0x4], $0x80, s25, s15, $0xb8;
	[tilespmem:$0x1D000] =	vst v63  }
0x35f: {  	_ =	swait.ge [sflag:s21], $0x4000  }
0x360: {  	[sflag:s21] =	ssyncset.done $0x0  }
0x361: {  	[sflag:s21] =	ssyncadd.s32 $0xFFFFC000  }
0x362: {  	_ =	swait.ge [sflag:s22], $0x4000  }
0x363: {  	[sflag:s22] =	ssyncset.done $0x0  }
0x364: {  	[sflag:s22] =	ssyncadd.s32 $0xFFFFC000  }
0x365: {  	[tilespmem:s16], [sflag:$0x1] =	stream.indirect.gather [hbm4b:s5+s15], $0x80, s26, s15, $0xb8;
	[tilespmem:$0x1D000] =	vst v63  }
0x366: {  	_ = 	snop  }
0x367: {  	[tilespmem:s17], [sflag:$0x2] =	stream.indirect.gather [hbm4b:s5+s15], $0x80, s28, s15, $0xb8;
	[tilespmem:$0x1D000] =	vst v63  }
0x368: {  	_ =	swait.ge [sflag:s18], $0x4000  }
0x369: {  	[sflag:s18] =	ssyncset.done $0x0  }
0x36a: {  	[sflag:s18] =	ssyncadd.s32 $0xFFFFC000  }
0x36b: {  	[spmem:s3] =	stream.indirect.scatter.add.f32 [tilespmem:s16], [sflag:$0x3], $0x80, s29, s15, $0xb8;
	[tilespmem:$0x1D000] =	vst v63  }
0x36c: {  	_ =	swait.ge [sflag:s19], $0x4000  }
0x36d: {  	[sflag:s19] =	ssyncset.done $0x0  }
0x36e: {  	[sflag:s19] =	ssyncadd.s32 $0xFFFFC000  }
0x36f: {  	[spmem:s3] =	stream.indirect.scatter.add.f32 [tilespmem:s17], [sflag:$0x4], $0x80, s30, s15, $0xb8;
	[tilespmem:$0x1D000] =	vst v63  }
0x370: {  	_ =	swait.ge [sflag:s21], $0x4000  }
0x371: {  	[sflag:s21] =	ssyncset.done $0x0  }
0x372: {  	[sflag:s21] =	ssyncadd.s32 $0xFFFFC000  }
0x373: {  	_ =	swait.ge [sflag:s22], $0x4000  }
0x374: {  	[sflag:s22] =	ssyncset.done $0x0  }
0x375: {  	[sflag:s22] =	ssyncadd.s32 $0xFFFFC000  }
0x376: {  	[tilespmem:s16], [sflag:$0x1] =	stream.indirect.gather [hbm4b:s5+s15], $0x80, s31, s15, $0xb8;
	[tilespmem:$0x1D000] =	vst v63  }
0x377: {  	_ = 	snop  }
0x378: {  	[tilespmem:s17], [sflag:$0x2] =	stream.indirect.gather [hbm4b:s5+s15], $0x80, s2, s15, $0xb8;
	[tilespmem:$0x1D000] =	vst v63  }
0x379: {  	_ =	swait.ge [sflag:s18], $0x4000  }
0x37a: {  	[sflag:s18] =	ssyncset.done $0x0  }
0x37b: {  	[sflag:s18] =	ssyncadd.s32 $0xFFFFC000  }
0x37c: {  	[spmem:s3] =	stream.indirect.scatter.add.f32 [tilespmem:s16], [sflag:$0x3], $0x80, s0, s15, $0xb8;
	[tilespmem:$0x1D000] =	vst v63  }
0x37d: {  	_ =	swait.ge [sflag:s19], $0x4000  }
0x37e: {  	[sflag:s19] =	ssyncset.done $0x0  }
0x37f: {  	[sflag:s19] =	ssyncadd.s32 $0xFFFFC000  }
0x380: {  	[spmem:s3] =	stream.indirect.scatter.add.f32 [tilespmem:s17], [sflag:$0x4], $0x80, s8, s15, $0xb8;
	[tilespmem:$0x1D000] =	vst v63  }
0x381: {  	_ =	swait.ge [sflag:s21], $0x4000  }
0x382: {  	[sflag:s21] =	ssyncset.done $0x0  }
0x383: {  	[sflag:s21] =	ssyncadd.s32 $0xFFFFC000  }
0x384: {  	_ =	swait.ge [sflag:s22], $0x4000  }
0x385: {  	[sflag:s22] =	ssyncset.done $0x0  }
0x386: {  	[sflag:s22] =	ssyncadd.s32 $0xFFFFC000  }
0x387: {  	[tilespmem:s16], [sflag:$0x1] =	stream.indirect.gather [hbm4b:s5+s15], $0x80, s9, s15, $0xb8;
	[tilespmem:$0x1D000] =	vst v63  }
0x388: {  	_ = 	snop  }
0x389: {  	[tilespmem:s17], [sflag:$0x2] =	stream.indirect.gather [hbm4b:s5+s15], $0x80, s24, s15, $0xb8;
	[tilespmem:$0x1D000] =	vst v63  }
0x38a: {  	_ =	swait.ge [sflag:s18], $0x4000  }
0x38b: {  	[sflag:s18] =	ssyncset.done $0x0  }
0x38c: {  	[sflag:s18] =	ssyncadd.s32 $0xFFFFC000  }
0x38d: {  	[spmem:s3] =	stream.indirect.scatter.add.f32 [tilespmem:s16], [sflag:$0x3], $0x80, s10, s15, $0xb8;
	[tilespmem:$0x1D000] =	vst v63  }
0x38e: {  	_ =	swait.ge [sflag:s19], $0x4000  }
0x38f: {  	[sflag:s19] =	ssyncset.done $0x0  }
0x390: {  	[sflag:s19] =	ssyncadd.s32 $0xFFFFC000  }
0x391: {  	[spmem:s3] =	stream.indirect.scatter.add.f32 [tilespmem:s17], [sflag:$0x4], $0x80, s12, s15, $0xb8;
	[tilespmem:$0x1D000] =	vst v63  }
0x392: {  	_ =	swait.ge [sflag:s21], $0x4000  }
0x393: {  	[sflag:s21] =	ssyncset.done $0x0  }
0x394: {  	[sflag:s21] =	ssyncadd.s32 $0xFFFFC000  }
0x395: {  	_ =	swait.ge [sflag:s22], $0x4000  }
0x396: {  	[sflag:s22] =	ssyncset.done $0x0  }
0x397: {  	[sflag:s22] =	ssyncadd.s32 $0xFFFFC000  }
0x398: {  	[bflag:$0x0] =	sbarrier.arrive $0xFFFF  }
0x399: {  	s12 =	rddreg [dreg:$0x7]  }
0x39a: {  	s7 =	rddreg [dreg:$0xa]  }
0x39b: {  	s20 =	rddreg [dreg:$0xb]  }
0x39c: {  	[hbm:s20], [sflag:s12] =	dma.local [spmem:s7], $0x2800  }
0x39d: {  	_ =	swait.ge [sflag:s13], $0x2800  }
0x39e: {  	s20 =	rddreg [dreg:$0xc]  }
0x39f: {  	s11 =	rddreg [dreg:$0x9];
	s20 =	sadd.s32 $0x1, s20  }
0x3a0: {  	p0 =	sne.s32 s20, s11  }
.Ltmp2:
0x3a1: {  	_ = 	snop;
	(pc) =	sbr.rel @p0 .LBB2_1-.Ltmp2, $3  }
0x3a2: {  	_ =	sdelay $0x1  }
0x3a3: {  	[sflag:s13] =	ssyncset.done $0x0  }
0x3a4: {  	[sflag:s13] =	ssyncadd.s32 $0xFFFFD800  }
0x3a5: {  	_ =	sfence.sel $0x180000  }
0x3a6: {  	[bflag:$0x0] =	sbarrier.arrive $0xFFFF  }
0x3a7: {  	_ =	strace $0x9000004D  }
0x3a8: {  	s0 =	stileid.u32;
	[bflag:$0x2] =	sbarrier.arrive $0xFFFF  }
0x3a9: {  	p0 =	sne.s32 s0, $0x0;
	s0 =	rddreg [dreg:$0x3]  }
0x3aa: {  	s0 =	sadd.s32 @!p0 $0x100000, s0  }
0x3ab: {  	[sflag:s0] =	ssyncadd.tile.s32 @!p0 $0x1;
	_ =	shalt  }
.Lfunc_end2:
_tile_overlayer_lowered:
.L_overlay_start_2:
0x3ac: {  	(tag) =	ssettag $0x2  }
0x3ad: {  	s0 =	rddreg [dreg:$0x0];
	s2 =	stileid.u32  }
0x3ae: {  	s1 =	rddreg [dreg:$0x1];
	p0 =	sne.s32 s2, $0x0  }
0x3af: {  	s3 =	rddreg [dreg:$0x2];
	[bflag:$0x3] =	sbarrier.arrive $0xFFFF;
	s2 =	simm.s32 @!p0 $0x1C05  }
0x3b0: {  	[timem:s3], [sflag:s2] =	dma.local @!p0 [hbm:s0], s1  }
0x3b1: {  	s0 =	simm.s32 @!p0 $0x5  }
0x3b2: {  	_ =	swait.ge @!p0 [sflag:s0], s1  }
0x3b3: {  	s1 =	ssub.s32 @!p0 $0x0, s1;
	[sflag:s0] =	ssyncset.done @!p0 $0x0  }
0x3b4: {  	[sflag:s0] =	ssyncadd.s32 @!p0 s1  }
0x3b5: {  	[bflag:$0x3] =	sbarrier.arrive $0xFFFF  }
0x3b6: {  	_ =	shalt  }

// kernel: kernel.20.cloned.1.call-start
scs
__scs_entry_jumppad:
0x0: {  	(pc) =	sbr.rel $0x88, $3  }
0x1: {  	(tag) =	ssettag $0x0;
	lr =	simm.s32 $0x1  }
0x2: {  	[smem:$0x3F99] =	sst lr;
	_ =	strace $0xD0000000  }
0x3: {  	_ = 	snop  }
0x4: {  	_ = 	snop  }
0x5: {  	_ = 	snop  }
0x6: {  	_ = 	snop  }
0x7: {  	_ = 	snop  }
__scs_overlays_trampoline_lowered:
0x8: {  	[smem:$0x3FA8] =	sst s0  }
0x9: {  	[smem:$0x3FA9] =	sst s1  }
0xa: {  	[smem:$0x3FAA] =	sst s2  }
0xb: {  	[smem:$0x3FAB] =	sst s3  }
0xc: {  	[smem:$0x3FAC] =	sst s4  }
0xd: {  	[smem:$0x3FAD] =	sst s5  }
0xe: {  	[smem:$0x3FAE] =	sst s6  }
0xf: {  	[smem:$0x3FAF] =	sst s7  }
0x10: {  	[smem:$0x3FB0] =	sst s8  }
0x11: {  	[smem:$0x3FB1] =	sst s9;
	s0 =	simm.s32 @!p0 $0x0  }
0x12: {  	s1 =	sld [smem:$0x3F97];
	s0 =	simm.s32 @p0 $0x1  }
0x13: {  	[smem:$0x3FB2] =	sst s0;
	s0 =	simm.s32 @!p1 $0x0  }
0x14: {  	s2 =	sld [smem:$0x3F96];
	s0 =	simm.s32 @p1 $0x1  }
0x15: {  	[smem:$0x3FB3] =	sst s0;
	s0 =	simm.s32 @!p2 $0x0  }
0x16: {  	s3 =	sld [smem:$0x3FDB];
	s0 =	simm.s32 @p2 $0x1  }
0x17: {  	s4 =	simm.s32 $0x1BF5;
	[smem:$0x3FB5] =	sst s0  }
0x18: {  	s0 =	sld [smem:$0x3F98];
	_ =	swait.ge [sflag:s4], $0x0  }
0x19: {  	s7 =	sld [smem:$0x3F99]  }
0x1a: {  	s8 =	sadd.s32 $0xFFFFE003, lr  }
0x1b: {  	s9 =	sadd.s32 $0xFFFFFEF7, lr;
	s5 =	simm.s32 $0xFFFFFFFF;
	p2 =	slt.u32 s8, $0xFFFFF086  }
0x1c: {  	p1 =	slt.u32 s9, $0xF7A;
	s5 =	simm.s32 @!p2 $0x0  }
0x1d: {  	s5 =	simm.s32 @p1 $0x1;
	p0 =	seq.s32 s7, s2  }
0x1e: {  	s7 =	smul.u32 @!p0 $0xF7A, s2;
	p2 =	seq.s32 @!p0 s5, $0x0  }
0x1f: {  	s9 =	smul.u32 $0xF7A, s1;
	s8 =	simm.s32 @!p0 $0x1BF5;
	p2 =	por !p2, p0  }
0x20: {  	[sflag:s8] =	ssyncset.s32 @!p0 $0xFFFFF086;
	s6 =	sadd.s32 @!p0 s3, s7;
	s7 =	simm.s32 @!p0 $0x108  }
0x21: {  	s3 =	sadd.s32 s3, s9;
	s6 =	sadd.s32 @!p0 $0x88, s6;
	s7 =	simm.s32 @p2 $0x1082  }
0x22: {  	[simem:s7], [sflag:s8] =	dma.local @!p0 [hbm:s6], $0xF7A  }
0x23: {  	s9 =	sor.u32 $0xD0000000, s2;
	s6 =	simm.s32 $0x108;
	_ =	swait.ge @!p0 [sflag:s8], $0x0  }
0x24: {  	s3 =	sadd.s32 $0x88, s3;
	s6 =	simm.s32 @!p1 $0x1082;
	[sflag:s4] =	ssyncset.s32 $0xFFFFF086  }
0x25: {  	[simem:s6], [sflag:s4] =	dma.local [hbm:s3], $0xF7A  }
0x26: {  	[smem:$0x3F99] =	sst s1;
	(tag) =	ssettag s2;
	_ =	strace s9  }
0x27: {  	s1 =	sld [smem:$0x3FA9]  }
0x28: {  	s2 =	sld [smem:$0x3FAA]  }
0x29: {  	s4 =	sld [smem:$0x3FAC]  }
0x2a: {  	p0 =	seq.s32 s5, $0x0;
	s5 =	sld [smem:$0x3FAD]  }
0x2b: {  	s6 =	sld [smem:$0x3FAE]  }
0x2c: {  	s7 =	sld [smem:$0x3FAF]  }
0x2d: {  	s3 =	simm.s32 $0x108;
	s8 =	sld [smem:$0x3FB0]  }
0x2e: {  	s3 =	simm.s32 @!p0 $0x1082;
	s9 =	sld [smem:$0x3FB1]  }
0x2f: {  	lr =	sadd.s32 s0, s3;
	s0 =	sld [smem:$0x3FA8]  }
0x30: {  	s3 =	sld [smem:$0x3FAB]  }
0x31: {  	[smem:$0x3FB4] =	sst s10  }
0x32: {  	s10 =	sld [smem:$0x3FB2];
	_ =	sdelay $0x3  }
0x33: {  	p0 =	seq.s32 s10, $0x1;
	s10 =	sld [smem:$0x3FB4];
	_ =	sdelay $0x3  }
0x34: {  	[smem:$0x3FB4] =	sst s10  }
0x35: {  	s10 =	sld [smem:$0x3FB3];
	_ =	sdelay $0x3  }
0x36: {  	p1 =	seq.s32 s10, $0x1;
	s10 =	sld [smem:$0x3FB4];
	_ =	sdelay $0x3  }
0x37: {  	[smem:$0x3FB4] =	sst s10  }
0x38: {  	s10 =	sld [smem:$0x3FB5]  }
0x39: {  	_ = 	snop;
	(pc) =	sbr.ind lr, $3  }
0x3a: {  	_ = 	snop  }
0x3b: {  	_ = 	snop  }
0x3c: {  	p2 =	seq.s32 s10, $0x1;
	s10 =	sld [smem:$0x3FB4]  }
0x3d: {  	_ =	shalt  }
0x3e: {  	_ =	shalt  }
0x3f: {  	_ =	shalt  }
0x40: {  	_ =	shalt  }
0x41: {  	_ =	shalt  }
0x42: {  	_ =	shalt  }
0x43: {  	_ =	shalt  }
0x44: {  	_ =	shalt  }
0x45: {  	_ =	shalt  }
0x46: {  	_ =	shalt  }
0x47: {  	_ =	shalt  }
0x48: {  	_ =	shalt  }
0x49: {  	_ =	shalt  }
0x4a: {  	_ =	shalt  }
0x4b: {  	_ =	shalt  }
0x4c: {  	_ =	shalt  }
0x4d: {  	_ =	shalt  }
0x4e: {  	_ =	shalt  }
0x4f: {  	_ =	shalt  }
0x50: {  	_ =	shalt  }
0x51: {  	_ =	shalt  }
0x52: {  	_ =	shalt  }
0x53: {  	_ =	shalt  }
0x54: {  	_ =	shalt  }
0x55: {  	_ =	shalt  }
0x56: {  	_ =	shalt  }
0x57: {  	_ =	shalt  }
0x58: {  	_ =	shalt  }
0x59: {  	_ =	shalt  }
0x5a: {  	_ =	shalt  }
0x5b: {  	_ =	shalt  }
0x5c: {  	_ =	shalt  }
0x5d: {  	_ =	shalt  }
0x5e: {  	_ =	shalt  }
0x5f: {  	_ =	shalt  }
0x60: {  	_ =	shalt  }
0x61: {  	_ =	shalt  }
0x62: {  	_ =	shalt  }
0x63: {  	_ =	shalt  }
0x64: {  	_ =	shalt  }
0x65: {  	_ =	shalt  }
0x66: {  	_ =	shalt  }
0x67: {  	_ =	shalt  }
0x68: {  	_ =	shalt  }
0x69: {  	_ =	shalt  }
0x6a: {  	_ =	shalt  }
0x6b: {  	_ =	shalt  }
0x6c: {  	_ =	shalt  }
0x6d: {  	_ =	shalt  }
0x6e: {  	_ =	shalt  }
0x6f: {  	_ =	shalt  }
0x70: {  	_ =	shalt  }
0x71: {  	_ =	shalt  }
0x72: {  	_ =	shalt  }
0x73: {  	_ =	shalt  }
0x74: {  	_ =	shalt  }
0x75: {  	_ =	shalt  }
0x76: {  	_ =	shalt  }
0x77: {  	_ =	shalt  }
0x78: {  	_ =	shalt  }
0x79: {  	_ =	shalt  }
0x7a: {  	_ =	shalt  }
0x7b: {  	_ =	shalt  }
0x7c: {  	_ =	shalt  }
0x7d: {  	_ =	shalt  }
0x7e: {  	_ =	shalt  }
0x7f: {  	_ =	shalt  }
0x80: {  	_ =	shalt  }
0x81: {  	_ =	shalt  }
0x82: {  	_ =	shalt  }
0x83: {  	_ =	shalt  }
0x84: {  	_ =	shalt  }
0x85: {  	_ =	shalt  }
0x86: {  	_ =	shalt  }
0x87: {  	_ =	shalt  }
.Lfunc_end0:
.L_simem_size_0:
called_computation.3_lowered:
.L_overlay_start_0:
0x88: {  	s2 =	sld [smem:$0x3FD9]  }
0x89: {  	s3 =	sld [smem:$0x3FFE];
	_ =	sdelay $0x1  }
0x8a: {  	s1 =	srdreg.scid  }
0x8b: {  	s0 =	sand.u32 $0x1, s1  }
0x8c: {  	s17 =	sshll.u32 s0, $0xA;
	s2 =	sadd.s32 s3, s2  }
0x8d: {  	s2 =	sadd.s32 s2, s17  }
0x8e: {  	[smem:$0x3FC0] =	sst s2  }
0x8f: {  	_ = 	snop  }
0x90: {  	s2 =	sld [smem:$0x3FD0];
	(tm) =	ssettm $0x1  }
0x91: {  	s18 =	sld [smem:$0x3FFB];
	_ =	sdelay $0x3  }
0x92: {  	_ =	strace s18  }
0x93: {  	s3 =	sld [smem:$0x3FFC];
	_ =	sdelay $0x3  }
0x94: {  	_ =	strace s3  }
0x95: {  	s3 =	sld [smem:$0x3FFD];
	_ =	sdelay $0x3  }
0x96: {  	_ =	strace s3  }
0x97: {  	_ =	strace $0x8FFFFFFF  }
0x98: {  	s19 =	sld [smem:$0x3FDB];
	_ =	sdelay $0x1  }
0x99: {  	s4 =	simm.s32 $_scs_section_size  }
0x9a: {  	s5 =	simm.s32 $_size__tile_overlayer_lowered;
	s6 =	simm.s32 $_tile_overlayer_lowered  }
0x9b: {  	s22 =	simm.s32 $0x1BFF;
	s21 =	sshll.u32 s6, $0x1;
	s3 =	sadd.s32 s4, s19  }
0x9c: {  	s7 =	simm.s32 $0x0;
	s20 =	sshll.u32 s5, $0x1;
	s5 =	sadd.s32 s21, s3  }
0x9d: {  	[timem:s7], [sflag:s22] =	dma.local [hbm:s5], s20  }
0x9e: {  	_ =	swait.ge [sflag:s22], s20  }
0x9f: {  	s4 =	ssub.s32 $0x0, s20;
	[sflag:s22] =	ssyncset.done $0x0  }
0xa0: {  	[sflag:s22] =	ssyncadd.s32 s4;
	_ =	sdelay $0x1  }
0xa1: {  	s23 =	simm.s32 $0x1B8B  }
0xa2: {  	_ =	swait.ge [sflag:s23], $0x1  }
0xa3: {  	[sflag:s23] =	ssyncset.done $0x0  }
0xa4: {  	s25 =	simm.s32 $0x1B8E;
	s24 =	sld [smem:$0x3FFE];
	[sflag:s23] =	ssyncadd.s32 $0xFFFFFFFF  }
0xa5: {  	s26 =	simm.s32 $execute0_lowered;
	[smem:$0x3FD2] =	sst s25  }
0xa6: {  	s5 =	sshll.u32 s26, $0x1;
	_ =	strace $0x8000004F;
	[dreg:$0x1] =	wrdreg $0xFFFFFFFF  }
0xa7: {  	s28 =	simm.s32 $_size_execute0_lowered;
	s3 =	sadd.s32 s3, s5;
	[dreg:$0x0] =	wrdreg $0x0  }
0xa8: {  	s5 =	sshll.u32 s28, $0x1;
	[dreg:$0x2] =	wrdreg s3  }
0xa9: {  	[dreg:$0x3] =	wrdreg s5  }
0xaa: {  	[dreg:$0x4] =	wrdreg $0xC0  }
0xab: {  	_ =	task [dreg:s7], $0x5FFFF  }
0xac: {  	[dreg:$0x1] =	wrdreg $0xFFFFFFFF  }
0xad: {  	[dreg:$0x0] =	wrdreg $0x60  }
0xae: {  	[dreg:$0x2] =	wrdreg s2  }
0xaf: {  	[dreg:$0x3] =	wrdreg s24  }
0xb0: {  	[dreg:$0x4] =	wrdreg $0x90000  }
0xb1: {  	[dreg:$0x5] =	wrdreg $0x9  }
0xb2: {  	_ =	task.clear_ibuf [dreg:s7], $0x6FFFF;
	_ =	strace $0x9000004F  }
0xb3: {  	s29 =	simm.s32 $0x9;
	_ =	strace $0x80000051  }
0xb4: {  	_ =	swait.ge [sflag:s29], $0x1  }
0xb5: {  	[sflag:s29] =	ssyncadd.s32 $0xFFFFFFFF  }
0xb6: {  	_ =	strace $0x90000051  }
0xb7: {  	_ =	sfence  }
0xb8: {  	s30 =	sld [smem:$0x0];
	_ =	sdelay $0x2  }
0xb9: {  	s31 =	sshll.u32 s1, $0xD;
	s1 =	sshrl.u32 s1, $0x2  }
0xba: {  	s3 =	sand.u32 $0x4000, s31;
	s1 =	sadd.s32 s1, s30  }
0xbb: {  	s0 =	sor.u32 s3, s0;
	s1 =	sshll.u32 s1, $0x11  }
0xbc: {  	s0 =	sor.u32 s1, s0  }
0xbd: {  	s0 =	sadd.s32 $0x8F2B, s0  }
0xbe: {  	[sflag:s0] =	ssyncadd.remote.s32 $0x1  }
0xbf: {  	_ =	sfence.sel $0xFFFF  }
0xc0: {  	[dreg:$0x0] =	wrdreg $0xFFFFFFFF;
	(pc) =	sbr.abs _section_cstart, $3  }
0xc1: {  	[dreg:$0x1] =	wrdreg $0xFFFFFFFF  }
0xc2: {  	_ =	task.clear_ibuf [dreg:s7], $0x2FFFF;
	_ =	strace $0x9FFFFFFF  }
0xc3: {  	(tm) =	ssettm $0x7FFFFFFF  }
tec
execute0_lowered:
.L_overlay_start_1:
0x0: {  	(tag) =	ssettag $0x1  }
0x1: {  	s2 =	rddreg [dreg:$0x0]  }
0x2: {  	s0 =	srdreg.scid;
	s6 =	rddreg [dreg:$0x1]  }
0x3: {  	s9 =	stileid.u32;
	s3 =	rddreg [dreg:$0x2]  }
0x4: {  	s4 =	simm.s32 $0x0;
	s10 =	simm.s32 $0x880;
	s11 =	simm.s32 $0x100  }
0x5: {  	s13 =	simm.s32 $0x180;
	s14 =	simm.s32 $0x900;
	s15 =	simm.s32 $0x980  }
0x6: {  	s16 =	simm.s32 $0x200;
	[smem:$0x7FF] =	sst s4;
	s23 =	sadd.s32 $0x18600, s6  }
0x7: {  	s17 =	simm.s32 $0x280;
	_ =	strace $0x80000050;
	[dreg:$0x16] =	wrdreg s23  }
0x8: {  	s18 =	simm.s32 $0xA00;
	s19 =	simm.s32 $0xA80;
	[dreg:$0x6] =	wrdreg s10  }
0x9: {  	s20 =	simm.s32 $0x300;
	s21 =	simm.s32 $0x380;
	[dreg:$0x7] =	wrdreg s11  }
0xa: {  	s28 =	simm.s32 $0xE80;
	s29 =	simm.s32 $0x700;
	[dreg:$0x8] =	wrdreg s13  }
0xb: {  	s30 =	simm.s32 $0x780;
	s5 =	smul.u32 $0x2800, s9;
	[dreg:$0x9] =	wrdreg s14  }
0xc: {  	s31 =	simm.s32 $0xF00;
	s8 =	smul.u32 $0x14000, s9;
	[dreg:$0xa] =	wrdreg s15  }
0xd: {  	s0 =	sand.u32 $0x1, s0;
	s25 =	smul.u32 $0x50000, s9;
	[dreg:$0xb] =	wrdreg s16  }
0xe: {  	s12 =	sshll.u32 s9, $0x6;
	s1 =	smul.u32 $0x28000, s0;
	[dreg:$0xc] =	wrdreg s17  }
0xf: {  	s7 =	smul.u32 $0x140000, s0;
	s0 =	ssub.s32 $0x2, s0;
	[dreg:$0xd] =	wrdreg s18  }
0x10: {  	s10 =	simm.s32 $0x5;
	s11 =	simm.s32 $0x800;
	[dreg:$0xe] =	wrdreg s19  }
0x11: {  	s13 =	simm.s32 $0x1000;
	[dreg:$0xf] =	wrdreg s20;
	s14 =	simm.s32 $0x5000  }
0x12: {  	[dreg:$0x10] =	wrdreg s21;
	s15 =	simm.s32 $0x1;
	s23 =	simm.s32 $0xB80  }
0x13: {  	s16 =	simm.s32 $0x2;
	s17 =	simm.s32 $0x3;
	s18 =	simm.s32 $0x4  }
0x14: {  	s19 =	simm.s32 $0xC80;
	s20 =	simm.s32 $0x500;
	s21 =	simm.s32 $0x580  }
0x15: {  	s24 =	sshrl.u32 s0, $0x1;
	[dreg:$0x12] =	wrdreg s23;
	s23 =	simm.s32 $0xD80  }
0x16: {  	s1 =	sadd.s32 s5, s1;
	s22 =	sadd.s32 s8, s7;
	s0 =	ssub.s32 s0, s24  }
0x17: {  	s8 =	sshrl.u32 s25, $0x2;
	s24 =	simm.s32 $0x400;
	s25 =	simm.s32 $0x480  }
0x18: {  	s1 =	sshrl.u32 s1, $0x3;
	s5 =	sshrl.u32 s22, $0x3;
	[dreg:$0x13] =	wrdreg s24  }
0x19: {  	s7 =	sadd.s32 s8, s3;
	s0 =	smax.u32 s0, $0x1;
	[dreg:$0x14] =	wrdreg s25  }
0x1a: {  	s22 =	simm.s32 $0xB00;
	s1 =	sadd.s32 s1, s6;
	[dreg:$0x19] =	wrdreg s0  }
0x1b: {  	s5 =	sadd.s32 s5, s6;
	s6 =	sor.u32 $0x1C05, s12;
	[dreg:$0x11] =	wrdreg s22  }
0x1c: {  	s24 =	simm.s32 $0x600;
	s7 =	sshrl.u32 s7, $0x3;
	[dreg:$0x17] =	wrdreg s6  }
0x1d: {  	s25 =	simm.s32 $0x680;
	s26 =	sadd.s32 $0x4600, s1;
	[dreg:$0x1a] =	wrdreg s7  }
0x1e: {  	s12 =	simm.s32 $0x80;
	s1 =	sadd.s32 $0xE600, s1;
	[dreg:$0x4] =	wrdreg s26  }
0x1f: {  	s22 =	simm.s32 $0xD00;
	s5 =	sadd.s32 $0x1AE00, s5;
	[dreg:$0x5] =	wrdreg s1  }
0x20: {  	s0 =	simm.s32 $0x0;
	[dreg:$0x18] =	wrdreg s5;
	s26 =	simm.s32 $0xC00  }
0x21: {  	s1 =	simm.s32 $0xF80;
	[dreg:$0x15] =	wrdreg s26;
	s26 =	simm.s32 $0xE00  }
.LBB2_1:
0x22: {  	s5 =	rddreg [dreg:$0x16]  }
0x23: {  	[spmem:s7], [sflag:s6] =	dma.local [hbm:s5], $0x2800  }
0x24: {  	_ =	swait.ge [sflag:s10], $0x2800  }
0x25: {  	[sflag:s10] =	ssyncset.done $0x0  }
0x26: {  	p0 =	por $0x1, $0x1;
	[sflag:s10] =	ssyncadd.s32 $0xFFFFD800  }
0x27: {  	s5 =	simm.s32 @!p0 $0x3;
	[bflag:$0x0] =	sbarrier.arrive $0xFFFF  }
0x28: {  	_ =	swait.ge @!p0 [sflag:s5], $0x4000  }
0x29: {  	[sflag:s5] =	ssyncset.done @!p0 $0x0  }
0x2a: {  	[sflag:s5] =	ssyncadd.s32 @!p0 $0xFFFFC000;
	s5 =	simm.s32 @!p0 $0x4  }
0x2b: {  	_ =	swait.ge @!p0 [sflag:s5], $0x4000  }
0x2c: {  	s6 =	rddreg [dreg:$0x5];
	[sflag:s5] =	ssyncset.done @!p0 $0x0  }
0x2d: {  	[sflag:s5] =	ssyncadd.s32 @!p0 $0xFFFFC000;
	s8 =	sadd.s32 $0x0, s6  }
0x2e: {  	[tilespmem:s4], [sflag:$0x5] =	stream.linear.gather [hbm4b:s8+s4], $0x800, $0x38;
	[tilespmem:$0x1D000] =	vst v63  }
0x2f: {  	_ =	swait.ge [sflag:s10], $0x800  }
0x30: {  	s9 =	rddreg [dreg:$0x4];
	[sflag:s10] =	ssyncset.done $0x0  }
0x31: {  	[sflag:s10] =	ssyncadd.s32 $0xFFFFF800;
	s5 =	sadd.s32 $0x0, s9  }
0x32: {  	[tilespmem:s11], [sflag:$0x5] =	stream.linear.gather [hbm4b:s5+s4], $0x800, $0x38;
	[tilespmem:$0x1D000] =	vst v63  }
0x33: {  	_ =	swait.ge [sflag:s10], $0x800  }
0x34: {  	[sflag:s10] =	ssyncset.done $0x0  }
0x35: {  	[sflag:s10] =	ssyncadd.s32 $0xFFFFF800  }
0x36: {  	[tilespmem:s13], [sflag:$0x1] =	stream.indirect.gather [hbm4b:s2+s12], $0x80, s4, s12, $0xb8;
	[tilespmem:$0x1D000] =	vst v63  }
0x37: {  	_ = 	snop  }
0x38: {  	[tilespmem:s14], [sflag:$0x2] =	stream.indirect.gather [hbm4b:s2+s12], $0x80, s12, s12, $0xb8;
	[tilespmem:$0x1D000] =	vst v63  }
0x39: {  	_ =	swait.ge [sflag:s15], $0x4000  }
0x3a: {  	[sflag:s15] =	ssyncset.done $0x0  }
0x3b: {  	[sflag:s15] =	ssyncadd.s32 $0xFFFFC000  }
0x3c: {  	[spmem:s3] =	stream.indirect.scatter.add.f32 [tilespmem:s13], [sflag:$0x3], $0x80, s11, s12, $0xb8;
	[tilespmem:$0x1D000] =	vst v63  }
0x3d: {  	_ =	swait.ge [sflag:s16], $0x4000  }
0x3e: {  	[sflag:s16] =	ssyncset.done $0x0  }
0x3f: {  	s6 =	rddreg [dreg:$0x6];
	[sflag:s16] =	ssyncadd.s32 $0xFFFFC000  }
0x40: {  	[spmem:s3] =	stream.indirect.scatter.add.f32 [tilespmem:s14], [sflag:$0x4], $0x80, s6, s12, $0xb8;
	[tilespmem:$0x1D000] =	vst v63  }
0x41: {  	_ =	swait.ge [sflag:s17], $0x4000  }
0x42: {  	[sflag:s17] =	ssyncset.done $0x0  }
0x43: {  	[sflag:s17] =	ssyncadd.s32 $0xFFFFC000  }
0x44: {  	_ =	swait.ge [sflag:s18], $0x4000  }
0x45: {  	[sflag:s18] =	ssyncset.done $0x0  }
0x46: {  	s7 =	rddreg [dreg:$0x7];
	[sflag:s18] =	ssyncadd.s32 $0xFFFFC000  }
0x47: {  	[tilespmem:s13], [sflag:$0x1] =	stream.indirect.gather [hbm4b:s2+s12], $0x80, s7, s12, $0xb8;
	[tilespmem:$0x1D000] =	vst v63  }
0x48: {  	s8 =	rddreg [dreg:$0x8]  }
0x49: {  	[tilespmem:s14], [sflag:$0x2] =	stream.indirect.gather [hbm4b:s2+s12], $0x80, s8, s12, $0xb8;
	[tilespmem:$0x1D000] =	vst v63  }
0x4a: {  	_ =	swait.ge [sflag:s15], $0x4000  }
0x4b: {  	[sflag:s15] =	ssyncset.done $0x0  }
0x4c: {  	s9 =	rddreg [dreg:$0x9];
	[sflag:s15] =	ssyncadd.s32 $0xFFFFC000  }
0x4d: {  	[spmem:s3] =	stream.indirect.scatter.add.f32 [tilespmem:s13], [sflag:$0x3], $0x80, s9, s12, $0xb8;
	[tilespmem:$0x1D000] =	vst v63  }
0x4e: {  	_ =	swait.ge [sflag:s16], $0x4000  }
0x4f: {  	[sflag:s16] =	ssyncset.done $0x0  }
0x50: {  	s6 =	rddreg [dreg:$0xa];
	[sflag:s16] =	ssyncadd.s32 $0xFFFFC000  }
0x51: {  	[spmem:s3] =	stream.indirect.scatter.add.f32 [tilespmem:s14], [sflag:$0x4], $0x80, s6, s12, $0xb8;
	[tilespmem:$0x1D000] =	vst v63  }
0x52: {  	_ =	swait.ge [sflag:s17], $0x4000  }
0x53: {  	[sflag:s17] =	ssyncset.done $0x0  }
0x54: {  	[sflag:s17] =	ssyncadd.s32 $0xFFFFC000  }
0x55: {  	_ =	swait.ge [sflag:s18], $0x4000  }
0x56: {  	[sflag:s18] =	ssyncset.done $0x0  }
0x57: {  	s7 =	rddreg [dreg:$0xb];
	[sflag:s18] =	ssyncadd.s32 $0xFFFFC000  }
0x58: {  	[tilespmem:s13], [sflag:$0x1] =	stream.indirect.gather [hbm4b:s2+s12], $0x80, s7, s12, $0xb8;
	[tilespmem:$0x1D000] =	vst v63  }
0x59: {  	s8 =	rddreg [dreg:$0xc]  }
0x5a: {  	[tilespmem:s14], [sflag:$0x2] =	stream.indirect.gather [hbm4b:s2+s12], $0x80, s8, s12, $0xb8;
	[tilespmem:$0x1D000] =	vst v63  }
0x5b: {  	_ =	swait.ge [sflag:s15], $0x4000  }
0x5c: {  	[sflag:s15] =	ssyncset.done $0x0  }
0x5d: {  	s9 =	rddreg [dreg:$0xd];
	[sflag:s15] =	ssyncadd.s32 $0xFFFFC000  }
0x5e: {  	[spmem:s3] =	stream.indirect.scatter.add.f32 [tilespmem:s13], [sflag:$0x3], $0x80, s9, s12, $0xb8;
	[tilespmem:$0x1D000] =	vst v63  }
0x5f: {  	_ =	swait.ge [sflag:s16], $0x4000  }
0x60: {  	[sflag:s16] =	ssyncset.done $0x0  }
0x61: {  	s6 =	rddreg [dreg:$0xe];
	[sflag:s16] =	ssyncadd.s32 $0xFFFFC000  }
0x62: {  	[spmem:s3] =	stream.indirect.scatter.add.f32 [tilespmem:s14], [sflag:$0x4], $0x80, s6, s12, $0xb8;
	[tilespmem:$0x1D000] =	vst v63  }
0x63: {  	_ =	swait.ge [sflag:s17], $0x4000  }
0x64: {  	[sflag:s17] =	ssyncset.done $0x0  }
0x65: {  	[sflag:s17] =	ssyncadd.s32 $0xFFFFC000  }
0x66: {  	_ =	swait.ge [sflag:s18], $0x4000  }
0x67: {  	[sflag:s18] =	ssyncset.done $0x0  }
0x68: {  	s7 =	rddreg [dreg:$0xf];
	[sflag:s18] =	ssyncadd.s32 $0xFFFFC000  }
0x69: {  	[tilespmem:s13], [sflag:$0x1] =	stream.indirect.gather [hbm4b:s2+s12], $0x80, s7, s12, $0xb8;
	[tilespmem:$0x1D000] =	vst v63  }
0x6a: {  	s8 =	rddreg [dreg:$0x10]  }
0x6b: {  	[tilespmem:s14], [sflag:$0x2] =	stream.indirect.gather [hbm4b:s2+s12], $0x80, s8, s12, $0xb8;
	[tilespmem:$0x1D000] =	vst v63  }
0x6c: {  	_ =	swait.ge [sflag:s15], $0x4000  }
0x6d: {  	[sflag:s15] =	ssyncset.done $0x0  }
0x6e: {  	s9 =	rddreg [dreg:$0x11];
	[sflag:s15] =	ssyncadd.s32 $0xFFFFC000  }
0x6f: {  	[spmem:s3] =	stream.indirect.scatter.add.f32 [tilespmem:s13], [sflag:$0x3], $0x80, s9, s12, $0xb8;
	[tilespmem:$0x1D000] =	vst v63  }
0x70: {  	_ =	swait.ge [sflag:s16], $0x4000  }
0x71: {  	[sflag:s16] =	ssyncset.done $0x0  }
0x72: {  	s6 =	rddreg [dreg:$0x12];
	[sflag:s16] =	ssyncadd.s32 $0xFFFFC000  }
0x73: {  	[spmem:s3] =	stream.indirect.scatter.add.f32 [tilespmem:s14], [sflag:$0x4], $0x80, s6, s12, $0xb8;
	[tilespmem:$0x1D000] =	vst v63  }
0x74: {  	_ =	swait.ge [sflag:s17], $0x4000  }
0x75: {  	[sflag:s17] =	ssyncset.done $0x0  }
0x76: {  	[sflag:s17] =	ssyncadd.s32 $0xFFFFC000  }
0x77: {  	_ =	swait.ge [sflag:s18], $0x4000  }
0x78: {  	[sflag:s18] =	ssyncset.done $0x0  }
0x79: {  	s7 =	rddreg [dreg:$0x13];
	[sflag:s18] =	ssyncadd.s32 $0xFFFFC000  }
0x7a: {  	[tilespmem:s13], [sflag:$0x1] =	stream.indirect.gather [hbm4b:s2+s12], $0x80, s7, s12, $0xb8;
	[tilespmem:$0x1D000] =	vst v63  }
0x7b: {  	s8 =	rddreg [dreg:$0x14]  }
0x7c: {  	[tilespmem:s14], [sflag:$0x2] =	stream.indirect.gather [hbm4b:s2+s12], $0x80, s8, s12, $0xb8;
	[tilespmem:$0x1D000] =	vst v63  }
0x7d: {  	_ =	swait.ge [sflag:s15], $0x4000  }
0x7e: {  	[sflag:s15] =	ssyncset.done $0x0  }
0x7f: {  	s9 =	rddreg [dreg:$0x15];
	[sflag:s15] =	ssyncadd.s32 $0xFFFFC000  }
0x80: {  	[spmem:s3] =	stream.indirect.scatter.add.f32 [tilespmem:s13], [sflag:$0x3], $0x80, s9, s12, $0xb8;
	[tilespmem:$0x1D000] =	vst v63  }
0x81: {  	_ =	swait.ge [sflag:s16], $0x4000  }
0x82: {  	[sflag:s16] =	ssyncset.done $0x0  }
0x83: {  	[sflag:s16] =	ssyncadd.s32 $0xFFFFC000  }
0x84: {  	[spmem:s3] =	stream.indirect.scatter.add.f32 [tilespmem:s14], [sflag:$0x4], $0x80, s19, s12, $0xb8;
	[tilespmem:$0x1D000] =	vst v63  }
0x85: {  	_ =	swait.ge [sflag:s17], $0x4000  }
0x86: {  	[sflag:s17] =	ssyncset.done $0x0  }
0x87: {  	[sflag:s17] =	ssyncadd.s32 $0xFFFFC000  }
0x88: {  	_ =	swait.ge [sflag:s18], $0x4000  }
0x89: {  	[sflag:s18] =	ssyncset.done $0x0  }
0x8a: {  	[sflag:s18] =	ssyncadd.s32 $0xFFFFC000  }
0x8b: {  	[tilespmem:s13], [sflag:$0x1] =	stream.indirect.gather [hbm4b:s2+s12], $0x80, s20, s12, $0xb8;
	[tilespmem:$0x1D000] =	vst v63  }
0x8c: {  	_ = 	snop  }
0x8d: {  	[tilespmem:s14], [sflag:$0x2] =	stream.indirect.gather [hbm4b:s2+s12], $0x80, s21, s12, $0xb8;
	[tilespmem:$0x1D000] =	vst v63  }
0x8e: {  	_ =	swait.ge [sflag:s15], $0x4000  }
0x8f: {  	[sflag:s15] =	ssyncset.done $0x0  }
0x90: {  	[sflag:s15] =	ssyncadd.s32 $0xFFFFC000  }
0x91: {  	[spmem:s3] =	stream.indirect.scatter.add.f32 [tilespmem:s13], [sflag:$0x3], $0x80, s22, s12, $0xb8;
	[tilespmem:$0x1D000] =	vst v63  }
0x92: {  	_ =	swait.ge [sflag:s16], $0x4000  }
0x93: {  	[sflag:s16] =	ssyncset.done $0x0  }
0x94: {  	[sflag:s16] =	ssyncadd.s32 $0xFFFFC000  }
0x95: {  	[spmem:s3] =	stream.indirect.scatter.add.f32 [tilespmem:s14], [sflag:$0x4], $0x80, s23, s12, $0xb8;
	[tilespmem:$0x1D000] =	vst v63  }
0x96: {  	_ =	swait.ge [sflag:s17], $0x4000  }
0x97: {  	[sflag:s17] =	ssyncset.done $0x0  }
0x98: {  	[sflag:s17] =	ssyncadd.s32 $0xFFFFC000  }
0x99: {  	_ =	swait.ge [sflag:s18], $0x4000  }
0x9a: {  	[sflag:s18] =	ssyncset.done $0x0  }
0x9b: {  	[sflag:s18] =	ssyncadd.s32 $0xFFFFC000  }
0x9c: {  	[tilespmem:s13], [sflag:$0x1] =	stream.indirect.gather [hbm4b:s2+s12], $0x80, s24, s12, $0xb8;
	[tilespmem:$0x1D000] =	vst v63  }
0x9d: {  	_ = 	snop  }
0x9e: {  	[tilespmem:s14], [sflag:$0x2] =	stream.indirect.gather [hbm4b:s2+s12], $0x80, s25, s12, $0xb8;
	[tilespmem:$0x1D000] =	vst v63  }
0x9f: {  	_ =	swait.ge [sflag:s15], $0x4000  }
0xa0: {  	[sflag:s15] =	ssyncset.done $0x0  }
0xa1: {  	[sflag:s15] =	ssyncadd.s32 $0xFFFFC000  }
0xa2: {  	[spmem:s3] =	stream.indirect.scatter.add.f32 [tilespmem:s13], [sflag:$0x3], $0x80, s26, s12, $0xb8;
	[tilespmem:$0x1D000] =	vst v63  }
0xa3: {  	_ =	swait.ge [sflag:s16], $0x4000  }
0xa4: {  	[sflag:s16] =	ssyncset.done $0x0  }
0xa5: {  	[sflag:s16] =	ssyncadd.s32 $0xFFFFC000  }
0xa6: {  	[spmem:s3] =	stream.indirect.scatter.add.f32 [tilespmem:s14], [sflag:$0x4], $0x80, s28, s12, $0xb8;
	[tilespmem:$0x1D000] =	vst v63  }
0xa7: {  	_ =	swait.ge [sflag:s17], $0x4000  }
0xa8: {  	[sflag:s17] =	ssyncset.done $0x0  }
0xa9: {  	[sflag:s17] =	ssyncadd.s32 $0xFFFFC000  }
0xaa: {  	_ =	swait.ge [sflag:s18], $0x4000  }
0xab: {  	[sflag:s18] =	ssyncset.done $0x0  }
0xac: {  	[sflag:s18] =	ssyncadd.s32 $0xFFFFC000  }
0xad: {  	[tilespmem:s13], [sflag:$0x1] =	stream.indirect.gather [hbm4b:s2+s12], $0x80, s29, s12, $0xb8;
	[tilespmem:$0x1D000] =	vst v63  }
0xae: {  	_ = 	snop  }
0xaf: {  	[tilespmem:s14], [sflag:$0x2] =	stream.indirect.gather [hbm4b:s2+s12], $0x80, s30, s12, $0xb8;
	[tilespmem:$0x1D000] =	vst v63  }
0xb0: {  	_ =	swait.ge [sflag:s15], $0x4000  }
0xb1: {  	[sflag:s15] =	ssyncset.done $0x0  }
0xb2: {  	[sflag:s15] =	ssyncadd.s32 $0xFFFFC000  }
0xb3: {  	[spmem:s3] =	stream.indirect.scatter.add.f32 [tilespmem:s13], [sflag:$0x3], $0x80, s31, s12, $0xb8;
	[tilespmem:$0x1D000] =	vst v63  }
0xb4: {  	p1 =	por $0x0, $0x0;
	_ =	swait.ge [sflag:s16], $0x4000  }
0xb5: {  	s5 =	simm.s32 $0x100;
	s7 =	simm.s32 $0x200;
	[sflag:s16] =	ssyncset.done $0x0  }
.LBB2_2:
0xb6: {  	s8 =	simm.s32 @!p1 $0x3;
	[sflag:s16] =	ssyncadd.s32 $0xFFFFC000  }
0xb7: {  	[spmem:s3] =	stream.indirect.scatter.add.f32 [tilespmem:s14], [sflag:$0x4], $0x80, s1, s12, $0xb8;
	[tilespmem:$0x1D000] =	vst v63  }
0xb8: {  	_ =	swait.ge @!p1 [sflag:s8], $0x4000  }
0xb9: {  	[sflag:s8] =	ssyncset.done @!p1 $0x0  }
0xba: {  	[sflag:s8] =	ssyncadd.s32 @!p1 $0xFFFFC000;
	s8 =	simm.s32 @!p1 $0x4  }
0xbb: {  	_ =	swait.ge @!p1 [sflag:s8], $0x4000  }
0xbc: {  	[sflag:s8] =	ssyncset.done @!p1 $0x0;
	s9 =	rddreg [dreg:$0x5]  }
0xbd: {  	[sflag:s8] =	ssyncadd.s32 @!p1 $0xFFFFC000;
	s9 =	sadd.s32 s5, s9  }
0xbe: {  	[tilespmem:s4], [sflag:$0x5] =	stream.linear.gather [hbm4b:s9+s4], $0x800, $0x38;
	[tilespmem:$0x1D000] =	vst v63  }
0xbf: {  	_ =	swait.ge [sflag:s10], $0x800  }
0xc0: {  	s9 =	rddreg [dreg:$0x4];
	[sflag:s10] =	ssyncset.done $0x0  }
0xc1: {  	[sflag:s10] =	ssyncadd.s32 $0xFFFFF800;
	s8 =	sadd.s32 s5, s9  }
0xc2: {  	[tilespmem:s11], [sflag:$0x5] =	stream.linear.gather [hbm4b:s8+s4], $0x800, $0x38;
	[tilespmem:$0x1D000] =	vst v63  }
0xc3: {  	_ =	swait.ge [sflag:s10], $0x800  }
0xc4: {  	[sflag:s10] =	ssyncset.done $0x0  }
0xc5: {  	[sflag:s10] =	ssyncadd.s32 $0xFFFFF800  }
0xc6: {  	[tilespmem:s13], [sflag:$0x1] =	stream.indirect.gather [hbm4b:s2+s12], $0x80, s4, s12, $0xb8;
	[tilespmem:$0x1D000] =	vst v63  }
0xc7: {  	_ = 	snop  }
0xc8: {  	[tilespmem:s14], [sflag:$0x2] =	stream.indirect.gather [hbm4b:s2+s12], $0x80, s12, s12, $0xb8;
	[tilespmem:$0x1D000] =	vst v63  }
0xc9: {  	_ =	swait.ge [sflag:s15], $0x4000  }
0xca: {  	[sflag:s15] =	ssyncset.done $0x0  }
0xcb: {  	[sflag:s15] =	ssyncadd.s32 $0xFFFFC000  }
0xcc: {  	[spmem:s3] =	stream.indirect.scatter.add.f32 [tilespmem:s13], [sflag:$0x3], $0x80, s11, s12, $0xb8;
	[tilespmem:$0x1D000] =	vst v63  }
0xcd: {  	_ =	swait.ge [sflag:s16], $0x4000  }
0xce: {  	[sflag:s16] =	ssyncset.done $0x0  }
0xcf: {  	s9 =	rddreg [dreg:$0x6];
	[sflag:s16] =	ssyncadd.s32 $0xFFFFC000  }
0xd0: {  	[spmem:s3] =	stream.indirect.scatter.add.f32 [tilespmem:s14], [sflag:$0x4], $0x80, s9, s12, $0xb8;
	[tilespmem:$0x1D000] =	vst v63  }
0xd1: {  	_ =	swait.ge [sflag:s17], $0x4000  }
0xd2: {  	[sflag:s17] =	ssyncset.done $0x0  }
0xd3: {  	[sflag:s17] =	ssyncadd.s32 $0xFFFFC000  }
0xd4: {  	_ =	swait.ge [sflag:s18], $0x4000  }
0xd5: {  	[sflag:s18] =	ssyncset.done $0x0  }
0xd6: {  	s8 =	rddreg [dreg:$0x7];
	[sflag:s18] =	ssyncadd.s32 $0xFFFFC000  }
0xd7: {  	[tilespmem:s13], [sflag:$0x1] =	stream.indirect.gather [hbm4b:s2+s12], $0x80, s8, s12, $0xb8;
	[tilespmem:$0x1D000] =	vst v63  }
0xd8: {  	s9 =	rddreg [dreg:$0x8]  }
0xd9: {  	[tilespmem:s14], [sflag:$0x2] =	stream.indirect.gather [hbm4b:s2+s12], $0x80, s9, s12, $0xb8;
	[tilespmem:$0x1D000] =	vst v63  }
0xda: {  	_ =	swait.ge [sflag:s15], $0x4000  }
0xdb: {  	[sflag:s15] =	ssyncset.done $0x0  }
0xdc: {  	s8 =	rddreg [dreg:$0x9];
	[sflag:s15] =	ssyncadd.s32 $0xFFFFC000  }
0xdd: {  	[spmem:s3] =	stream.indirect.scatter.add.f32 [tilespmem:s13], [sflag:$0x3], $0x80, s8, s12, $0xb8;
	[tilespmem:$0x1D000] =	vst v63  }
0xde: {  	_ =	swait.ge [sflag:s16], $0x4000  }
0xdf: {  	[sflag:s16] =	ssyncset.done $0x0  }
0xe0: {  	s9 =	rddreg [dreg:$0xa];
	[sflag:s16] =	ssyncadd.s32 $0xFFFFC000  }
0xe1: {  	[spmem:s3] =	stream.indirect.scatter.add.f32 [tilespmem:s14], [sflag:$0x4], $0x80, s9, s12, $0xb8;
	[tilespmem:$0x1D000] =	vst v63  }
0xe2: {  	_ =	swait.ge [sflag:s17], $0x4000  }
0xe3: {  	[sflag:s17] =	ssyncset.done $0x0  }
0xe4: {  	[sflag:s17] =	ssyncadd.s32 $0xFFFFC000  }
0xe5: {  	_ =	swait.ge [sflag:s18], $0x4000  }
0xe6: {  	[sflag:s18] =	ssyncset.done $0x0  }
0xe7: {  	s8 =	rddreg [dreg:$0xb];
	[sflag:s18] =	ssyncadd.s32 $0xFFFFC000  }
0xe8: {  	[tilespmem:s13], [sflag:$0x1] =	stream.indirect.gather [hbm4b:s2+s12], $0x80, s8, s12, $0xb8;
	[tilespmem:$0x1D000] =	vst v63  }
0xe9: {  	s9 =	rddreg [dreg:$0xc]  }
0xea: {  	[tilespmem:s14], [sflag:$0x2] =	stream.indirect.gather [hbm4b:s2+s12], $0x80, s9, s12, $0xb8;
	[tilespmem:$0x1D000] =	vst v63  }
0xeb: {  	_ =	swait.ge [sflag:s15], $0x4000  }
0xec: {  	[sflag:s15] =	ssyncset.done $0x0  }
0xed: {  	s8 =	rddreg [dreg:$0xd];
	[sflag:s15] =	ssyncadd.s32 $0xFFFFC000  }
0xee: {  	[spmem:s3] =	stream.indirect.scatter.add.f32 [tilespmem:s13], [sflag:$0x3], $0x80, s8, s12, $0xb8;
	[tilespmem:$0x1D000] =	vst v63  }
0xef: {  	_ =	swait.ge [sflag:s16], $0x4000  }
0xf0: {  	[sflag:s16] =	ssyncset.done $0x0  }
0xf1: {  	s9 =	rddreg [dreg:$0xe];
	[sflag:s16] =	ssyncadd.s32 $0xFFFFC000  }
0xf2: {  	[spmem:s3] =	stream.indirect.scatter.add.f32 [tilespmem:s14], [sflag:$0x4], $0x80, s9, s12, $0xb8;
	[tilespmem:$0x1D000] =	vst v63  }
0xf3: {  	_ =	swait.ge [sflag:s17], $0x4000  }
0xf4: {  	[sflag:s17] =	ssyncset.done $0x0  }
0xf5: {  	[sflag:s17] =	ssyncadd.s32 $0xFFFFC000  }
0xf6: {  	_ =	swait.ge [sflag:s18], $0x4000  }
0xf7: {  	[sflag:s18] =	ssyncset.done $0x0  }
0xf8: {  	s8 =	rddreg [dreg:$0xf];
	[sflag:s18] =	ssyncadd.s32 $0xFFFFC000  }
0xf9: {  	[tilespmem:s13], [sflag:$0x1] =	stream.indirect.gather [hbm4b:s2+s12], $0x80, s8, s12, $0xb8;
	[tilespmem:$0x1D000] =	vst v63  }
0xfa: {  	s9 =	rddreg [dreg:$0x10]  }
0xfb: {  	[tilespmem:s14], [sflag:$0x2] =	stream.indirect.gather [hbm4b:s2+s12], $0x80, s9, s12, $0xb8;
	[tilespmem:$0x1D000] =	vst v63  }
0xfc: {  	_ =	swait.ge [sflag:s15], $0x4000  }
0xfd: {  	[sflag:s15] =	ssyncset.done $0x0  }
0xfe: {  	s8 =	rddreg [dreg:$0x11];
	[sflag:s15] =	ssyncadd.s32 $0xFFFFC000  }
0xff: {  	[spmem:s3] =	stream.indirect.scatter.add.f32 [tilespmem:s13], [sflag:$0x3], $0x80, s8, s12, $0xb8;
	[tilespmem:$0x1D000] =	vst v63  }
0x100: {  	_ =	swait.ge [sflag:s16], $0x4000  }
0x101: {  	[sflag:s16] =	ssyncset.done $0x0  }
0x102: {  	s9 =	rddreg [dreg:$0x12];
	[sflag:s16] =	ssyncadd.s32 $0xFFFFC000  }
0x103: {  	[spmem:s3] =	stream.indirect.scatter.add.f32 [tilespmem:s14], [sflag:$0x4], $0x80, s9, s12, $0xb8;
	[tilespmem:$0x1D000] =	vst v63  }
0x104: {  	_ =	swait.ge [sflag:s17], $0x4000  }
0x105: {  	[sflag:s17] =	ssyncset.done $0x0  }
0x106: {  	[sflag:s17] =	ssyncadd.s32 $0xFFFFC000  }
0x107: {  	_ =	swait.ge [sflag:s18], $0x4000  }
0x108: {  	[sflag:s18] =	ssyncset.done $0x0  }
0x109: {  	s8 =	rddreg [dreg:$0x13];
	[sflag:s18] =	ssyncadd.s32 $0xFFFFC000  }
0x10a: {  	[tilespmem:s13], [sflag:$0x1] =	stream.indirect.gather [hbm4b:s2+s12], $0x80, s8, s12, $0xb8;
	[tilespmem:$0x1D000] =	vst v63  }
0x10b: {  	s9 =	rddreg [dreg:$0x14]  }
0x10c: {  	[tilespmem:s14], [sflag:$0x2] =	stream.indirect.gather [hbm4b:s2+s12], $0x80, s9, s12, $0xb8;
	[tilespmem:$0x1D000] =	vst v63  }
0x10d: {  	_ =	swait.ge [sflag:s15], $0x4000  }
0x10e: {  	[sflag:s15] =	ssyncset.done $0x0  }
0x10f: {  	s9 =	rddreg [dreg:$0x15];
	[sflag:s15] =	ssyncadd.s32 $0xFFFFC000  }
0x110: {  	[spmem:s3] =	stream.indirect.scatter.add.f32 [tilespmem:s13], [sflag:$0x3], $0x80, s9, s12, $0xb8;
	[tilespmem:$0x1D000] =	vst v63  }
0x111: {  	_ =	swait.ge [sflag:s16], $0x4000  }
0x112: {  	[sflag:s16] =	ssyncset.done $0x0  }
0x113: {  	[sflag:s16] =	ssyncadd.s32 $0xFFFFC000  }
0x114: {  	[spmem:s3] =	stream.indirect.scatter.add.f32 [tilespmem:s14], [sflag:$0x4], $0x80, s19, s12, $0xb8;
	[tilespmem:$0x1D000] =	vst v63  }
0x115: {  	_ =	swait.ge [sflag:s17], $0x4000  }
0x116: {  	[sflag:s17] =	ssyncset.done $0x0  }
0x117: {  	[sflag:s17] =	ssyncadd.s32 $0xFFFFC000  }
0x118: {  	_ =	swait.ge [sflag:s18], $0x4000  }
0x119: {  	[sflag:s18] =	ssyncset.done $0x0  }
0x11a: {  	[sflag:s18] =	ssyncadd.s32 $0xFFFFC000  }
0x11b: {  	[tilespmem:s13], [sflag:$0x1] =	stream.indirect.gather [hbm4b:s2+s12], $0x80, s20, s12, $0xb8;
	[tilespmem:$0x1D000] =	vst v63  }
0x11c: {  	_ = 	snop  }
0x11d: {  	[tilespmem:s14], [sflag:$0x2] =	stream.indirect.gather [hbm4b:s2+s12], $0x80, s21, s12, $0xb8;
	[tilespmem:$0x1D000] =	vst v63  }
0x11e: {  	_ =	swait.ge [sflag:s15], $0x4000  }
0x11f: {  	[sflag:s15] =	ssyncset.done $0x0  }
0x120: {  	[sflag:s15] =	ssyncadd.s32 $0xFFFFC000  }
0x121: {  	[spmem:s3] =	stream.indirect.scatter.add.f32 [tilespmem:s13], [sflag:$0x3], $0x80, s22, s12, $0xb8;
	[tilespmem:$0x1D000] =	vst v63  }
0x122: {  	_ =	swait.ge [sflag:s16], $0x4000  }
0x123: {  	[sflag:s16] =	ssyncset.done $0x0  }
0x124: {  	[sflag:s16] =	ssyncadd.s32 $0xFFFFC000  }
0x125: {  	[spmem:s3] =	stream.indirect.scatter.add.f32 [tilespmem:s14], [sflag:$0x4], $0x80, s23, s12, $0xb8;
	[tilespmem:$0x1D000] =	vst v63  }
0x126: {  	_ =	swait.ge [sflag:s17], $0x4000  }
0x127: {  	[sflag:s17] =	ssyncset.done $0x0  }
0x128: {  	[sflag:s17] =	ssyncadd.s32 $0xFFFFC000  }
0x129: {  	_ =	swait.ge [sflag:s18], $0x4000  }
0x12a: {  	[sflag:s18] =	ssyncset.done $0x0  }
0x12b: {  	[sflag:s18] =	ssyncadd.s32 $0xFFFFC000  }
0x12c: {  	[tilespmem:s13], [sflag:$0x1] =	stream.indirect.gather [hbm4b:s2+s12], $0x80, s24, s12, $0xb8;
	[tilespmem:$0x1D000] =	vst v63  }
0x12d: {  	_ = 	snop  }
0x12e: {  	[tilespmem:s14], [sflag:$0x2] =	stream.indirect.gather [hbm4b:s2+s12], $0x80, s25, s12, $0xb8;
	[tilespmem:$0x1D000] =	vst v63  }
0x12f: {  	_ =	swait.ge [sflag:s15], $0x4000  }
0x130: {  	[sflag:s15] =	ssyncset.done $0x0  }
0x131: {  	[sflag:s15] =	ssyncadd.s32 $0xFFFFC000  }
0x132: {  	[spmem:s3] =	stream.indirect.scatter.add.f32 [tilespmem:s13], [sflag:$0x3], $0x80, s26, s12, $0xb8;
	[tilespmem:$0x1D000] =	vst v63  }
0x133: {  	_ =	swait.ge [sflag:s16], $0x4000  }
0x134: {  	[sflag:s16] =	ssyncset.done $0x0  }
0x135: {  	[sflag:s16] =	ssyncadd.s32 $0xFFFFC000  }
0x136: {  	[spmem:s3] =	stream.indirect.scatter.add.f32 [tilespmem:s14], [sflag:$0x4], $0x80, s28, s12, $0xb8;
	[tilespmem:$0x1D000] =	vst v63  }
0x137: {  	_ =	swait.ge [sflag:s17], $0x4000  }
0x138: {  	[sflag:s17] =	ssyncset.done $0x0  }
0x139: {  	[sflag:s17] =	ssyncadd.s32 $0xFFFFC000  }
0x13a: {  	_ =	swait.ge [sflag:s18], $0x4000  }
0x13b: {  	[sflag:s18] =	ssyncset.done $0x0  }
0x13c: {  	[sflag:s18] =	ssyncadd.s32 $0xFFFFC000  }
0x13d: {  	[tilespmem:s13], [sflag:$0x1] =	stream.indirect.gather [hbm4b:s2+s12], $0x80, s29, s12, $0xb8;
	[tilespmem:$0x1D000] =	vst v63  }
0x13e: {  	s6 =	smov.u32 s7;
	s7 =	sadd.s32 $0x100, s7  }
0x13f: {  	[tilespmem:s14], [sflag:$0x2] =	stream.indirect.gather [hbm4b:s2+s12], $0x80, s30, s12, $0xb8;
	[tilespmem:$0x1D000] =	vst v63  }
0x140: {  	p0 =	sne.s32 s7, $0x500;
	_ =	swait.ge [sflag:s15], $0x4000  }
.Ltmp0:
0x141: {  	[sflag:s15] =	ssyncset.done $0x0;
	(pc) =	sbr.rel @p0 .LBB2_2-.Ltmp0, $4  }
0x142: {  	[sflag:s15] =	ssyncadd.s32 $0xFFFFC000  }
0x143: {  	[spmem:s3] =	stream.indirect.scatter.add.f32 [tilespmem:s13], [sflag:$0x3], $0x80, s31, s12, $0xb8;
	[tilespmem:$0x1D000] =	vst v63  }
0x144: {  	s5 =	smov.u32 s6;
	_ =	swait.ge [sflag:s16], $0x4000  }
0x145: {  	p1 =	seq.s32 s5, $0x0;
	[sflag:s16] =	ssyncset.done $0x0  }
0x146: {  	s6 =	simm.s32 @!p1 $0x3;
	[sflag:s16] =	ssyncadd.s32 $0xFFFFC000  }
0x147: {  	[spmem:s3] =	stream.indirect.scatter.add.f32 [tilespmem:s14], [sflag:$0x4], $0x80, s1, s12, $0xb8;
	[tilespmem:$0x1D000] =	vst v63  }
0x148: {  	_ =	swait.ge @!p1 [sflag:s6], $0x4000  }
0x149: {  	[sflag:s6] =	ssyncset.done @!p1 $0x0  }
0x14a: {  	[sflag:s6] =	ssyncadd.s32 @!p1 $0xFFFFC000;
	s6 =	simm.s32 @!p1 $0x4  }
0x14b: {  	_ =	swait.ge @!p1 [sflag:s6], $0x4000  }
0x14c: {  	s7 =	rddreg [dreg:$0x5];
	[sflag:s6] =	ssyncset.done @!p1 $0x0  }
0x14d: {  	[sflag:s6] =	ssyncadd.s32 @!p1 $0xFFFFC000;
	s8 =	sadd.s32 s5, s7  }
0x14e: {  	[tilespmem:s4], [sflag:$0x5] =	stream.linear.gather [hbm4b:s8+s4], $0x800, $0x38;
	[tilespmem:$0x1D000] =	vst v63  }
0x14f: {  	_ =	swait.ge [sflag:s10], $0x800  }
0x150: {  	s9 =	rddreg [dreg:$0x4];
	[sflag:s10] =	ssyncset.done $0x0  }
0x151: {  	[sflag:s10] =	ssyncadd.s32 $0xFFFFF800;
	s6 =	sadd.s32 s5, s9  }
0x152: {  	[tilespmem:s11], [sflag:$0x5] =	stream.linear.gather [hbm4b:s6+s4], $0x800, $0x38;
	[tilespmem:$0x1D000] =	vst v63  }
0x153: {  	_ =	swait.ge [sflag:s10], $0x800  }
0x154: {  	[sflag:s10] =	ssyncset.done $0x0  }
0x155: {  	[sflag:s10] =	ssyncadd.s32 $0xFFFFF800  }
0x156: {  	[tilespmem:s13], [sflag:$0x1] =	stream.indirect.gather [hbm4b:s2+s12], $0x80, s4, s12, $0xb8;
	[tilespmem:$0x1D000] =	vst v63  }
0x157: {  	_ = 	snop  }
0x158: {  	[tilespmem:s14], [sflag:$0x2] =	stream.indirect.gather [hbm4b:s2+s12], $0x80, s12, s12, $0xb8;
	[tilespmem:$0x1D000] =	vst v63  }
0x159: {  	_ =	swait.ge [sflag:s15], $0x4000  }
0x15a: {  	[sflag:s15] =	ssyncset.done $0x0  }
0x15b: {  	[sflag:s15] =	ssyncadd.s32 $0xFFFFC000  }
0x15c: {  	[spmem:s3] =	stream.indirect.scatter.add.f32 [tilespmem:s13], [sflag:$0x3], $0x80, s11, s12, $0xb8;
	[tilespmem:$0x1D000] =	vst v63  }
0x15d: {  	_ =	swait.ge [sflag:s16], $0x4000  }
0x15e: {  	[sflag:s16] =	ssyncset.done $0x0  }
0x15f: {  	s7 =	rddreg [dreg:$0x6];
	[sflag:s16] =	ssyncadd.s32 $0xFFFFC000  }
0x160: {  	[spmem:s3] =	stream.indirect.scatter.add.f32 [tilespmem:s14], [sflag:$0x4], $0x80, s7, s12, $0xb8;
	[tilespmem:$0x1D000] =	vst v63  }
0x161: {  	_ =	swait.ge [sflag:s17], $0x4000  }
0x162: {  	[sflag:s17] =	ssyncset.done $0x0  }
0x163: {  	[sflag:s17] =	ssyncadd.s32 $0xFFFFC000  }
0x164: {  	_ =	swait.ge [sflag:s18], $0x4000  }
0x165: {  	[sflag:s18] =	ssyncset.done $0x0  }
0x166: {  	s8 =	rddreg [dreg:$0x7];
	[sflag:s18] =	ssyncadd.s32 $0xFFFFC000  }
0x167: {  	[tilespmem:s13], [sflag:$0x1] =	stream.indirect.gather [hbm4b:s2+s12], $0x80, s8, s12, $0xb8;
	[tilespmem:$0x1D000] =	vst v63  }
0x168: {  	s9 =	rddreg [dreg:$0x8]  }
0x169: {  	[tilespmem:s14], [sflag:$0x2] =	stream.indirect.gather [hbm4b:s2+s12], $0x80, s9, s12, $0xb8;
	[tilespmem:$0x1D000] =	vst v63  }
0x16a: {  	_ =	swait.ge [sflag:s15], $0x4000  }
0x16b: {  	[sflag:s15] =	ssyncset.done $0x0  }
0x16c: {  	s6 =	rddreg [dreg:$0x9];
	[sflag:s15] =	ssyncadd.s32 $0xFFFFC000  }
0x16d: {  	[spmem:s3] =	stream.indirect.scatter.add.f32 [tilespmem:s13], [sflag:$0x3], $0x80, s6, s12, $0xb8;
	[tilespmem:$0x1D000] =	vst v63  }
0x16e: {  	_ =	swait.ge [sflag:s16], $0x4000  }
0x16f: {  	[sflag:s16] =	ssyncset.done $0x0  }
0x170: {  	s7 =	rddreg [dreg:$0xa];
	[sflag:s16] =	ssyncadd.s32 $0xFFFFC000  }
0x171: {  	[spmem:s3] =	stream.indirect.scatter.add.f32 [tilespmem:s14], [sflag:$0x4], $0x80, s7, s12, $0xb8;
	[tilespmem:$0x1D000] =	vst v63  }
0x172: {  	_ =	swait.ge [sflag:s17], $0x4000  }
0x173: {  	[sflag:s17] =	ssyncset.done $0x0  }
0x174: {  	[sflag:s17] =	ssyncadd.s32 $0xFFFFC000  }
0x175: {  	_ =	swait.ge [sflag:s18], $0x4000  }
0x176: {  	[sflag:s18] =	ssyncset.done $0x0  }
0x177: {  	s8 =	rddreg [dreg:$0xb];
	[sflag:s18] =	ssyncadd.s32 $0xFFFFC000  }
0x178: {  	[tilespmem:s13], [sflag:$0x1] =	stream.indirect.gather [hbm4b:s2+s12], $0x80, s8, s12, $0xb8;
	[tilespmem:$0x1D000] =	vst v63  }
0x179: {  	s9 =	rddreg [dreg:$0xc]  }
0x17a: {  	[tilespmem:s14], [sflag:$0x2] =	stream.indirect.gather [hbm4b:s2+s12], $0x80, s9, s12, $0xb8;
	[tilespmem:$0x1D000] =	vst v63  }
0x17b: {  	_ =	swait.ge [sflag:s15], $0x4000  }
0x17c: {  	[sflag:s15] =	ssyncset.done $0x0  }
0x17d: {  	s6 =	rddreg [dreg:$0xd];
	[sflag:s15] =	ssyncadd.s32 $0xFFFFC000  }
0x17e: {  	[spmem:s3] =	stream.indirect.scatter.add.f32 [tilespmem:s13], [sflag:$0x3], $0x80, s6, s12, $0xb8;
	[tilespmem:$0x1D000] =	vst v63  }
0x17f: {  	_ =	swait.ge [sflag:s16], $0x4000  }
0x180: {  	[sflag:s16] =	ssyncset.done $0x0  }
0x181: {  	s7 =	rddreg [dreg:$0xe];
	[sflag:s16] =	ssyncadd.s32 $0xFFFFC000  }
0x182: {  	[spmem:s3] =	stream.indirect.scatter.add.f32 [tilespmem:s14], [sflag:$0x4], $0x80, s7, s12, $0xb8;
	[tilespmem:$0x1D000] =	vst v63  }
0x183: {  	_ =	swait.ge [sflag:s17], $0x4000  }
0x184: {  	[sflag:s17] =	ssyncset.done $0x0  }
0x185: {  	[sflag:s17] =	ssyncadd.s32 $0xFFFFC000  }
0x186: {  	_ =	swait.ge [sflag:s18], $0x4000  }
0x187: {  	[sflag:s18] =	ssyncset.done $0x0  }
0x188: {  	s8 =	rddreg [dreg:$0xf];
	[sflag:s18] =	ssyncadd.s32 $0xFFFFC000  }
0x189: {  	[tilespmem:s13], [sflag:$0x1] =	stream.indirect.gather [hbm4b:s2+s12], $0x80, s8, s12, $0xb8;
	[tilespmem:$0x1D000] =	vst v63  }
0x18a: {  	s9 =	rddreg [dreg:$0x10]  }
0x18b: {  	[tilespmem:s14], [sflag:$0x2] =	stream.indirect.gather [hbm4b:s2+s12], $0x80, s9, s12, $0xb8;
	[tilespmem:$0x1D000] =	vst v63  }
0x18c: {  	_ =	swait.ge [sflag:s15], $0x4000  }
0x18d: {  	[sflag:s15] =	ssyncset.done $0x0  }
0x18e: {  	s6 =	rddreg [dreg:$0x11];
	[sflag:s15] =	ssyncadd.s32 $0xFFFFC000  }
0x18f: {  	[spmem:s3] =	stream.indirect.scatter.add.f32 [tilespmem:s13], [sflag:$0x3], $0x80, s6, s12, $0xb8;
	[tilespmem:$0x1D000] =	vst v63  }
0x190: {  	_ =	swait.ge [sflag:s16], $0x4000  }
0x191: {  	[sflag:s16] =	ssyncset.done $0x0  }
0x192: {  	s7 =	rddreg [dreg:$0x12];
	[sflag:s16] =	ssyncadd.s32 $0xFFFFC000  }
0x193: {  	[spmem:s3] =	stream.indirect.scatter.add.f32 [tilespmem:s14], [sflag:$0x4], $0x80, s7, s12, $0xb8;
	[tilespmem:$0x1D000] =	vst v63  }
0x194: {  	_ =	swait.ge [sflag:s17], $0x4000  }
0x195: {  	[sflag:s17] =	ssyncset.done $0x0  }
0x196: {  	[sflag:s17] =	ssyncadd.s32 $0xFFFFC000  }
0x197: {  	_ =	swait.ge [sflag:s18], $0x4000  }
0x198: {  	[sflag:s18] =	ssyncset.done $0x0  }
0x199: {  	s8 =	rddreg [dreg:$0x13];
	[sflag:s18] =	ssyncadd.s32 $0xFFFFC000  }
0x19a: {  	[tilespmem:s13], [sflag:$0x1] =	stream.indirect.gather [hbm4b:s2+s12], $0x80, s8, s12, $0xb8;
	[tilespmem:$0x1D000] =	vst v63  }
0x19b: {  	s9 =	rddreg [dreg:$0x14]  }
0x19c: {  	[tilespmem:s14], [sflag:$0x2] =	stream.indirect.gather [hbm4b:s2+s12], $0x80, s9, s12, $0xb8;
	[tilespmem:$0x1D000] =	vst v63  }
0x19d: {  	_ =	swait.ge [sflag:s15], $0x4000  }
0x19e: {  	[sflag:s15] =	ssyncset.done $0x0  }
0x19f: {  	s7 =	rddreg [dreg:$0x15];
	[sflag:s15] =	ssyncadd.s32 $0xFFFFC000  }
0x1a0: {  	[spmem:s3] =	stream.indirect.scatter.add.f32 [tilespmem:s13], [sflag:$0x3], $0x80, s7, s12, $0xb8;
	[tilespmem:$0x1D000] =	vst v63  }
0x1a1: {  	_ =	swait.ge [sflag:s16], $0x4000  }
0x1a2: {  	[sflag:s16] =	ssyncset.done $0x0  }
0x1a3: {  	[sflag:s16] =	ssyncadd.s32 $0xFFFFC000  }
0x1a4: {  	[spmem:s3] =	stream.indirect.scatter.add.f32 [tilespmem:s14], [sflag:$0x4], $0x80, s19, s12, $0xb8;
	[tilespmem:$0x1D000] =	vst v63  }
0x1a5: {  	_ =	swait.ge [sflag:s17], $0x4000  }
0x1a6: {  	[sflag:s17] =	ssyncset.done $0x0  }
0x1a7: {  	[sflag:s17] =	ssyncadd.s32 $0xFFFFC000  }
0x1a8: {  	_ =	swait.ge [sflag:s18], $0x4000  }
0x1a9: {  	[sflag:s18] =	ssyncset.done $0x0  }
0x1aa: {  	[sflag:s18] =	ssyncadd.s32 $0xFFFFC000  }
0x1ab: {  	[tilespmem:s13], [sflag:$0x1] =	stream.indirect.gather [hbm4b:s2+s12], $0x80, s20, s12, $0xb8;
	[tilespmem:$0x1D000] =	vst v63  }
0x1ac: {  	_ = 	snop  }
0x1ad: {  	[tilespmem:s14], [sflag:$0x2] =	stream.indirect.gather [hbm4b:s2+s12], $0x80, s21, s12, $0xb8;
	[tilespmem:$0x1D000] =	vst v63  }
0x1ae: {  	_ =	swait.ge [sflag:s15], $0x4000  }
0x1af: {  	[sflag:s15] =	ssyncset.done $0x0  }
0x1b0: {  	[sflag:s15] =	ssyncadd.s32 $0xFFFFC000  }
0x1b1: {  	[spmem:s3] =	stream.indirect.scatter.add.f32 [tilespmem:s13], [sflag:$0x3], $0x80, s22, s12, $0xb8;
	[tilespmem:$0x1D000] =	vst v63  }
0x1b2: {  	_ =	swait.ge [sflag:s16], $0x4000  }
0x1b3: {  	[sflag:s16] =	ssyncset.done $0x0  }
0x1b4: {  	[sflag:s16] =	ssyncadd.s32 $0xFFFFC000  }
0x1b5: {  	[spmem:s3] =	stream.indirect.scatter.add.f32 [tilespmem:s14], [sflag:$0x4], $0x80, s23, s12, $0xb8;
	[tilespmem:$0x1D000] =	vst v63  }
0x1b6: {  	_ =	swait.ge [sflag:s17], $0x4000  }
0x1b7: {  	[sflag:s17] =	ssyncset.done $0x0  }
0x1b8: {  	[sflag:s17] =	ssyncadd.s32 $0xFFFFC000  }
0x1b9: {  	_ =	swait.ge [sflag:s18], $0x4000  }
0x1ba: {  	[sflag:s18] =	ssyncset.done $0x0  }
0x1bb: {  	[sflag:s18] =	ssyncadd.s32 $0xFFFFC000  }
0x1bc: {  	[tilespmem:s13], [sflag:$0x1] =	stream.indirect.gather [hbm4b:s2+s12], $0x80, s24, s12, $0xb8;
	[tilespmem:$0x1D000] =	vst v63  }
0x1bd: {  	_ = 	snop  }
0x1be: {  	[tilespmem:s14], [sflag:$0x2] =	stream.indirect.gather [hbm4b:s2+s12], $0x80, s25, s12, $0xb8;
	[tilespmem:$0x1D000] =	vst v63  }
0x1bf: {  	_ =	swait.ge [sflag:s15], $0x4000  }
0x1c0: {  	[sflag:s15] =	ssyncset.done $0x0  }
0x1c1: {  	[sflag:s15] =	ssyncadd.s32 $0xFFFFC000  }
0x1c2: {  	[spmem:s3] =	stream.indirect.scatter.add.f32 [tilespmem:s13], [sflag:$0x3], $0x80, s26, s12, $0xb8;
	[tilespmem:$0x1D000] =	vst v63  }
0x1c3: {  	_ =	swait.ge [sflag:s16], $0x4000  }
0x1c4: {  	[sflag:s16] =	ssyncset.done $0x0  }
0x1c5: {  	[sflag:s16] =	ssyncadd.s32 $0xFFFFC000  }
0x1c6: {  	[spmem:s3] =	stream.indirect.scatter.add.f32 [tilespmem:s14], [sflag:$0x4], $0x80, s28, s12, $0xb8;
	[tilespmem:$0x1D000] =	vst v63  }
0x1c7: {  	_ =	swait.ge [sflag:s17], $0x4000  }
0x1c8: {  	[sflag:s17] =	ssyncset.done $0x0  }
0x1c9: {  	[sflag:s17] =	ssyncadd.s32 $0xFFFFC000  }
0x1ca: {  	_ =	swait.ge [sflag:s18], $0x4000  }
0x1cb: {  	[sflag:s18] =	ssyncset.done $0x0  }
0x1cc: {  	[sflag:s18] =	ssyncadd.s32 $0xFFFFC000  }
0x1cd: {  	[tilespmem:s13], [sflag:$0x1] =	stream.indirect.gather [hbm4b:s2+s12], $0x80, s29, s12, $0xb8;
	[tilespmem:$0x1D000] =	vst v63  }
0x1ce: {  	_ = 	snop  }
0x1cf: {  	[tilespmem:s14], [sflag:$0x2] =	stream.indirect.gather [hbm4b:s2+s12], $0x80, s30, s12, $0xb8;
	[tilespmem:$0x1D000] =	vst v63  }
0x1d0: {  	_ =	swait.ge [sflag:s15], $0x4000  }
0x1d1: {  	[sflag:s15] =	ssyncset.done $0x0  }
0x1d2: {  	[sflag:s15] =	ssyncadd.s32 $0xFFFFC000  }
0x1d3: {  	[spmem:s3] =	stream.indirect.scatter.add.f32 [tilespmem:s13], [sflag:$0x3], $0x80, s31, s12, $0xb8;
	[tilespmem:$0x1D000] =	vst v63  }
0x1d4: {  	_ =	swait.ge [sflag:s16], $0x4000  }
0x1d5: {  	[sflag:s16] =	ssyncset.done $0x0  }
0x1d6: {  	[sflag:s16] =	ssyncadd.s32 $0xFFFFC000  }
0x1d7: {  	[spmem:s3] =	stream.indirect.scatter.add.f32 [tilespmem:s14], [sflag:$0x4], $0x80, s1, s12, $0xb8;
	[tilespmem:$0x1D000] =	vst v63  }
0x1d8: {  	_ =	swait.ge [sflag:s17], $0x4000  }
0x1d9: {  	[sflag:s17] =	ssyncset.done $0x0  }
0x1da: {  	[sflag:s17] =	ssyncadd.s32 $0xFFFFC000  }
0x1db: {  	_ =	swait.ge [sflag:s18], $0x4000  }
0x1dc: {  	[sflag:s18] =	ssyncset.done $0x0  }
0x1dd: {  	[sflag:s18] =	ssyncadd.s32 $0xFFFFC000  }
0x1de: {  	[bflag:$0x0] =	sbarrier.arrive $0xFFFF  }
0x1df: {  	s6 =	rddreg [dreg:$0x17]  }
0x1e0: {  	s8 =	rddreg [dreg:$0x18]  }
0x1e1: {  	s7 =	rddreg [dreg:$0x1a]  }
0x1e2: {  	[hbm:s8], [sflag:s6] =	dma.local [spmem:s7], $0x2800  }
0x1e3: {  	_ =	swait.ge [sflag:s10], $0x2800  }
0x1e4: {  	s0 =	sadd.s32 $0x1, s0;
	s9 =	rddreg [dreg:$0x19]  }
0x1e5: {  	p0 =	sne.s32 s0, s9  }
.Ltmp1:
0x1e6: {  	_ = 	snop;
	(pc) =	sbr.rel @p0 .LBB2_1-.Ltmp1, $3  }
0x1e7: {  	_ =	sdelay $0x1  }
0x1e8: {  	[sflag:s10] =	ssyncset.done $0x0  }
0x1e9: {  	[sflag:s10] =	ssyncadd.s32 $0xFFFFD800  }
0x1ea: {  	_ =	sfence.sel $0x180000  }
0x1eb: {  	[bflag:$0x0] =	sbarrier.arrive $0xFFFF  }
0x1ec: {  	_ =	strace $0x90000050  }
0x1ed: {  	s0 =	stileid.u32;
	[bflag:$0x2] =	sbarrier.arrive $0xFFFF  }
0x1ee: {  	p0 =	sne.s32 s0, $0x0;
	s0 =	rddreg [dreg:$0x3]  }
0x1ef: {  	s0 =	sadd.s32 @!p0 $0x100000, s0  }
0x1f0: {  	[sflag:s0] =	ssyncadd.tile.s32 @!p0 $0x1;
	_ =	shalt  }
.Lfunc_end2:
_tile_overlayer_lowered:
.L_overlay_start_2:
0x1f1: {  	(tag) =	ssettag $0x2  }
0x1f2: {  	s0 =	rddreg [dreg:$0x0];
	s2 =	stileid.u32  }
0x1f3: {  	s1 =	rddreg [dreg:$0x1];
	p0 =	sne.s32 s2, $0x0  }
0x1f4: {  	s3 =	rddreg [dreg:$0x2];
	[bflag:$0x3] =	sbarrier.arrive $0xFFFF;
	s2 =	simm.s32 @!p0 $0x1C05  }
0x1f5: {  	[timem:s3], [sflag:s2] =	dma.local @!p0 [hbm:s0], s1  }
0x1f6: {  	s0 =	simm.s32 @!p0 $0x5  }
0x1f7: {  	_ =	swait.ge @!p0 [sflag:s0], s1  }
0x1f8: {  	s1 =	ssub.s32 @!p0 $0x0, s1;
	[sflag:s0] =	ssyncset.done @!p0 $0x0  }
0x1f9: {  	[sflag:s0] =	ssyncadd.s32 @!p0 s1  }
0x1fa: {  	[bflag:$0x3] =	sbarrier.arrive $0xFFFF  }
0x1fb: {  	_ =	shalt  }

</sc_bundles>
